<compile_context>
chip_gen: v7x
topology: tpu7x:2x2x1
jax: 0.10.2.dev20260603
libtpu: 0.0.44.dev20260713+nightly
codegen_flags: <defaults>
</compile_context>

<pallas_src>
import functools

import jax
import jax.numpy as jnp
from jax import lax
from jax.experimental import pallas as pl
from jax.experimental.pallas import tpu as pltpu
from jax.experimental.pallas import tpu_sc as plsc

N = 10000
E = 320000
F = 128
G = 64

NC = 2
NS = 16
NW = NC * NS

CH = 128
NJ = 80
GRP = 16
NG = NJ // GRP
EPT = NJ * CH
EPAD = NW * EPT
NPAD = 16

SLC = 624
REM = N - NS * SLC
WCH = 104

BLK = 400
NBLK = N // BLK

_mesh = plsc.VectorSubcoreMesh(core_axis_name="c", subcore_axis_name="s")


@functools.partial(
    pl.kernel,
    out_type=jax.ShapeDtypeStruct((NC * N,), jnp.float32),
    mesh=_mesh,
    scratch_types=[
        pltpu.VMEM((CH,), jnp.float32),
        pltpu.VMEM((NJ, CH), jnp.int32),
        pltpu.VMEM((SLC,), jnp.float32),
        pltpu.SemaphoreType.DMA,
        pltpu.VMEM_SHARED((N + NPAD,), jnp.float32),
    ],
)
def _deg_sc(dst_hbm, deg_hbm, ones_v, idx_v, zbuf, sem, acc_sh):
    cid = lax.axis_index("c")
    sid = lax.axis_index("s")
    wid = cid * NS + sid

    @pl.loop(0, SLC, step=16)
    def _(i):
        zbuf[pl.ds(i, 16)] = jnp.zeros((16,), jnp.float32)

    @pl.loop(0, CH, step=16)
    def _(i):
        ones_v[pl.ds(i, 16)] = jnp.ones((16,), jnp.float32)

    pltpu.sync_copy(dst_hbm.at[pl.ds(wid * NJ, NJ)], idx_v)
    pltpu.sync_copy(zbuf, acc_sh.at[pl.ds(sid * SLC, SLC)])

    @pl.when(sid == NS - 1)
    def _():
        pltpu.sync_copy(zbuf.at[pl.ds(0, REM + NPAD)],
                        acc_sh.at[pl.ds(NS * SLC, REM + NPAD)])

    plsc.subcore_barrier()

    @pl.loop(0, NJ, step=16)
    def _(j):
        for k in range(16):
            pltpu.async_copy(ones_v, acc_sh.at[idx_v.at[j + k]], sem,
                             add=True)
        for _k in range(16):
            pltpu.make_async_copy(ones_v, acc_sh.at[idx_v.at[j]], sem).wait()

    plsc.subcore_barrier()

    pltpu.sync_copy(acc_sh.at[pl.ds(sid * SLC, SLC)], zbuf)
    pltpu.sync_copy(zbuf, deg_hbm.at[pl.ds(cid * N + sid * SLC, SLC)])

    @pl.when(sid == NS - 1)
    def _():
        pltpu.sync_copy(acc_sh.at[pl.ds(NS * SLC, REM)], zbuf.at[pl.ds(0, REM)])
        pltpu.sync_copy(zbuf.at[pl.ds(0, REM)],
                        deg_hbm.at[pl.ds(cid * N + NS * SLC, REM)])


@functools.partial(
    pl.kernel,
    out_type=jax.ShapeDtypeStruct((NC * N, F), jnp.float32),
    mesh=_mesh,
    scratch_types=[
        pltpu.VMEM((2 * GRP, CH), jnp.int32),
        pltpu.VMEM((2 * GRP, CH), jnp.int32),
        pltpu.VMEM((CH, F), jnp.float32),
        pltpu.VMEM((CH, F), jnp.float32),
        pltpu.SemaphoreType.DMA,
        pltpu.SemaphoreType.DMA,
        pltpu.SemaphoreType.DMA,
        pltpu.VMEM_SHARED((N + NPAD, F), jnp.float32),
    ],
)
def _scatter_sc(xws_hbm, ei_hbm, acc_hbm,
                ed_a, ed_b, buf0, buf1, sem0, sem1, sem2, acc_sh):
    cid = lax.axis_index("c")
    sid = lax.axis_index("s")
    wid = cid * NS + sid

    bufs = (buf0, buf1)
    sems = (sem0, sem1)
    nw_ch = SLC // WCH
    ibase = wid * (2 * NJ)

    pltpu.async_copy(ei_hbm.at[pl.ds(ibase, 2 * GRP)], ed_a, sem2)

    @pl.loop(0, WCH)
    def _(r):
        for k in range(F // 16):
            buf0[r, pl.ds(16 * k, 16)] = jnp.zeros((16,), jnp.float32)

    for q in range(nw_ch):
        pltpu.async_copy(buf0.at[pl.ds(0, WCH)],
                         acc_sh.at[pl.ds(sid * SLC + q * WCH, WCH)], sem0)
    for q in range(nw_ch):
        pltpu.make_async_copy(buf0.at[pl.ds(0, WCH)],
                              acc_sh.at[pl.ds(sid * SLC, WCH)], sem0).wait()

    @pl.when(sid == NS - 1)
    def _():
        pltpu.sync_copy(buf0.at[pl.ds(0, REM + NPAD)],
                        acc_sh.at[pl.ds(NS * SLC, REM + NPAD)])

    plsc.subcore_barrier()

    for g in range(NG):
        ed_v = ed_a if g % 2 == 0 else ed_b
        pltpu.make_async_copy(ei_hbm.at[pl.ds(ibase + g * (2 * GRP), 2 * GRP)],
                              ed_v, sem2).wait()
        if g + 1 < NG:
            ed_n = ed_b if g % 2 == 0 else ed_a
            pltpu.async_copy(
                ei_hbm.at[pl.ds(ibase + (g + 1) * (2 * GRP), 2 * GRP)],
                ed_n, sem2)

        pltpu.make_async_copy(xws_hbm.at[ed_v.at[0]], buf0, sem0).start()
        pltpu.make_async_copy(xws_hbm.at[ed_v.at[2]], buf1, sem1).start()

        @pl.loop(0, GRP, step=2)
        def _(jj, ed_v=ed_v):
            pltpu.make_async_copy(xws_hbm.at[ed_v.at[2 * jj]], buf0,
                                  sem0).wait()
            pltpu.sync_copy(buf0, acc_sh.at[ed_v.at[2 * jj + 1]], add=True)

            @pl.when(jj + 2 < GRP)
            def _():
                pltpu.make_async_copy(xws_hbm.at[ed_v.at[2 * (jj + 2)]],
                                      buf0, sem0).start()

            pltpu.make_async_copy(xws_hbm.at[ed_v.at[2 * jj + 2]], buf1,
                                  sem1).wait()
            pltpu.sync_copy(buf1, acc_sh.at[ed_v.at[2 * jj + 3]], add=True)

            @pl.when(jj + 3 < GRP)
            def _():
                pltpu.make_async_copy(xws_hbm.at[ed_v.at[2 * (jj + 3)]],
                                      buf1, sem1).start()

    plsc.subcore_barrier()

    pltpu.async_copy(acc_sh.at[pl.ds(sid * SLC, WCH)],
                     buf0.at[pl.ds(0, WCH)], sem0)
    for q in range(nw_ch):
        b, s = bufs[q % 2], sems[q % 2]
        pltpu.make_async_copy(acc_sh.at[pl.ds(sid * SLC, WCH)],
                              b.at[pl.ds(0, WCH)], s).wait()
        if q + 1 < nw_ch:
            nb, ns = bufs[(q + 1) % 2], sems[(q + 1) % 2]
            pltpu.async_copy(
                acc_sh.at[pl.ds(sid * SLC + (q + 1) * WCH, WCH)],
                nb.at[pl.ds(0, WCH)], ns)
        pltpu.sync_copy(b.at[pl.ds(0, WCH)],
                        acc_hbm.at[pl.ds(cid * N + sid * SLC + q * WCH, WCH)])

    @pl.when(sid == NS - 1)
    def _():
        pltpu.sync_copy(acc_sh.at[pl.ds(NS * SLC, REM)],
                        buf1.at[pl.ds(0, REM)])
        pltpu.sync_copy(buf1.at[pl.ds(0, REM)],
                        acc_hbm.at[pl.ds(cid * N + NS * SLC, REM)])


def _scale_body(xw_ref, w_ref, d0_ref, d1_ref, xs_ref, dis_ref):
    xw = jnp.dot(xw_ref[...], w_ref[...], preferred_element_type=jnp.float32)
    deg = d0_ref[...] + d1_ref[...] + 1.0
    dis = lax.rsqrt(deg)
    xs_ref[...] = dis * xw
    dis_ref[...] = dis


def _scale_tc(x, W1, d0, d1):
    return pl.pallas_call(
        _scale_body,
        grid=(NBLK,),
        in_specs=[
            pl.BlockSpec((BLK, F), lambda i: (i, 0)),
            pl.BlockSpec((F, F), lambda i: (0, 0)),
            pl.BlockSpec((BLK, 1), lambda i: (i, 0)),
            pl.BlockSpec((BLK, 1), lambda i: (i, 0)),
        ],
        out_specs=[
            pl.BlockSpec((BLK, F), lambda i: (i, 0)),
            pl.BlockSpec((BLK, 1), lambda i: (i, 0)),
        ],
        out_shape=[
            jax.ShapeDtypeStruct((N, F), jnp.float32),
            jax.ShapeDtypeStruct((N, 1), jnp.float32),
        ],
    )(x, W1, d0, d1)


def _final_body(acc_ref, xs_ref, dis_ref, bt_ref, b1_ref,
                w1_ref, bb1_ref, w2_ref, bb2_ref, out_ref,
                pooled_ref, counts_ref):
    i = pl.program_id(0)

    @pl.when(i == 0)
    def _():
        pooled_ref[...] = jnp.zeros_like(pooled_ref)
        counts_ref[...] = jnp.zeros_like(counts_ref)

    a = acc_ref[0] + acc_ref[1] + xs_ref[...]
    h = jnp.maximum(a * dis_ref[...] + b1_ref[...], 0.0)
    gids = lax.broadcasted_iota(jnp.int32, (BLK, G), 1).astype(jnp.float32)
    p = (bt_ref[...] == gids).astype(jnp.float32)
    pooled_ref[...] += lax.dot_general(
        p, h, (((0,), (0,)), ((), ())), preferred_element_type=jnp.float32,
        precision=lax.Precision.HIGHEST)
    counts_ref[...] += lax.dot_general(
        p, jnp.ones((BLK, 1), jnp.float32), (((0,), (0,)), ((), ())),
        preferred_element_type=jnp.float32,
        precision=lax.Precision.HIGHEST)

    @pl.when(i == NBLK - 1)
    def _():
        pm = pooled_ref[...] / jnp.maximum(counts_ref[...], 1.0)
        z = jnp.maximum(
            jnp.dot(pm, w1_ref[...], preferred_element_type=jnp.float32)
            + bb1_ref[...], 0.0)
        out_ref[...] = (
            jnp.dot(z, w2_ref[...], preferred_element_type=jnp.float32)
            + bb2_ref[...])


def _final_tc(acc, xs, dis, batchf, b1, lin1_w, lin1_b, lin2_w, lin2_b):
    return pl.pallas_call(
        _final_body,
        grid=(NBLK,),
        in_specs=[
            pl.BlockSpec((NC, BLK, F), lambda i: (0, i, 0)),
            pl.BlockSpec((BLK, F), lambda i: (i, 0)),
            pl.BlockSpec((BLK, 1), lambda i: (i, 0)),
            pl.BlockSpec((BLK, 1), lambda i: (i, 0)),
            pl.BlockSpec((1, F), lambda i: (0, 0)),
            pl.BlockSpec((F, F), lambda i: (0, 0)),
            pl.BlockSpec((1, F), lambda i: (0, 0)),
            pl.BlockSpec((F, 1), lambda i: (0, 0)),
            pl.BlockSpec((1, 1), lambda i: (0, 0)),
        ],
        out_specs=pl.BlockSpec((G, 1), lambda i: (0, 0)),
        out_shape=jax.ShapeDtypeStruct((G, 1), jnp.float32),
        scratch_shapes=[
            pltpu.VMEM((G, F), jnp.float32),
            pltpu.VMEM((G, 1), jnp.float32),
        ],
    )(acc, xs, dis, batchf, b1, lin1_w, lin1_b, lin2_w, lin2_b)


def kernel(x, edge_index, batch, W1, b1, lin1_w, lin1_b, lin2_w, lin2_b):
    src = edge_index[0].astype(jnp.int32)
    dst = edge_index[1].astype(jnp.int32)

    npad = EPAD - E
    pad_i = jnp.arange(npad, dtype=jnp.int32)
    src_p = jnp.concatenate([src, pad_i % 512]).reshape(NW * NJ, CH)
    dst_p = jnp.concatenate([dst, N + (pad_i % NPAD)]).reshape(NW * NJ, CH)
    ei_p = jnp.stack([src_p, dst_p], axis=1).reshape(2 * NW * NJ, CH)

    deg_parts = _deg_sc(dst_p)
    d0 = deg_parts[:N].reshape(N, 1)
    d1 = deg_parts[N:].reshape(N, 1)

    xws, dis = _scale_tc(x, W1, d0, d1)

    acc = _scatter_sc(xws, ei_p).reshape(NC, N, F)

    batchf = batch.astype(jnp.float32).reshape(N, 1)
    return _final_tc(acc, xws, dis, batchf,
                     b1.reshape(1, F), lin1_w, lin1_b.reshape(1, F),
                     lin2_w, lin2_b.reshape(1, 1))

# --- scband reference (transcript-rebuilt; emitter-appended) ---
"""Pipeline reference for scband-gcnmodel-15470472200268 (READ-ONLY COPY).

The authoritative reference and input builder live on the scoring server;
editing this copy changes nothing except your own understanding.
"""

import jax, jax.numpy as jnp
import numpy as np

N = 10000
E = 320000
IN_CH = 128
HID = 128
OUT = 1
G = 64


def setup_inputs(seed: int = 0) -> dict:
    key = jax.random.key(seed)
    ks = jax.random.split(key, 8)
    x = jax.random.normal(ks[0], (N, IN_CH), dtype=jnp.float32)
    edge_index = jax.random.randint(ks[1], (2, E), 0, N)
    batch = jnp.sort(jax.random.randint(ks[2], (N,), 0, G))
    W1 = jax.random.normal(ks[3], (IN_CH, HID), dtype=jnp.float32) * (1.0 / np.sqrt(IN_CH))
    b1 = jnp.zeros((HID,), dtype=jnp.float32)
    lin1_w = jax.random.normal(ks[4], (HID, HID), dtype=jnp.float32) * (1.0 / np.sqrt(HID))
    lin1_b = jnp.zeros((HID,), dtype=jnp.float32)
    lin2_w = jax.random.normal(ks[5], (HID, OUT), dtype=jnp.float32) * (1.0 / np.sqrt(HID))
    lin2_b = jnp.zeros((OUT,), dtype=jnp.float32)
    return {"x": x, "edge_index": edge_index, "batch": batch, "W1": W1, "b1": b1,
            "lin1_w": lin1_w, "lin1_b": lin1_b, "lin2_w": lin2_w, "lin2_b": lin2_b}


def reference(x, edge_index, batch, W1, b1, lin1_w, lin1_b, lin2_w, lin2_b):
    # --- GCNConv: symmetric-normalized adjacency with self-loops ---
    loop = jnp.arange(N, dtype=edge_index.dtype)
    src = jnp.concatenate([edge_index[0], loop])
    dst = jnp.concatenate([edge_index[1], loop])
    ones_e = jnp.ones(src.shape[0], dtype=jnp.float32)
    deg = jax.ops.segment_sum(ones_e, dst, num_segments=N)
    deg_inv_sqrt = jnp.where(deg > 0, jax.lax.rsqrt(deg), 0.0)
    norm = deg_inv_sqrt[src] * deg_inv_sqrt[dst]
    xw = x @ W1
    msg = norm[:, None] * jnp.take(xw, src, axis=0)
    h = jax.ops.segment_sum(msg, dst, num_segments=N) + b1
    # --- relu ---
    h = jax.nn.relu(h)
    # --- global_mean_pool over graph assignment ---
    counts = jax.ops.segment_sum(jnp.ones((N,), dtype=jnp.float32), batch, num_segments=G)
    pooled = jax.ops.segment_sum(h, batch, num_segments=G)
    pooled = pooled / jnp.clip(counts, 1.0)[:, None]
    # --- FFNN head (dropout = identity in eval) ---
    z = jax.nn.relu(pooled @ lin1_w + lin1_b)
    out = z @ lin2_w + lin2_b
    return out

if __name__ == "__main__":
    import jax
    _d = setup_inputs()
    print(jax.jit(kernel)(*tuple(_d.values())))

</pallas_src>

<mosaic_0001>
#map = affine_map<(d0, d1) -> (0, 0)>
#map1 = affine_map<(d0, d1) -> (0)>
module attributes {stable_mosaic.version = 14 : i64} {
  func.func @_deg_sc(%arg0: i32, %arg1: i32, %arg2: memref<2560x128xi32, #tpu.memory_space<hbm>>, %arg3: memref<20000xf32, #tpu.memory_space<hbm>>, %arg4: memref<128xf32, #tpu.memory_space<vmem>>, %arg5: memref<80x128xi32, #tpu.memory_space<vmem>>, %arg6: memref<624xf32, #tpu.memory_space<vmem>>, %arg7: memref<!tpu.dma_semaphore, #tpu.memory_space<semaphore_mem>>, %arg8: memref<10016xf32, #tpu.memory_space<vmem_shared>>) attributes {dimension_semantics = [#tpu.dimension_semantics<core_parallel>, #tpu.dimension_semantics<subcore_parallel>], iteration_bounds = array<i64: 2, 16>, scalar_prefetch = 0 : i64, scratch_operands = 5 : i64, tpu.core_type = #tpu.core_type<sc_vector_subcore>, window_params = [{transform_indices = #map}, {transform_indices = #map1}]} {
    %mul3A = arith.constant 16 : i32
    %mul3A_0 = arith.muli %arg0, %mul3A : i32
    %add3A = arith.addi %mul3A_0, %arg1 : i32
    %scan3A = arith.constant 0 : i32
    %scan3A_1 = arith.constant 39 : i32
    %scan3A_2 = arith.addi %scan3A, %scan3A_1 : i32
    %scan3A_3 = arith.constant 1 : i32
    scf.for %scan3A_34 = %scan3A to %scan3A_2 step %scan3A_3  : i32 {
      %mul3A_35 = arith.constant 16 : i32
      %mul3A_36 = arith.muli %scan3A_34, %mul3A_35 : i32
      %add3A_37 = arith.constant 0 : i32
      %add3A_38 = arith.addi %add3A_37, %mul3A_36 : i32
      %broadcast_in_dim3A = arith.constant 0.000000e+00 : f32
      %broadcast_in_dim3A_39 = vector.broadcast %broadcast_in_dim3A : f32 to vector<16xf32>
      %swap3A = arith.index_cast %add3A_38 : i32 to index
      %swap3A_40 = tpu.vector_load %arg6[%swap3A] {strides = array<i32>} : memref<624xf32, #tpu.memory_space<vmem>>, vector<16xf32>,
      %swap3A_41 = vector.shape_cast %swap3A_40 : vector<16xf32> to vector<16xf32>
      %swap3A_42 = vector.shape_cast %broadcast_in_dim3A_39 : vector<16xf32> to vector<16xf32>
      tpu.vector_store %arg6[%swap3A], %swap3A_42 {strides = array<i32>} : memref<624xf32, #tpu.memory_space<vmem>>, vector<16xf32>,
    }
    %scan3A_4 = arith.constant 39 : i32
    %scan3A_5 = arith.constant 0 : i32
    %scan3A_6 = arith.constant 8 : i32
    %scan3A_7 = arith.addi %scan3A_5, %scan3A_6 : i32
    %scan3A_8 = arith.constant 1 : i32
    scf.for %scan3A_34 = %scan3A_5 to %scan3A_7 step %scan3A_8  : i32 {
      %mul3A_35 = arith.constant 16 : i32
      %mul3A_36 = arith.muli %scan3A_34, %mul3A_35 : i32
      %add3A_37 = arith.constant 0 : i32
      %add3A_38 = arith.addi %add3A_37, %mul3A_36 : i32
      %broadcast_in_dim3A = arith.constant 1.000000e+00 : f32
      %broadcast_in_dim3A_39 = vector.broadcast %broadcast_in_dim3A : f32 to vector<16xf32>
      %swap3A = arith.index_cast %add3A_38 : i32 to index
      %swap3A_40 = tpu.vector_load %arg4[%swap3A] {strides = array<i32>} : memref<128xf32, #tpu.memory_space<vmem>>, vector<16xf32>,
      %swap3A_41 = vector.shape_cast %swap3A_40 : vector<16xf32> to vector<16xf32>
      %swap3A_42 = vector.shape_cast %broadcast_in_dim3A_39 : vector<16xf32> to vector<16xf32>
      tpu.vector_store %arg4[%swap3A], %swap3A_42 {strides = array<i32>} : memref<128xf32, #tpu.memory_space<vmem>>, vector<16xf32>,
    }
    %scan3A_9 = arith.constant 8 : i32
    %mul3A_10 = arith.constant 80 : i32
    %mul3A_11 = arith.muli %add3A, %mul3A_10 : i32
    "tpu.region"() ({
      %run_scoped3A = tpu.sem_alloc : memref<!tpu.dma_semaphore, #tpu.memory_space<semaphore_mem>>
      %dma_start3A = arith.constant 0 : i32
      %dma_start3A_34 = tpu.memref_slice %arg2[%mul3A_11, %dma_start3A] : memref<2560x128xi32, #tpu.memory_space<hbm>> -> memref<80x128xi32, #tpu.memory_space<hbm>>
      %dma_start3A_35 = arith.constant 0 : i32
      %dma_start3A_36 = tpu.memref_slice %arg2[%mul3A_11, %dma_start3A_35] : memref<2560x128xi32, #tpu.memory_space<hbm>> -> memref<80x128xi32, #tpu.memory_space<hbm>>
      tpu.enqueue_dma source(%dma_start3A_36 : memref<80x128xi32, #tpu.memory_space<hbm>>) target(%arg5 : memref<80x128xi32, #tpu.memory_space<vmem>>) target_semaphore(%run_scoped3A : memref<!tpu.dma_semaphore, #tpu.memory_space<semaphore_mem>>)
      %dma_wait3A = arith.constant 0 : i32
      %dma_wait3A_37 = tpu.memref_slice %arg2[%mul3A_11, %dma_wait3A] : memref<2560x128xi32, #tpu.memory_space<hbm>> -> memref<80x128xi32, #tpu.memory_space<hbm>>
      %dma_wait3A_38 = arith.constant 0 : i32
      %dma_wait3A_39 = tpu.memref_slice %arg2[%mul3A_11, %dma_wait3A_38] : memref<2560x128xi32, #tpu.memory_space<hbm>> -> memref<80x128xi32, #tpu.memory_space<hbm>>
      tpu.wait_dma2 semaphore(%run_scoped3A : memref<!tpu.dma_semaphore, #tpu.memory_space<semaphore_mem>>) src(%dma_wait3A_39 : memref<80x128xi32, #tpu.memory_space<hbm>>) dst(%arg5 : memref<80x128xi32, #tpu.memory_space<vmem>>)
      tpu.yield
    }) : () -> ()
    %mul3A_12 = arith.constant 624 : i32
    %mul3A_13 = arith.muli %arg1, %mul3A_12 : i32
    "tpu.region"() ({
      %run_scoped3A = tpu.sem_alloc : memref<!tpu.dma_semaphore, #tpu.memory_space<semaphore_mem>>
      %dma_start3A = tpu.memref_slice %arg8[%mul3A_13] : memref<10016xf32, #tpu.memory_space<vmem_shared>> -> memref<624xf32, #tpu.memory_space<vmem_shared>>
      %dma_start3A_34 = tpu.memref_slice %arg8[%mul3A_13] : memref<10016xf32, #tpu.memory_space<vmem_shared>> -> memref<624xf32, #tpu.memory_space<vmem_shared>>
      tpu.enqueue_dma source(%arg6 : memref<624xf32, #tpu.memory_space<vmem>>) target(%dma_start3A_34 : memref<624xf32, #tpu.memory_space<vmem_shared>>) target_semaphore(%run_scoped3A : memref<!tpu.dma_semaphore, #tpu.memory_space<semaphore_mem>>)
      %dma_wait3A = tpu.memref_slice %arg8[%mul3A_13] : memref<10016xf32, #tpu.memory_space<vmem_shared>> -> memref<624xf32, #tpu.memory_space<vmem_shared>>
      %dma_wait3A_35 = tpu.memref_slice %arg8[%mul3A_13] : memref<10016xf32, #tpu.memory_space<vmem_shared>> -> memref<624xf32, #tpu.memory_space<vmem_shared>>
      tpu.wait_dma2 semaphore(%run_scoped3A : memref<!tpu.dma_semaphore, #tpu.memory_space<semaphore_mem>>) src(%arg6 : memref<624xf32, #tpu.memory_space<vmem>>) dst(%dma_wait3A_35 : memref<624xf32, #tpu.memory_space<vmem_shared>>)
      tpu.yield
    }) : () -> ()
    %eq3A = arith.constant 15 : i32
    %eq3A_14 = arith.cmpi eq, %arg1, %eq3A : i32
    %convert_element_type3A = arith.extui %eq3A_14 : i1 to i32
    %cond3A = arith.constant 0 : i32
    %cond3A_15 = arith.cmpi ne, %convert_element_type3A, %cond3A : i32
    scf.if %cond3A_15 {
      "tpu.region"() ({
        %run_scoped3A = tpu.sem_alloc : memref<!tpu.dma_semaphore, #tpu.memory_space<semaphore_mem>>
        %dma_start3A = arith.constant 0 : i32
        %dma_start3A_34 = tpu.memref_slice %arg6[%dma_start3A] : memref<624xf32, #tpu.memory_space<vmem>> -> memref<32xf32, #tpu.memory_space<vmem>>
        %dma_start3A_35 = arith.constant 9984 : i32
        %dma_start3A_36 = tpu.memref_slice %arg8[%dma_start3A_35] : memref<10016xf32, #tpu.memory_space<vmem_shared>> -> memref<32xf32, #tpu.memory_space<vmem_shared>>
        %dma_start3A_37 = arith.constant 9984 : i32
        %dma_start3A_38 = tpu.memref_slice %arg8[%dma_start3A_37] : memref<10016xf32, #tpu.memory_space<vmem_shared>> -> memref<32xf32, #tpu.memory_space<vmem_shared>>
        %dma_start3A_39 = arith.constant 0 : i32
        %dma_start3A_40 = tpu.memref_slice %arg6[%dma_start3A_39] : memref<624xf32, #tpu.memory_space<vmem>> -> memref<32xf32, #tpu.memory_space<vmem>>
        tpu.enqueue_dma source(%dma_start3A_40 : memref<32xf32, #tpu.memory_space<vmem>>) target(%dma_start3A_38 : memref<32xf32, #tpu.memory_space<vmem_shared>>) target_semaphore(%run_scoped3A : memref<!tpu.dma_semaphore, #tpu.memory_space<semaphore_mem>>)
        %dma_wait3A = arith.constant 0 : i32
        %dma_wait3A_41 = tpu.memref_slice %arg6[%dma_wait3A] : memref<624xf32, #tpu.memory_space<vmem>> -> memref<32xf32, #tpu.memory_space<vmem>>
        %dma_wait3A_42 = arith.constant 9984 : i32
        %dma_wait3A_43 = tpu.memref_slice %arg8[%dma_wait3A_42] : memref<10016xf32, #tpu.memory_space<vmem_shared>> -> memref<32xf32, #tpu.memory_space<vmem_shared>>
        %dma_wait3A_44 = arith.constant 9984 : i32
        %dma_wait3A_45 = tpu.memref_slice %arg8[%dma_wait3A_44] : memref<10016xf32, #tpu.memory_space<vmem_shared>> -> memref<32xf32, #tpu.memory_space<vmem_shared>>
        %dma_wait3A_46 = arith.constant 0 : i32
        %dma_wait3A_47 = tpu.memref_slice %arg6[%dma_wait3A_46] : memref<624xf32, #tpu.memory_space<vmem>> -> memref<32xf32, #tpu.memory_space<vmem>>
        tpu.wait_dma2 semaphore(%run_scoped3A : memref<!tpu.dma_semaphore, #tpu.memory_space<semaphore_mem>>) src(%dma_wait3A_47 : memref<32xf32, #tpu.memory_space<vmem>>) dst(%dma_wait3A_45 : memref<32xf32, #tpu.memory_space<vmem_shared>>)
        tpu.yield
      }) : () -> ()
    } else {
    }
    %barrier3A = arith.constant 0 : index
    tpu.barrier barrier_id(%barrier3A)
    %scan3A_16 = arith.constant 0 : i32
    %scan3A_17 = arith.constant 5 : i32
    %scan3A_18 = arith.addi %scan3A_16, %scan3A_17 : i32
    %scan3A_19 = arith.constant 1 : i32
    scf.for %scan3A_34 = %scan3A_16 to %scan3A_18 step %scan3A_19  : i32 {
      %mul3A_35 = arith.constant 16 : i32
      %mul3A_36 = arith.muli %scan3A_34, %mul3A_35 : i32
      %add3A_37 = arith.constant 0 : i32
      %add3A_38 = arith.addi %add3A_37, %mul3A_36 : i32
      %add3A_39 = arith.constant 0 : i32
      %add3A_40 = arith.addi %add3A_38, %add3A_39 : i32
      %dma_start3A = arith.constant 0 : i32
      %dma_start3A_41 = tpu.memref_slice %arg5[%add3A_40, %dma_start3A] : memref<80x128xi32, #tpu.memory_space<vmem>> -> memref<1x128xi32, #tpu.memory_space<vmem>>
      %dma_start3A_42 = tpu.memref_squeeze %dma_start3A_41 : memref<1x128xi32, #tpu.memory_space<vmem>> -> memref<128xi32, #tpu.memory_space<vmem>>
      %dma_start3A_43 = arith.constant 0 : i32
      %dma_start3A_44 = tpu.memref_slice %arg8[%dma_start3A_43] : memref<10016xf32, #tpu.memory_space<vmem_shared>> -> memref<10016xf32, #tpu.memory_space<vmem_shared>>
      tpu.enqueue_indirect_dma source(%arg4 : memref<128xf32, #tpu.memory_space<vmem>>) target(%dma_start3A_44 : memref<10016xf32, #tpu.memory_space<vmem_shared>>) offsets(%dma_start3A_42 : memref<128xi32, #tpu.memory_space<vmem>>) semaphore(%arg7 : memref<!tpu.dma_semaphore, #tpu.memory_space<semaphore_mem>>) {add = true}
      %add3A_45 = arith.constant 1 : i32
      %add3A_46 = arith.addi %add3A_38, %add3A_45 : i32
      %dma_start3A_47 = arith.constant 0 : i32
      %dma_start3A_48 = tpu.memref_slice %arg5[%add3A_46, %dma_start3A_47] : memref<80x128xi32, #tpu.memory_space<vmem>> -> memref<1x128xi32, #tpu.memory_space<vmem>>
      %dma_start3A_49 = tpu.memref_squeeze %dma_start3A_48 : memref<1x128xi32, #tpu.memory_space<vmem>> -> memref<128xi32, #tpu.memory_space<vmem>>
      %dma_start3A_50 = arith.constant 0 : i32
      %dma_start3A_51 = tpu.memref_slice %arg8[%dma_start3A_50] : memref<10016xf32, #tpu.memory_space<vmem_shared>> -> memref<10016xf32, #tpu.memory_space<vmem_shared>>
      tpu.enqueue_indirect_dma source(%arg4 : memref<128xf32, #tpu.memory_space<vmem>>) target(%dma_start3A_51 : memref<10016xf32, #tpu.memory_space<vmem_shared>>) offsets(%dma_start3A_49 : memref<128xi32, #tpu.memory_space<vmem>>) semaphore(%arg7 : memref<!tpu.dma_semaphore, #tpu.memory_space<semaphore_mem>>) {add = true}
      %add3A_52 = arith.constant 2 : i32
      %add3A_53 = arith.addi %add3A_38, %add3A_52 : i32
      %dma_start3A_54 = arith.constant 0 : i32
      %dma_start3A_55 = tpu.memref_slice %arg5[%add3A_53, %dma_start3A_54] : memref<80x128xi32, #tpu.memory_space<vmem>> -> memref<1x128xi32, #tpu.memory_space<vmem>>
      %dma_start3A_56 = tpu.memref_squeeze %dma_start3A_55 : memref<1x128xi32, #tpu.memory_space<vmem>> -> memref<128xi32, #tpu.memory_space<vmem>>
      %dma_start3A_57 = arith.constant 0 : i32
      %dma_start3A_58 = tpu.memref_slice %arg8[%dma_start3A_57] : memref<10016xf32, #tpu.memory_space<vmem_shared>> -> memref<10016xf32, #tpu.memory_space<vmem_shared>>
      tpu.enqueue_indirect_dma source(%arg4 : memref<128xf32, #tpu.memory_space<vmem>>) target(%dma_start3A_58 : memref<10016xf32, #tpu.memory_space<vmem_shared>>) offsets(%dma_start3A_56 : memref<128xi32, #tpu.memory_space<vmem>>) semaphore(%arg7 : memref<!tpu.dma_semaphore, #tpu.memory_space<semaphore_mem>>) {add = true}
      %add3A_59 = arith.constant 3 : i32
      %add3A_60 = arith.addi %add3A_38, %add3A_59 : i32
      %dma_start3A_61 = arith.constant 0 : i32
      %dma_start3A_62 = tpu.memref_slice %arg5[%add3A_60, %dma_start3A_61] : memref<80x128xi32, #tpu.memory_space<vmem>> -> memref<1x128xi32, #tpu.memory_space<vmem>>
      %dma_start3A_63 = tpu.memref_squeeze %dma_start3A_62 : memref<1x128xi32, #tpu.memory_space<vmem>> -> memref<128xi32, #tpu.memory_space<vmem>>
      %dma_start3A_64 = arith.constant 0 : i32
      %dma_start3A_65 = tpu.memref_slice %arg8[%dma_start3A_64] : memref<10016xf32, #tpu.memory_space<vmem_shared>> -> memref<10016xf32, #tpu.memory_space<vmem_shared>>
      tpu.enqueue_indirect_dma source(%arg4 : memref<128xf32, #tpu.memory_space<vmem>>) target(%dma_start3A_65 : memref<10016xf32, #tpu.memory_space<vmem_shared>>) offsets(%dma_start3A_63 : memref<128xi32, #tpu.memory_space<vmem>>) semaphore(%arg7 : memref<!tpu.dma_semaphore, #tpu.memory_space<semaphore_mem>>) {add = true}
      %add3A_66 = arith.constant 4 : i32
      %add3A_67 = arith.addi %add3A_38, %add3A_66 : i32
      %dma_start3A_68 = arith.constant 0 : i32
      %dma_start3A_69 = tpu.memref_slice %arg5[%add3A_67, %dma_start3A_68] : memref<80x128xi32, #tpu.memory_space<vmem>> -> memref<1x128xi32, #tpu.memory_space<vmem>>
      %dma_start3A_70 = tpu.memref_squeeze %dma_start3A_69 : memref<1x128xi32, #tpu.memory_space<vmem>> -> memref<128xi32, #tpu.memory_space<vmem>>
      %dma_start3A_71 = arith.constant 0 : i32
      %dma_start3A_72 = tpu.memref_slice %arg8[%dma_start3A_71] : memref<10016xf32, #tpu.memory_space<vmem_shared>> -> memref<10016xf32, #tpu.memory_space<vmem_shared>>
      tpu.enqueue_indirect_dma source(%arg4 : memref<128xf32, #tpu.memory_space<vmem>>) target(%dma_start3A_72 : memref<10016xf32, #tpu.memory_space<vmem_shared>>) offsets(%dma_start3A_70 : memref<128xi32, #tpu.memory_space<vmem>>) semaphore(%arg7 : memref<!tpu.dma_semaphore, #tpu.memory_space<semaphore_mem>>) {add = true}
      %add3A_73 = arith.constant 5 : i32
      %add3A_74 = arith.addi %add3A_38, %add3A_73 : i32
      %dma_start3A_75 = arith.constant 0 : i32
      %dma_start3A_76 = tpu.memref_slice %arg5[%add3A_74, %dma_start3A_75] : memref<80x128xi32, #tpu.memory_space<vmem>> -> memref<1x128xi32, #tpu.memory_space<vmem>>
      %dma_start3A_77 = tpu.memref_squeeze %dma_start3A_76 : memref<1x128xi32, #tpu.memory_space<vmem>> -> memref<128xi32, #tpu.memory_space<vmem>>
      %dma_start3A_78 = arith.constant 0 : i32
      %dma_start3A_79 = tpu.memref_slice %arg8[%dma_start3A_78] : memref<10016xf32, #tpu.memory_space<vmem_shared>> -> memref<10016xf32, #tpu.memory_space<vmem_shared>>
      tpu.enqueue_indirect_dma source(%arg4 : memref<128xf32, #tpu.memory_space<vmem>>) target(%dma_start3A_79 : memref<10016xf32, #tpu.memory_space<vmem_shared>>) offsets(%dma_start3A_77 : memref<128xi32, #tpu.memory_space<vmem>>) semaphore(%arg7 : memref<!tpu.dma_semaphore, #tpu.memory_space<semaphore_mem>>) {add = true}
      %add3A_80 = arith.constant 6 : i32
      %add3A_81 = arith.addi %add3A_38, %add3A_80 : i32
      %dma_start3A_82 = arith.constant 0 : i32
      %dma_start3A_83 = tpu.memref_slice %arg5[%add3A_81, %dma_start3A_82] : memref<80x128xi32, #tpu.memory_space<vmem>> -> memref<1x128xi32, #tpu.memory_space<vmem>>
      %dma_start3A_84 = tpu.memref_squeeze %dma_start3A_83 : memref<1x128xi32, #tpu.memory_space<vmem>> -> memref<128xi32, #tpu.memory_space<vmem>>
      %dma_start3A_85 = arith.constant 0 : i32
      %dma_start3A_86 = tpu.memref_slice %arg8[%dma_start3A_85] : memref<10016xf32, #tpu.memory_space<vmem_shared>> -> memref<10016xf32, #tpu.memory_space<vmem_shared>>
      tpu.enqueue_indirect_dma source(%arg4 : memref<128xf32, #tpu.memory_space<vmem>>) target(%dma_start3A_86 : memref<10016xf32, #tpu.memory_space<vmem_shared>>) offsets(%dma_start3A_84 : memref<128xi32, #tpu.memory_space<vmem>>) semaphore(%arg7 : memref<!tpu.dma_semaphore, #tpu.memory_space<semaphore_mem>>) {add = true}
      %add3A_87 = arith.constant 7 : i32
      %add3A_88 = arith.addi %add3A_38, %add3A_87 : i32
      %dma_start3A_89 = arith.constant 0 : i32
      %dma_start3A_90 = tpu.memref_slice %arg5[%add3A_88, %dma_start3A_89] : memref<80x128xi32, #tpu.memory_space<vmem>> -> memref<1x128xi32, #tpu.memory_space<vmem>>
      %dma_start3A_91 = tpu.memref_squeeze %dma_start3A_90 : memref<1x128xi32, #tpu.memory_space<vmem>> -> memref<128xi32, #tpu.memory_space<vmem>>
      %dma_start3A_92 = arith.constant 0 : i32
      %dma_start3A_93 = tpu.memref_slice %arg8[%dma_start3A_92] : memref<10016xf32, #tpu.memory_space<vmem_shared>> -> memref<10016xf32, #tpu.memory_space<vmem_shared>>
      tpu.enqueue_indirect_dma source(%arg4 : memref<128xf32, #tpu.memory_space<vmem>>) target(%dma_start3A_93 : memref<10016xf32, #tpu.memory_space<vmem_shared>>) offsets(%dma_start3A_91 : memref<128xi32, #tpu.memory_space<vmem>>) semaphore(%arg7 : memref<!tpu.dma_semaphore, #tpu.memory_space<semaphore_mem>>) {add = true}
      %add3A_94 = arith.constant 8 : i32
      %add3A_95 = arith.addi %add3A_38, %add3A_94 : i32
      %dma_start3A_96 = arith.constant 0 : i32
      %dma_start3A_97 = tpu.memref_slice %arg5[%add3A_95, %dma_start3A_96] : memref<80x128xi32, #tpu.memory_space<vmem>> -> memref<1x128xi32, #tpu.memory_space<vmem>>
      %dma_start3A_98 = tpu.memref_squeeze %dma_start3A_97 : memref<1x128xi32, #tpu.memory_space<vmem>> -> memref<128xi32, #tpu.memory_space<vmem>>
      %dma_start3A_99 = arith.constant 0 : i32
      %dma_start3A_100 = tpu.memref_slice %arg8[%dma_start3A_99] : memref<10016xf32, #tpu.memory_space<vmem_shared>> -> memref<10016xf32, #tpu.memory_space<vmem_shared>>
      tpu.enqueue_indirect_dma source(%arg4 : memref<128xf32, #tpu.memory_space<vmem>>) target(%dma_start3A_100 : memref<10016xf32, #tpu.memory_space<vmem_shared>>) offsets(%dma_start3A_98 : memref<128xi32, #tpu.memory_space<vmem>>) semaphore(%arg7 : memref<!tpu.dma_semaphore, #tpu.memory_space<semaphore_mem>>) {add = true}
      %add3A_101 = arith.constant 9 : i32
      %add3A_102 = arith.addi %add3A_38, %add3A_101 : i32
      %dma_start3A_103 = arith.constant 0 : i32
      %dma_start3A_104 = tpu.memref_slice %arg5[%add3A_102, %dma_start3A_103] : memref<80x128xi32, #tpu.memory_space<vmem>> -> memref<1x128xi32, #tpu.memory_space<vmem>>
      %dma_start3A_105 = tpu.memref_squeeze %dma_start3A_104 : memref<1x128xi32, #tpu.memory_space<vmem>> -> memref<128xi32, #tpu.memory_space<vmem>>
      %dma_start3A_106 = arith.constant 0 : i32
      %dma_start3A_107 = tpu.memref_slice %arg8[%dma_start3A_106] : memref<10016xf32, #tpu.memory_space<vmem_shared>> -> memref<10016xf32, #tpu.memory_space<vmem_shared>>
      tpu.enqueue_indirect_dma source(%arg4 : memref<128xf32, #tpu.memory_space<vmem>>) target(%dma_start3A_107 : memref<10016xf32, #tpu.memory_space<vmem_shared>>) offsets(%dma_start3A_105 : memref<128xi32, #tpu.memory_space<vmem>>) semaphore(%arg7 : memref<!tpu.dma_semaphore, #tpu.memory_space<semaphore_mem>>) {add = true}
      %add3A_108 = arith.constant 10 : i32
      %add3A_109 = arith.addi %add3A_38, %add3A_108 : i32
      %dma_start3A_110 = arith.constant 0 : i32
      %dma_start3A_111 = tpu.memref_slice %arg5[%add3A_109, %dma_start3A_110] : memref<80x128xi32, #tpu.memory_space<vmem>> -> memref<1x128xi32, #tpu.memory_space<vmem>>
      %dma_start3A_112 = tpu.memref_squeeze %dma_start3A_111 : memref<1x128xi32, #tpu.memory_space<vmem>> -> memref<128xi32, #tpu.memory_space<vmem>>
      %dma_start3A_113 = arith.constant 0 : i32
      %dma_start3A_114 = tpu.memref_slice %arg8[%dma_start3A_113] : memref<10016xf32, #tpu.memory_space<vmem_shared>> -> memref<10016xf32, #tpu.memory_space<vmem_shared>>
      tpu.enqueue_indirect_dma source(%arg4 : memref<128xf32, #tpu.memory_space<vmem>>) target(%dma_start3A_114 : memref<10016xf32, #tpu.memory_space<vmem_shared>>) offsets(%dma_start3A_112 : memref<128xi32, #tpu.memory_space<vmem>>) semaphore(%arg7 : memref<!tpu.dma_semaphore, #tpu.memory_space<semaphore_mem>>) {add = true}
      %add3A_115 = arith.constant 11 : i32
      %add3A_116 = arith.addi %add3A_38, %add3A_115 : i32
      %dma_start3A_117 = arith.constant 0 : i32
      %dma_start3A_118 = tpu.memref_slice %arg5[%add3A_116, %dma_start3A_117] : memref<80x128xi32, #tpu.memory_space<vmem>> -> memref<1x128xi32, #tpu.memory_space<vmem>>
      %dma_start3A_119 = tpu.memref_squeeze %dma_start3A_118 : memref<1x128xi32, #tpu.memory_space<vmem>> -> memref<128xi32, #tpu.memory_space<vmem>>
      %dma_start3A_120 = arith.constant 0 : i32
      %dma_start3A_121 = tpu.memref_slice %arg8[%dma_start3A_120] : memref<10016xf32, #tpu.memory_space<vmem_shared>> -> memref<10016xf32, #tpu.memory_space<vmem_shared>>
      tpu.enqueue_indirect_dma source(%arg4 : memref<128xf32, #tpu.memory_space<vmem>>) target(%dma_start3A_121 : memref<10016xf32, #tpu.memory_space<vmem_shared>>) offsets(%dma_start3A_119 : memref<128xi32, #tpu.memory_space<vmem>>) semaphore(%arg7 : memref<!tpu.dma_semaphore, #tpu.memory_space<semaphore_mem>>) {add = true}
      %add3A_122 = arith.constant 12 : i32
      %add3A_123 = arith.addi %add3A_38, %add3A_122 : i32
      %dma_start3A_124 = arith.constant 0 : i32
      %dma_start3A_125 = tpu.memref_slice %arg5[%add3A_123, %dma_start3A_124] : memref<80x128xi32, #tpu.memory_space<vmem>> -> memref<1x128xi32, #tpu.memory_space<vmem>>
      %dma_start3A_126 = tpu.memref_squeeze %dma_start3A_125 : memref<1x128xi32, #tpu.memory_space<vmem>> -> memref<128xi32, #tpu.memory_space<vmem>>
      %dma_start3A_127 = arith.constant 0 : i32
      %dma_start3A_128 = tpu.memref_slice %arg8[%dma_start3A_127] : memref<10016xf32, #tpu.memory_space<vmem_shared>> -> memref<10016xf32, #tpu.memory_space<vmem_shared>>
      tpu.enqueue_indirect_dma source(%arg4 : memref<128xf32, #tpu.memory_space<vmem>>) target(%dma_start3A_128 : memref<10016xf32, #tpu.memory_space<vmem_shared>>) offsets(%dma_start3A_126 : memref<128xi32, #tpu.memory_space<vmem>>) semaphore(%arg7 : memref<!tpu.dma_semaphore, #tpu.memory_space<semaphore_mem>>) {add = true}
      %add3A_129 = arith.constant 13 : i32
      %add3A_130 = arith.addi %add3A_38, %add3A_129 : i32
      %dma_start3A_131 = arith.constant 0 : i32
      %dma_start3A_132 = tpu.memref_slice %arg5[%add3A_130, %dma_start3A_131] : memref<80x128xi32, #tpu.memory_space<vmem>> -> memref<1x128xi32, #tpu.memory_space<vmem>>
      %dma_start3A_133 = tpu.memref_squeeze %dma_start3A_132 : memref<1x128xi32, #tpu.memory_space<vmem>> -> memref<128xi32, #tpu.memory_space<vmem>>
      %dma_start3A_134 = arith.constant 0 : i32
      %dma_start3A_135 = tpu.memref_slice %arg8[%dma_start3A_134] : memref<10016xf32, #tpu.memory_space<vmem_shared>> -> memref<10016xf32, #tpu.memory_space<vmem_shared>>
      tpu.enqueue_indirect_dma source(%arg4 : memref<128xf32, #tpu.memory_space<vmem>>) target(%dma_start3A_135 : memref<10016xf32, #tpu.memory_space<vmem_shared>>) offsets(%dma_start3A_133 : memref<128xi32, #tpu.memory_space<vmem>>) semaphore(%arg7 : memref<!tpu.dma_semaphore, #tpu.memory_space<semaphore_mem>>) {add = true}
      %add3A_136 = arith.constant 14 : i32
      %add3A_137 = arith.addi %add3A_38, %add3A_136 : i32
      %dma_start3A_138 = arith.constant 0 : i32
      %dma_start3A_139 = tpu.memref_slice %arg5[%add3A_137, %dma_start3A_138] : memref<80x128xi32, #tpu.memory_space<vmem>> -> memref<1x128xi32, #tpu.memory_space<vmem>>
      %dma_start3A_140 = tpu.memref_squeeze %dma_start3A_139 : memref<1x128xi32, #tpu.memory_space<vmem>> -> memref<128xi32, #tpu.memory_space<vmem>>
      %dma_start3A_141 = arith.constant 0 : i32
      %dma_start3A_142 = tpu.memref_slice %arg8[%dma_start3A_141] : memref<10016xf32, #tpu.memory_space<vmem_shared>> -> memref<10016xf32, #tpu.memory_space<vmem_shared>>
      tpu.enqueue_indirect_dma source(%arg4 : memref<128xf32, #tpu.memory_space<vmem>>) target(%dma_start3A_142 : memref<10016xf32, #tpu.memory_space<vmem_shared>>) offsets(%dma_start3A_140 : memref<128xi32, #tpu.memory_space<vmem>>) semaphore(%arg7 : memref<!tpu.dma_semaphore, #tpu.memory_space<semaphore_mem>>) {add = true}
      %add3A_143 = arith.constant 15 : i32
      %add3A_144 = arith.addi %add3A_38, %add3A_143 : i32
      %dma_start3A_145 = arith.constant 0 : i32
      %dma_start3A_146 = tpu.memref_slice %arg5[%add3A_144, %dma_start3A_145] : memref<80x128xi32, #tpu.memory_space<vmem>> -> memref<1x128xi32, #tpu.memory_space<vmem>>
      %dma_start3A_147 = tpu.memref_squeeze %dma_start3A_146 : memref<1x128xi32, #tpu.memory_space<vmem>> -> memref<128xi32, #tpu.memory_space<vmem>>
      %dma_start3A_148 = arith.constant 0 : i32
      %dma_start3A_149 = tpu.memref_slice %arg8[%dma_start3A_148] : memref<10016xf32, #tpu.memory_space<vmem_shared>> -> memref<10016xf32, #tpu.memory_space<vmem_shared>>
      tpu.enqueue_indirect_dma source(%arg4 : memref<128xf32, #tpu.memory_space<vmem>>) target(%dma_start3A_149 : memref<10016xf32, #tpu.memory_space<vmem_shared>>) offsets(%dma_start3A_147 : memref<128xi32, #tpu.memory_space<vmem>>) semaphore(%arg7 : memref<!tpu.dma_semaphore, #tpu.memory_space<semaphore_mem>>) {add = true}
      %dma_wait3A = arith.constant 0 : i32
      %dma_wait3A_150 = tpu.memref_slice %arg5[%add3A_38, %dma_wait3A] : memref<80x128xi32, #tpu.memory_space<vmem>> -> memref<1x128xi32, #tpu.memory_space<vmem>>
      %dma_wait3A_151 = tpu.memref_squeeze %dma_wait3A_150 : memref<1x128xi32, #tpu.memory_space<vmem>> -> memref<128xi32, #tpu.memory_space<vmem>>
      %dma_wait3A_152 = arith.constant 0 : i32
      %dma_wait3A_153 = tpu.memref_slice %arg8[%dma_wait3A_152] : memref<10016xf32, #tpu.memory_space<vmem_shared>> -> memref<10016xf32, #tpu.memory_space<vmem_shared>>
      tpu.wait_indirect_dma semaphore(%arg7 : memref<!tpu.dma_semaphore, #tpu.memory_space<semaphore_mem>>) src(%arg4 : memref<128xf32, #tpu.memory_space<vmem>>) dst(%dma_wait3A_153 : memref<10016xf32, #tpu.memory_space<vmem_shared>>)
      %dma_wait3A_154 = arith.constant 0 : i32
      %dma_wait3A_155 = tpu.memref_slice %arg5[%add3A_38, %dma_wait3A_154] : memref<80x128xi32, #tpu.memory_space<vmem>> -> memref<1x128xi32, #tpu.memory_space<vmem>>
      %dma_wait3A_156 = tpu.memref_squeeze %dma_wait3A_155 : memref<1x128xi32, #tpu.memory_space<vmem>> -> memref<128xi32, #tpu.memory_space<vmem>>
      %dma_wait3A_157 = arith.constant 0 : i32
      %dma_wait3A_158 = tpu.memref_slice %arg8[%dma_wait3A_157] : memref<10016xf32, #tpu.memory_space<vmem_shared>> -> memref<10016xf32, #tpu.memory_space<vmem_shared>>
      tpu.wait_indirect_dma semaphore(%arg7 : memref<!tpu.dma_semaphore, #tpu.memory_space<semaphore_mem>>) src(%arg4 : memref<128xf32, #tpu.memory_space<vmem>>) dst(%dma_wait3A_158 : memref<10016xf32, #tpu.memory_space<vmem_shared>>)
      %dma_wait3A_159 = arith.constant 0 : i32
      %dma_wait3A_160 = tpu.memref_slice %arg5[%add3A_38, %dma_wait3A_159] : memref<80x128xi32, #tpu.memory_space<vmem>> -> memref<1x128xi32, #tpu.memory_space<vmem>>
      %dma_wait3A_161 = tpu.memref_squeeze %dma_wait3A_160 : memref<1x128xi32, #tpu.memory_space<vmem>> -> memref<128xi32, #tpu.memory_space<vmem>>
      %dma_wait3A_162 = arith.constant 0 : i32
      %dma_wait3A_163 = tpu.memref_slice %arg8[%dma_wait3A_162] : memref<10016xf32, #tpu.memory_space<vmem_shared>> -> memref<10016xf32, #tpu.memory_space<vmem_shared>>
      tpu.wait_indirect_dma semaphore(%arg7 : memref<!tpu.dma_semaphore, #tpu.memory_space<semaphore_mem>>) src(%arg4 : memref<128xf32, #tpu.memory_space<vmem>>) dst(%dma_wait3A_163 : memref<10016xf32, #tpu.memory_space<vmem_shared>>)
      %dma_wait3A_164 = arith.constant 0 : i32
      %dma_wait3A_165 = tpu.memref_slice %arg5[%add3A_38, %dma_wait3A_164] : memref<80x128xi32, #tpu.memory_space<vmem>> -> memref<1x128xi32, #tpu.memory_space<vmem>>
      %dma_wait3A_166 = tpu.memref_squeeze %dma_wait3A_165 : memref<1x128xi32, #tpu.memory_space<vmem>> -> memref<128xi32, #tpu.memory_space<vmem>>
      %dma_wait3A_167 = arith.constant 0 : i32
      %dma_wait3A_168 = tpu.memref_slice %arg8[%dma_wait3A_167] : memref<10016xf32, #tpu.memory_space<vmem_shared>> -> memref<10016xf32, #tpu.memory_space<vmem_shared>>
      tpu.wait_indirect_dma semaphore(%arg7 : memref<!tpu.dma_semaphore, #tpu.memory_space<semaphore_mem>>) src(%arg4 : memref<128xf32, #tpu.memory_space<vmem>>) dst(%dma_wait3A_168 : memref<10016xf32, #tpu.memory_space<vmem_shared>>)
      %dma_wait3A_169 = arith.constant 0 : i32
      %dma_wait3A_170 = tpu.memref_slice %arg5[%add3A_38, %dma_wait3A_169] : memref<80x128xi32, #tpu.memory_space<vmem>> -> memref<1x128xi32, #tpu.memory_space<vmem>>
      %dma_wait3A_171 = tpu.memref_squeeze %dma_wait3A_170 : memref<1x128xi32, #tpu.memory_space<vmem>> -> memref<128xi32, #tpu.memory_space<vmem>>
      %dma_wait3A_172 = arith.constant 0 : i32
      %dma_wait3A_173 = tpu.memref_slice %arg8[%dma_wait3A_172] : memref<10016xf32, #tpu.memory_space<vmem_shared>> -> memref<10016xf32, #tpu.memory_space<vmem_shared>>
      tpu.wait_indirect_dma semaphore(%arg7 : memref<!tpu.dma_semaphore, #tpu.memory_space<semaphore_mem>>) src(%arg4 : memref<128xf32, #tpu.memory_space<vmem>>) dst(%dma_wait3A_173 : memref<10016xf32, #tpu.memory_space<vmem_shared>>)
      %dma_wait3A_174 = arith.constant 0 : i32
      %dma_wait3A_175 = tpu.memref_slice %arg5[%add3A_38, %dma_wait3A_174] : memref<80x128xi32, #tpu.memory_space<vmem>> -> memref<1x128xi32, #tpu.memory_space<vmem>>
      %dma_wait3A_176 = tpu.memref_squeeze %dma_wait3A_175 : memref<1x128xi32, #tpu.memory_space<vmem>> -> memref<128xi32, #tpu.memory_space<vmem>>
      %dma_wait3A_177 = arith.constant 0 : i32
      %dma_wait3A_178 = tpu.memref_slice %arg8[%dma_wait3A_177] : memref<10016xf32, #tpu.memory_space<vmem_shared>> -> memref<10016xf32, #tpu.memory_space<vmem_shared>>
      tpu.wait_indirect_dma semaphore(%arg7 : memref<!tpu.dma_semaphore, #tpu.memory_space<semaphore_mem>>) src(%arg4 : memref<128xf32, #tpu.memory_space<vmem>>) dst(%dma_wait3A_178 : memref<10016xf32, #tpu.memory_space<vmem_shared>>)
      %dma_wait3A_179 = arith.constant 0 : i32
      %dma_wait3A_180 = tpu.memref_slice %arg5[%add3A_38, %dma_wait3A_179] : memref<80x128xi32, #tpu.memory_space<vmem>> -> memref<1x128xi32, #tpu.memory_space<vmem>>
      %dma_wait3A_181 = tpu.memref_squeeze %dma_wait3A_180 : memref<1x128xi32, #tpu.memory_space<vmem>> -> memref<128xi32, #tpu.memory_space<vmem>>
      %dma_wait3A_182 = arith.constant 0 : i32
      %dma_wait3A_183 = tpu.memref_slice %arg8[%dma_wait3A_182] : memref<10016xf32, #tpu.memory_space<vmem_shared>> -> memref<10016xf32, #tpu.memory_space<vmem_shared>>
      tpu.wait_indirect_dma semaphore(%arg7 : memref<!tpu.dma_semaphore, #tpu.memory_space<semaphore_mem>>) src(%arg4 : memref<128xf32, #tpu.memory_space<vmem>>) dst(%dma_wait3A_183 : memref<10016xf32, #tpu.memory_space<vmem_shared>>)
      %dma_wait3A_184 = arith.constant 0 : i32
      %dma_wait3A_185 = tpu.memref_slice %arg5[%add3A_38, %dma_wait3A_184] : memref<80x128xi32, #tpu.memory_space<vmem>> -> memref<1x128xi32, #tpu.memory_space<vmem>>
      %dma_wait3A_186 = tpu.memref_squeeze %dma_wait3A_185 : memref<1x128xi32, #tpu.memory_space<vmem>> -> memref<128xi32, #tpu.memory_space<vmem>>
      %dma_wait3A_187 = arith.constant 0 : i32
      %dma_wait3A_188 = tpu.memref_slice %arg8[%dma_wait3A_187] : memref<10016xf32, #tpu.memory_space<vmem_shared>> -> memref<10016xf32, #tpu.memory_space<vmem_shared>>
      tpu.wait_indirect_dma semaphore(%arg7 : memref<!tpu.dma_semaphore, #tpu.memory_space<semaphore_mem>>) src(%arg4 : memref<128xf32, #tpu.memory_space<vmem>>) dst(%dma_wait3A_188 : memref<10016xf32, #tpu.memory_space<vmem_shared>>)
      %dma_wait3A_189 = arith.constant 0 : i32
      %dma_wait3A_190 = tpu.memref_slice %arg5[%add3A_38, %dma_wait3A_189] : memref<80x128xi32, #tpu.memory_space<vmem>> -> memref<1x128xi32, #tpu.memory_space<vmem>>
      %dma_wait3A_191 = tpu.memref_squeeze %dma_wait3A_190 : memref<1x128xi32, #tpu.memory_space<vmem>> -> memref<128xi32, #tpu.memory_space<vmem>>
      %dma_wait3A_192 = arith.constant 0 : i32
      %dma_wait3A_193 = tpu.memref_slice %arg8[%dma_wait3A_192] : memref<10016xf32, #tpu.memory_space<vmem_shared>> -> memref<10016xf32, #tpu.memory_space<vmem_shared>>
      tpu.wait_indirect_dma semaphore(%arg7 : memref<!tpu.dma_semaphore, #tpu.memory_space<semaphore_mem>>) src(%arg4 : memref<128xf32, #tpu.memory_space<vmem>>) dst(%dma_wait3A_193 : memref<10016xf32, #tpu.memory_space<vmem_shared>>)
      %dma_wait3A_194 = arith.constant 0 : i32
      %dma_wait3A_195 = tpu.memref_slice %arg5[%add3A_38, %dma_wait3A_194] : memref<80x128xi32, #tpu.memory_space<vmem>> -> memref<1x128xi32, #tpu.memory_space<vmem>>
      %dma_wait3A_196 = tpu.memref_squeeze %dma_wait3A_195 : memref<1x128xi32, #tpu.memory_space<vmem>> -> memref<128xi32, #tpu.memory_space<vmem>>
      %dma_wait3A_197 = arith.constant 0 : i32
      %dma_wait3A_198 = tpu.memref_slice %arg8[%dma_wait3A_197] : memref<10016xf32, #tpu.memory_space<vmem_shared>> -> memref<10016xf32, #tpu.memory_space<vmem_shared>>
      tpu.wait_indirect_dma semaphore(%arg7 : memref<!tpu.dma_semaphore, #tpu.memory_space<semaphore_mem>>) src(%arg4 : memref<128xf32, #tpu.memory_space<vmem>>) dst(%dma_wait3A_198 : memref<10016xf32, #tpu.memory_space<vmem_shared>>)
      %dma_wait3A_199 = arith.constant 0 : i32
      %dma_wait3A_200 = tpu.memref_slice %arg5[%add3A_38, %dma_wait3A_199] : memref<80x128xi32, #tpu.memory_space<vmem>> -> memref<1x128xi32, #tpu.memory_space<vmem>>
      %dma_wait3A_201 = tpu.memref_squeeze %dma_wait3A_200 : memref<1x128xi32, #tpu.memory_space<vmem>> -> memref<128xi32, #tpu.memory_space<vmem>>
      %dma_wait3A_202 = arith.constant 0 : i32
      %dma_wait3A_203 = tpu.memref_slice %arg8[%dma_wait3A_202] : memref<10016xf32, #tpu.memory_space<vmem_shared>> -> memref<10016xf32, #tpu.memory_space<vmem_shared>>
      tpu.wait_indirect_dma semaphore(%arg7 : memref<!tpu.dma_semaphore, #tpu.memory_space<semaphore_mem>>) src(%arg4 : memref<128xf32, #tpu.memory_space<vmem>>) dst(%dma_wait3A_203 : memref<10016xf32, #tpu.memory_space<vmem_shared>>)
      %dma_wait3A_204 = arith.constant 0 : i32
      %dma_wait3A_205 = tpu.memref_slice %arg5[%add3A_38, %dma_wait3A_204] : memref<80x128xi32, #tpu.memory_space<vmem>> -> memref<1x128xi32, #tpu.memory_space<vmem>>
      %dma_wait3A_206 = tpu.memref_squeeze %dma_wait3A_205 : memref<1x128xi32, #tpu.memory_space<vmem>> -> memref<128xi32, #tpu.memory_space<vmem>>
      %dma_wait3A_207 = arith.constant 0 : i32
      %dma_wait3A_208 = tpu.memref_slice %arg8[%dma_wait3A_207] : memref<10016xf32, #tpu.memory_space<vmem_shared>> -> memref<10016xf32, #tpu.memory_space<vmem_shared>>
      tpu.wait_indirect_dma semaphore(%arg7 : memref<!tpu.dma_semaphore, #tpu.memory_space<semaphore_mem>>) src(%arg4 : memref<128xf32, #tpu.memory_space<vmem>>) dst(%dma_wait3A_208 : memref<10016xf32, #tpu.memory_space<vmem_shared>>)
      %dma_wait3A_209 = arith.constant 0 : i32
      %dma_wait3A_210 = tpu.memref_slice %arg5[%add3A_38, %dma_wait3A_209] : memref<80x128xi32, #tpu.memory_space<vmem>> -> memref<1x128xi32, #tpu.memory_space<vmem>>
      %dma_wait3A_211 = tpu.memref_squeeze %dma_wait3A_210 : memref<1x128xi32, #tpu.memory_space<vmem>> -> memref<128xi32, #tpu.memory_space<vmem>>
      %dma_wait3A_212 = arith.constant 0 : i32
      %dma_wait3A_213 = tpu.memref_slice %arg8[%dma_wait3A_212] : memref<10016xf32, #tpu.memory_space<vmem_shared>> -> memref<10016xf32, #tpu.memory_space<vmem_shared>>
      tpu.wait_indirect_dma semaphore(%arg7 : memref<!tpu.dma_semaphore, #tpu.memory_space<semaphore_mem>>) src(%arg4 : memref<128xf32, #tpu.memory_space<vmem>>) dst(%dma_wait3A_213 : memref<10016xf32, #tpu.memory_space<vmem_shared>>)
      %dma_wait3A_214 = arith.constant 0 : i32
      %dma_wait3A_215 = tpu.memref_slice %arg5[%add3A_38, %dma_wait3A_214] : memref<80x128xi32, #tpu.memory_space<vmem>> -> memref<1x128xi32, #tpu.memory_space<vmem>>
      %dma_wait3A_216 = tpu.memref_squeeze %dma_wait3A_215 : memref<1x128xi32, #tpu.memory_space<vmem>> -> memref<128xi32, #tpu.memory_space<vmem>>
      %dma_wait3A_217 = arith.constant 0 : i32
      %dma_wait3A_218 = tpu.memref_slice %arg8[%dma_wait3A_217] : memref<10016xf32, #tpu.memory_space<vmem_shared>> -> memref<10016xf32, #tpu.memory_space<vmem_shared>>
      tpu.wait_indirect_dma semaphore(%arg7 : memref<!tpu.dma_semaphore, #tpu.memory_space<semaphore_mem>>) src(%arg4 : memref<128xf32, #tpu.memory_space<vmem>>) dst(%dma_wait3A_218 : memref<10016xf32, #tpu.memory_space<vmem_shared>>)
      %dma_wait3A_219 = arith.constant 0 : i32
      %dma_wait3A_220 = tpu.memref_slice %arg5[%add3A_38, %dma_wait3A_219] : memref<80x128xi32, #tpu.memory_space<vmem>> -> memref<1x128xi32, #tpu.memory_space<vmem>>
      %dma_wait3A_221 = tpu.memref_squeeze %dma_wait3A_220 : memref<1x128xi32, #tpu.memory_space<vmem>> -> memref<128xi32, #tpu.memory_space<vmem>>
      %dma_wait3A_222 = arith.constant 0 : i32
      %dma_wait3A_223 = tpu.memref_slice %arg8[%dma_wait3A_222] : memref<10016xf32, #tpu.memory_space<vmem_shared>> -> memref<10016xf32, #tpu.memory_space<vmem_shared>>
      tpu.wait_indirect_dma semaphore(%arg7 : memref<!tpu.dma_semaphore, #tpu.memory_space<semaphore_mem>>) src(%arg4 : memref<128xf32, #tpu.memory_space<vmem>>) dst(%dma_wait3A_223 : memref<10016xf32, #tpu.memory_space<vmem_shared>>)
      %dma_wait3A_224 = arith.constant 0 : i32
      %dma_wait3A_225 = tpu.memref_slice %arg5[%add3A_38, %dma_wait3A_224] : memref<80x128xi32, #tpu.memory_space<vmem>> -> memref<1x128xi32, #tpu.memory_space<vmem>>
      %dma_wait3A_226 = tpu.memref_squeeze %dma_wait3A_225 : memref<1x128xi32, #tpu.memory_space<vmem>> -> memref<128xi32, #tpu.memory_space<vmem>>
      %dma_wait3A_227 = arith.constant 0 : i32
      %dma_wait3A_228 = tpu.memref_slice %arg8[%dma_wait3A_227] : memref<10016xf32, #tpu.memory_space<vmem_shared>> -> memref<10016xf32, #tpu.memory_space<vmem_shared>>
      tpu.wait_indirect_dma semaphore(%arg7 : memref<!tpu.dma_semaphore, #tpu.memory_space<semaphore_mem>>) src(%arg4 : memref<128xf32, #tpu.memory_space<vmem>>) dst(%dma_wait3A_228 : memref<10016xf32, #tpu.memory_space<vmem_shared>>)
    }
    %scan3A_20 = arith.constant 5 : i32
    %barrier3A_21 = arith.constant 0 : index
    tpu.barrier barrier_id(%barrier3A_21)
    %mul3A_22 = arith.constant 624 : i32
    %mul3A_23 = arith.muli %arg1, %mul3A_22 : i32
    "tpu.region"() ({
      %run_scoped3A = tpu.sem_alloc : memref<!tpu.dma_semaphore, #tpu.memory_space<semaphore_mem>>
      %dma_start3A = tpu.memref_slice %arg8[%mul3A_23] : memref<10016xf32, #tpu.memory_space<vmem_shared>> -> memref<624xf32, #tpu.memory_space<vmem_shared>>
      %dma_start3A_34 = tpu.memref_slice %arg8[%mul3A_23] : memref<10016xf32, #tpu.memory_space<vmem_shared>> -> memref<624xf32, #tpu.memory_space<vmem_shared>>
      tpu.enqueue_dma source(%dma_start3A_34 : memref<624xf32, #tpu.memory_space<vmem_shared>>) target(%arg6 : memref<624xf32, #tpu.memory_space<vmem>>) target_semaphore(%run_scoped3A : memref<!tpu.dma_semaphore, #tpu.memory_space<semaphore_mem>>)
      %dma_wait3A = tpu.memref_slice %arg8[%mul3A_23] : memref<10016xf32, #tpu.memory_space<vmem_shared>> -> memref<624xf32, #tpu.memory_space<vmem_shared>>
      %dma_wait3A_35 = tpu.memref_slice %arg8[%mul3A_23] : memref<10016xf32, #tpu.memory_space<vmem_shared>> -> memref<624xf32, #tpu.memory_space<vmem_shared>>
      tpu.wait_dma2 semaphore(%run_scoped3A : memref<!tpu.dma_semaphore, #tpu.memory_space<semaphore_mem>>) src(%dma_wait3A_35 : memref<624xf32, #tpu.memory_space<vmem_shared>>) dst(%arg6 : memref<624xf32, #tpu.memory_space<vmem>>)
      tpu.yield
    }) : () -> ()
    %mul3A_24 = arith.constant 10000 : i32
    %mul3A_25 = arith.muli %arg0, %mul3A_24 : i32
    %mul3A_26 = arith.constant 624 : i32
    %mul3A_27 = arith.muli %arg1, %mul3A_26 : i32
    %add3A_28 = arith.addi %mul3A_25, %mul3A_27 : i32
    "tpu.region"() ({
      %run_scoped3A = tpu.sem_alloc : memref<!tpu.dma_semaphore, #tpu.memory_space<semaphore_mem>>
      %dma_start3A = tpu.memref_slice %arg3[%add3A_28] : memref<20000xf32, #tpu.memory_space<hbm>> -> memref<624xf32, #tpu.memory_space<hbm>>
      %dma_start3A_34 = tpu.memref_slice %arg3[%add3A_28] : memref<20000xf32, #tpu.memory_space<hbm>> -> memref<624xf32, #tpu.memory_space<hbm>>
      tpu.enqueue_dma source(%arg6 : memref<624xf32, #tpu.memory_space<vmem>>) target(%dma_start3A_34 : memref<624xf32, #tpu.memory_space<hbm>>) target_semaphore(%run_scoped3A : memref<!tpu.dma_semaphore, #tpu.memory_space<semaphore_mem>>)
      %dma_wait3A = tpu.memref_slice %arg3[%add3A_28] : memref<20000xf32, #tpu.memory_space<hbm>> -> memref<624xf32, #tpu.memory_space<hbm>>
      %dma_wait3A_35 = tpu.memref_slice %arg3[%add3A_28] : memref<20000xf32, #tpu.memory_space<hbm>> -> memref<624xf32, #tpu.memory_space<hbm>>
      tpu.wait_dma2 semaphore(%run_scoped3A : memref<!tpu.dma_semaphore, #tpu.memory_space<semaphore_mem>>) src(%arg6 : memref<624xf32, #tpu.memory_space<vmem>>) dst(%dma_wait3A_35 : memref<624xf32, #tpu.memory_space<hbm>>)
      tpu.yield
    }) : () -> ()
    %eq3A_29 = arith.constant 15 : i32
    %eq3A_30 = arith.cmpi eq, %arg1, %eq3A_29 : i32
    %convert_element_type3A_31 = arith.extui %eq3A_30 : i1 to i32
    %cond3A_32 = arith.constant 0 : i32
    %cond3A_33 = arith.cmpi ne, %convert_element_type3A_31, %cond3A_32 : i32
    scf.if %cond3A_33 {
      "tpu.region"() ({
        %run_scoped3A = tpu.sem_alloc : memref<!tpu.dma_semaphore, #tpu.memory_space<semaphore_mem>>
        %dma_start3A = arith.constant 0 : i32
        %dma_start3A_38 = tpu.memref_slice %arg6[%dma_start3A] : memref<624xf32, #tpu.memory_space<vmem>> -> memref<16xf32, #tpu.memory_space<vmem>>
        %dma_start3A_39 = arith.constant 9984 : i32
        %dma_start3A_40 = tpu.memref_slice %arg8[%dma_start3A_39] : memref<10016xf32, #tpu.memory_space<vmem_shared>> -> memref<16xf32, #tpu.memory_space<vmem_shared>>
        %dma_start3A_41 = arith.constant 0 : i32
        %dma_start3A_42 = tpu.memref_slice %arg6[%dma_start3A_41] : memref<624xf32, #tpu.memory_space<vmem>> -> memref<16xf32, #tpu.memory_space<vmem>>
        %dma_start3A_43 = arith.constant 9984 : i32
        %dma_start3A_44 = tpu.memref_slice %arg8[%dma_start3A_43] : memref<10016xf32, #tpu.memory_space<vmem_shared>> -> memref<16xf32, #tpu.memory_space<vmem_shared>>
        tpu.enqueue_dma source(%dma_start3A_44 : memref<16xf32, #tpu.memory_space<vmem_shared>>) target(%dma_start3A_42 : memref<16xf32, #tpu.memory_space<vmem>>) target_semaphore(%run_scoped3A : memref<!tpu.dma_semaphore, #tpu.memory_space<semaphore_mem>>)
        %dma_wait3A = arith.constant 0 : i32
        %dma_wait3A_45 = tpu.memref_slice %arg6[%dma_wait3A] : memref<624xf32, #tpu.memory_space<vmem>> -> memref<16xf32, #tpu.memory_space<vmem>>
        %dma_wait3A_46 = arith.constant 9984 : i32
        %dma_wait3A_47 = tpu.memref_slice %arg8[%dma_wait3A_46] : memref<10016xf32, #tpu.memory_space<vmem_shared>> -> memref<16xf32, #tpu.memory_space<vmem_shared>>
        %dma_wait3A_48 = arith.constant 0 : i32
        %dma_wait3A_49 = tpu.memref_slice %arg6[%dma_wait3A_48] : memref<624xf32, #tpu.memory_space<vmem>> -> memref<16xf32, #tpu.memory_space<vmem>>
        %dma_wait3A_50 = arith.constant 9984 : i32
        %dma_wait3A_51 = tpu.memref_slice %arg8[%dma_wait3A_50] : memref<10016xf32, #tpu.memory_space<vmem_shared>> -> memref<16xf32, #tpu.memory_space<vmem_shared>>
        tpu.wait_dma2 semaphore(%run_scoped3A : memref<!tpu.dma_semaphore, #tpu.memory_space<semaphore_mem>>) src(%dma_wait3A_51 : memref<16xf32, #tpu.memory_space<vmem_shared>>) dst(%dma_wait3A_49 : memref<16xf32, #tpu.memory_space<vmem>>)
        tpu.yield
      }) : () -> ()
      %mul3A_34 = arith.constant 10000 : i32
      %mul3A_35 = arith.muli %arg0, %mul3A_34 : i32
      %add3A_36 = arith.constant 9984 : i32
      %add3A_37 = arith.addi %mul3A_35, %add3A_36 : i32
      "tpu.region"() ({
        %run_scoped3A = tpu.sem_alloc : memref<!tpu.dma_semaphore, #tpu.memory_space<semaphore_mem>>
        %dma_start3A = arith.constant 0 : i32
        %dma_start3A_38 = tpu.memref_slice %arg6[%dma_start3A] : memref<624xf32, #tpu.memory_space<vmem>> -> memref<16xf32, #tpu.memory_space<vmem>>
        %dma_start3A_39 = tpu.memref_slice %arg3[%add3A_37] : memref<20000xf32, #tpu.memory_space<hbm>> -> memref<16xf32, #tpu.memory_space<hbm>>
        %dma_start3A_40 = tpu.memref_slice %arg3[%add3A_37] : memref<20000xf32, #tpu.memory_space<hbm>> -> memref<16xf32, #tpu.memory_space<hbm>>
        %dma_start3A_41 = arith.constant 0 : i32
        %dma_start3A_42 = tpu.memref_slice %arg6[%dma_start3A_41] : memref<624xf32, #tpu.memory_space<vmem>> -> memref<16xf32, #tpu.memory_space<vmem>>
        tpu.enqueue_dma source(%dma_start3A_42 : memref<16xf32, #tpu.memory_space<vmem>>) target(%dma_start3A_40 : memref<16xf32, #tpu.memory_space<hbm>>) target_semaphore(%run_scoped3A : memref<!tpu.dma_semaphore, #tpu.memory_space<semaphore_mem>>)
        %dma_wait3A = arith.constant 0 : i32
        %dma_wait3A_43 = tpu.memref_slice %arg6[%dma_wait3A] : memref<624xf32, #tpu.memory_space<vmem>> -> memref<16xf32, #tpu.memory_space<vmem>>
        %dma_wait3A_44 = tpu.memref_slice %arg3[%add3A_37] : memref<20000xf32, #tpu.memory_space<hbm>> -> memref<16xf32, #tpu.memory_space<hbm>>
        %dma_wait3A_45 = tpu.memref_slice %arg3[%add3A_37] : memref<20000xf32, #tpu.memory_space<hbm>> -> memref<16xf32, #tpu.memory_space<hbm>>
        %dma_wait3A_46 = arith.constant 0 : i32
        %dma_wait3A_47 = tpu.memref_slice %arg6[%dma_wait3A_46] : memref<624xf32, #tpu.memory_space<vmem>> -> memref<16xf32, #tpu.memory_space<vmem>>
        tpu.wait_dma2 semaphore(%run_scoped3A : memref<!tpu.dma_semaphore, #tpu.memory_space<semaphore_mem>>) src(%dma_wait3A_47 : memref<16xf32, #tpu.memory_space<vmem>>) dst(%dma_wait3A_45 : memref<16xf32, #tpu.memory_space<hbm>>)
        tpu.yield
      }) : () -> ()
    } else {
    }
    return
  }
}

#map = affine_map<(d0, d1) -> (0, 0)>
module attributes {stable_mosaic.version = 14 : i64} {
  func.func @_scatter_sc(%arg0: i32, %arg1: i32, %arg2: memref<10000x128xf32, #tpu.memory_space<hbm>>, %arg3: memref<5120x128xi32, #tpu.memory_space<hbm>>, %arg4: memref<20000x128xf32, #tpu.memory_space<hbm>>, %arg5: memref<32x128xi32, #tpu.memory_space<vmem>>, %arg6: memref<32x128xi32, #tpu.memory_space<vmem>>, %arg7: memref<128x128xf32, #tpu.memory_space<vmem>>, %arg8: memref<128x128xf32, #tpu.memory_space<vmem>>, %arg9: memref<!tpu.dma_semaphore, #tpu.memory_space<semaphore_mem>>, %arg10: memref<!tpu.dma_semaphore, #tpu.memory_space<semaphore_mem>>, %arg11: memref<!tpu.dma_semaphore, #tpu.memory_space<semaphore_mem>>, %arg12: memref<10016x128xf32, #tpu.memory_space<vmem_shared>>) attributes {dimension_semantics = [#tpu.dimension_semantics<core_parallel>, #tpu.dimension_semantics<subcore_parallel>], iteration_bounds = array<i64: 2, 16>, scalar_prefetch = 0 : i64, scratch_operands = 8 : i64, tpu.core_type = #tpu.core_type<sc_vector_subcore>, window_params = [{transform_indices = #map}, {transform_indices = #map}, {transform_indices = #map}]} {
    %mul3A = arith.constant 16 : i32
    %mul3A_0 = arith.muli %arg0, %mul3A : i32
    %add3A = arith.addi %mul3A_0, %arg1 : i32
    %mul3A_1 = arith.constant 160 : i32
    %mul3A_2 = arith.muli %add3A, %mul3A_1 : i32
    %dma_start3A = arith.constant 0 : i32
    %dma_start3A_3 = tpu.memref_slice %arg3[%mul3A_2, %dma_start3A] : memref<5120x128xi32, #tpu.memory_space<hbm>> -> memref<32x128xi32, #tpu.memory_space<hbm>>
    %dma_start3A_4 = arith.constant 0 : i32
    %dma_start3A_5 = tpu.memref_slice %arg3[%mul3A_2, %dma_start3A_4] : memref<5120x128xi32, #tpu.memory_space<hbm>> -> memref<32x128xi32, #tpu.memory_space<hbm>>
    tpu.enqueue_dma source(%dma_start3A_5 : memref<32x128xi32, #tpu.memory_space<hbm>>) target(%arg5 : memref<32x128xi32, #tpu.memory_space<vmem>>) target_semaphore(%arg11 : memref<!tpu.dma_semaphore, #tpu.memory_space<semaphore_mem>>)
    %scan3A = arith.constant 0 : i32
    %scan3A_6 = arith.constant 104 : i32
    %scan3A_7 = arith.addi %scan3A, %scan3A_6 : i32
    %scan3A_8 = arith.constant 1 : i32
    scf.for %scan3A_518 = %scan3A to %scan3A_7 step %scan3A_8  : i32 {
      %mul3A_519 = arith.constant 1 : i32
      %mul3A_520 = arith.muli %scan3A_518, %mul3A_519 : i32
      %add3A_521 = arith.constant 0 : i32
      %add3A_522 = arith.addi %add3A_521, %mul3A_520 : i32
      %broadcast_in_dim3A = arith.constant 0.000000e+00 : f32
      %broadcast_in_dim3A_523 = vector.broadcast %broadcast_in_dim3A : f32 to vector<16xf32>
      %swap3A = arith.index_cast %add3A_522 : i32 to index
      %swap3A_524 = arith.constant 0 : index
      %swap3A_525 = tpu.vector_load %arg7[%swap3A, %swap3A_524] {strides = array<i32>} : memref<128x128xf32, #tpu.memory_space<vmem>>, vector<1x16xf32>,
      %swap3A_526 = vector.shape_cast %swap3A_525 : vector<1x16xf32> to vector<16xf32>
      %swap3A_527 = vector.shape_cast %broadcast_in_dim3A_523 : vector<16xf32> to vector<1x16xf32>
      tpu.vector_store %arg7[%swap3A, %swap3A_524], %swap3A_527 {strides = array<i32>} : memref<128x128xf32, #tpu.memory_space<vmem>>, vector<1x16xf32>,
      %broadcast_in_dim3A_528 = arith.constant 0.000000e+00 : f32
      %broadcast_in_dim3A_529 = vector.broadcast %broadcast_in_dim3A_528 : f32 to vector<16xf32>
      %swap3A_530 = arith.index_cast %add3A_522 : i32 to index
      %swap3A_531 = arith.constant 16 : index
      %swap3A_532 = tpu.vector_load %arg7[%swap3A_530, %swap3A_531] {strides = array<i32>} : memref<128x128xf32, #tpu.memory_space<vmem>>, vector<1x16xf32>,
      %swap3A_533 = vector.shape_cast %swap3A_532 : vector<1x16xf32> to vector<16xf32>
      %swap3A_534 = vector.shape_cast %broadcast_in_dim3A_529 : vector<16xf32> to vector<1x16xf32>
      tpu.vector_store %arg7[%swap3A_530, %swap3A_531], %swap3A_534 {strides = array<i32>} : memref<128x128xf32, #tpu.memory_space<vmem>>, vector<1x16xf32>,
      %broadcast_in_dim3A_535 = arith.constant 0.000000e+00 : f32
      %broadcast_in_dim3A_536 = vector.broadcast %broadcast_in_dim3A_535 : f32 to vector<16xf32>
      %swap3A_537 = arith.index_cast %add3A_522 : i32 to index
      %swap3A_538 = arith.constant 32 : index
      %swap3A_539 = tpu.vector_load %arg7[%swap3A_537, %swap3A_538] {strides = array<i32>} : memref<128x128xf32, #tpu.memory_space<vmem>>, vector<1x16xf32>,
      %swap3A_540 = vector.shape_cast %swap3A_539 : vector<1x16xf32> to vector<16xf32>
      %swap3A_541 = vector.shape_cast %broadcast_in_dim3A_536 : vector<16xf32> to vector<1x16xf32>
      tpu.vector_store %arg7[%swap3A_537, %swap3A_538], %swap3A_541 {strides = array<i32>} : memref<128x128xf32, #tpu.memory_space<vmem>>, vector<1x16xf32>,
      %broadcast_in_dim3A_542 = arith.constant 0.000000e+00 : f32
      %broadcast_in_dim3A_543 = vector.broadcast %broadcast_in_dim3A_542 : f32 to vector<16xf32>
      %swap3A_544 = arith.index_cast %add3A_522 : i32 to index
      %swap3A_545 = arith.constant 48 : index
      %swap3A_546 = tpu.vector_load %arg7[%swap3A_544, %swap3A_545] {strides = array<i32>} : memref<128x128xf32, #tpu.memory_space<vmem>>, vector<1x16xf32>,
      %swap3A_547 = vector.shape_cast %swap3A_546 : vector<1x16xf32> to vector<16xf32>
      %swap3A_548 = vector.shape_cast %broadcast_in_dim3A_543 : vector<16xf32> to vector<1x16xf32>
      tpu.vector_store %arg7[%swap3A_544, %swap3A_545], %swap3A_548 {strides = array<i32>} : memref<128x128xf32, #tpu.memory_space<vmem>>, vector<1x16xf32>,
      %broadcast_in_dim3A_549 = arith.constant 0.000000e+00 : f32
      %broadcast_in_dim3A_550 = vector.broadcast %broadcast_in_dim3A_549 : f32 to vector<16xf32>
      %swap3A_551 = arith.index_cast %add3A_522 : i32 to index
      %swap3A_552 = arith.constant 64 : index
      %swap3A_553 = tpu.vector_load %arg7[%swap3A_551, %swap3A_552] {strides = array<i32>} : memref<128x128xf32, #tpu.memory_space<vmem>>, vector<1x16xf32>,
      %swap3A_554 = vector.shape_cast %swap3A_553 : vector<1x16xf32> to vector<16xf32>
      %swap3A_555 = vector.shape_cast %broadcast_in_dim3A_550 : vector<16xf32> to vector<1x16xf32>
      tpu.vector_store %arg7[%swap3A_551, %swap3A_552], %swap3A_555 {strides = array<i32>} : memref<128x128xf32, #tpu.memory_space<vmem>>, vector<1x16xf32>,
      %broadcast_in_dim3A_556 = arith.constant 0.000000e+00 : f32
      %broadcast_in_dim3A_557 = vector.broadcast %broadcast_in_dim3A_556 : f32 to vector<16xf32>
      %swap3A_558 = arith.index_cast %add3A_522 : i32 to index
      %swap3A_559 = arith.constant 80 : index
      %swap3A_560 = tpu.vector_load %arg7[%swap3A_558, %swap3A_559] {strides = array<i32>} : memref<128x128xf32, #tpu.memory_space<vmem>>, vector<1x16xf32>,
      %swap3A_561 = vector.shape_cast %swap3A_560 : vector<1x16xf32> to vector<16xf32>
      %swap3A_562 = vector.shape_cast %broadcast_in_dim3A_557 : vector<16xf32> to vector<1x16xf32>
      tpu.vector_store %arg7[%swap3A_558, %swap3A_559], %swap3A_562 {strides = array<i32>} : memref<128x128xf32, #tpu.memory_space<vmem>>, vector<1x16xf32>,
      %broadcast_in_dim3A_563 = arith.constant 0.000000e+00 : f32
      %broadcast_in_dim3A_564 = vector.broadcast %broadcast_in_dim3A_563 : f32 to vector<16xf32>
      %swap3A_565 = arith.index_cast %add3A_522 : i32 to index
      %swap3A_566 = arith.constant 96 : index
      %swap3A_567 = tpu.vector_load %arg7[%swap3A_565, %swap3A_566] {strides = array<i32>} : memref<128x128xf32, #tpu.memory_space<vmem>>, vector<1x16xf32>,
      %swap3A_568 = vector.shape_cast %swap3A_567 : vector<1x16xf32> to vector<16xf32>
      %swap3A_569 = vector.shape_cast %broadcast_in_dim3A_564 : vector<16xf32> to vector<1x16xf32>
      tpu.vector_store %arg7[%swap3A_565, %swap3A_566], %swap3A_569 {strides = array<i32>} : memref<128x128xf32, #tpu.memory_space<vmem>>, vector<1x16xf32>,
      %broadcast_in_dim3A_570 = arith.constant 0.000000e+00 : f32
      %broadcast_in_dim3A_571 = vector.broadcast %broadcast_in_dim3A_570 : f32 to vector<16xf32>
      %swap3A_572 = arith.index_cast %add3A_522 : i32 to index
      %swap3A_573 = arith.constant 112 : index
      %swap3A_574 = tpu.vector_load %arg7[%swap3A_572, %swap3A_573] {strides = array<i32>} : memref<128x128xf32, #tpu.memory_space<vmem>>, vector<1x16xf32>,
      %swap3A_575 = vector.shape_cast %swap3A_574 : vector<1x16xf32> to vector<16xf32>
      %swap3A_576 = vector.shape_cast %broadcast_in_dim3A_571 : vector<16xf32> to vector<1x16xf32>
      tpu.vector_store %arg7[%swap3A_572, %swap3A_573], %swap3A_576 {strides = array<i32>} : memref<128x128xf32, #tpu.memory_space<vmem>>, vector<1x16xf32>,
    }
    %scan3A_9 = arith.constant 104 : i32
    %mul3A_10 = arith.constant 624 : i32
    %mul3A_11 = arith.muli %arg1, %mul3A_10 : i32
    %add3A_12 = arith.constant 0 : i32
    %add3A_13 = arith.addi %mul3A_11, %add3A_12 : i32
    %dma_start3A_14 = arith.constant 0 : i32
    %dma_start3A_15 = arith.constant 0 : i32
    %dma_start3A_16 = tpu.memref_slice %arg7[%dma_start3A_14, %dma_start3A_15] : memref<128x128xf32, #tpu.memory_space<vmem>> -> memref<104x128xf32, #tpu.memory_space<vmem>>
    %dma_start3A_17 = arith.constant 0 : i32
    %dma_start3A_18 = tpu.memref_slice %arg12[%add3A_13, %dma_start3A_17] : memref<10016x128xf32, #tpu.memory_space<vmem_shared>> -> memref<104x128xf32, #tpu.memory_space<vmem_shared>>
    %dma_start3A_19 = arith.constant 0 : i32
    %dma_start3A_20 = tpu.memref_slice %arg12[%add3A_13, %dma_start3A_19] : memref<10016x128xf32, #tpu.memory_space<vmem_shared>> -> memref<104x128xf32, #tpu.memory_space<vmem_shared>>
    %dma_start3A_21 = arith.constant 0 : i32
    %dma_start3A_22 = arith.constant 0 : i32
    %dma_start3A_23 = tpu.memref_slice %arg7[%dma_start3A_21, %dma_start3A_22] : memref<128x128xf32, #tpu.memory_space<vmem>> -> memref<104x128xf32, #tpu.memory_space<vmem>>
    tpu.enqueue_dma source(%dma_start3A_23 : memref<104x128xf32, #tpu.memory_space<vmem>>) target(%dma_start3A_20 : memref<104x128xf32, #tpu.memory_space<vmem_shared>>) target_semaphore(%arg9 : memref<!tpu.dma_semaphore, #tpu.memory_space<semaphore_mem>>)
    %mul3A_24 = arith.constant 624 : i32
    %mul3A_25 = arith.muli %arg1, %mul3A_24 : i32
    %add3A_26 = arith.constant 104 : i32
    %add3A_27 = arith.addi %mul3A_25, %add3A_26 : i32
    %dma_start3A_28 = arith.constant 0 : i32
    %dma_start3A_29 = arith.constant 0 : i32
    %dma_start3A_30 = tpu.memref_slice %arg7[%dma_start3A_28, %dma_start3A_29] : memref<128x128xf32, #tpu.memory_space<vmem>> -> memref<104x128xf32, #tpu.memory_space<vmem>>
    %dma_start3A_31 = arith.constant 0 : i32
    %dma_start3A_32 = tpu.memref_slice %arg12[%add3A_27, %dma_start3A_31] : memref<10016x128xf32, #tpu.memory_space<vmem_shared>> -> memref<104x128xf32, #tpu.memory_space<vmem_shared>>
    %dma_start3A_33 = arith.constant 0 : i32
    %dma_start3A_34 = tpu.memref_slice %arg12[%add3A_27, %dma_start3A_33] : memref<10016x128xf32, #tpu.memory_space<vmem_shared>> -> memref<104x128xf32, #tpu.memory_space<vmem_shared>>
    %dma_start3A_35 = arith.constant 0 : i32
    %dma_start3A_36 = arith.constant 0 : i32
    %dma_start3A_37 = tpu.memref_slice %arg7[%dma_start3A_35, %dma_start3A_36] : memref<128x128xf32, #tpu.memory_space<vmem>> -> memref<104x128xf32, #tpu.memory_space<vmem>>
    tpu.enqueue_dma source(%dma_start3A_37 : memref<104x128xf32, #tpu.memory_space<vmem>>) target(%dma_start3A_34 : memref<104x128xf32, #tpu.memory_space<vmem_shared>>) target_semaphore(%arg9 : memref<!tpu.dma_semaphore, #tpu.memory_space<semaphore_mem>>)
    %mul3A_38 = arith.constant 624 : i32
    %mul3A_39 = arith.muli %arg1, %mul3A_38 : i32
    %add3A_40 = arith.constant 208 : i32
    %add3A_41 = arith.addi %mul3A_39, %add3A_40 : i32
    %dma_start3A_42 = arith.constant 0 : i32
    %dma_start3A_43 = arith.constant 0 : i32
    %dma_start3A_44 = tpu.memref_slice %arg7[%dma_start3A_42, %dma_start3A_43] : memref<128x128xf32, #tpu.memory_space<vmem>> -> memref<104x128xf32, #tpu.memory_space<vmem>>
    %dma_start3A_45 = arith.constant 0 : i32
    %dma_start3A_46 = tpu.memref_slice %arg12[%add3A_41, %dma_start3A_45] : memref<10016x128xf32, #tpu.memory_space<vmem_shared>> -> memref<104x128xf32, #tpu.memory_space<vmem_shared>>
    %dma_start3A_47 = arith.constant 0 : i32
    %dma_start3A_48 = tpu.memref_slice %arg12[%add3A_41, %dma_start3A_47] : memref<10016x128xf32, #tpu.memory_space<vmem_shared>> -> memref<104x128xf32, #tpu.memory_space<vmem_shared>>
    %dma_start3A_49 = arith.constant 0 : i32
    %dma_start3A_50 = arith.constant 0 : i32
    %dma_start3A_51 = tpu.memref_slice %arg7[%dma_start3A_49, %dma_start3A_50] : memref<128x128xf32, #tpu.memory_space<vmem>> -> memref<104x128xf32, #tpu.memory_space<vmem>>
    tpu.enqueue_dma source(%dma_start3A_51 : memref<104x128xf32, #tpu.memory_space<vmem>>) target(%dma_start3A_48 : memref<104x128xf32, #tpu.memory_space<vmem_shared>>) target_semaphore(%arg9 : memref<!tpu.dma_semaphore, #tpu.memory_space<semaphore_mem>>)
    %mul3A_52 = arith.constant 624 : i32
    %mul3A_53 = arith.muli %arg1, %mul3A_52 : i32
    %add3A_54 = arith.constant 312 : i32
    %add3A_55 = arith.addi %mul3A_53, %add3A_54 : i32
    %dma_start3A_56 = arith.constant 0 : i32
    %dma_start3A_57 = arith.constant 0 : i32
    %dma_start3A_58 = tpu.memref_slice %arg7[%dma_start3A_56, %dma_start3A_57] : memref<128x128xf32, #tpu.memory_space<vmem>> -> memref<104x128xf32, #tpu.memory_space<vmem>>
    %dma_start3A_59 = arith.constant 0 : i32
    %dma_start3A_60 = tpu.memref_slice %arg12[%add3A_55, %dma_start3A_59] : memref<10016x128xf32, #tpu.memory_space<vmem_shared>> -> memref<104x128xf32, #tpu.memory_space<vmem_shared>>
    %dma_start3A_61 = arith.constant 0 : i32
    %dma_start3A_62 = tpu.memref_slice %arg12[%add3A_55, %dma_start3A_61] : memref<10016x128xf32, #tpu.memory_space<vmem_shared>> -> memref<104x128xf32, #tpu.memory_space<vmem_shared>>
    %dma_start3A_63 = arith.constant 0 : i32
    %dma_start3A_64 = arith.constant 0 : i32
    %dma_start3A_65 = tpu.memref_slice %arg7[%dma_start3A_63, %dma_start3A_64] : memref<128x128xf32, #tpu.memory_space<vmem>> -> memref<104x128xf32, #tpu.memory_space<vmem>>
    tpu.enqueue_dma source(%dma_start3A_65 : memref<104x128xf32, #tpu.memory_space<vmem>>) target(%dma_start3A_62 : memref<104x128xf32, #tpu.memory_space<vmem_shared>>) target_semaphore(%arg9 : memref<!tpu.dma_semaphore, #tpu.memory_space<semaphore_mem>>)
    %mul3A_66 = arith.constant 624 : i32
    %mul3A_67 = arith.muli %arg1, %mul3A_66 : i32
    %add3A_68 = arith.constant 416 : i32
    %add3A_69 = arith.addi %mul3A_67, %add3A_68 : i32
    %dma_start3A_70 = arith.constant 0 : i32
    %dma_start3A_71 = arith.constant 0 : i32
    %dma_start3A_72 = tpu.memref_slice %arg7[%dma_start3A_70, %dma_start3A_71] : memref<128x128xf32, #tpu.memory_space<vmem>> -> memref<104x128xf32, #tpu.memory_space<vmem>>
    %dma_start3A_73 = arith.constant 0 : i32
    %dma_start3A_74 = tpu.memref_slice %arg12[%add3A_69, %dma_start3A_73] : memref<10016x128xf32, #tpu.memory_space<vmem_shared>> -> memref<104x128xf32, #tpu.memory_space<vmem_shared>>
    %dma_start3A_75 = arith.constant 0 : i32
    %dma_start3A_76 = tpu.memref_slice %arg12[%add3A_69, %dma_start3A_75] : memref<10016x128xf32, #tpu.memory_space<vmem_shared>> -> memref<104x128xf32, #tpu.memory_space<vmem_shared>>
    %dma_start3A_77 = arith.constant 0 : i32
    %dma_start3A_78 = arith.constant 0 : i32
    %dma_start3A_79 = tpu.memref_slice %arg7[%dma_start3A_77, %dma_start3A_78] : memref<128x128xf32, #tpu.memory_space<vmem>> -> memref<104x128xf32, #tpu.memory_space<vmem>>
    tpu.enqueue_dma source(%dma_start3A_79 : memref<104x128xf32, #tpu.memory_space<vmem>>) target(%dma_start3A_76 : memref<104x128xf32, #tpu.memory_space<vmem_shared>>) target_semaphore(%arg9 : memref<!tpu.dma_semaphore, #tpu.memory_space<semaphore_mem>>)
    %mul3A_80 = arith.constant 624 : i32
    %mul3A_81 = arith.muli %arg1, %mul3A_80 : i32
    %add3A_82 = arith.constant 520 : i32
    %add3A_83 = arith.addi %mul3A_81, %add3A_82 : i32
    %dma_start3A_84 = arith.constant 0 : i32
    %dma_start3A_85 = arith.constant 0 : i32
    %dma_start3A_86 = tpu.memref_slice %arg7[%dma_start3A_84, %dma_start3A_85] : memref<128x128xf32, #tpu.memory_space<vmem>> -> memref<104x128xf32, #tpu.memory_space<vmem>>
    %dma_start3A_87 = arith.constant 0 : i32
    %dma_start3A_88 = tpu.memref_slice %arg12[%add3A_83, %dma_start3A_87] : memref<10016x128xf32, #tpu.memory_space<vmem_shared>> -> memref<104x128xf32, #tpu.memory_space<vmem_shared>>
    %dma_start3A_89 = arith.constant 0 : i32
    %dma_start3A_90 = tpu.memref_slice %arg12[%add3A_83, %dma_start3A_89] : memref<10016x128xf32, #tpu.memory_space<vmem_shared>> -> memref<104x128xf32, #tpu.memory_space<vmem_shared>>
    %dma_start3A_91 = arith.constant 0 : i32
    %dma_start3A_92 = arith.constant 0 : i32
    %dma_start3A_93 = tpu.memref_slice %arg7[%dma_start3A_91, %dma_start3A_92] : memref<128x128xf32, #tpu.memory_space<vmem>> -> memref<104x128xf32, #tpu.memory_space<vmem>>
    tpu.enqueue_dma source(%dma_start3A_93 : memref<104x128xf32, #tpu.memory_space<vmem>>) target(%dma_start3A_90 : memref<104x128xf32, #tpu.memory_space<vmem_shared>>) target_semaphore(%arg9 : memref<!tpu.dma_semaphore, #tpu.memory_space<semaphore_mem>>)
    %mul3A_94 = arith.constant 624 : i32
    %mul3A_95 = arith.muli %arg1, %mul3A_94 : i32
    %dma_wait3A = arith.constant 0 : i32
    %dma_wait3A_96 = arith.constant 0 : i32
    %dma_wait3A_97 = tpu.memref_slice %arg7[%dma_wait3A, %dma_wait3A_96] : memref<128x128xf32, #tpu.memory_space<vmem>> -> memref<104x128xf32, #tpu.memory_space<vmem>>
    %dma_wait3A_98 = arith.constant 0 : i32
    %dma_wait3A_99 = tpu.memref_slice %arg12[%mul3A_95, %dma_wait3A_98] : memref<10016x128xf32, #tpu.memory_space<vmem_shared>> -> memref<104x128xf32, #tpu.memory_space<vmem_shared>>
    %dma_wait3A_100 = arith.constant 0 : i32
    %dma_wait3A_101 = tpu.memref_slice %arg12[%mul3A_95, %dma_wait3A_100] : memref<10016x128xf32, #tpu.memory_space<vmem_shared>> -> memref<104x128xf32, #tpu.memory_space<vmem_shared>>
    %dma_wait3A_102 = arith.constant 0 : i32
    %dma_wait3A_103 = arith.constant 0 : i32
    %dma_wait3A_104 = tpu.memref_slice %arg7[%dma_wait3A_102, %dma_wait3A_103] : memref<128x128xf32, #tpu.memory_space<vmem>> -> memref<104x128xf32, #tpu.memory_space<vmem>>
    tpu.wait_dma2 semaphore(%arg9 : memref<!tpu.dma_semaphore, #tpu.memory_space<semaphore_mem>>) src(%dma_wait3A_104 : memref<104x128xf32, #tpu.memory_space<vmem>>) dst(%dma_wait3A_101 : memref<104x128xf32, #tpu.memory_space<vmem_shared>>)
    %mul3A_105 = arith.constant 624 : i32
    %mul3A_106 = arith.muli %arg1, %mul3A_105 : i32
    %dma_wait3A_107 = arith.constant 0 : i32
    %dma_wait3A_108 = arith.constant 0 : i32
    %dma_wait3A_109 = tpu.memref_slice %arg7[%dma_wait3A_107, %dma_wait3A_108] : memref<128x128xf32, #tpu.memory_space<vmem>> -> memref<104x128xf32, #tpu.memory_space<vmem>>
    %dma_wait3A_110 = arith.constant 0 : i32
    %dma_wait3A_111 = tpu.memref_slice %arg12[%mul3A_106, %dma_wait3A_110] : memref<10016x128xf32, #tpu.memory_space<vmem_shared>> -> memref<104x128xf32, #tpu.memory_space<vmem_shared>>
    %dma_wait3A_112 = arith.constant 0 : i32
    %dma_wait3A_113 = tpu.memref_slice %arg12[%mul3A_106, %dma_wait3A_112] : memref<10016x128xf32, #tpu.memory_space<vmem_shared>> -> memref<104x128xf32, #tpu.memory_space<vmem_shared>>
    %dma_wait3A_114 = arith.constant 0 : i32
    %dma_wait3A_115 = arith.constant 0 : i32
    %dma_wait3A_116 = tpu.memref_slice %arg7[%dma_wait3A_114, %dma_wait3A_115] : memref<128x128xf32, #tpu.memory_space<vmem>> -> memref<104x128xf32, #tpu.memory_space<vmem>>
    tpu.wait_dma2 semaphore(%arg9 : memref<!tpu.dma_semaphore, #tpu.memory_space<semaphore_mem>>) src(%dma_wait3A_116 : memref<104x128xf32, #tpu.memory_space<vmem>>) dst(%dma_wait3A_113 : memref<104x128xf32, #tpu.memory_space<vmem_shared>>)
    %mul3A_117 = arith.constant 624 : i32
    %mul3A_118 = arith.muli %arg1, %mul3A_117 : i32
    %dma_wait3A_119 = arith.constant 0 : i32
    %dma_wait3A_120 = arith.constant 0 : i32
    %dma_wait3A_121 = tpu.memref_slice %arg7[%dma_wait3A_119, %dma_wait3A_120] : memref<128x128xf32, #tpu.memory_space<vmem>> -> memref<104x128xf32, #tpu.memory_space<vmem>>
    %dma_wait3A_122 = arith.constant 0 : i32
    %dma_wait3A_123 = tpu.memref_slice %arg12[%mul3A_118, %dma_wait3A_122] : memref<10016x128xf32, #tpu.memory_space<vmem_shared>> -> memref<104x128xf32, #tpu.memory_space<vmem_shared>>
    %dma_wait3A_124 = arith.constant 0 : i32
    %dma_wait3A_125 = tpu.memref_slice %arg12[%mul3A_118, %dma_wait3A_124] : memref<10016x128xf32, #tpu.memory_space<vmem_shared>> -> memref<104x128xf32, #tpu.memory_space<vmem_shared>>
    %dma_wait3A_126 = arith.constant 0 : i32
    %dma_wait3A_127 = arith.constant 0 : i32
    %dma_wait3A_128 = tpu.memref_slice %arg7[%dma_wait3A_126, %dma_wait3A_127] : memref<128x128xf32, #tpu.memory_space<vmem>> -> memref<104x128xf32, #tpu.memory_space<vmem>>
    tpu.wait_dma2 semaphore(%arg9 : memref<!tpu.dma_semaphore, #tpu.memory_space<semaphore_mem>>) src(%dma_wait3A_128 : memref<104x128xf32, #tpu.memory_space<vmem>>) dst(%dma_wait3A_125 : memref<104x128xf32, #tpu.memory_space<vmem_shared>>)
    %mul3A_129 = arith.constant 624 : i32
    %mul3A_130 = arith.muli %arg1, %mul3A_129 : i32
    %dma_wait3A_131 = arith.constant 0 : i32
    %dma_wait3A_132 = arith.constant 0 : i32
    %dma_wait3A_133 = tpu.memref_slice %arg7[%dma_wait3A_131, %dma_wait3A_132] : memref<128x128xf32, #tpu.memory_space<vmem>> -> memref<104x128xf32, #tpu.memory_space<vmem>>
    %dma_wait3A_134 = arith.constant 0 : i32
    %dma_wait3A_135 = tpu.memref_slice %arg12[%mul3A_130, %dma_wait3A_134] : memref<10016x128xf32, #tpu.memory_space<vmem_shared>> -> memref<104x128xf32, #tpu.memory_space<vmem_shared>>
    %dma_wait3A_136 = arith.constant 0 : i32
    %dma_wait3A_137 = tpu.memref_slice %arg12[%mul3A_130, %dma_wait3A_136] : memref<10016x128xf32, #tpu.memory_space<vmem_shared>> -> memref<104x128xf32, #tpu.memory_space<vmem_shared>>
    %dma_wait3A_138 = arith.constant 0 : i32
    %dma_wait3A_139 = arith.constant 0 : i32
    %dma_wait3A_140 = tpu.memref_slice %arg7[%dma_wait3A_138, %dma_wait3A_139] : memref<128x128xf32, #tpu.memory_space<vmem>> -> memref<104x128xf32, #tpu.memory_space<vmem>>
    tpu.wait_dma2 semaphore(%arg9 : memref<!tpu.dma_semaphore, #tpu.memory_space<semaphore_mem>>) src(%dma_wait3A_140 : memref<104x128xf32, #tpu.memory_space<vmem>>) dst(%dma_wait3A_137 : memref<104x128xf32, #tpu.memory_space<vmem_shared>>)
    %mul3A_141 = arith.constant 624 : i32
    %mul3A_142 = arith.muli %arg1, %mul3A_141 : i32
    %dma_wait3A_143 = arith.constant 0 : i32
    %dma_wait3A_144 = arith.constant 0 : i32
    %dma_wait3A_145 = tpu.memref_slice %arg7[%dma_wait3A_143, %dma_wait3A_144] : memref<128x128xf32, #tpu.memory_space<vmem>> -> memref<104x128xf32, #tpu.memory_space<vmem>>
    %dma_wait3A_146 = arith.constant 0 : i32
    %dma_wait3A_147 = tpu.memref_slice %arg12[%mul3A_142, %dma_wait3A_146] : memref<10016x128xf32, #tpu.memory_space<vmem_shared>> -> memref<104x128xf32, #tpu.memory_space<vmem_shared>>
    %dma_wait3A_148 = arith.constant 0 : i32
    %dma_wait3A_149 = tpu.memref_slice %arg12[%mul3A_142, %dma_wait3A_148] : memref<10016x128xf32, #tpu.memory_space<vmem_shared>> -> memref<104x128xf32, #tpu.memory_space<vmem_shared>>
    %dma_wait3A_150 = arith.constant 0 : i32
    %dma_wait3A_151 = arith.constant 0 : i32
    %dma_wait3A_152 = tpu.memref_slice %arg7[%dma_wait3A_150, %dma_wait3A_151] : memref<128x128xf32, #tpu.memory_space<vmem>> -> memref<104x128xf32, #tpu.memory_space<vmem>>
    tpu.wait_dma2 semaphore(%arg9 : memref<!tpu.dma_semaphore, #tpu.memory_space<semaphore_mem>>) src(%dma_wait3A_152 : memref<104x128xf32, #tpu.memory_space<vmem>>) dst(%dma_wait3A_149 : memref<104x128xf32, #tpu.memory_space<vmem_shared>>)
    %mul3A_153 = arith.constant 624 : i32
    %mul3A_154 = arith.muli %arg1, %mul3A_153 : i32
    %dma_wait3A_155 = arith.constant 0 : i32
    %dma_wait3A_156 = arith.constant 0 : i32
    %dma_wait3A_157 = tpu.memref_slice %arg7[%dma_wait3A_155, %dma_wait3A_156] : memref<128x128xf32, #tpu.memory_space<vmem>> -> memref<104x128xf32, #tpu.memory_space<vmem>>
    %dma_wait3A_158 = arith.constant 0 : i32
    %dma_wait3A_159 = tpu.memref_slice %arg12[%mul3A_154, %dma_wait3A_158] : memref<10016x128xf32, #tpu.memory_space<vmem_shared>> -> memref<104x128xf32, #tpu.memory_space<vmem_shared>>
    %dma_wait3A_160 = arith.constant 0 : i32
    %dma_wait3A_161 = tpu.memref_slice %arg12[%mul3A_154, %dma_wait3A_160] : memref<10016x128xf32, #tpu.memory_space<vmem_shared>> -> memref<104x128xf32, #tpu.memory_space<vmem_shared>>
    %dma_wait3A_162 = arith.constant 0 : i32
    %dma_wait3A_163 = arith.constant 0 : i32
    %dma_wait3A_164 = tpu.memref_slice %arg7[%dma_wait3A_162, %dma_wait3A_163] : memref<128x128xf32, #tpu.memory_space<vmem>> -> memref<104x128xf32, #tpu.memory_space<vmem>>
    tpu.wait_dma2 semaphore(%arg9 : memref<!tpu.dma_semaphore, #tpu.memory_space<semaphore_mem>>) src(%dma_wait3A_164 : memref<104x128xf32, #tpu.memory_space<vmem>>) dst(%dma_wait3A_161 : memref<104x128xf32, #tpu.memory_space<vmem_shared>>)
    %eq3A = arith.constant 15 : i32
    %eq3A_165 = arith.cmpi eq, %arg1, %eq3A : i32
    %convert_element_type3A = arith.extui %eq3A_165 : i1 to i32
    %cond3A = arith.constant 0 : i32
    %cond3A_166 = arith.cmpi ne, %convert_element_type3A, %cond3A : i32
    scf.if %cond3A_166 {
      "tpu.region"() ({
        %run_scoped3A = tpu.sem_alloc : memref<!tpu.dma_semaphore, #tpu.memory_space<semaphore_mem>>
        %dma_start3A_518 = arith.constant 0 : i32
        %dma_start3A_519 = arith.constant 0 : i32
        %dma_start3A_520 = tpu.memref_slice %arg7[%dma_start3A_518, %dma_start3A_519] : memref<128x128xf32, #tpu.memory_space<vmem>> -> memref<32x128xf32, #tpu.memory_space<vmem>>
        %dma_start3A_521 = arith.constant 9984 : i32
        %dma_start3A_522 = arith.constant 0 : i32
        %dma_start3A_523 = tpu.memref_slice %arg12[%dma_start3A_521, %dma_start3A_522] : memref<10016x128xf32, #tpu.memory_space<vmem_shared>> -> memref<32x128xf32, #tpu.memory_space<vmem_shared>>
        %dma_start3A_524 = arith.constant 9984 : i32
        %dma_start3A_525 = arith.constant 0 : i32
        %dma_start3A_526 = tpu.memref_slice %arg12[%dma_start3A_524, %dma_start3A_525] : memref<10016x128xf32, #tpu.memory_space<vmem_shared>> -> memref<32x128xf32, #tpu.memory_space<vmem_shared>>
        %dma_start3A_527 = arith.constant 0 : i32
        %dma_start3A_528 = arith.constant 0 : i32
        %dma_start3A_529 = tpu.memref_slice %arg7[%dma_start3A_527, %dma_start3A_528] : memref<128x128xf32, #tpu.memory_space<vmem>> -> memref<32x128xf32, #tpu.memory_space<vmem>>
        tpu.enqueue_dma source(%dma_start3A_529 : memref<32x128xf32, #tpu.memory_space<vmem>>) target(%dma_start3A_526 : memref<32x128xf32, #tpu.memory_space<vmem_shared>>) target_semaphore(%run_scoped3A : memref<!tpu.dma_semaphore, #tpu.memory_space<semaphore_mem>>)
        %dma_wait3A_530 = arith.constant 0 : i32
        %dma_wait3A_531 = arith.constant 0 : i32
        %dma_wait3A_532 = tpu.memref_slice %arg7[%dma_wait3A_530, %dma_wait3A_531] : memref<128x128xf32, #tpu.memory_space<vmem>> -> memref<32x128xf32, #tpu.memory_space<vmem>>
        %dma_wait3A_533 = arith.constant 9984 : i32
        %dma_wait3A_534 = arith.constant 0 : i32
        %dma_wait3A_535 = tpu.memref_slice %arg12[%dma_wait3A_533, %dma_wait3A_534] : memref<10016x128xf32, #tpu.memory_space<vmem_shared>> -> memref<32x128xf32, #tpu.memory_space<vmem_shared>>
        %dma_wait3A_536 = arith.constant 9984 : i32
        %dma_wait3A_537 = arith.constant 0 : i32
        %dma_wait3A_538 = tpu.memref_slice %arg12[%dma_wait3A_536, %dma_wait3A_537] : memref<10016x128xf32, #tpu.memory_space<vmem_shared>> -> memref<32x128xf32, #tpu.memory_space<vmem_shared>>
        %dma_wait3A_539 = arith.constant 0 : i32
        %dma_wait3A_540 = arith.constant 0 : i32
        %dma_wait3A_541 = tpu.memref_slice %arg7[%dma_wait3A_539, %dma_wait3A_540] : memref<128x128xf32, #tpu.memory_space<vmem>> -> memref<32x128xf32, #tpu.memory_space<vmem>>
        tpu.wait_dma2 semaphore(%run_scoped3A : memref<!tpu.dma_semaphore, #tpu.memory_space<semaphore_mem>>) src(%dma_wait3A_541 : memref<32x128xf32, #tpu.memory_space<vmem>>) dst(%dma_wait3A_538 : memref<32x128xf32, #tpu.memory_space<vmem_shared>>)
        tpu.yield
      }) : () -> ()
    } else {
    }
    %barrier3A = arith.constant 0 : index
    tpu.barrier barrier_id(%barrier3A)
    %add3A_167 = arith.constant 0 : i32
    %add3A_168 = arith.addi %mul3A_2, %add3A_167 : i32
    %dma_wait3A_169 = arith.constant 0 : i32
    %dma_wait3A_170 = tpu.memref_slice %arg3[%add3A_168, %dma_wait3A_169] : memref<5120x128xi32, #tpu.memory_space<hbm>> -> memref<32x128xi32, #tpu.memory_space<hbm>>
    %dma_wait3A_171 = arith.constant 0 : i32
    %dma_wait3A_172 = tpu.memref_slice %arg3[%add3A_168, %dma_wait3A_171] : memref<5120x128xi32, #tpu.memory_space<hbm>> -> memref<32x128xi32, #tpu.memory_space<hbm>>
    tpu.wait_dma2 semaphore(%arg11 : memref<!tpu.dma_semaphore, #tpu.memory_space<semaphore_mem>>) src(%dma_wait3A_172 : memref<32x128xi32, #tpu.memory_space<hbm>>) dst(%arg5 : memref<32x128xi32, #tpu.memory_space<vmem>>)
    %add3A_173 = arith.constant 32 : i32
    %add3A_174 = arith.addi %mul3A_2, %add3A_173 : i32
    %dma_start3A_175 = arith.constant 0 : i32
    %dma_start3A_176 = tpu.memref_slice %arg3[%add3A_174, %dma_start3A_175] : memref<5120x128xi32, #tpu.memory_space<hbm>> -> memref<32x128xi32, #tpu.memory_space<hbm>>
    %dma_start3A_177 = arith.constant 0 : i32
    %dma_start3A_178 = tpu.memref_slice %arg3[%add3A_174, %dma_start3A_177] : memref<5120x128xi32, #tpu.memory_space<hbm>> -> memref<32x128xi32, #tpu.memory_space<hbm>>
    tpu.enqueue_dma source(%dma_start3A_178 : memref<32x128xi32, #tpu.memory_space<hbm>>) target(%arg6 : memref<32x128xi32, #tpu.memory_space<vmem>>) target_semaphore(%arg11 : memref<!tpu.dma_semaphore, #tpu.memory_space<semaphore_mem>>)
    %dma_start3A_179 = arith.constant 0 : i32
    %dma_start3A_180 = arith.constant 0 : i32
    %dma_start3A_181 = tpu.memref_slice %arg5[%dma_start3A_179, %dma_start3A_180] : memref<32x128xi32, #tpu.memory_space<vmem>> -> memref<1x128xi32, #tpu.memory_space<vmem>>
    %dma_start3A_182 = tpu.memref_squeeze %dma_start3A_181 : memref<1x128xi32, #tpu.memory_space<vmem>> -> memref<128xi32, #tpu.memory_space<vmem>>
    %dma_start3A_183 = arith.constant 0 : i32
    %dma_start3A_184 = arith.constant 0 : i32
    %dma_start3A_185 = tpu.memref_slice %arg2[%dma_start3A_183, %dma_start3A_184] : memref<10000x128xf32, #tpu.memory_space<hbm>> -> memref<10000x128xf32, #tpu.memory_space<hbm>>
    tpu.enqueue_indirect_dma source(%dma_start3A_185 : memref<10000x128xf32, #tpu.memory_space<hbm>>) target(%arg7 : memref<128x128xf32, #tpu.memory_space<vmem>>) offsets(%dma_start3A_182 : memref<128xi32, #tpu.memory_space<vmem>>) semaphore(%arg9 : memref<!tpu.dma_semaphore, #tpu.memory_space<semaphore_mem>>)
    %dma_start3A_186 = arith.constant 2 : i32
    %dma_start3A_187 = arith.constant 0 : i32
    %dma_start3A_188 = tpu.memref_slice %arg5[%dma_start3A_186, %dma_start3A_187] : memref<32x128xi32, #tpu.memory_space<vmem>> -> memref<1x128xi32, #tpu.memory_space<vmem>>
    %dma_start3A_189 = tpu.memref_squeeze %dma_start3A_188 : memref<1x128xi32, #tpu.memory_space<vmem>> -> memref<128xi32, #tpu.memory_space<vmem>>
    %dma_start3A_190 = arith.constant 0 : i32
    %dma_start3A_191 = arith.constant 0 : i32
    %dma_start3A_192 = tpu.memref_slice %arg2[%dma_start3A_190, %dma_start3A_191] : memref<10000x128xf32, #tpu.memory_space<hbm>> -> memref<10000x128xf32, #tpu.memory_space<hbm>>
    tpu.enqueue_indirect_dma source(%dma_start3A_192 : memref<10000x128xf32, #tpu.memory_space<hbm>>) target(%arg8 : memref<128x128xf32, #tpu.memory_space<vmem>>) offsets(%dma_start3A_189 : memref<128xi32, #tpu.memory_space<vmem>>) semaphore(%arg10 : memref<!tpu.dma_semaphore, #tpu.memory_space<semaphore_mem>>)
    %scan3A_193 = arith.constant 0 : i32
    %scan3A_194 = arith.constant 8 : i32
    %scan3A_195 = arith.addi %scan3A_193, %scan3A_194 : i32
    %scan3A_196 = arith.constant 1 : i32
    scf.for %scan3A_518 = %scan3A_193 to %scan3A_195 step %scan3A_196  : i32 {
      %mul3A_519 = arith.constant 2 : i32
      %mul3A_520 = arith.muli %scan3A_518, %mul3A_519 : i32
      %add3A_521 = arith.constant 0 : i32
      %add3A_522 = arith.addi %add3A_521, %mul3A_520 : i32
      %mul3A_523 = arith.constant 2 : i32
      %mul3A_524 = arith.muli %mul3A_523, %add3A_522 : i32
      %dma_wait3A_525 = arith.constant 0 : i32
      %dma_wait3A_526 = tpu.memref_slice %arg5[%mul3A_524, %dma_wait3A_525] : memref<32x128xi32, #tpu.memory_space<vmem>> -> memref<1x128xi32, #tpu.memory_space<vmem>>
      %dma_wait3A_527 = tpu.memref_squeeze %dma_wait3A_526 : memref<1x128xi32, #tpu.memory_space<vmem>> -> memref<128xi32, #tpu.memory_space<vmem>>
      %dma_wait3A_528 = arith.constant 0 : i32
      %dma_wait3A_529 = arith.constant 0 : i32
      %dma_wait3A_530 = tpu.memref_slice %arg2[%dma_wait3A_528, %dma_wait3A_529] : memref<10000x128xf32, #tpu.memory_space<hbm>> -> memref<10000x128xf32, #tpu.memory_space<hbm>>
      tpu.wait_indirect_dma semaphore(%arg9 : memref<!tpu.dma_semaphore, #tpu.memory_space<semaphore_mem>>) src(%dma_wait3A_530 : memref<10000x128xf32, #tpu.memory_space<hbm>>) dst(%arg7 : memref<128x128xf32, #tpu.memory_space<vmem>>)
      %mul3A_531 = arith.constant 2 : i32
      %mul3A_532 = arith.muli %mul3A_531, %add3A_522 : i32
      %add3A_533 = arith.constant 1 : i32
      %add3A_534 = arith.addi %mul3A_532, %add3A_533 : i32
      "tpu.region"() ({
        %run_scoped3A = tpu.sem_alloc : memref<!tpu.dma_semaphore, #tpu.memory_space<semaphore_mem>>
        %dma_start3A_562 = arith.constant 0 : i32
        %dma_start3A_563 = tpu.memref_slice %arg5[%add3A_534, %dma_start3A_562] : memref<32x128xi32, #tpu.memory_space<vmem>> -> memref<1x128xi32, #tpu.memory_space<vmem>>
        %dma_start3A_564 = tpu.memref_squeeze %dma_start3A_563 : memref<1x128xi32, #tpu.memory_space<vmem>> -> memref<128xi32, #tpu.memory_space<vmem>>
        %dma_start3A_565 = arith.constant 0 : i32
        %dma_start3A_566 = arith.constant 0 : i32
        %dma_start3A_567 = tpu.memref_slice %arg12[%dma_start3A_565, %dma_start3A_566] : memref<10016x128xf32, #tpu.memory_space<vmem_shared>> -> memref<10016x128xf32, #tpu.memory_space<vmem_shared>>
        tpu.enqueue_indirect_dma source(%arg7 : memref<128x128xf32, #tpu.memory_space<vmem>>) target(%dma_start3A_567 : memref<10016x128xf32, #tpu.memory_space<vmem_shared>>) offsets(%dma_start3A_564 : memref<128xi32, #tpu.memory_space<vmem>>) semaphore(%run_scoped3A : memref<!tpu.dma_semaphore, #tpu.memory_space<semaphore_mem>>) {add = true}
        %dma_wait3A_568 = arith.constant 0 : i32
        %dma_wait3A_569 = tpu.memref_slice %arg5[%add3A_534, %dma_wait3A_568] : memref<32x128xi32, #tpu.memory_space<vmem>> -> memref<1x128xi32, #tpu.memory_space<vmem>>
        %dma_wait3A_570 = tpu.memref_squeeze %dma_wait3A_569 : memref<1x128xi32, #tpu.memory_space<vmem>> -> memref<128xi32, #tpu.memory_space<vmem>>
        %dma_wait3A_571 = arith.constant 0 : i32
        %dma_wait3A_572 = arith.constant 0 : i32
        %dma_wait3A_573 = tpu.memref_slice %arg12[%dma_wait3A_571, %dma_wait3A_572] : memref<10016x128xf32, #tpu.memory_space<vmem_shared>> -> memref<10016x128xf32, #tpu.memory_space<vmem_shared>>
        tpu.wait_indirect_dma semaphore(%run_scoped3A : memref<!tpu.dma_semaphore, #tpu.memory_space<semaphore_mem>>) src(%arg7 : memref<128x128xf32, #tpu.memory_space<vmem>>) dst(%dma_wait3A_573 : memref<10016x128xf32, #tpu.memory_space<vmem_shared>>)
        tpu.yield
      }) : () -> ()
      %add3A_535 = arith.constant 2 : i32
      %add3A_536 = arith.addi %add3A_522, %add3A_535 : i32
      %lt3A = arith.constant 16 : i32
      %lt3A_537 = arith.cmpi slt, %add3A_536, %lt3A : i32
      %convert_element_type3A_538 = arith.extui %lt3A_537 : i1 to i32
      %cond3A_539 = arith.constant 0 : i32
      %cond3A_540 = arith.cmpi ne, %convert_element_type3A_538, %cond3A_539 : i32
      scf.if %cond3A_540 {
        %add3A_562 = arith.constant 2 : i32
        %add3A_563 = arith.addi %add3A_522, %add3A_562 : i32
        %mul3A_564 = arith.constant 2 : i32
        %mul3A_565 = arith.muli %mul3A_564, %add3A_563 : i32
        %dma_start3A_566 = arith.constant 0 : i32
        %dma_start3A_567 = tpu.memref_slice %arg5[%mul3A_565, %dma_start3A_566] : memref<32x128xi32, #tpu.memory_space<vmem>> -> memref<1x128xi32, #tpu.memory_space<vmem>>
        %dma_start3A_568 = tpu.memref_squeeze %dma_start3A_567 : memref<1x128xi32, #tpu.memory_space<vmem>> -> memref<128xi32, #tpu.memory_space<vmem>>
        %dma_start3A_569 = arith.constant 0 : i32
        %dma_start3A_570 = arith.constant 0 : i32
        %dma_start3A_571 = tpu.memref_slice %arg2[%dma_start3A_569, %dma_start3A_570] : memref<10000x128xf32, #tpu.memory_space<hbm>> -> memref<10000x128xf32, #tpu.memory_space<hbm>>
        tpu.enqueue_indirect_dma source(%dma_start3A_571 : memref<10000x128xf32, #tpu.memory_space<hbm>>) target(%arg7 : memref<128x128xf32, #tpu.memory_space<vmem>>) offsets(%dma_start3A_568 : memref<128xi32, #tpu.memory_space<vmem>>) semaphore(%arg9 : memref<!tpu.dma_semaphore, #tpu.memory_space<semaphore_mem>>)
      } else {
      }
      %mul3A_541 = arith.constant 2 : i32
      %mul3A_542 = arith.muli %mul3A_541, %add3A_522 : i32
      %add3A_543 = arith.constant 2 : i32
      %add3A_544 = arith.addi %mul3A_542, %add3A_543 : i32
      %dma_wait3A_545 = arith.constant 0 : i32
      %dma_wait3A_546 = tpu.memref_slice %arg5[%add3A_544, %dma_wait3A_545] : memref<32x128xi32, #tpu.memory_space<vmem>> -> memref<1x128xi32, #tpu.memory_space<vmem>>
      %dma_wait3A_547 = tpu.memref_squeeze %dma_wait3A_546 : memref<1x128xi32, #tpu.memory_space<vmem>> -> memref<128xi32, #tpu.memory_space<vmem>>
      %dma_wait3A_548 = arith.constant 0 : i32
      %dma_wait3A_549 = arith.constant 0 : i32
      %dma_wait3A_550 = tpu.memref_slice %arg2[%dma_wait3A_548, %dma_wait3A_549] : memref<10000x128xf32, #tpu.memory_space<hbm>> -> memref<10000x128xf32, #tpu.memory_space<hbm>>
      tpu.wait_indirect_dma semaphore(%arg10 : memref<!tpu.dma_semaphore, #tpu.memory_space<semaphore_mem>>) src(%dma_wait3A_550 : memref<10000x128xf32, #tpu.memory_space<hbm>>) dst(%arg8 : memref<128x128xf32, #tpu.memory_space<vmem>>)
      %mul3A_551 = arith.constant 2 : i32
      %mul3A_552 = arith.muli %mul3A_551, %add3A_522 : i32
      %add3A_553 = arith.constant 3 : i32
      %add3A_554 = arith.addi %mul3A_552, %add3A_553 : i32
      "tpu.region"() ({
        %run_scoped3A = tpu.sem_alloc : memref<!tpu.dma_semaphore, #tpu.memory_space<semaphore_mem>>
        %dma_start3A_562 = arith.constant 0 : i32
        %dma_start3A_563 = tpu.memref_slice %arg5[%add3A_554, %dma_start3A_562] : memref<32x128xi32, #tpu.memory_space<vmem>> -> memref<1x128xi32, #tpu.memory_space<vmem>>
        %dma_start3A_564 = tpu.memref_squeeze %dma_start3A_563 : memref<1x128xi32, #tpu.memory_space<vmem>> -> memref<128xi32, #tpu.memory_space<vmem>>
        %dma_start3A_565 = arith.constant 0 : i32
        %dma_start3A_566 = arith.constant 0 : i32
        %dma_start3A_567 = tpu.memref_slice %arg12[%dma_start3A_565, %dma_start3A_566] : memref<10016x128xf32, #tpu.memory_space<vmem_shared>> -> memref<10016x128xf32, #tpu.memory_space<vmem_shared>>
        tpu.enqueue_indirect_dma source(%arg8 : memref<128x128xf32, #tpu.memory_space<vmem>>) target(%dma_start3A_567 : memref<10016x128xf32, #tpu.memory_space<vmem_shared>>) offsets(%dma_start3A_564 : memref<128xi32, #tpu.memory_space<vmem>>) semaphore(%run_scoped3A : memref<!tpu.dma_semaphore, #tpu.memory_space<semaphore_mem>>) {add = true}
        %dma_wait3A_568 = arith.constant 0 : i32
        %dma_wait3A_569 = tpu.memref_slice %arg5[%add3A_554, %dma_wait3A_568] : memref<32x128xi32, #tpu.memory_space<vmem>> -> memref<1x128xi32, #tpu.memory_space<vmem>>
        %dma_wait3A_570 = tpu.memref_squeeze %dma_wait3A_569 : memref<1x128xi32, #tpu.memory_space<vmem>> -> memref<128xi32, #tpu.memory_space<vmem>>
        %dma_wait3A_571 = arith.constant 0 : i32
        %dma_wait3A_572 = arith.constant 0 : i32
        %dma_wait3A_573 = tpu.memref_slice %arg12[%dma_wait3A_571, %dma_wait3A_572] : memref<10016x128xf32, #tpu.memory_space<vmem_shared>> -> memref<10016x128xf32, #tpu.memory_space<vmem_shared>>
        tpu.wait_indirect_dma semaphore(%run_scoped3A : memref<!tpu.dma_semaphore, #tpu.memory_space<semaphore_mem>>) src(%arg8 : memref<128x128xf32, #tpu.memory_space<vmem>>) dst(%dma_wait3A_573 : memref<10016x128xf32, #tpu.memory_space<vmem_shared>>)
        tpu.yield
      }) : () -> ()
      %add3A_555 = arith.constant 3 : i32
      %add3A_556 = arith.addi %add3A_522, %add3A_555 : i32
      %lt3A_557 = arith.constant 16 : i32
      %lt3A_558 = arith.cmpi slt, %add3A_556, %lt3A_557 : i32
      %convert_element_type3A_559 = arith.extui %lt3A_558 : i1 to i32
      %cond3A_560 = arith.constant 0 : i32
      %cond3A_561 = arith.cmpi ne, %convert_element_type3A_559, %cond3A_560 : i32
      scf.if %cond3A_561 {
        %add3A_562 = arith.constant 3 : i32
        %add3A_563 = arith.addi %add3A_522, %add3A_562 : i32
        %mul3A_564 = arith.constant 2 : i32
        %mul3A_565 = arith.muli %mul3A_564, %add3A_563 : i32
        %dma_start3A_566 = arith.constant 0 : i32
        %dma_start3A_567 = tpu.memref_slice %arg5[%mul3A_565, %dma_start3A_566] : memref<32x128xi32, #tpu.memory_space<vmem>> -> memref<1x128xi32, #tpu.memory_space<vmem>>
        %dma_start3A_568 = tpu.memref_squeeze %dma_start3A_567 : memref<1x128xi32, #tpu.memory_space<vmem>> -> memref<128xi32, #tpu.memory_space<vmem>>
        %dma_start3A_569 = arith.constant 0 : i32
        %dma_start3A_570 = arith.constant 0 : i32
        %dma_start3A_571 = tpu.memref_slice %arg2[%dma_start3A_569, %dma_start3A_570] : memref<10000x128xf32, #tpu.memory_space<hbm>> -> memref<10000x128xf32, #tpu.memory_space<hbm>>
        tpu.enqueue_indirect_dma source(%dma_start3A_571 : memref<10000x128xf32, #tpu.memory_space<hbm>>) target(%arg8 : memref<128x128xf32, #tpu.memory_space<vmem>>) offsets(%dma_start3A_568 : memref<128xi32, #tpu.memory_space<vmem>>) semaphore(%arg10 : memref<!tpu.dma_semaphore, #tpu.memory_space<semaphore_mem>>)
      } else {
      }
    }
    %scan3A_197 = arith.constant 8 : i32
    %add3A_198 = arith.constant 32 : i32
    %add3A_199 = arith.addi %mul3A_2, %add3A_198 : i32
    %dma_wait3A_200 = arith.constant 0 : i32
    %dma_wait3A_201 = tpu.memref_slice %arg3[%add3A_199, %dma_wait3A_200] : memref<5120x128xi32, #tpu.memory_space<hbm>> -> memref<32x128xi32, #tpu.memory_space<hbm>>
    %dma_wait3A_202 = arith.constant 0 : i32
    %dma_wait3A_203 = tpu.memref_slice %arg3[%add3A_199, %dma_wait3A_202] : memref<5120x128xi32, #tpu.memory_space<hbm>> -> memref<32x128xi32, #tpu.memory_space<hbm>>
    tpu.wait_dma2 semaphore(%arg11 : memref<!tpu.dma_semaphore, #tpu.memory_space<semaphore_mem>>) src(%dma_wait3A_203 : memref<32x128xi32, #tpu.memory_space<hbm>>) dst(%arg6 : memref<32x128xi32, #tpu.memory_space<vmem>>)
    %add3A_204 = arith.constant 64 : i32
    %add3A_205 = arith.addi %mul3A_2, %add3A_204 : i32
    %dma_start3A_206 = arith.constant 0 : i32
    %dma_start3A_207 = tpu.memref_slice %arg3[%add3A_205, %dma_start3A_206] : memref<5120x128xi32, #tpu.memory_space<hbm>> -> memref<32x128xi32, #tpu.memory_space<hbm>>
    %dma_start3A_208 = arith.constant 0 : i32
    %dma_start3A_209 = tpu.memref_slice %arg3[%add3A_205, %dma_start3A_208] : memref<5120x128xi32, #tpu.memory_space<hbm>> -> memref<32x128xi32, #tpu.memory_space<hbm>>
    tpu.enqueue_dma source(%dma_start3A_209 : memref<32x128xi32, #tpu.memory_space<hbm>>) target(%arg5 : memref<32x128xi32, #tpu.memory_space<vmem>>) target_semaphore(%arg11 : memref<!tpu.dma_semaphore, #tpu.memory_space<semaphore_mem>>)
    %dma_start3A_210 = arith.constant 0 : i32
    %dma_start3A_211 = arith.constant 0 : i32
    %dma_start3A_212 = tpu.memref_slice %arg6[%dma_start3A_210, %dma_start3A_211] : memref<32x128xi32, #tpu.memory_space<vmem>> -> memref<1x128xi32, #tpu.memory_space<vmem>>
    %dma_start3A_213 = tpu.memref_squeeze %dma_start3A_212 : memref<1x128xi32, #tpu.memory_space<vmem>> -> memref<128xi32, #tpu.memory_space<vmem>>
    %dma_start3A_214 = arith.constant 0 : i32
    %dma_start3A_215 = arith.constant 0 : i32
    %dma_start3A_216 = tpu.memref_slice %arg2[%dma_start3A_214, %dma_start3A_215] : memref<10000x128xf32, #tpu.memory_space<hbm>> -> memref<10000x128xf32, #tpu.memory_space<hbm>>
    tpu.enqueue_indirect_dma source(%dma_start3A_216 : memref<10000x128xf32, #tpu.memory_space<hbm>>) target(%arg7 : memref<128x128xf32, #tpu.memory_space<vmem>>) offsets(%dma_start3A_213 : memref<128xi32, #tpu.memory_space<vmem>>) semaphore(%arg9 : memref<!tpu.dma_semaphore, #tpu.memory_space<semaphore_mem>>)
    %dma_start3A_217 = arith.constant 2 : i32
    %dma_start3A_218 = arith.constant 0 : i32
    %dma_start3A_219 = tpu.memref_slice %arg6[%dma_start3A_217, %dma_start3A_218] : memref<32x128xi32, #tpu.memory_space<vmem>> -> memref<1x128xi32, #tpu.memory_space<vmem>>
    %dma_start3A_220 = tpu.memref_squeeze %dma_start3A_219 : memref<1x128xi32, #tpu.memory_space<vmem>> -> memref<128xi32, #tpu.memory_space<vmem>>
    %dma_start3A_221 = arith.constant 0 : i32
    %dma_start3A_222 = arith.constant 0 : i32
    %dma_start3A_223 = tpu.memref_slice %arg2[%dma_start3A_221, %dma_start3A_222] : memref<10000x128xf32, #tpu.memory_space<hbm>> -> memref<10000x128xf32, #tpu.memory_space<hbm>>
    tpu.enqueue_indirect_dma source(%dma_start3A_223 : memref<10000x128xf32, #tpu.memory_space<hbm>>) target(%arg8 : memref<128x128xf32, #tpu.memory_space<vmem>>) offsets(%dma_start3A_220 : memref<128xi32, #tpu.memory_space<vmem>>) semaphore(%arg10 : memref<!tpu.dma_semaphore, #tpu.memory_space<semaphore_mem>>)
    %scan3A_224 = arith.constant 0 : i32
    %scan3A_225 = arith.constant 8 : i32
    %scan3A_226 = arith.addi %scan3A_224, %scan3A_225 : i32
    %scan3A_227 = arith.constant 1 : i32
    scf.for %scan3A_518 = %scan3A_224 to %scan3A_226 step %scan3A_227  : i32 {
      %mul3A_519 = arith.constant 2 : i32
      %mul3A_520 = arith.muli %scan3A_518, %mul3A_519 : i32
      %add3A_521 = arith.constant 0 : i32
      %add3A_522 = arith.addi %add3A_521, %mul3A_520 : i32
      %mul3A_523 = arith.constant 2 : i32
      %mul3A_524 = arith.muli %mul3A_523, %add3A_522 : i32
      %dma_wait3A_525 = arith.constant 0 : i32
      %dma_wait3A_526 = tpu.memref_slice %arg6[%mul3A_524, %dma_wait3A_525] : memref<32x128xi32, #tpu.memory_space<vmem>> -> memref<1x128xi32, #tpu.memory_space<vmem>>
      %dma_wait3A_527 = tpu.memref_squeeze %dma_wait3A_526 : memref<1x128xi32, #tpu.memory_space<vmem>> -> memref<128xi32, #tpu.memory_space<vmem>>
      %dma_wait3A_528 = arith.constant 0 : i32
      %dma_wait3A_529 = arith.constant 0 : i32
      %dma_wait3A_530 = tpu.memref_slice %arg2[%dma_wait3A_528, %dma_wait3A_529] : memref<10000x128xf32, #tpu.memory_space<hbm>> -> memref<10000x128xf32, #tpu.memory_space<hbm>>
      tpu.wait_indirect_dma semaphore(%arg9 : memref<!tpu.dma_semaphore, #tpu.memory_space<semaphore_mem>>) src(%dma_wait3A_530 : memref<10000x128xf32, #tpu.memory_space<hbm>>) dst(%arg7 : memref<128x128xf32, #tpu.memory_space<vmem>>)
      %mul3A_531 = arith.constant 2 : i32
      %mul3A_532 = arith.muli %mul3A_531, %add3A_522 : i32
      %add3A_533 = arith.constant 1 : i32
      %add3A_534 = arith.addi %mul3A_532, %add3A_533 : i32
      "tpu.region"() ({
        %run_scoped3A = tpu.sem_alloc : memref<!tpu.dma_semaphore, #tpu.memory_space<semaphore_mem>>
        %dma_start3A_562 = arith.constant 0 : i32
        %dma_start3A_563 = tpu.memref_slice %arg6[%add3A_534, %dma_start3A_562] : memref<32x128xi32, #tpu.memory_space<vmem>> -> memref<1x128xi32, #tpu.memory_space<vmem>>
        %dma_start3A_564 = tpu.memref_squeeze %dma_start3A_563 : memref<1x128xi32, #tpu.memory_space<vmem>> -> memref<128xi32, #tpu.memory_space<vmem>>
        %dma_start3A_565 = arith.constant 0 : i32
        %dma_start3A_566 = arith.constant 0 : i32
        %dma_start3A_567 = tpu.memref_slice %arg12[%dma_start3A_565, %dma_start3A_566] : memref<10016x128xf32, #tpu.memory_space<vmem_shared>> -> memref<10016x128xf32, #tpu.memory_space<vmem_shared>>
        tpu.enqueue_indirect_dma source(%arg7 : memref<128x128xf32, #tpu.memory_space<vmem>>) target(%dma_start3A_567 : memref<10016x128xf32, #tpu.memory_space<vmem_shared>>) offsets(%dma_start3A_564 : memref<128xi32, #tpu.memory_space<vmem>>) semaphore(%run_scoped3A : memref<!tpu.dma_semaphore, #tpu.memory_space<semaphore_mem>>) {add = true}
        %dma_wait3A_568 = arith.constant 0 : i32
        %dma_wait3A_569 = tpu.memref_slice %arg6[%add3A_534, %dma_wait3A_568] : memref<32x128xi32, #tpu.memory_space<vmem>> -> memref<1x128xi32, #tpu.memory_space<vmem>>
        %dma_wait3A_570 = tpu.memref_squeeze %dma_wait3A_569 : memref<1x128xi32, #tpu.memory_space<vmem>> -> memref<128xi32, #tpu.memory_space<vmem>>
        %dma_wait3A_571 = arith.constant 0 : i32
        %dma_wait3A_572 = arith.constant 0 : i32
        %dma_wait3A_573 = tpu.memref_slice %arg12[%dma_wait3A_571, %dma_wait3A_572] : memref<10016x128xf32, #tpu.memory_space<vmem_shared>> -> memref<10016x128xf32, #tpu.memory_space<vmem_shared>>
        tpu.wait_indirect_dma semaphore(%run_scoped3A : memref<!tpu.dma_semaphore, #tpu.memory_space<semaphore_mem>>) src(%arg7 : memref<128x128xf32, #tpu.memory_space<vmem>>) dst(%dma_wait3A_573 : memref<10016x128xf32, #tpu.memory_space<vmem_shared>>)
        tpu.yield
      }) : () -> ()
      %add3A_535 = arith.constant 2 : i32
      %add3A_536 = arith.addi %add3A_522, %add3A_535 : i32
      %lt3A = arith.constant 16 : i32
      %lt3A_537 = arith.cmpi slt, %add3A_536, %lt3A : i32
      %convert_element_type3A_538 = arith.extui %lt3A_537 : i1 to i32
      %cond3A_539 = arith.constant 0 : i32
      %cond3A_540 = arith.cmpi ne, %convert_element_type3A_538, %cond3A_539 : i32
      scf.if %cond3A_540 {
        %add3A_562 = arith.constant 2 : i32
        %add3A_563 = arith.addi %add3A_522, %add3A_562 : i32
        %mul3A_564 = arith.constant 2 : i32
        %mul3A_565 = arith.muli %mul3A_564, %add3A_563 : i32
        %dma_start3A_566 = arith.constant 0 : i32
        %dma_start3A_567 = tpu.memref_slice %arg6[%mul3A_565, %dma_start3A_566] : memref<32x128xi32, #tpu.memory_space<vmem>> -> memref<1x128xi32, #tpu.memory_space<vmem>>
        %dma_start3A_568 = tpu.memref_squeeze %dma_start3A_567 : memref<1x128xi32, #tpu.memory_space<vmem>> -> memref<128xi32, #tpu.memory_space<vmem>>
        %dma_start3A_569 = arith.constant 0 : i32
        %dma_start3A_570 = arith.constant 0 : i32
        %dma_start3A_571 = tpu.memref_slice %arg2[%dma_start3A_569, %dma_start3A_570] : memref<10000x128xf32, #tpu.memory_space<hbm>> -> memref<10000x128xf32, #tpu.memory_space<hbm>>
        tpu.enqueue_indirect_dma source(%dma_start3A_571 : memref<10000x128xf32, #tpu.memory_space<hbm>>) target(%arg7 : memref<128x128xf32, #tpu.memory_space<vmem>>) offsets(%dma_start3A_568 : memref<128xi32, #tpu.memory_space<vmem>>) semaphore(%arg9 : memref<!tpu.dma_semaphore, #tpu.memory_space<semaphore_mem>>)
      } else {
      }
      %mul3A_541 = arith.constant 2 : i32
      %mul3A_542 = arith.muli %mul3A_541, %add3A_522 : i32
      %add3A_543 = arith.constant 2 : i32
      %add3A_544 = arith.addi %mul3A_542, %add3A_543 : i32
      %dma_wait3A_545 = arith.constant 0 : i32
      %dma_wait3A_546 = tpu.memref_slice %arg6[%add3A_544, %dma_wait3A_545] : memref<32x128xi32, #tpu.memory_space<vmem>> -> memref<1x128xi32, #tpu.memory_space<vmem>>
      %dma_wait3A_547 = tpu.memref_squeeze %dma_wait3A_546 : memref<1x128xi32, #tpu.memory_space<vmem>> -> memref<128xi32, #tpu.memory_space<vmem>>
      %dma_wait3A_548 = arith.constant 0 : i32
      %dma_wait3A_549 = arith.constant 0 : i32
      %dma_wait3A_550 = tpu.memref_slice %arg2[%dma_wait3A_548, %dma_wait3A_549] : memref<10000x128xf32, #tpu.memory_space<hbm>> -> memref<10000x128xf32, #tpu.memory_space<hbm>>
      tpu.wait_indirect_dma semaphore(%arg10 : memref<!tpu.dma_semaphore, #tpu.memory_space<semaphore_mem>>) src(%dma_wait3A_550 : memref<10000x128xf32, #tpu.memory_space<hbm>>) dst(%arg8 : memref<128x128xf32, #tpu.memory_space<vmem>>)
      %mul3A_551 = arith.constant 2 : i32
      %mul3A_552 = arith.muli %mul3A_551, %add3A_522 : i32
      %add3A_553 = arith.constant 3 : i32
      %add3A_554 = arith.addi %mul3A_552, %add3A_553 : i32
      "tpu.region"() ({
        %run_scoped3A = tpu.sem_alloc : memref<!tpu.dma_semaphore, #tpu.memory_space<semaphore_mem>>
        %dma_start3A_562 = arith.constant 0 : i32
        %dma_start3A_563 = tpu.memref_slice %arg6[%add3A_554, %dma_start3A_562] : memref<32x128xi32, #tpu.memory_space<vmem>> -> memref<1x128xi32, #tpu.memory_space<vmem>>
        %dma_start3A_564 = tpu.memref_squeeze %dma_start3A_563 : memref<1x128xi32, #tpu.memory_space<vmem>> -> memref<128xi32, #tpu.memory_space<vmem>>
        %dma_start3A_565 = arith.constant 0 : i32
        %dma_start3A_566 = arith.constant 0 : i32
        %dma_start3A_567 = tpu.memref_slice %arg12[%dma_start3A_565, %dma_start3A_566] : memref<10016x128xf32, #tpu.memory_space<vmem_shared>> -> memref<10016x128xf32, #tpu.memory_space<vmem_shared>>
        tpu.enqueue_indirect_dma source(%arg8 : memref<128x128xf32, #tpu.memory_space<vmem>>) target(%dma_start3A_567 : memref<10016x128xf32, #tpu.memory_space<vmem_shared>>) offsets(%dma_start3A_564 : memref<128xi32, #tpu.memory_space<vmem>>) semaphore(%run_scoped3A : memref<!tpu.dma_semaphore, #tpu.memory_space<semaphore_mem>>) {add = true}
        %dma_wait3A_568 = arith.constant 0 : i32
        %dma_wait3A_569 = tpu.memref_slice %arg6[%add3A_554, %dma_wait3A_568] : memref<32x128xi32, #tpu.memory_space<vmem>> -> memref<1x128xi32, #tpu.memory_space<vmem>>
        %dma_wait3A_570 = tpu.memref_squeeze %dma_wait3A_569 : memref<1x128xi32, #tpu.memory_space<vmem>> -> memref<128xi32, #tpu.memory_space<vmem>>
        %dma_wait3A_571 = arith.constant 0 : i32
        %dma_wait3A_572 = arith.constant 0 : i32
        %dma_wait3A_573 = tpu.memref_slice %arg12[%dma_wait3A_571, %dma_wait3A_572] : memref<10016x128xf32, #tpu.memory_space<vmem_shared>> -> memref<10016x128xf32, #tpu.memory_space<vmem_shared>>
        tpu.wait_indirect_dma semaphore(%run_scoped3A : memref<!tpu.dma_semaphore, #tpu.memory_space<semaphore_mem>>) src(%arg8 : memref<128x128xf32, #tpu.memory_space<vmem>>) dst(%dma_wait3A_573 : memref<10016x128xf32, #tpu.memory_space<vmem_shared>>)
        tpu.yield
      }) : () -> ()
      %add3A_555 = arith.constant 3 : i32
      %add3A_556 = arith.addi %add3A_522, %add3A_555 : i32
      %lt3A_557 = arith.constant 16 : i32
      %lt3A_558 = arith.cmpi slt, %add3A_556, %lt3A_557 : i32
      %convert_element_type3A_559 = arith.extui %lt3A_558 : i1 to i32
      %cond3A_560 = arith.constant 0 : i32
      %cond3A_561 = arith.cmpi ne, %convert_element_type3A_559, %cond3A_560 : i32
      scf.if %cond3A_561 {
        %add3A_562 = arith.constant 3 : i32
        %add3A_563 = arith.addi %add3A_522, %add3A_562 : i32
        %mul3A_564 = arith.constant 2 : i32
        %mul3A_565 = arith.muli %mul3A_564, %add3A_563 : i32
        %dma_start3A_566 = arith.constant 0 : i32
        %dma_start3A_567 = tpu.memref_slice %arg6[%mul3A_565, %dma_start3A_566] : memref<32x128xi32, #tpu.memory_space<vmem>> -> memref<1x128xi32, #tpu.memory_space<vmem>>
        %dma_start3A_568 = tpu.memref_squeeze %dma_start3A_567 : memref<1x128xi32, #tpu.memory_space<vmem>> -> memref<128xi32, #tpu.memory_space<vmem>>
        %dma_start3A_569 = arith.constant 0 : i32
        %dma_start3A_570 = arith.constant 0 : i32
        %dma_start3A_571 = tpu.memref_slice %arg2[%dma_start3A_569, %dma_start3A_570] : memref<10000x128xf32, #tpu.memory_space<hbm>> -> memref<10000x128xf32, #tpu.memory_space<hbm>>
        tpu.enqueue_indirect_dma source(%dma_start3A_571 : memref<10000x128xf32, #tpu.memory_space<hbm>>) target(%arg8 : memref<128x128xf32, #tpu.memory_space<vmem>>) offsets(%dma_start3A_568 : memref<128xi32, #tpu.memory_space<vmem>>) semaphore(%arg10 : memref<!tpu.dma_semaphore, #tpu.memory_space<semaphore_mem>>)
      } else {
      }
    }
    %scan3A_228 = arith.constant 8 : i32
    %add3A_229 = arith.constant 64 : i32
    %add3A_230 = arith.addi %mul3A_2, %add3A_229 : i32
    %dma_wait3A_231 = arith.constant 0 : i32
    %dma_wait3A_232 = tpu.memref_slice %arg3[%add3A_230, %dma_wait3A_231] : memref<5120x128xi32, #tpu.memory_space<hbm>> -> memref<32x128xi32, #tpu.memory_space<hbm>>
    %dma_wait3A_233 = arith.constant 0 : i32
    %dma_wait3A_234 = tpu.memref_slice %arg3[%add3A_230, %dma_wait3A_233] : memref<5120x128xi32, #tpu.memory_space<hbm>> -> memref<32x128xi32, #tpu.memory_space<hbm>>
    tpu.wait_dma2 semaphore(%arg11 : memref<!tpu.dma_semaphore, #tpu.memory_space<semaphore_mem>>) src(%dma_wait3A_234 : memref<32x128xi32, #tpu.memory_space<hbm>>) dst(%arg5 : memref<32x128xi32, #tpu.memory_space<vmem>>)
    %add3A_235 = arith.constant 96 : i32
    %add3A_236 = arith.addi %mul3A_2, %add3A_235 : i32
    %dma_start3A_237 = arith.constant 0 : i32
    %dma_start3A_238 = tpu.memref_slice %arg3[%add3A_236, %dma_start3A_237] : memref<5120x128xi32, #tpu.memory_space<hbm>> -> memref<32x128xi32, #tpu.memory_space<hbm>>
    %dma_start3A_239 = arith.constant 0 : i32
    %dma_start3A_240 = tpu.memref_slice %arg3[%add3A_236, %dma_start3A_239] : memref<5120x128xi32, #tpu.memory_space<hbm>> -> memref<32x128xi32, #tpu.memory_space<hbm>>
    tpu.enqueue_dma source(%dma_start3A_240 : memref<32x128xi32, #tpu.memory_space<hbm>>) target(%arg6 : memref<32x128xi32, #tpu.memory_space<vmem>>) target_semaphore(%arg11 : memref<!tpu.dma_semaphore, #tpu.memory_space<semaphore_mem>>)
    %dma_start3A_241 = arith.constant 0 : i32
    %dma_start3A_242 = arith.constant 0 : i32
    %dma_start3A_243 = tpu.memref_slice %arg5[%dma_start3A_241, %dma_start3A_242] : memref<32x128xi32, #tpu.memory_space<vmem>> -> memref<1x128xi32, #tpu.memory_space<vmem>>
    %dma_start3A_244 = tpu.memref_squeeze %dma_start3A_243 : memref<1x128xi32, #tpu.memory_space<vmem>> -> memref<128xi32, #tpu.memory_space<vmem>>
    %dma_start3A_245 = arith.constant 0 : i32
    %dma_start3A_246 = arith.constant 0 : i32
    %dma_start3A_247 = tpu.memref_slice %arg2[%dma_start3A_245, %dma_start3A_246] : memref<10000x128xf32, #tpu.memory_space<hbm>> -> memref<10000x128xf32, #tpu.memory_space<hbm>>
    tpu.enqueue_indirect_dma source(%dma_start3A_247 : memref<10000x128xf32, #tpu.memory_space<hbm>>) target(%arg7 : memref<128x128xf32, #tpu.memory_space<vmem>>) offsets(%dma_start3A_244 : memref<128xi32, #tpu.memory_space<vmem>>) semaphore(%arg9 : memref<!tpu.dma_semaphore, #tpu.memory_space<semaphore_mem>>)
    %dma_start3A_248 = arith.constant 2 : i32
    %dma_start3A_249 = arith.constant 0 : i32
    %dma_start3A_250 = tpu.memref_slice %arg5[%dma_start3A_248, %dma_start3A_249] : memref<32x128xi32, #tpu.memory_space<vmem>> -> memref<1x128xi32, #tpu.memory_space<vmem>>
    %dma_start3A_251 = tpu.memref_squeeze %dma_start3A_250 : memref<1x128xi32, #tpu.memory_space<vmem>> -> memref<128xi32, #tpu.memory_space<vmem>>
    %dma_start3A_252 = arith.constant 0 : i32
    %dma_start3A_253 = arith.constant 0 : i32
    %dma_start3A_254 = tpu.memref_slice %arg2[%dma_start3A_252, %dma_start3A_253] : memref<10000x128xf32, #tpu.memory_space<hbm>> -> memref<10000x128xf32, #tpu.memory_space<hbm>>
    tpu.enqueue_indirect_dma source(%dma_start3A_254 : memref<10000x128xf32, #tpu.memory_space<hbm>>) target(%arg8 : memref<128x128xf32, #tpu.memory_space<vmem>>) offsets(%dma_start3A_251 : memref<128xi32, #tpu.memory_space<vmem>>) semaphore(%arg10 : memref<!tpu.dma_semaphore, #tpu.memory_space<semaphore_mem>>)
    %scan3A_255 = arith.constant 0 : i32
    %scan3A_256 = arith.constant 8 : i32
    %scan3A_257 = arith.addi %scan3A_255, %scan3A_256 : i32
    %scan3A_258 = arith.constant 1 : i32
    scf.for %scan3A_518 = %scan3A_255 to %scan3A_257 step %scan3A_258  : i32 {
      %mul3A_519 = arith.constant 2 : i32
      %mul3A_520 = arith.muli %scan3A_518, %mul3A_519 : i32
      %add3A_521 = arith.constant 0 : i32
      %add3A_522 = arith.addi %add3A_521, %mul3A_520 : i32
      %mul3A_523 = arith.constant 2 : i32
      %mul3A_524 = arith.muli %mul3A_523, %add3A_522 : i32
      %dma_wait3A_525 = arith.constant 0 : i32
      %dma_wait3A_526 = tpu.memref_slice %arg5[%mul3A_524, %dma_wait3A_525] : memref<32x128xi32, #tpu.memory_space<vmem>> -> memref<1x128xi32, #tpu.memory_space<vmem>>
      %dma_wait3A_527 = tpu.memref_squeeze %dma_wait3A_526 : memref<1x128xi32, #tpu.memory_space<vmem>> -> memref<128xi32, #tpu.memory_space<vmem>>
      %dma_wait3A_528 = arith.constant 0 : i32
      %dma_wait3A_529 = arith.constant 0 : i32
      %dma_wait3A_530 = tpu.memref_slice %arg2[%dma_wait3A_528, %dma_wait3A_529] : memref<10000x128xf32, #tpu.memory_space<hbm>> -> memref<10000x128xf32, #tpu.memory_space<hbm>>
      tpu.wait_indirect_dma semaphore(%arg9 : memref<!tpu.dma_semaphore, #tpu.memory_space<semaphore_mem>>) src(%dma_wait3A_530 : memref<10000x128xf32, #tpu.memory_space<hbm>>) dst(%arg7 : memref<128x128xf32, #tpu.memory_space<vmem>>)
      %mul3A_531 = arith.constant 2 : i32
      %mul3A_532 = arith.muli %mul3A_531, %add3A_522 : i32
      %add3A_533 = arith.constant 1 : i32
      %add3A_534 = arith.addi %mul3A_532, %add3A_533 : i32
      "tpu.region"() ({
        %run_scoped3A = tpu.sem_alloc : memref<!tpu.dma_semaphore, #tpu.memory_space<semaphore_mem>>
        %dma_start3A_562 = arith.constant 0 : i32
        %dma_start3A_563 = tpu.memref_slice %arg5[%add3A_534, %dma_start3A_562] : memref<32x128xi32, #tpu.memory_space<vmem>> -> memref<1x128xi32, #tpu.memory_space<vmem>>
        %dma_start3A_564 = tpu.memref_squeeze %dma_start3A_563 : memref<1x128xi32, #tpu.memory_space<vmem>> -> memref<128xi32, #tpu.memory_space<vmem>>
        %dma_start3A_565 = arith.constant 0 : i32
        %dma_start3A_566 = arith.constant 0 : i32
        %dma_start3A_567 = tpu.memref_slice %arg12[%dma_start3A_565, %dma_start3A_566] : memref<10016x128xf32, #tpu.memory_space<vmem_shared>> -> memref<10016x128xf32, #tpu.memory_space<vmem_shared>>
        tpu.enqueue_indirect_dma source(%arg7 : memref<128x128xf32, #tpu.memory_space<vmem>>) target(%dma_start3A_567 : memref<10016x128xf32, #tpu.memory_space<vmem_shared>>) offsets(%dma_start3A_564 : memref<128xi32, #tpu.memory_space<vmem>>) semaphore(%run_scoped3A : memref<!tpu.dma_semaphore, #tpu.memory_space<semaphore_mem>>) {add = true}
        %dma_wait3A_568 = arith.constant 0 : i32
        %dma_wait3A_569 = tpu.memref_slice %arg5[%add3A_534, %dma_wait3A_568] : memref<32x128xi32, #tpu.memory_space<vmem>> -> memref<1x128xi32, #tpu.memory_space<vmem>>
        %dma_wait3A_570 = tpu.memref_squeeze %dma_wait3A_569 : memref<1x128xi32, #tpu.memory_space<vmem>> -> memref<128xi32, #tpu.memory_space<vmem>>
        %dma_wait3A_571 = arith.constant 0 : i32
        %dma_wait3A_572 = arith.constant 0 : i32
        %dma_wait3A_573 = tpu.memref_slice %arg12[%dma_wait3A_571, %dma_wait3A_572] : memref<10016x128xf32, #tpu.memory_space<vmem_shared>> -> memref<10016x128xf32, #tpu.memory_space<vmem_shared>>
        tpu.wait_indirect_dma semaphore(%run_scoped3A : memref<!tpu.dma_semaphore, #tpu.memory_space<semaphore_mem>>) src(%arg7 : memref<128x128xf32, #tpu.memory_space<vmem>>) dst(%dma_wait3A_573 : memref<10016x128xf32, #tpu.memory_space<vmem_shared>>)
        tpu.yield
      }) : () -> ()
      %add3A_535 = arith.constant 2 : i32
      %add3A_536 = arith.addi %add3A_522, %add3A_535 : i32
      %lt3A = arith.constant 16 : i32
      %lt3A_537 = arith.cmpi slt, %add3A_536, %lt3A : i32
      %convert_element_type3A_538 = arith.extui %lt3A_537 : i1 to i32
      %cond3A_539 = arith.constant 0 : i32
      %cond3A_540 = arith.cmpi ne, %convert_element_type3A_538, %cond3A_539 : i32
      scf.if %cond3A_540 {
        %add3A_562 = arith.constant 2 : i32
        %add3A_563 = arith.addi %add3A_522, %add3A_562 : i32
        %mul3A_564 = arith.constant 2 : i32
        %mul3A_565 = arith.muli %mul3A_564, %add3A_563 : i32
        %dma_start3A_566 = arith.constant 0 : i32
        %dma_start3A_567 = tpu.memref_slice %arg5[%mul3A_565, %dma_start3A_566] : memref<32x128xi32, #tpu.memory_space<vmem>> -> memref<1x128xi32, #tpu.memory_space<vmem>>
        %dma_start3A_568 = tpu.memref_squeeze %dma_start3A_567 : memref<1x128xi32, #tpu.memory_space<vmem>> -> memref<128xi32, #tpu.memory_space<vmem>>
        %dma_start3A_569 = arith.constant 0 : i32
        %dma_start3A_570 = arith.constant 0 : i32
        %dma_start3A_571 = tpu.memref_slice %arg2[%dma_start3A_569, %dma_start3A_570] : memref<10000x128xf32, #tpu.memory_space<hbm>> -> memref<10000x128xf32, #tpu.memory_space<hbm>>
        tpu.enqueue_indirect_dma source(%dma_start3A_571 : memref<10000x128xf32, #tpu.memory_space<hbm>>) target(%arg7 : memref<128x128xf32, #tpu.memory_space<vmem>>) offsets(%dma_start3A_568 : memref<128xi32, #tpu.memory_space<vmem>>) semaphore(%arg9 : memref<!tpu.dma_semaphore, #tpu.memory_space<semaphore_mem>>)
      } else {
      }
      %mul3A_541 = arith.constant 2 : i32
      %mul3A_542 = arith.muli %mul3A_541, %add3A_522 : i32
      %add3A_543 = arith.constant 2 : i32
      %add3A_544 = arith.addi %mul3A_542, %add3A_543 : i32
      %dma_wait3A_545 = arith.constant 0 : i32
      %dma_wait3A_546 = tpu.memref_slice %arg5[%add3A_544, %dma_wait3A_545] : memref<32x128xi32, #tpu.memory_space<vmem>> -> memref<1x128xi32, #tpu.memory_space<vmem>>
      %dma_wait3A_547 = tpu.memref_squeeze %dma_wait3A_546 : memref<1x128xi32, #tpu.memory_space<vmem>> -> memref<128xi32, #tpu.memory_space<vmem>>
      %dma_wait3A_548 = arith.constant 0 : i32
      %dma_wait3A_549 = arith.constant 0 : i32
      %dma_wait3A_550 = tpu.memref_slice %arg2[%dma_wait3A_548, %dma_wait3A_549] : memref<10000x128xf32, #tpu.memory_space<hbm>> -> memref<10000x128xf32, #tpu.memory_space<hbm>>
      tpu.wait_indirect_dma semaphore(%arg10 : memref<!tpu.dma_semaphore, #tpu.memory_space<semaphore_mem>>) src(%dma_wait3A_550 : memref<10000x128xf32, #tpu.memory_space<hbm>>) dst(%arg8 : memref<128x128xf32, #tpu.memory_space<vmem>>)
      %mul3A_551 = arith.constant 2 : i32
      %mul3A_552 = arith.muli %mul3A_551, %add3A_522 : i32
      %add3A_553 = arith.constant 3 : i32
      %add3A_554 = arith.addi %mul3A_552, %add3A_553 : i32
      "tpu.region"() ({
        %run_scoped3A = tpu.sem_alloc : memref<!tpu.dma_semaphore, #tpu.memory_space<semaphore_mem>>
        %dma_start3A_562 = arith.constant 0 : i32
        %dma_start3A_563 = tpu.memref_slice %arg5[%add3A_554, %dma_start3A_562] : memref<32x128xi32, #tpu.memory_space<vmem>> -> memref<1x128xi32, #tpu.memory_space<vmem>>
        %dma_start3A_564 = tpu.memref_squeeze %dma_start3A_563 : memref<1x128xi32, #tpu.memory_space<vmem>> -> memref<128xi32, #tpu.memory_space<vmem>>
        %dma_start3A_565 = arith.constant 0 : i32
        %dma_start3A_566 = arith.constant 0 : i32
        %dma_start3A_567 = tpu.memref_slice %arg12[%dma_start3A_565, %dma_start3A_566] : memref<10016x128xf32, #tpu.memory_space<vmem_shared>> -> memref<10016x128xf32, #tpu.memory_space<vmem_shared>>
        tpu.enqueue_indirect_dma source(%arg8 : memref<128x128xf32, #tpu.memory_space<vmem>>) target(%dma_start3A_567 : memref<10016x128xf32, #tpu.memory_space<vmem_shared>>) offsets(%dma_start3A_564 : memref<128xi32, #tpu.memory_space<vmem>>) semaphore(%run_scoped3A : memref<!tpu.dma_semaphore, #tpu.memory_space<semaphore_mem>>) {add = true}
        %dma_wait3A_568 = arith.constant 0 : i32
        %dma_wait3A_569 = tpu.memref_slice %arg5[%add3A_554, %dma_wait3A_568] : memref<32x128xi32, #tpu.memory_space<vmem>> -> memref<1x128xi32, #tpu.memory_space<vmem>>
        %dma_wait3A_570 = tpu.memref_squeeze %dma_wait3A_569 : memref<1x128xi32, #tpu.memory_space<vmem>> -> memref<128xi32, #tpu.memory_space<vmem>>
        %dma_wait3A_571 = arith.constant 0 : i32
        %dma_wait3A_572 = arith.constant 0 : i32
        %dma_wait3A_573 = tpu.memref_slice %arg12[%dma_wait3A_571, %dma_wait3A_572] : memref<10016x128xf32, #tpu.memory_space<vmem_shared>> -> memref<10016x128xf32, #tpu.memory_space<vmem_shared>>
        tpu.wait_indirect_dma semaphore(%run_scoped3A : memref<!tpu.dma_semaphore, #tpu.memory_space<semaphore_mem>>) src(%arg8 : memref<128x128xf32, #tpu.memory_space<vmem>>) dst(%dma_wait3A_573 : memref<10016x128xf32, #tpu.memory_space<vmem_shared>>)
        tpu.yield
      }) : () -> ()
      %add3A_555 = arith.constant 3 : i32
      %add3A_556 = arith.addi %add3A_522, %add3A_555 : i32
      %lt3A_557 = arith.constant 16 : i32
      %lt3A_558 = arith.cmpi slt, %add3A_556, %lt3A_557 : i32
      %convert_element_type3A_559 = arith.extui %lt3A_558 : i1 to i32
      %cond3A_560 = arith.constant 0 : i32
      %cond3A_561 = arith.cmpi ne, %convert_element_type3A_559, %cond3A_560 : i32
      scf.if %cond3A_561 {
        %add3A_562 = arith.constant 3 : i32
        %add3A_563 = arith.addi %add3A_522, %add3A_562 : i32
        %mul3A_564 = arith.constant 2 : i32
        %mul3A_565 = arith.muli %mul3A_564, %add3A_563 : i32
        %dma_start3A_566 = arith.constant 0 : i32
        %dma_start3A_567 = tpu.memref_slice %arg5[%mul3A_565, %dma_start3A_566] : memref<32x128xi32, #tpu.memory_space<vmem>> -> memref<1x128xi32, #tpu.memory_space<vmem>>
        %dma_start3A_568 = tpu.memref_squeeze %dma_start3A_567 : memref<1x128xi32, #tpu.memory_space<vmem>> -> memref<128xi32, #tpu.memory_space<vmem>>
        %dma_start3A_569 = arith.constant 0 : i32
        %dma_start3A_570 = arith.constant 0 : i32
        %dma_start3A_571 = tpu.memref_slice %arg2[%dma_start3A_569, %dma_start3A_570] : memref<10000x128xf32, #tpu.memory_space<hbm>> -> memref<10000x128xf32, #tpu.memory_space<hbm>>
        tpu.enqueue_indirect_dma source(%dma_start3A_571 : memref<10000x128xf32, #tpu.memory_space<hbm>>) target(%arg8 : memref<128x128xf32, #tpu.memory_space<vmem>>) offsets(%dma_start3A_568 : memref<128xi32, #tpu.memory_space<vmem>>) semaphore(%arg10 : memref<!tpu.dma_semaphore, #tpu.memory_space<semaphore_mem>>)
      } else {
      }
    }
    %scan3A_259 = arith.constant 8 : i32
    %add3A_260 = arith.constant 96 : i32
    %add3A_261 = arith.addi %mul3A_2, %add3A_260 : i32
    %dma_wait3A_262 = arith.constant 0 : i32
    %dma_wait3A_263 = tpu.memref_slice %arg3[%add3A_261, %dma_wait3A_262] : memref<5120x128xi32, #tpu.memory_space<hbm>> -> memref<32x128xi32, #tpu.memory_space<hbm>>
    %dma_wait3A_264 = arith.constant 0 : i32
    %dma_wait3A_265 = tpu.memref_slice %arg3[%add3A_261, %dma_wait3A_264] : memref<5120x128xi32, #tpu.memory_space<hbm>> -> memref<32x128xi32, #tpu.memory_space<hbm>>
    tpu.wait_dma2 semaphore(%arg11 : memref<!tpu.dma_semaphore, #tpu.memory_space<semaphore_mem>>) src(%dma_wait3A_265 : memref<32x128xi32, #tpu.memory_space<hbm>>) dst(%arg6 : memref<32x128xi32, #tpu.memory_space<vmem>>)
    %add3A_266 = arith.constant 128 : i32
    %add3A_267 = arith.addi %mul3A_2, %add3A_266 : i32
    %dma_start3A_268 = arith.constant 0 : i32
    %dma_start3A_269 = tpu.memref_slice %arg3[%add3A_267, %dma_start3A_268] : memref<5120x128xi32, #tpu.memory_space<hbm>> -> memref<32x128xi32, #tpu.memory_space<hbm>>
    %dma_start3A_270 = arith.constant 0 : i32
    %dma_start3A_271 = tpu.memref_slice %arg3[%add3A_267, %dma_start3A_270] : memref<5120x128xi32, #tpu.memory_space<hbm>> -> memref<32x128xi32, #tpu.memory_space<hbm>>
    tpu.enqueue_dma source(%dma_start3A_271 : memref<32x128xi32, #tpu.memory_space<hbm>>) target(%arg5 : memref<32x128xi32, #tpu.memory_space<vmem>>) target_semaphore(%arg11 : memref<!tpu.dma_semaphore, #tpu.memory_space<semaphore_mem>>)
    %dma_start3A_272 = arith.constant 0 : i32
    %dma_start3A_273 = arith.constant 0 : i32
    %dma_start3A_274 = tpu.memref_slice %arg6[%dma_start3A_272, %dma_start3A_273] : memref<32x128xi32, #tpu.memory_space<vmem>> -> memref<1x128xi32, #tpu.memory_space<vmem>>
    %dma_start3A_275 = tpu.memref_squeeze %dma_start3A_274 : memref<1x128xi32, #tpu.memory_space<vmem>> -> memref<128xi32, #tpu.memory_space<vmem>>
    %dma_start3A_276 = arith.constant 0 : i32
    %dma_start3A_277 = arith.constant 0 : i32
    %dma_start3A_278 = tpu.memref_slice %arg2[%dma_start3A_276, %dma_start3A_277] : memref<10000x128xf32, #tpu.memory_space<hbm>> -> memref<10000x128xf32, #tpu.memory_space<hbm>>
    tpu.enqueue_indirect_dma source(%dma_start3A_278 : memref<10000x128xf32, #tpu.memory_space<hbm>>) target(%arg7 : memref<128x128xf32, #tpu.memory_space<vmem>>) offsets(%dma_start3A_275 : memref<128xi32, #tpu.memory_space<vmem>>) semaphore(%arg9 : memref<!tpu.dma_semaphore, #tpu.memory_space<semaphore_mem>>)
    %dma_start3A_279 = arith.constant 2 : i32
    %dma_start3A_280 = arith.constant 0 : i32
    %dma_start3A_281 = tpu.memref_slice %arg6[%dma_start3A_279, %dma_start3A_280] : memref<32x128xi32, #tpu.memory_space<vmem>> -> memref<1x128xi32, #tpu.memory_space<vmem>>
    %dma_start3A_282 = tpu.memref_squeeze %dma_start3A_281 : memref<1x128xi32, #tpu.memory_space<vmem>> -> memref<128xi32, #tpu.memory_space<vmem>>
    %dma_start3A_283 = arith.constant 0 : i32
    %dma_start3A_284 = arith.constant 0 : i32
    %dma_start3A_285 = tpu.memref_slice %arg2[%dma_start3A_283, %dma_start3A_284] : memref<10000x128xf32, #tpu.memory_space<hbm>> -> memref<10000x128xf32, #tpu.memory_space<hbm>>
    tpu.enqueue_indirect_dma source(%dma_start3A_285 : memref<10000x128xf32, #tpu.memory_space<hbm>>) target(%arg8 : memref<128x128xf32, #tpu.memory_space<vmem>>) offsets(%dma_start3A_282 : memref<128xi32, #tpu.memory_space<vmem>>) semaphore(%arg10 : memref<!tpu.dma_semaphore, #tpu.memory_space<semaphore_mem>>)
    %scan3A_286 = arith.constant 0 : i32
    %scan3A_287 = arith.constant 8 : i32
    %scan3A_288 = arith.addi %scan3A_286, %scan3A_287 : i32
    %scan3A_289 = arith.constant 1 : i32
    scf.for %scan3A_518 = %scan3A_286 to %scan3A_288 step %scan3A_289  : i32 {
      %mul3A_519 = arith.constant 2 : i32
      %mul3A_520 = arith.muli %scan3A_518, %mul3A_519 : i32
      %add3A_521 = arith.constant 0 : i32
      %add3A_522 = arith.addi %add3A_521, %mul3A_520 : i32
      %mul3A_523 = arith.constant 2 : i32
      %mul3A_524 = arith.muli %mul3A_523, %add3A_522 : i32
      %dma_wait3A_525 = arith.constant 0 : i32
      %dma_wait3A_526 = tpu.memref_slice %arg6[%mul3A_524, %dma_wait3A_525] : memref<32x128xi32, #tpu.memory_space<vmem>> -> memref<1x128xi32, #tpu.memory_space<vmem>>
      %dma_wait3A_527 = tpu.memref_squeeze %dma_wait3A_526 : memref<1x128xi32, #tpu.memory_space<vmem>> -> memref<128xi32, #tpu.memory_space<vmem>>
      %dma_wait3A_528 = arith.constant 0 : i32
      %dma_wait3A_529 = arith.constant 0 : i32
      %dma_wait3A_530 = tpu.memref_slice %arg2[%dma_wait3A_528, %dma_wait3A_529] : memref<10000x128xf32, #tpu.memory_space<hbm>> -> memref<10000x128xf32, #tpu.memory_space<hbm>>
      tpu.wait_indirect_dma semaphore(%arg9 : memref<!tpu.dma_semaphore, #tpu.memory_space<semaphore_mem>>) src(%dma_wait3A_530 : memref<10000x128xf32, #tpu.memory_space<hbm>>) dst(%arg7 : memref<128x128xf32, #tpu.memory_space<vmem>>)
      %mul3A_531 = arith.constant 2 : i32
      %mul3A_532 = arith.muli %mul3A_531, %add3A_522 : i32
      %add3A_533 = arith.constant 1 : i32
      %add3A_534 = arith.addi %mul3A_532, %add3A_533 : i32
      "tpu.region"() ({
        %run_scoped3A = tpu.sem_alloc : memref<!tpu.dma_semaphore, #tpu.memory_space<semaphore_mem>>
        %dma_start3A_562 = arith.constant 0 : i32
        %dma_start3A_563 = tpu.memref_slice %arg6[%add3A_534, %dma_start3A_562] : memref<32x128xi32, #tpu.memory_space<vmem>> -> memref<1x128xi32, #tpu.memory_space<vmem>>
        %dma_start3A_564 = tpu.memref_squeeze %dma_start3A_563 : memref<1x128xi32, #tpu.memory_space<vmem>> -> memref<128xi32, #tpu.memory_space<vmem>>
        %dma_start3A_565 = arith.constant 0 : i32
        %dma_start3A_566 = arith.constant 0 : i32
        %dma_start3A_567 = tpu.memref_slice %arg12[%dma_start3A_565, %dma_start3A_566] : memref<10016x128xf32, #tpu.memory_space<vmem_shared>> -> memref<10016x128xf32, #tpu.memory_space<vmem_shared>>
        tpu.enqueue_indirect_dma source(%arg7 : memref<128x128xf32, #tpu.memory_space<vmem>>) target(%dma_start3A_567 : memref<10016x128xf32, #tpu.memory_space<vmem_shared>>) offsets(%dma_start3A_564 : memref<128xi32, #tpu.memory_space<vmem>>) semaphore(%run_scoped3A : memref<!tpu.dma_semaphore, #tpu.memory_space<semaphore_mem>>) {add = true}
        %dma_wait3A_568 = arith.constant 0 : i32
        %dma_wait3A_569 = tpu.memref_slice %arg6[%add3A_534, %dma_wait3A_568] : memref<32x128xi32, #tpu.memory_space<vmem>> -> memref<1x128xi32, #tpu.memory_space<vmem>>
        %dma_wait3A_570 = tpu.memref_squeeze %dma_wait3A_569 : memref<1x128xi32, #tpu.memory_space<vmem>> -> memref<128xi32, #tpu.memory_space<vmem>>
        %dma_wait3A_571 = arith.constant 0 : i32
        %dma_wait3A_572 = arith.constant 0 : i32
        %dma_wait3A_573 = tpu.memref_slice %arg12[%dma_wait3A_571, %dma_wait3A_572] : memref<10016x128xf32, #tpu.memory_space<vmem_shared>> -> memref<10016x128xf32, #tpu.memory_space<vmem_shared>>
        tpu.wait_indirect_dma semaphore(%run_scoped3A : memref<!tpu.dma_semaphore, #tpu.memory_space<semaphore_mem>>) src(%arg7 : memref<128x128xf32, #tpu.memory_space<vmem>>) dst(%dma_wait3A_573 : memref<10016x128xf32, #tpu.memory_space<vmem_shared>>)
        tpu.yield
      }) : () -> ()
      %add3A_535 = arith.constant 2 : i32
      %add3A_536 = arith.addi %add3A_522, %add3A_535 : i32
      %lt3A = arith.constant 16 : i32
      %lt3A_537 = arith.cmpi slt, %add3A_536, %lt3A : i32
      %convert_element_type3A_538 = arith.extui %lt3A_537 : i1 to i32
      %cond3A_539 = arith.constant 0 : i32
      %cond3A_540 = arith.cmpi ne, %convert_element_type3A_538, %cond3A_539 : i32
      scf.if %cond3A_540 {
        %add3A_562 = arith.constant 2 : i32
        %add3A_563 = arith.addi %add3A_522, %add3A_562 : i32
        %mul3A_564 = arith.constant 2 : i32
        %mul3A_565 = arith.muli %mul3A_564, %add3A_563 : i32
        %dma_start3A_566 = arith.constant 0 : i32
        %dma_start3A_567 = tpu.memref_slice %arg6[%mul3A_565, %dma_start3A_566] : memref<32x128xi32, #tpu.memory_space<vmem>> -> memref<1x128xi32, #tpu.memory_space<vmem>>
        %dma_start3A_568 = tpu.memref_squeeze %dma_start3A_567 : memref<1x128xi32, #tpu.memory_space<vmem>> -> memref<128xi32, #tpu.memory_space<vmem>>
        %dma_start3A_569 = arith.constant 0 : i32
        %dma_start3A_570 = arith.constant 0 : i32
        %dma_start3A_571 = tpu.memref_slice %arg2[%dma_start3A_569, %dma_start3A_570] : memref<10000x128xf32, #tpu.memory_space<hbm>> -> memref<10000x128xf32, #tpu.memory_space<hbm>>
        tpu.enqueue_indirect_dma source(%dma_start3A_571 : memref<10000x128xf32, #tpu.memory_space<hbm>>) target(%arg7 : memref<128x128xf32, #tpu.memory_space<vmem>>) offsets(%dma_start3A_568 : memref<128xi32, #tpu.memory_space<vmem>>) semaphore(%arg9 : memref<!tpu.dma_semaphore, #tpu.memory_space<semaphore_mem>>)
      } else {
      }
      %mul3A_541 = arith.constant 2 : i32
      %mul3A_542 = arith.muli %mul3A_541, %add3A_522 : i32
      %add3A_543 = arith.constant 2 : i32
      %add3A_544 = arith.addi %mul3A_542, %add3A_543 : i32
      %dma_wait3A_545 = arith.constant 0 : i32
      %dma_wait3A_546 = tpu.memref_slice %arg6[%add3A_544, %dma_wait3A_545] : memref<32x128xi32, #tpu.memory_space<vmem>> -> memref<1x128xi32, #tpu.memory_space<vmem>>
      %dma_wait3A_547 = tpu.memref_squeeze %dma_wait3A_546 : memref<1x128xi32, #tpu.memory_space<vmem>> -> memref<128xi32, #tpu.memory_space<vmem>>
      %dma_wait3A_548 = arith.constant 0 : i32
      %dma_wait3A_549 = arith.constant 0 : i32
      %dma_wait3A_550 = tpu.memref_slice %arg2[%dma_wait3A_548, %dma_wait3A_549] : memref<10000x128xf32, #tpu.memory_space<hbm>> -> memref<10000x128xf32, #tpu.memory_space<hbm>>
      tpu.wait_indirect_dma semaphore(%arg10 : memref<!tpu.dma_semaphore, #tpu.memory_space<semaphore_mem>>) src(%dma_wait3A_550 : memref<10000x128xf32, #tpu.memory_space<hbm>>) dst(%arg8 : memref<128x128xf32, #tpu.memory_space<vmem>>)
      %mul3A_551 = arith.constant 2 : i32
      %mul3A_552 = arith.muli %mul3A_551, %add3A_522 : i32
      %add3A_553 = arith.constant 3 : i32
      %add3A_554 = arith.addi %mul3A_552, %add3A_553 : i32
      "tpu.region"() ({
        %run_scoped3A = tpu.sem_alloc : memref<!tpu.dma_semaphore, #tpu.memory_space<semaphore_mem>>
        %dma_start3A_562 = arith.constant 0 : i32
        %dma_start3A_563 = tpu.memref_slice %arg6[%add3A_554, %dma_start3A_562] : memref<32x128xi32, #tpu.memory_space<vmem>> -> memref<1x128xi32, #tpu.memory_space<vmem>>
        %dma_start3A_564 = tpu.memref_squeeze %dma_start3A_563 : memref<1x128xi32, #tpu.memory_space<vmem>> -> memref<128xi32, #tpu.memory_space<vmem>>
        %dma_start3A_565 = arith.constant 0 : i32
        %dma_start3A_566 = arith.constant 0 : i32
        %dma_start3A_567 = tpu.memref_slice %arg12[%dma_start3A_565, %dma_start3A_566] : memref<10016x128xf32, #tpu.memory_space<vmem_shared>> -> memref<10016x128xf32, #tpu.memory_space<vmem_shared>>
        tpu.enqueue_indirect_dma source(%arg8 : memref<128x128xf32, #tpu.memory_space<vmem>>) target(%dma_start3A_567 : memref<10016x128xf32, #tpu.memory_space<vmem_shared>>) offsets(%dma_start3A_564 : memref<128xi32, #tpu.memory_space<vmem>>) semaphore(%run_scoped3A : memref<!tpu.dma_semaphore, #tpu.memory_space<semaphore_mem>>) {add = true}
        %dma_wait3A_568 = arith.constant 0 : i32
        %dma_wait3A_569 = tpu.memref_slice %arg6[%add3A_554, %dma_wait3A_568] : memref<32x128xi32, #tpu.memory_space<vmem>> -> memref<1x128xi32, #tpu.memory_space<vmem>>
        %dma_wait3A_570 = tpu.memref_squeeze %dma_wait3A_569 : memref<1x128xi32, #tpu.memory_space<vmem>> -> memref<128xi32, #tpu.memory_space<vmem>>
        %dma_wait3A_571 = arith.constant 0 : i32
        %dma_wait3A_572 = arith.constant 0 : i32
        %dma_wait3A_573 = tpu.memref_slice %arg12[%dma_wait3A_571, %dma_wait3A_572] : memref<10016x128xf32, #tpu.memory_space<vmem_shared>> -> memref<10016x128xf32, #tpu.memory_space<vmem_shared>>
        tpu.wait_indirect_dma semaphore(%run_scoped3A : memref<!tpu.dma_semaphore, #tpu.memory_space<semaphore_mem>>) src(%arg8 : memref<128x128xf32, #tpu.memory_space<vmem>>) dst(%dma_wait3A_573 : memref<10016x128xf32, #tpu.memory_space<vmem_shared>>)
        tpu.yield
      }) : () -> ()
      %add3A_555 = arith.constant 3 : i32
      %add3A_556 = arith.addi %add3A_522, %add3A_555 : i32
      %lt3A_557 = arith.constant 16 : i32
      %lt3A_558 = arith.cmpi slt, %add3A_556, %lt3A_557 : i32
      %convert_element_type3A_559 = arith.extui %lt3A_558 : i1 to i32
      %cond3A_560 = arith.constant 0 : i32
      %cond3A_561 = arith.cmpi ne, %convert_element_type3A_559, %cond3A_560 : i32
      scf.if %cond3A_561 {
        %add3A_562 = arith.constant 3 : i32
        %add3A_563 = arith.addi %add3A_522, %add3A_562 : i32
        %mul3A_564 = arith.constant 2 : i32
        %mul3A_565 = arith.muli %mul3A_564, %add3A_563 : i32
        %dma_start3A_566 = arith.constant 0 : i32
        %dma_start3A_567 = tpu.memref_slice %arg6[%mul3A_565, %dma_start3A_566] : memref<32x128xi32, #tpu.memory_space<vmem>> -> memref<1x128xi32, #tpu.memory_space<vmem>>
        %dma_start3A_568 = tpu.memref_squeeze %dma_start3A_567 : memref<1x128xi32, #tpu.memory_space<vmem>> -> memref<128xi32, #tpu.memory_space<vmem>>
        %dma_start3A_569 = arith.constant 0 : i32
        %dma_start3A_570 = arith.constant 0 : i32
        %dma_start3A_571 = tpu.memref_slice %arg2[%dma_start3A_569, %dma_start3A_570] : memref<10000x128xf32, #tpu.memory_space<hbm>> -> memref<10000x128xf32, #tpu.memory_space<hbm>>
        tpu.enqueue_indirect_dma source(%dma_start3A_571 : memref<10000x128xf32, #tpu.memory_space<hbm>>) target(%arg8 : memref<128x128xf32, #tpu.memory_space<vmem>>) offsets(%dma_start3A_568 : memref<128xi32, #tpu.memory_space<vmem>>) semaphore(%arg10 : memref<!tpu.dma_semaphore, #tpu.memory_space<semaphore_mem>>)
      } else {
      }
    }
    %scan3A_290 = arith.constant 8 : i32
    %add3A_291 = arith.constant 128 : i32
    %add3A_292 = arith.addi %mul3A_2, %add3A_291 : i32
    %dma_wait3A_293 = arith.constant 0 : i32
    %dma_wait3A_294 = tpu.memref_slice %arg3[%add3A_292, %dma_wait3A_293] : memref<5120x128xi32, #tpu.memory_space<hbm>> -> memref<32x128xi32, #tpu.memory_space<hbm>>
    %dma_wait3A_295 = arith.constant 0 : i32
    %dma_wait3A_296 = tpu.memref_slice %arg3[%add3A_292, %dma_wait3A_295] : memref<5120x128xi32, #tpu.memory_space<hbm>> -> memref<32x128xi32, #tpu.memory_space<hbm>>
    tpu.wait_dma2 semaphore(%arg11 : memref<!tpu.dma_semaphore, #tpu.memory_space<semaphore_mem>>) src(%dma_wait3A_296 : memref<32x128xi32, #tpu.memory_space<hbm>>) dst(%arg5 : memref<32x128xi32, #tpu.memory_space<vmem>>)
    %dma_start3A_297 = arith.constant 0 : i32
    %dma_start3A_298 = arith.constant 0 : i32
    %dma_start3A_299 = tpu.memref_slice %arg5[%dma_start3A_297, %dma_start3A_298] : memref<32x128xi32, #tpu.memory_space<vmem>> -> memref<1x128xi32, #tpu.memory_space<vmem>>
    %dma_start3A_300 = tpu.memref_squeeze %dma_start3A_299 : memref<1x128xi32, #tpu.memory_space<vmem>> -> memref<128xi32, #tpu.memory_space<vmem>>
    %dma_start3A_301 = arith.constant 0 : i32
    %dma_start3A_302 = arith.constant 0 : i32
    %dma_start3A_303 = tpu.memref_slice %arg2[%dma_start3A_301, %dma_start3A_302] : memref<10000x128xf32, #tpu.memory_space<hbm>> -> memref<10000x128xf32, #tpu.memory_space<hbm>>
    tpu.enqueue_indirect_dma source(%dma_start3A_303 : memref<10000x128xf32, #tpu.memory_space<hbm>>) target(%arg7 : memref<128x128xf32, #tpu.memory_space<vmem>>) offsets(%dma_start3A_300 : memref<128xi32, #tpu.memory_space<vmem>>) semaphore(%arg9 : memref<!tpu.dma_semaphore, #tpu.memory_space<semaphore_mem>>)
    %dma_start3A_304 = arith.constant 2 : i32
    %dma_start3A_305 = arith.constant 0 : i32
    %dma_start3A_306 = tpu.memref_slice %arg5[%dma_start3A_304, %dma_start3A_305] : memref<32x128xi32, #tpu.memory_space<vmem>> -> memref<1x128xi32, #tpu.memory_space<vmem>>
    %dma_start3A_307 = tpu.memref_squeeze %dma_start3A_306 : memref<1x128xi32, #tpu.memory_space<vmem>> -> memref<128xi32, #tpu.memory_space<vmem>>
    %dma_start3A_308 = arith.constant 0 : i32
    %dma_start3A_309 = arith.constant 0 : i32
    %dma_start3A_310 = tpu.memref_slice %arg2[%dma_start3A_308, %dma_start3A_309] : memref<10000x128xf32, #tpu.memory_space<hbm>> -> memref<10000x128xf32, #tpu.memory_space<hbm>>
    tpu.enqueue_indirect_dma source(%dma_start3A_310 : memref<10000x128xf32, #tpu.memory_space<hbm>>) target(%arg8 : memref<128x128xf32, #tpu.memory_space<vmem>>) offsets(%dma_start3A_307 : memref<128xi32, #tpu.memory_space<vmem>>) semaphore(%arg10 : memref<!tpu.dma_semaphore, #tpu.memory_space<semaphore_mem>>)
    %scan3A_311 = arith.constant 0 : i32
    %scan3A_312 = arith.constant 8 : i32
    %scan3A_313 = arith.addi %scan3A_311, %scan3A_312 : i32
    %scan3A_314 = arith.constant 1 : i32
    scf.for %scan3A_518 = %scan3A_311 to %scan3A_313 step %scan3A_314  : i32 {
      %mul3A_519 = arith.constant 2 : i32
      %mul3A_520 = arith.muli %scan3A_518, %mul3A_519 : i32
      %add3A_521 = arith.constant 0 : i32
      %add3A_522 = arith.addi %add3A_521, %mul3A_520 : i32
      %mul3A_523 = arith.constant 2 : i32
      %mul3A_524 = arith.muli %mul3A_523, %add3A_522 : i32
      %dma_wait3A_525 = arith.constant 0 : i32
      %dma_wait3A_526 = tpu.memref_slice %arg5[%mul3A_524, %dma_wait3A_525] : memref<32x128xi32, #tpu.memory_space<vmem>> -> memref<1x128xi32, #tpu.memory_space<vmem>>
      %dma_wait3A_527 = tpu.memref_squeeze %dma_wait3A_526 : memref<1x128xi32, #tpu.memory_space<vmem>> -> memref<128xi32, #tpu.memory_space<vmem>>
      %dma_wait3A_528 = arith.constant 0 : i32
      %dma_wait3A_529 = arith.constant 0 : i32
      %dma_wait3A_530 = tpu.memref_slice %arg2[%dma_wait3A_528, %dma_wait3A_529] : memref<10000x128xf32, #tpu.memory_space<hbm>> -> memref<10000x128xf32, #tpu.memory_space<hbm>>
      tpu.wait_indirect_dma semaphore(%arg9 : memref<!tpu.dma_semaphore, #tpu.memory_space<semaphore_mem>>) src(%dma_wait3A_530 : memref<10000x128xf32, #tpu.memory_space<hbm>>) dst(%arg7 : memref<128x128xf32, #tpu.memory_space<vmem>>)
      %mul3A_531 = arith.constant 2 : i32
      %mul3A_532 = arith.muli %mul3A_531, %add3A_522 : i32
      %add3A_533 = arith.constant 1 : i32
      %add3A_534 = arith.addi %mul3A_532, %add3A_533 : i32
      "tpu.region"() ({
        %run_scoped3A = tpu.sem_alloc : memref<!tpu.dma_semaphore, #tpu.memory_space<semaphore_mem>>
        %dma_start3A_562 = arith.constant 0 : i32
        %dma_start3A_563 = tpu.memref_slice %arg5[%add3A_534, %dma_start3A_562] : memref<32x128xi32, #tpu.memory_space<vmem>> -> memref<1x128xi32, #tpu.memory_space<vmem>>
        %dma_start3A_564 = tpu.memref_squeeze %dma_start3A_563 : memref<1x128xi32, #tpu.memory_space<vmem>> -> memref<128xi32, #tpu.memory_space<vmem>>
        %dma_start3A_565 = arith.constant 0 : i32
        %dma_start3A_566 = arith.constant 0 : i32
        %dma_start3A_567 = tpu.memref_slice %arg12[%dma_start3A_565, %dma_start3A_566] : memref<10016x128xf32, #tpu.memory_space<vmem_shared>> -> memref<10016x128xf32, #tpu.memory_space<vmem_shared>>
        tpu.enqueue_indirect_dma source(%arg7 : memref<128x128xf32, #tpu.memory_space<vmem>>) target(%dma_start3A_567 : memref<10016x128xf32, #tpu.memory_space<vmem_shared>>) offsets(%dma_start3A_564 : memref<128xi32, #tpu.memory_space<vmem>>) semaphore(%run_scoped3A : memref<!tpu.dma_semaphore, #tpu.memory_space<semaphore_mem>>) {add = true}
        %dma_wait3A_568 = arith.constant 0 : i32
        %dma_wait3A_569 = tpu.memref_slice %arg5[%add3A_534, %dma_wait3A_568] : memref<32x128xi32, #tpu.memory_space<vmem>> -> memref<1x128xi32, #tpu.memory_space<vmem>>
        %dma_wait3A_570 = tpu.memref_squeeze %dma_wait3A_569 : memref<1x128xi32, #tpu.memory_space<vmem>> -> memref<128xi32, #tpu.memory_space<vmem>>
        %dma_wait3A_571 = arith.constant 0 : i32
        %dma_wait3A_572 = arith.constant 0 : i32
        %dma_wait3A_573 = tpu.memref_slice %arg12[%dma_wait3A_571, %dma_wait3A_572] : memref<10016x128xf32, #tpu.memory_space<vmem_shared>> -> memref<10016x128xf32, #tpu.memory_space<vmem_shared>>
        tpu.wait_indirect_dma semaphore(%run_scoped3A : memref<!tpu.dma_semaphore, #tpu.memory_space<semaphore_mem>>) src(%arg7 : memref<128x128xf32, #tpu.memory_space<vmem>>) dst(%dma_wait3A_573 : memref<10016x128xf32, #tpu.memory_space<vmem_shared>>)
        tpu.yield
      }) : () -> ()
      %add3A_535 = arith.constant 2 : i32
      %add3A_536 = arith.addi %add3A_522, %add3A_535 : i32
      %lt3A = arith.constant 16 : i32
      %lt3A_537 = arith.cmpi slt, %add3A_536, %lt3A : i32
      %convert_element_type3A_538 = arith.extui %lt3A_537 : i1 to i32
      %cond3A_539 = arith.constant 0 : i32
      %cond3A_540 = arith.cmpi ne, %convert_element_type3A_538, %cond3A_539 : i32
      scf.if %cond3A_540 {
        %add3A_562 = arith.constant 2 : i32
        %add3A_563 = arith.addi %add3A_522, %add3A_562 : i32
        %mul3A_564 = arith.constant 2 : i32
        %mul3A_565 = arith.muli %mul3A_564, %add3A_563 : i32
        %dma_start3A_566 = arith.constant 0 : i32
        %dma_start3A_567 = tpu.memref_slice %arg5[%mul3A_565, %dma_start3A_566] : memref<32x128xi32, #tpu.memory_space<vmem>> -> memref<1x128xi32, #tpu.memory_space<vmem>>
        %dma_start3A_568 = tpu.memref_squeeze %dma_start3A_567 : memref<1x128xi32, #tpu.memory_space<vmem>> -> memref<128xi32, #tpu.memory_space<vmem>>
        %dma_start3A_569 = arith.constant 0 : i32
        %dma_start3A_570 = arith.constant 0 : i32
        %dma_start3A_571 = tpu.memref_slice %arg2[%dma_start3A_569, %dma_start3A_570] : memref<10000x128xf32, #tpu.memory_space<hbm>> -> memref<10000x128xf32, #tpu.memory_space<hbm>>
        tpu.enqueue_indirect_dma source(%dma_start3A_571 : memref<10000x128xf32, #tpu.memory_space<hbm>>) target(%arg7 : memref<128x128xf32, #tpu.memory_space<vmem>>) offsets(%dma_start3A_568 : memref<128xi32, #tpu.memory_space<vmem>>) semaphore(%arg9 : memref<!tpu.dma_semaphore, #tpu.memory_space<semaphore_mem>>)
      } else {
      }
      %mul3A_541 = arith.constant 2 : i32
      %mul3A_542 = arith.muli %mul3A_541, %add3A_522 : i32
      %add3A_543 = arith.constant 2 : i32
      %add3A_544 = arith.addi %mul3A_542, %add3A_543 : i32
      %dma_wait3A_545 = arith.constant 0 : i32
      %dma_wait3A_546 = tpu.memref_slice %arg5[%add3A_544, %dma_wait3A_545] : memref<32x128xi32, #tpu.memory_space<vmem>> -> memref<1x128xi32, #tpu.memory_space<vmem>>
      %dma_wait3A_547 = tpu.memref_squeeze %dma_wait3A_546 : memref<1x128xi32, #tpu.memory_space<vmem>> -> memref<128xi32, #tpu.memory_space<vmem>>
      %dma_wait3A_548 = arith.constant 0 : i32
      %dma_wait3A_549 = arith.constant 0 : i32
      %dma_wait3A_550 = tpu.memref_slice %arg2[%dma_wait3A_548, %dma_wait3A_549] : memref<10000x128xf32, #tpu.memory_space<hbm>> -> memref<10000x128xf32, #tpu.memory_space<hbm>>
      tpu.wait_indirect_dma semaphore(%arg10 : memref<!tpu.dma_semaphore, #tpu.memory_space<semaphore_mem>>) src(%dma_wait3A_550 : memref<10000x128xf32, #tpu.memory_space<hbm>>) dst(%arg8 : memref<128x128xf32, #tpu.memory_space<vmem>>)
      %mul3A_551 = arith.constant 2 : i32
      %mul3A_552 = arith.muli %mul3A_551, %add3A_522 : i32
      %add3A_553 = arith.constant 3 : i32
      %add3A_554 = arith.addi %mul3A_552, %add3A_553 : i32
      "tpu.region"() ({
        %run_scoped3A = tpu.sem_alloc : memref<!tpu.dma_semaphore, #tpu.memory_space<semaphore_mem>>
        %dma_start3A_562 = arith.constant 0 : i32
        %dma_start3A_563 = tpu.memref_slice %arg5[%add3A_554, %dma_start3A_562] : memref<32x128xi32, #tpu.memory_space<vmem>> -> memref<1x128xi32, #tpu.memory_space<vmem>>
        %dma_start3A_564 = tpu.memref_squeeze %dma_start3A_563 : memref<1x128xi32, #tpu.memory_space<vmem>> -> memref<128xi32, #tpu.memory_space<vmem>>
        %dma_start3A_565 = arith.constant 0 : i32
        %dma_start3A_566 = arith.constant 0 : i32
        %dma_start3A_567 = tpu.memref_slice %arg12[%dma_start3A_565, %dma_start3A_566] : memref<10016x128xf32, #tpu.memory_space<vmem_shared>> -> memref<10016x128xf32, #tpu.memory_space<vmem_shared>>
        tpu.enqueue_indirect_dma source(%arg8 : memref<128x128xf32, #tpu.memory_space<vmem>>) target(%dma_start3A_567 : memref<10016x128xf32, #tpu.memory_space<vmem_shared>>) offsets(%dma_start3A_564 : memref<128xi32, #tpu.memory_space<vmem>>) semaphore(%run_scoped3A : memref<!tpu.dma_semaphore, #tpu.memory_space<semaphore_mem>>) {add = true}
        %dma_wait3A_568 = arith.constant 0 : i32
        %dma_wait3A_569 = tpu.memref_slice %arg5[%add3A_554, %dma_wait3A_568] : memref<32x128xi32, #tpu.memory_space<vmem>> -> memref<1x128xi32, #tpu.memory_space<vmem>>
        %dma_wait3A_570 = tpu.memref_squeeze %dma_wait3A_569 : memref<1x128xi32, #tpu.memory_space<vmem>> -> memref<128xi32, #tpu.memory_space<vmem>>
        %dma_wait3A_571 = arith.constant 0 : i32
        %dma_wait3A_572 = arith.constant 0 : i32
        %dma_wait3A_573 = tpu.memref_slice %arg12[%dma_wait3A_571, %dma_wait3A_572] : memref<10016x128xf32, #tpu.memory_space<vmem_shared>> -> memref<10016x128xf32, #tpu.memory_space<vmem_shared>>
        tpu.wait_indirect_dma semaphore(%run_scoped3A : memref<!tpu.dma_semaphore, #tpu.memory_space<semaphore_mem>>) src(%arg8 : memref<128x128xf32, #tpu.memory_space<vmem>>) dst(%dma_wait3A_573 : memref<10016x128xf32, #tpu.memory_space<vmem_shared>>)
        tpu.yield
      }) : () -> ()
      %add3A_555 = arith.constant 3 : i32
      %add3A_556 = arith.addi %add3A_522, %add3A_555 : i32
      %lt3A_557 = arith.constant 16 : i32
      %lt3A_558 = arith.cmpi slt, %add3A_556, %lt3A_557 : i32
      %convert_element_type3A_559 = arith.extui %lt3A_558 : i1 to i32
      %cond3A_560 = arith.constant 0 : i32
      %cond3A_561 = arith.cmpi ne, %convert_element_type3A_559, %cond3A_560 : i32
      scf.if %cond3A_561 {
        %add3A_562 = arith.constant 3 : i32
        %add3A_563 = arith.addi %add3A_522, %add3A_562 : i32
        %mul3A_564 = arith.constant 2 : i32
        %mul3A_565 = arith.muli %mul3A_564, %add3A_563 : i32
        %dma_start3A_566 = arith.constant 0 : i32
        %dma_start3A_567 = tpu.memref_slice %arg5[%mul3A_565, %dma_start3A_566] : memref<32x128xi32, #tpu.memory_space<vmem>> -> memref<1x128xi32, #tpu.memory_space<vmem>>
        %dma_start3A_568 = tpu.memref_squeeze %dma_start3A_567 : memref<1x128xi32, #tpu.memory_space<vmem>> -> memref<128xi32, #tpu.memory_space<vmem>>
        %dma_start3A_569 = arith.constant 0 : i32
        %dma_start3A_570 = arith.constant 0 : i32
        %dma_start3A_571 = tpu.memref_slice %arg2[%dma_start3A_569, %dma_start3A_570] : memref<10000x128xf32, #tpu.memory_space<hbm>> -> memref<10000x128xf32, #tpu.memory_space<hbm>>
        tpu.enqueue_indirect_dma source(%dma_start3A_571 : memref<10000x128xf32, #tpu.memory_space<hbm>>) target(%arg8 : memref<128x128xf32, #tpu.memory_space<vmem>>) offsets(%dma_start3A_568 : memref<128xi32, #tpu.memory_space<vmem>>) semaphore(%arg10 : memref<!tpu.dma_semaphore, #tpu.memory_space<semaphore_mem>>)
      } else {
      }
    }
    %scan3A_315 = arith.constant 8 : i32
    %barrier3A_316 = arith.constant 0 : index
    tpu.barrier barrier_id(%barrier3A_316)
    %mul3A_317 = arith.constant 624 : i32
    %mul3A_318 = arith.muli %arg1, %mul3A_317 : i32
    %dma_start3A_319 = arith.constant 0 : i32
    %dma_start3A_320 = arith.constant 0 : i32
    %dma_start3A_321 = tpu.memref_slice %arg7[%dma_start3A_319, %dma_start3A_320] : memref<128x128xf32, #tpu.memory_space<vmem>> -> memref<104x128xf32, #tpu.memory_space<vmem>>
    %dma_start3A_322 = arith.constant 0 : i32
    %dma_start3A_323 = tpu.memref_slice %arg12[%mul3A_318, %dma_start3A_322] : memref<10016x128xf32, #tpu.memory_space<vmem_shared>> -> memref<104x128xf32, #tpu.memory_space<vmem_shared>>
    %dma_start3A_324 = arith.constant 0 : i32
    %dma_start3A_325 = arith.constant 0 : i32
    %dma_start3A_326 = tpu.memref_slice %arg7[%dma_start3A_324, %dma_start3A_325] : memref<128x128xf32, #tpu.memory_space<vmem>> -> memref<104x128xf32, #tpu.memory_space<vmem>>
    %dma_start3A_327 = arith.constant 0 : i32
    %dma_start3A_328 = tpu.memref_slice %arg12[%mul3A_318, %dma_start3A_327] : memref<10016x128xf32, #tpu.memory_space<vmem_shared>> -> memref<104x128xf32, #tpu.memory_space<vmem_shared>>
    tpu.enqueue_dma source(%dma_start3A_328 : memref<104x128xf32, #tpu.memory_space<vmem_shared>>) target(%dma_start3A_326 : memref<104x128xf32, #tpu.memory_space<vmem>>) target_semaphore(%arg9 : memref<!tpu.dma_semaphore, #tpu.memory_space<semaphore_mem>>)
    %mul3A_329 = arith.constant 624 : i32
    %mul3A_330 = arith.muli %arg1, %mul3A_329 : i32
    %dma_wait3A_331 = arith.constant 0 : i32
    %dma_wait3A_332 = arith.constant 0 : i32
    %dma_wait3A_333 = tpu.memref_slice %arg7[%dma_wait3A_331, %dma_wait3A_332] : memref<128x128xf32, #tpu.memory_space<vmem>> -> memref<104x128xf32, #tpu.memory_space<vmem>>
    %dma_wait3A_334 = arith.constant 0 : i32
    %dma_wait3A_335 = tpu.memref_slice %arg12[%mul3A_330, %dma_wait3A_334] : memref<10016x128xf32, #tpu.memory_space<vmem_shared>> -> memref<104x128xf32, #tpu.memory_space<vmem_shared>>
    %dma_wait3A_336 = arith.constant 0 : i32
    %dma_wait3A_337 = arith.constant 0 : i32
    %dma_wait3A_338 = tpu.memref_slice %arg7[%dma_wait3A_336, %dma_wait3A_337] : memref<128x128xf32, #tpu.memory_space<vmem>> -> memref<104x128xf32, #tpu.memory_space<vmem>>
    %dma_wait3A_339 = arith.constant 0 : i32
    %dma_wait3A_340 = tpu.memref_slice %arg12[%mul3A_330, %dma_wait3A_339] : memref<10016x128xf32, #tpu.memory_space<vmem_shared>> -> memref<104x128xf32, #tpu.memory_space<vmem_shared>>
    tpu.wait_dma2 semaphore(%arg9 : memref<!tpu.dma_semaphore, #tpu.memory_space<semaphore_mem>>) src(%dma_wait3A_340 : memref<104x128xf32, #tpu.memory_space<vmem_shared>>) dst(%dma_wait3A_338 : memref<104x128xf32, #tpu.memory_space<vmem>>)
    %mul3A_341 = arith.constant 624 : i32
    %mul3A_342 = arith.muli %arg1, %mul3A_341 : i32
    %add3A_343 = arith.constant 104 : i32
    %add3A_344 = arith.addi %mul3A_342, %add3A_343 : i32
    %dma_start3A_345 = arith.constant 0 : i32
    %dma_start3A_346 = arith.constant 0 : i32
    %dma_start3A_347 = tpu.memref_slice %arg8[%dma_start3A_345, %dma_start3A_346] : memref<128x128xf32, #tpu.memory_space<vmem>> -> memref<104x128xf32, #tpu.memory_space<vmem>>
    %dma_start3A_348 = arith.constant 0 : i32
    %dma_start3A_349 = tpu.memref_slice %arg12[%add3A_344, %dma_start3A_348] : memref<10016x128xf32, #tpu.memory_space<vmem_shared>> -> memref<104x128xf32, #tpu.memory_space<vmem_shared>>
    %dma_start3A_350 = arith.constant 0 : i32
    %dma_start3A_351 = arith.constant 0 : i32
    %dma_start3A_352 = tpu.memref_slice %arg8[%dma_start3A_350, %dma_start3A_351] : memref<128x128xf32, #tpu.memory_space<vmem>> -> memref<104x128xf32, #tpu.memory_space<vmem>>
    %dma_start3A_353 = arith.constant 0 : i32
    %dma_start3A_354 = tpu.memref_slice %arg12[%add3A_344, %dma_start3A_353] : memref<10016x128xf32, #tpu.memory_space<vmem_shared>> -> memref<104x128xf32, #tpu.memory_space<vmem_shared>>
    tpu.enqueue_dma source(%dma_start3A_354 : memref<104x128xf32, #tpu.memory_space<vmem_shared>>) target(%dma_start3A_352 : memref<104x128xf32, #tpu.memory_space<vmem>>) target_semaphore(%arg10 : memref<!tpu.dma_semaphore, #tpu.memory_space<semaphore_mem>>)
    %mul3A_355 = arith.constant 10000 : i32
    %mul3A_356 = arith.muli %arg0, %mul3A_355 : i32
    %mul3A_357 = arith.constant 624 : i32
    %mul3A_358 = arith.muli %arg1, %mul3A_357 : i32
    %add3A_359 = arith.addi %mul3A_356, %mul3A_358 : i32
    %add3A_360 = arith.constant 0 : i32
    %add3A_361 = arith.addi %add3A_359, %add3A_360 : i32
    "tpu.region"() ({
      %run_scoped3A = tpu.sem_alloc : memref<!tpu.dma_semaphore, #tpu.memory_space<semaphore_mem>>
      %dma_start3A_518 = arith.constant 0 : i32
      %dma_start3A_519 = arith.constant 0 : i32
      %dma_start3A_520 = tpu.memref_slice %arg7[%dma_start3A_518, %dma_start3A_519] : memref<128x128xf32, #tpu.memory_space<vmem>> -> memref<104x128xf32, #tpu.memory_space<vmem>>
      %dma_start3A_521 = arith.constant 0 : i32
      %dma_start3A_522 = tpu.memref_slice %arg4[%add3A_361, %dma_start3A_521] : memref<20000x128xf32, #tpu.memory_space<hbm>> -> memref<104x128xf32, #tpu.memory_space<hbm>>
      %dma_start3A_523 = arith.constant 0 : i32
      %dma_start3A_524 = tpu.memref_slice %arg4[%add3A_361, %dma_start3A_523] : memref<20000x128xf32, #tpu.memory_space<hbm>> -> memref<104x128xf32, #tpu.memory_space<hbm>>
      %dma_start3A_525 = arith.constant 0 : i32
      %dma_start3A_526 = arith.constant 0 : i32
      %dma_start3A_527 = tpu.memref_slice %arg7[%dma_start3A_525, %dma_start3A_526] : memref<128x128xf32, #tpu.memory_space<vmem>> -> memref<104x128xf32, #tpu.memory_space<vmem>>
      tpu.enqueue_dma source(%dma_start3A_527 : memref<104x128xf32, #tpu.memory_space<vmem>>) target(%dma_start3A_524 : memref<104x128xf32, #tpu.memory_space<hbm>>) target_semaphore(%run_scoped3A : memref<!tpu.dma_semaphore, #tpu.memory_space<semaphore_mem>>)
      %dma_wait3A_528 = arith.constant 0 : i32
      %dma_wait3A_529 = arith.constant 0 : i32
      %dma_wait3A_530 = tpu.memref_slice %arg7[%dma_wait3A_528, %dma_wait3A_529] : memref<128x128xf32, #tpu.memory_space<vmem>> -> memref<104x128xf32, #tpu.memory_space<vmem>>
      %dma_wait3A_531 = arith.constant 0 : i32
      %dma_wait3A_532 = tpu.memref_slice %arg4[%add3A_361, %dma_wait3A_531] : memref<20000x128xf32, #tpu.memory_space<hbm>> -> memref<104x128xf32, #tpu.memory_space<hbm>>
      %dma_wait3A_533 = arith.constant 0 : i32
      %dma_wait3A_534 = tpu.memref_slice %arg4[%add3A_361, %dma_wait3A_533] : memref<20000x128xf32, #tpu.memory_space<hbm>> -> memref<104x128xf32, #tpu.memory_space<hbm>>
      %dma_wait3A_535 = arith.constant 0 : i32
      %dma_wait3A_536 = arith.constant 0 : i32
      %dma_wait3A_537 = tpu.memref_slice %arg7[%dma_wait3A_535, %dma_wait3A_536] : memref<128x128xf32, #tpu.memory_space<vmem>> -> memref<104x128xf32, #tpu.memory_space<vmem>>
      tpu.wait_dma2 semaphore(%run_scoped3A : memref<!tpu.dma_semaphore, #tpu.memory_space<semaphore_mem>>) src(%dma_wait3A_537 : memref<104x128xf32, #tpu.memory_space<vmem>>) dst(%dma_wait3A_534 : memref<104x128xf32, #tpu.memory_space<hbm>>)
      tpu.yield
    }) : () -> ()
    %mul3A_362 = arith.constant 624 : i32
    %mul3A_363 = arith.muli %arg1, %mul3A_362 : i32
    %dma_wait3A_364 = arith.constant 0 : i32
    %dma_wait3A_365 = arith.constant 0 : i32
    %dma_wait3A_366 = tpu.memref_slice %arg8[%dma_wait3A_364, %dma_wait3A_365] : memref<128x128xf32, #tpu.memory_space<vmem>> -> memref<104x128xf32, #tpu.memory_space<vmem>>
    %dma_wait3A_367 = arith.constant 0 : i32
    %dma_wait3A_368 = tpu.memref_slice %arg12[%mul3A_363, %dma_wait3A_367] : memref<10016x128xf32, #tpu.memory_space<vmem_shared>> -> memref<104x128xf32, #tpu.memory_space<vmem_shared>>
    %dma_wait3A_369 = arith.constant 0 : i32
    %dma_wait3A_370 = arith.constant 0 : i32
    %dma_wait3A_371 = tpu.memref_slice %arg8[%dma_wait3A_369, %dma_wait3A_370] : memref<128x128xf32, #tpu.memory_space<vmem>> -> memref<104x128xf32, #tpu.memory_space<vmem>>
    %dma_wait3A_372 = arith.constant 0 : i32
    %dma_wait3A_373 = tpu.memref_slice %arg12[%mul3A_363, %dma_wait3A_372] : memref<10016x128xf32, #tpu.memory_space<vmem_shared>> -> memref<104x128xf32, #tpu.memory_space<vmem_shared>>
    tpu.wait_dma2 semaphore(%arg10 : memref<!tpu.dma_semaphore, #tpu.memory_space<semaphore_mem>>) src(%dma_wait3A_373 : memref<104x128xf32, #tpu.memory_space<vmem_shared>>) dst(%dma_wait3A_371 : memref<104x128xf32, #tpu.memory_space<vmem>>)
    %mul3A_374 = arith.constant 624 : i32
    %mul3A_375 = arith.muli %arg1, %mul3A_374 : i32
    %add3A_376 = arith.constant 208 : i32
    %add3A_377 = arith.addi %mul3A_375, %add3A_376 : i32
    %dma_start3A_378 = arith.constant 0 : i32
    %dma_start3A_379 = arith.constant 0 : i32
    %dma_start3A_380 = tpu.memref_slice %arg7[%dma_start3A_378, %dma_start3A_379] : memref<128x128xf32, #tpu.memory_space<vmem>> -> memref<104x128xf32, #tpu.memory_space<vmem>>
    %dma_start3A_381 = arith.constant 0 : i32
    %dma_start3A_382 = tpu.memref_slice %arg12[%add3A_377, %dma_start3A_381] : memref<10016x128xf32, #tpu.memory_space<vmem_shared>> -> memref<104x128xf32, #tpu.memory_space<vmem_shared>>
    %dma_start3A_383 = arith.constant 0 : i32
    %dma_start3A_384 = arith.constant 0 : i32
    %dma_start3A_385 = tpu.memref_slice %arg7[%dma_start3A_383, %dma_start3A_384] : memref<128x128xf32, #tpu.memory_space<vmem>> -> memref<104x128xf32, #tpu.memory_space<vmem>>
    %dma_start3A_386 = arith.constant 0 : i32
    %dma_start3A_387 = tpu.memref_slice %arg12[%add3A_377, %dma_start3A_386] : memref<10016x128xf32, #tpu.memory_space<vmem_shared>> -> memref<104x128xf32, #tpu.memory_space<vmem_shared>>
    tpu.enqueue_dma source(%dma_start3A_387 : memref<104x128xf32, #tpu.memory_space<vmem_shared>>) target(%dma_start3A_385 : memref<104x128xf32, #tpu.memory_space<vmem>>) target_semaphore(%arg9 : memref<!tpu.dma_semaphore, #tpu.memory_space<semaphore_mem>>)
    %mul3A_388 = arith.constant 10000 : i32
    %mul3A_389 = arith.muli %arg0, %mul3A_388 : i32
    %mul3A_390 = arith.constant 624 : i32
    %mul3A_391 = arith.muli %arg1, %mul3A_390 : i32
    %add3A_392 = arith.addi %mul3A_389, %mul3A_391 : i32
    %add3A_393 = arith.constant 104 : i32
    %add3A_394 = arith.addi %add3A_392, %add3A_393 : i32
    "tpu.region"() ({
      %run_scoped3A = tpu.sem_alloc : memref<!tpu.dma_semaphore, #tpu.memory_space<semaphore_mem>>
      %dma_start3A_518 = arith.constant 0 : i32
      %dma_start3A_519 = arith.constant 0 : i32
      %dma_start3A_520 = tpu.memref_slice %arg8[%dma_start3A_518, %dma_start3A_519] : memref<128x128xf32, #tpu.memory_space<vmem>> -> memref<104x128xf32, #tpu.memory_space<vmem>>
      %dma_start3A_521 = arith.constant 0 : i32
      %dma_start3A_522 = tpu.memref_slice %arg4[%add3A_394, %dma_start3A_521] : memref<20000x128xf32, #tpu.memory_space<hbm>> -> memref<104x128xf32, #tpu.memory_space<hbm>>
      %dma_start3A_523 = arith.constant 0 : i32
      %dma_start3A_524 = tpu.memref_slice %arg4[%add3A_394, %dma_start3A_523] : memref<20000x128xf32, #tpu.memory_space<hbm>> -> memref<104x128xf32, #tpu.memory_space<hbm>>
      %dma_start3A_525 = arith.constant 0 : i32
      %dma_start3A_526 = arith.constant 0 : i32
      %dma_start3A_527 = tpu.memref_slice %arg8[%dma_start3A_525, %dma_start3A_526] : memref<128x128xf32, #tpu.memory_space<vmem>> -> memref<104x128xf32, #tpu.memory_space<vmem>>
      tpu.enqueue_dma source(%dma_start3A_527 : memref<104x128xf32, #tpu.memory_space<vmem>>) target(%dma_start3A_524 : memref<104x128xf32, #tpu.memory_space<hbm>>) target_semaphore(%run_scoped3A : memref<!tpu.dma_semaphore, #tpu.memory_space<semaphore_mem>>)
      %dma_wait3A_528 = arith.constant 0 : i32
      %dma_wait3A_529 = arith.constant 0 : i32
      %dma_wait3A_530 = tpu.memref_slice %arg8[%dma_wait3A_528, %dma_wait3A_529] : memref<128x128xf32, #tpu.memory_space<vmem>> -> memref<104x128xf32, #tpu.memory_space<vmem>>
      %dma_wait3A_531 = arith.constant 0 : i32
      %dma_wait3A_532 = tpu.memref_slice %arg4[%add3A_394, %dma_wait3A_531] : memref<20000x128xf32, #tpu.memory_space<hbm>> -> memref<104x128xf32, #tpu.memory_space<hbm>>
      %dma_wait3A_533 = arith.constant 0 : i32
      %dma_wait3A_534 = tpu.memref_slice %arg4[%add3A_394, %dma_wait3A_533] : memref<20000x128xf32, #tpu.memory_space<hbm>> -> memref<104x128xf32, #tpu.memory_space<hbm>>
      %dma_wait3A_535 = arith.constant 0 : i32
      %dma_wait3A_536 = arith.constant 0 : i32
      %dma_wait3A_537 = tpu.memref_slice %arg8[%dma_wait3A_535, %dma_wait3A_536] : memref<128x128xf32, #tpu.memory_space<vmem>> -> memref<104x128xf32, #tpu.memory_space<vmem>>
      tpu.wait_dma2 semaphore(%run_scoped3A : memref<!tpu.dma_semaphore, #tpu.memory_space<semaphore_mem>>) src(%dma_wait3A_537 : memref<104x128xf32, #tpu.memory_space<vmem>>) dst(%dma_wait3A_534 : memref<104x128xf32, #tpu.memory_space<hbm>>)
      tpu.yield
    }) : () -> ()
    %mul3A_395 = arith.constant 624 : i32
    %mul3A_396 = arith.muli %arg1, %mul3A_395 : i32
    %dma_wait3A_397 = arith.constant 0 : i32
    %dma_wait3A_398 = arith.constant 0 : i32
    %dma_wait3A_399 = tpu.memref_slice %arg7[%dma_wait3A_397, %dma_wait3A_398] : memref<128x128xf32, #tpu.memory_space<vmem>> -> memref<104x128xf32, #tpu.memory_space<vmem>>
    %dma_wait3A_400 = arith.constant 0 : i32
    %dma_wait3A_401 = tpu.memref_slice %arg12[%mul3A_396, %dma_wait3A_400] : memref<10016x128xf32, #tpu.memory_space<vmem_shared>> -> memref<104x128xf32, #tpu.memory_space<vmem_shared>>
    %dma_wait3A_402 = arith.constant 0 : i32
    %dma_wait3A_403 = arith.constant 0 : i32
    %dma_wait3A_404 = tpu.memref_slice %arg7[%dma_wait3A_402, %dma_wait3A_403] : memref<128x128xf32, #tpu.memory_space<vmem>> -> memref<104x128xf32, #tpu.memory_space<vmem>>
    %dma_wait3A_405 = arith.constant 0 : i32
    %dma_wait3A_406 = tpu.memref_slice %arg12[%mul3A_396, %dma_wait3A_405] : memref<10016x128xf32, #tpu.memory_space<vmem_shared>> -> memref<104x128xf32, #tpu.memory_space<vmem_shared>>
    tpu.wait_dma2 semaphore(%arg9 : memref<!tpu.dma_semaphore, #tpu.memory_space<semaphore_mem>>) src(%dma_wait3A_406 : memref<104x128xf32, #tpu.memory_space<vmem_shared>>) dst(%dma_wait3A_404 : memref<104x128xf32, #tpu.memory_space<vmem>>)
    %mul3A_407 = arith.constant 624 : i32
    %mul3A_408 = arith.muli %arg1, %mul3A_407 : i32
    %add3A_409 = arith.constant 312 : i32
    %add3A_410 = arith.addi %mul3A_408, %add3A_409 : i32
    %dma_start3A_411 = arith.constant 0 : i32
    %dma_start3A_412 = arith.constant 0 : i32
    %dma_start3A_413 = tpu.memref_slice %arg8[%dma_start3A_411, %dma_start3A_412] : memref<128x128xf32, #tpu.memory_space<vmem>> -> memref<104x128xf32, #tpu.memory_space<vmem>>
    %dma_start3A_414 = arith.constant 0 : i32
    %dma_start3A_415 = tpu.memref_slice %arg12[%add3A_410, %dma_start3A_414] : memref<10016x128xf32, #tpu.memory_space<vmem_shared>> -> memref<104x128xf32, #tpu.memory_space<vmem_shared>>
    %dma_start3A_416 = arith.constant 0 : i32
    %dma_start3A_417 = arith.constant 0 : i32
    %dma_start3A_418 = tpu.memref_slice %arg8[%dma_start3A_416, %dma_start3A_417] : memref<128x128xf32, #tpu.memory_space<vmem>> -> memref<104x128xf32, #tpu.memory_space<vmem>>
    %dma_start3A_419 = arith.constant 0 : i32
    %dma_start3A_420 = tpu.memref_slice %arg12[%add3A_410, %dma_start3A_419] : memref<10016x128xf32, #tpu.memory_space<vmem_shared>> -> memref<104x128xf32, #tpu.memory_space<vmem_shared>>
    tpu.enqueue_dma source(%dma_start3A_420 : memref<104x128xf32, #tpu.memory_space<vmem_shared>>) target(%dma_start3A_418 : memref<104x128xf32, #tpu.memory_space<vmem>>) target_semaphore(%arg10 : memref<!tpu.dma_semaphore, #tpu.memory_space<semaphore_mem>>)
    %mul3A_421 = arith.constant 10000 : i32
    %mul3A_422 = arith.muli %arg0, %mul3A_421 : i32
    %mul3A_423 = arith.constant 624 : i32
    %mul3A_424 = arith.muli %arg1, %mul3A_423 : i32
    %add3A_425 = arith.addi %mul3A_422, %mul3A_424 : i32
    %add3A_426 = arith.constant 208 : i32
    %add3A_427 = arith.addi %add3A_425, %add3A_426 : i32
    "tpu.region"() ({
      %run_scoped3A = tpu.sem_alloc : memref<!tpu.dma_semaphore, #tpu.memory_space<semaphore_mem>>
      %dma_start3A_518 = arith.constant 0 : i32
      %dma_start3A_519 = arith.constant 0 : i32
      %dma_start3A_520 = tpu.memref_slice %arg7[%dma_start3A_518, %dma_start3A_519] : memref<128x128xf32, #tpu.memory_space<vmem>> -> memref<104x128xf32, #tpu.memory_space<vmem>>
      %dma_start3A_521 = arith.constant 0 : i32
      %dma_start3A_522 = tpu.memref_slice %arg4[%add3A_427, %dma_start3A_521] : memref<20000x128xf32, #tpu.memory_space<hbm>> -> memref<104x128xf32, #tpu.memory_space<hbm>>
      %dma_start3A_523 = arith.constant 0 : i32
      %dma_start3A_524 = tpu.memref_slice %arg4[%add3A_427, %dma_start3A_523] : memref<20000x128xf32, #tpu.memory_space<hbm>> -> memref<104x128xf32, #tpu.memory_space<hbm>>
      %dma_start3A_525 = arith.constant 0 : i32
      %dma_start3A_526 = arith.constant 0 : i32
      %dma_start3A_527 = tpu.memref_slice %arg7[%dma_start3A_525, %dma_start3A_526] : memref<128x128xf32, #tpu.memory_space<vmem>> -> memref<104x128xf32, #tpu.memory_space<vmem>>
      tpu.enqueue_dma source(%dma_start3A_527 : memref<104x128xf32, #tpu.memory_space<vmem>>) target(%dma_start3A_524 : memref<104x128xf32, #tpu.memory_space<hbm>>) target_semaphore(%run_scoped3A : memref<!tpu.dma_semaphore, #tpu.memory_space<semaphore_mem>>)
      %dma_wait3A_528 = arith.constant 0 : i32
      %dma_wait3A_529 = arith.constant 0 : i32
      %dma_wait3A_530 = tpu.memref_slice %arg7[%dma_wait3A_528, %dma_wait3A_529] : memref<128x128xf32, #tpu.memory_space<vmem>> -> memref<104x128xf32, #tpu.memory_space<vmem>>
      %dma_wait3A_531 = arith.constant 0 : i32
      %dma_wait3A_532 = tpu.memref_slice %arg4[%add3A_427, %dma_wait3A_531] : memref<20000x128xf32, #tpu.memory_space<hbm>> -> memref<104x128xf32, #tpu.memory_space<hbm>>
      %dma_wait3A_533 = arith.constant 0 : i32
      %dma_wait3A_534 = tpu.memref_slice %arg4[%add3A_427, %dma_wait3A_533] : memref<20000x128xf32, #tpu.memory_space<hbm>> -> memref<104x128xf32, #tpu.memory_space<hbm>>
      %dma_wait3A_535 = arith.constant 0 : i32
      %dma_wait3A_536 = arith.constant 0 : i32
      %dma_wait3A_537 = tpu.memref_slice %arg7[%dma_wait3A_535, %dma_wait3A_536] : memref<128x128xf32, #tpu.memory_space<vmem>> -> memref<104x128xf32, #tpu.memory_space<vmem>>
      tpu.wait_dma2 semaphore(%run_scoped3A : memref<!tpu.dma_semaphore, #tpu.memory_space<semaphore_mem>>) src(%dma_wait3A_537 : memref<104x128xf32, #tpu.memory_space<vmem>>) dst(%dma_wait3A_534 : memref<104x128xf32, #tpu.memory_space<hbm>>)
      tpu.yield
    }) : () -> ()
    %mul3A_428 = arith.constant 624 : i32
    %mul3A_429 = arith.muli %arg1, %mul3A_428 : i32
    %dma_wait3A_430 = arith.constant 0 : i32
    %dma_wait3A_431 = arith.constant 0 : i32
    %dma_wait3A_432 = tpu.memref_slice %arg8[%dma_wait3A_430, %dma_wait3A_431] : memref<128x128xf32, #tpu.memory_space<vmem>> -> memref<104x128xf32, #tpu.memory_space<vmem>>
    %dma_wait3A_433 = arith.constant 0 : i32
    %dma_wait3A_434 = tpu.memref_slice %arg12[%mul3A_429, %dma_wait3A_433] : memref<10016x128xf32, #tpu.memory_space<vmem_shared>> -> memref<104x128xf32, #tpu.memory_space<vmem_shared>>
    %dma_wait3A_435 = arith.constant 0 : i32
    %dma_wait3A_436 = arith.constant 0 : i32
    %dma_wait3A_437 = tpu.memref_slice %arg8[%dma_wait3A_435, %dma_wait3A_436] : memref<128x128xf32, #tpu.memory_space<vmem>> -> memref<104x128xf32, #tpu.memory_space<vmem>>
    %dma_wait3A_438 = arith.constant 0 : i32
    %dma_wait3A_439 = tpu.memref_slice %arg12[%mul3A_429, %dma_wait3A_438] : memref<10016x128xf32, #tpu.memory_space<vmem_shared>> -> memref<104x128xf32, #tpu.memory_space<vmem_shared>>
    tpu.wait_dma2 semaphore(%arg10 : memref<!tpu.dma_semaphore, #tpu.memory_space<semaphore_mem>>) src(%dma_wait3A_439 : memref<104x128xf32, #tpu.memory_space<vmem_shared>>) dst(%dma_wait3A_437 : memref<104x128xf32, #tpu.memory_space<vmem>>)
    %mul3A_440 = arith.constant 624 : i32
    %mul3A_441 = arith.muli %arg1, %mul3A_440 : i32
    %add3A_442 = arith.constant 416 : i32
    %add3A_443 = arith.addi %mul3A_441, %add3A_442 : i32
    %dma_start3A_444 = arith.constant 0 : i32
    %dma_start3A_445 = arith.constant 0 : i32
    %dma_start3A_446 = tpu.memref_slice %arg7[%dma_start3A_444, %dma_start3A_445] : memref<128x128xf32, #tpu.memory_space<vmem>> -> memref<104x128xf32, #tpu.memory_space<vmem>>
    %dma_start3A_447 = arith.constant 0 : i32
    %dma_start3A_448 = tpu.memref_slice %arg12[%add3A_443, %dma_start3A_447] : memref<10016x128xf32, #tpu.memory_space<vmem_shared>> -> memref<104x128xf32, #tpu.memory_space<vmem_shared>>
    %dma_start3A_449 = arith.constant 0 : i32
    %dma_start3A_450 = arith.constant 0 : i32
    %dma_start3A_451 = tpu.memref_slice %arg7[%dma_start3A_449, %dma_start3A_450] : memref<128x128xf32, #tpu.memory_space<vmem>> -> memref<104x128xf32, #tpu.memory_space<vmem>>
    %dma_start3A_452 = arith.constant 0 : i32
    %dma_start3A_453 = tpu.memref_slice %arg12[%add3A_443, %dma_start3A_452] : memref<10016x128xf32, #tpu.memory_space<vmem_shared>> -> memref<104x128xf32, #tpu.memory_space<vmem_shared>>
    tpu.enqueue_dma source(%dma_start3A_453 : memref<104x128xf32, #tpu.memory_space<vmem_shared>>) target(%dma_start3A_451 : memref<104x128xf32, #tpu.memory_space<vmem>>) target_semaphore(%arg9 : memref<!tpu.dma_semaphore, #tpu.memory_space<semaphore_mem>>)
    %mul3A_454 = arith.constant 10000 : i32
    %mul3A_455 = arith.muli %arg0, %mul3A_454 : i32
    %mul3A_456 = arith.constant 624 : i32
    %mul3A_457 = arith.muli %arg1, %mul3A_456 : i32
    %add3A_458 = arith.addi %mul3A_455, %mul3A_457 : i32
    %add3A_459 = arith.constant 312 : i32
    %add3A_460 = arith.addi %add3A_458, %add3A_459 : i32
    "tpu.region"() ({
      %run_scoped3A = tpu.sem_alloc : memref<!tpu.dma_semaphore, #tpu.memory_space<semaphore_mem>>
      %dma_start3A_518 = arith.constant 0 : i32
      %dma_start3A_519 = arith.constant 0 : i32
      %dma_start3A_520 = tpu.memref_slice %arg8[%dma_start3A_518, %dma_start3A_519] : memref<128x128xf32, #tpu.memory_space<vmem>> -> memref<104x128xf32, #tpu.memory_space<vmem>>
      %dma_start3A_521 = arith.constant 0 : i32
      %dma_start3A_522 = tpu.memref_slice %arg4[%add3A_460, %dma_start3A_521] : memref<20000x128xf32, #tpu.memory_space<hbm>> -> memref<104x128xf32, #tpu.memory_space<hbm>>
      %dma_start3A_523 = arith.constant 0 : i32
      %dma_start3A_524 = tpu.memref_slice %arg4[%add3A_460, %dma_start3A_523] : memref<20000x128xf32, #tpu.memory_space<hbm>> -> memref<104x128xf32, #tpu.memory_space<hbm>>
      %dma_start3A_525 = arith.constant 0 : i32
      %dma_start3A_526 = arith.constant 0 : i32
      %dma_start3A_527 = tpu.memref_slice %arg8[%dma_start3A_525, %dma_start3A_526] : memref<128x128xf32, #tpu.memory_space<vmem>> -> memref<104x128xf32, #tpu.memory_space<vmem>>
      tpu.enqueue_dma source(%dma_start3A_527 : memref<104x128xf32, #tpu.memory_space<vmem>>) target(%dma_start3A_524 : memref<104x128xf32, #tpu.memory_space<hbm>>) target_semaphore(%run_scoped3A : memref<!tpu.dma_semaphore, #tpu.memory_space<semaphore_mem>>)
      %dma_wait3A_528 = arith.constant 0 : i32
      %dma_wait3A_529 = arith.constant 0 : i32
      %dma_wait3A_530 = tpu.memref_slice %arg8[%dma_wait3A_528, %dma_wait3A_529] : memref<128x128xf32, #tpu.memory_space<vmem>> -> memref<104x128xf32, #tpu.memory_space<vmem>>
      %dma_wait3A_531 = arith.constant 0 : i32
      %dma_wait3A_532 = tpu.memref_slice %arg4[%add3A_460, %dma_wait3A_531] : memref<20000x128xf32, #tpu.memory_space<hbm>> -> memref<104x128xf32, #tpu.memory_space<hbm>>
      %dma_wait3A_533 = arith.constant 0 : i32
      %dma_wait3A_534 = tpu.memref_slice %arg4[%add3A_460, %dma_wait3A_533] : memref<20000x128xf32, #tpu.memory_space<hbm>> -> memref<104x128xf32, #tpu.memory_space<hbm>>
      %dma_wait3A_535 = arith.constant 0 : i32
      %dma_wait3A_536 = arith.constant 0 : i32
      %dma_wait3A_537 = tpu.memref_slice %arg8[%dma_wait3A_535, %dma_wait3A_536] : memref<128x128xf32, #tpu.memory_space<vmem>> -> memref<104x128xf32, #tpu.memory_space<vmem>>
      tpu.wait_dma2 semaphore(%run_scoped3A : memref<!tpu.dma_semaphore, #tpu.memory_space<semaphore_mem>>) src(%dma_wait3A_537 : memref<104x128xf32, #tpu.memory_space<vmem>>) dst(%dma_wait3A_534 : memref<104x128xf32, #tpu.memory_space<hbm>>)
      tpu.yield
    }) : () -> ()
    %mul3A_461 = arith.constant 624 : i32
    %mul3A_462 = arith.muli %arg1, %mul3A_461 : i32
    %dma_wait3A_463 = arith.constant 0 : i32
    %dma_wait3A_464 = arith.constant 0 : i32
    %dma_wait3A_465 = tpu.memref_slice %arg7[%dma_wait3A_463, %dma_wait3A_464] : memref<128x128xf32, #tpu.memory_space<vmem>> -> memref<104x128xf32, #tpu.memory_space<vmem>>
    %dma_wait3A_466 = arith.constant 0 : i32
    %dma_wait3A_467 = tpu.memref_slice %arg12[%mul3A_462, %dma_wait3A_466] : memref<10016x128xf32, #tpu.memory_space<vmem_shared>> -> memref<104x128xf32, #tpu.memory_space<vmem_shared>>
    %dma_wait3A_468 = arith.constant 0 : i32
    %dma_wait3A_469 = arith.constant 0 : i32
    %dma_wait3A_470 = tpu.memref_slice %arg7[%dma_wait3A_468, %dma_wait3A_469] : memref<128x128xf32, #tpu.memory_space<vmem>> -> memref<104x128xf32, #tpu.memory_space<vmem>>
    %dma_wait3A_471 = arith.constant 0 : i32
    %dma_wait3A_472 = tpu.memref_slice %arg12[%mul3A_462, %dma_wait3A_471] : memref<10016x128xf32, #tpu.memory_space<vmem_shared>> -> memref<104x128xf32, #tpu.memory_space<vmem_shared>>
    tpu.wait_dma2 semaphore(%arg9 : memref<!tpu.dma_semaphore, #tpu.memory_space<semaphore_mem>>) src(%dma_wait3A_472 : memref<104x128xf32, #tpu.memory_space<vmem_shared>>) dst(%dma_wait3A_470 : memref<104x128xf32, #tpu.memory_space<vmem>>)
    %mul3A_473 = arith.constant 624 : i32
    %mul3A_474 = arith.muli %arg1, %mul3A_473 : i32
    %add3A_475 = arith.constant 520 : i32
    %add3A_476 = arith.addi %mul3A_474, %add3A_475 : i32
    %dma_start3A_477 = arith.constant 0 : i32
    %dma_start3A_478 = arith.constant 0 : i32
    %dma_start3A_479 = tpu.memref_slice %arg8[%dma_start3A_477, %dma_start3A_478] : memref<128x128xf32, #tpu.memory_space<vmem>> -> memref<104x128xf32, #tpu.memory_space<vmem>>
    %dma_start3A_480 = arith.constant 0 : i32
    %dma_start3A_481 = tpu.memref_slice %arg12[%add3A_476, %dma_start3A_480] : memref<10016x128xf32, #tpu.memory_space<vmem_shared>> -> memref<104x128xf32, #tpu.memory_space<vmem_shared>>
    %dma_start3A_482 = arith.constant 0 : i32
    %dma_start3A_483 = arith.constant 0 : i32
    %dma_start3A_484 = tpu.memref_slice %arg8[%dma_start3A_482, %dma_start3A_483] : memref<128x128xf32, #tpu.memory_space<vmem>> -> memref<104x128xf32, #tpu.memory_space<vmem>>
    %dma_start3A_485 = arith.constant 0 : i32
    %dma_start3A_486 = tpu.memref_slice %arg12[%add3A_476, %dma_start3A_485] : memref<10016x128xf32, #tpu.memory_space<vmem_shared>> -> memref<104x128xf32, #tpu.memory_space<vmem_shared>>
    tpu.enqueue_dma source(%dma_start3A_486 : memref<104x128xf32, #tpu.memory_space<vmem_shared>>) target(%dma_start3A_484 : memref<104x128xf32, #tpu.memory_space<vmem>>) target_semaphore(%arg10 : memref<!tpu.dma_semaphore, #tpu.memory_space<semaphore_mem>>)
    %mul3A_487 = arith.constant 10000 : i32
    %mul3A_488 = arith.muli %arg0, %mul3A_487 : i32
    %mul3A_489 = arith.constant 624 : i32
    %mul3A_490 = arith.muli %arg1, %mul3A_489 : i32
    %add3A_491 = arith.addi %mul3A_488, %mul3A_490 : i32
    %add3A_492 = arith.constant 416 : i32
    %add3A_493 = arith.addi %add3A_491, %add3A_492 : i32
    "tpu.region"() ({
      %run_scoped3A = tpu.sem_alloc : memref<!tpu.dma_semaphore, #tpu.memory_space<semaphore_mem>>
      %dma_start3A_518 = arith.constant 0 : i32
      %dma_start3A_519 = arith.constant 0 : i32
      %dma_start3A_520 = tpu.memref_slice %arg7[%dma_start3A_518, %dma_start3A_519] : memref<128x128xf32, #tpu.memory_space<vmem>> -> memref<104x128xf32, #tpu.memory_space<vmem>>
      %dma_start3A_521 = arith.constant 0 : i32
      %dma_start3A_522 = tpu.memref_slice %arg4[%add3A_493, %dma_start3A_521] : memref<20000x128xf32, #tpu.memory_space<hbm>> -> memref<104x128xf32, #tpu.memory_space<hbm>>
      %dma_start3A_523 = arith.constant 0 : i32
      %dma_start3A_524 = tpu.memref_slice %arg4[%add3A_493, %dma_start3A_523] : memref<20000x128xf32, #tpu.memory_space<hbm>> -> memref<104x128xf32, #tpu.memory_space<hbm>>
      %dma_start3A_525 = arith.constant 0 : i32
      %dma_start3A_526 = arith.constant 0 : i32
      %dma_start3A_527 = tpu.memref_slice %arg7[%dma_start3A_525, %dma_start3A_526] : memref<128x128xf32, #tpu.memory_space<vmem>> -> memref<104x128xf32, #tpu.memory_space<vmem>>
      tpu.enqueue_dma source(%dma_start3A_527 : memref<104x128xf32, #tpu.memory_space<vmem>>) target(%dma_start3A_524 : memref<104x128xf32, #tpu.memory_space<hbm>>) target_semaphore(%run_scoped3A : memref<!tpu.dma_semaphore, #tpu.memory_space<semaphore_mem>>)
      %dma_wait3A_528 = arith.constant 0 : i32
      %dma_wait3A_529 = arith.constant 0 : i32
      %dma_wait3A_530 = tpu.memref_slice %arg7[%dma_wait3A_528, %dma_wait3A_529] : memref<128x128xf32, #tpu.memory_space<vmem>> -> memref<104x128xf32, #tpu.memory_space<vmem>>
      %dma_wait3A_531 = arith.constant 0 : i32
      %dma_wait3A_532 = tpu.memref_slice %arg4[%add3A_493, %dma_wait3A_531] : memref<20000x128xf32, #tpu.memory_space<hbm>> -> memref<104x128xf32, #tpu.memory_space<hbm>>
      %dma_wait3A_533 = arith.constant 0 : i32
      %dma_wait3A_534 = tpu.memref_slice %arg4[%add3A_493, %dma_wait3A_533] : memref<20000x128xf32, #tpu.memory_space<hbm>> -> memref<104x128xf32, #tpu.memory_space<hbm>>
      %dma_wait3A_535 = arith.constant 0 : i32
      %dma_wait3A_536 = arith.constant 0 : i32
      %dma_wait3A_537 = tpu.memref_slice %arg7[%dma_wait3A_535, %dma_wait3A_536] : memref<128x128xf32, #tpu.memory_space<vmem>> -> memref<104x128xf32, #tpu.memory_space<vmem>>
      tpu.wait_dma2 semaphore(%run_scoped3A : memref<!tpu.dma_semaphore, #tpu.memory_space<semaphore_mem>>) src(%dma_wait3A_537 : memref<104x128xf32, #tpu.memory_space<vmem>>) dst(%dma_wait3A_534 : memref<104x128xf32, #tpu.memory_space<hbm>>)
      tpu.yield
    }) : () -> ()
    %mul3A_494 = arith.constant 624 : i32
    %mul3A_495 = arith.muli %arg1, %mul3A_494 : i32
    %dma_wait3A_496 = arith.constant 0 : i32
    %dma_wait3A_497 = arith.constant 0 : i32
    %dma_wait3A_498 = tpu.memref_slice %arg8[%dma_wait3A_496, %dma_wait3A_497] : memref<128x128xf32, #tpu.memory_space<vmem>> -> memref<104x128xf32, #tpu.memory_space<vmem>>
    %dma_wait3A_499 = arith.constant 0 : i32
    %dma_wait3A_500 = tpu.memref_slice %arg12[%mul3A_495, %dma_wait3A_499] : memref<10016x128xf32, #tpu.memory_space<vmem_shared>> -> memref<104x128xf32, #tpu.memory_space<vmem_shared>>
    %dma_wait3A_501 = arith.constant 0 : i32
    %dma_wait3A_502 = arith.constant 0 : i32
    %dma_wait3A_503 = tpu.memref_slice %arg8[%dma_wait3A_501, %dma_wait3A_502] : memref<128x128xf32, #tpu.memory_space<vmem>> -> memref<104x128xf32, #tpu.memory_space<vmem>>
    %dma_wait3A_504 = arith.constant 0 : i32
    %dma_wait3A_505 = tpu.memref_slice %arg12[%mul3A_495, %dma_wait3A_504] : memref<10016x128xf32, #tpu.memory_space<vmem_shared>> -> memref<104x128xf32, #tpu.memory_space<vmem_shared>>
    tpu.wait_dma2 semaphore(%arg10 : memref<!tpu.dma_semaphore, #tpu.memory_space<semaphore_mem>>) src(%dma_wait3A_505 : memref<104x128xf32, #tpu.memory_space<vmem_shared>>) dst(%dma_wait3A_503 : memref<104x128xf32, #tpu.memory_space<vmem>>)
    %mul3A_506 = arith.constant 10000 : i32
    %mul3A_507 = arith.muli %arg0, %mul3A_506 : i32
    %mul3A_508 = arith.constant 624 : i32
    %mul3A_509 = arith.muli %arg1, %mul3A_508 : i32
    %add3A_510 = arith.addi %mul3A_507, %mul3A_509 : i32
    %add3A_511 = arith.constant 520 : i32
    %add3A_512 = arith.addi %add3A_510, %add3A_511 : i32
    "tpu.region"() ({
      %run_scoped3A = tpu.sem_alloc : memref<!tpu.dma_semaphore, #tpu.memory_space<semaphore_mem>>
      %dma_start3A_518 = arith.constant 0 : i32
      %dma_start3A_519 = arith.constant 0 : i32
      %dma_start3A_520 = tpu.memref_slice %arg8[%dma_start3A_518, %dma_start3A_519] : memref<128x128xf32, #tpu.memory_space<vmem>> -> memref<104x128xf32, #tpu.memory_space<vmem>>
      %dma_start3A_521 = arith.constant 0 : i32
      %dma_start3A_522 = tpu.memref_slice %arg4[%add3A_512, %dma_start3A_521] : memref<20000x128xf32, #tpu.memory_space<hbm>> -> memref<104x128xf32, #tpu.memory_space<hbm>>
      %dma_start3A_523 = arith.constant 0 : i32
      %dma_start3A_524 = tpu.memref_slice %arg4[%add3A_512, %dma_start3A_523] : memref<20000x128xf32, #tpu.memory_space<hbm>> -> memref<104x128xf32, #tpu.memory_space<hbm>>
      %dma_start3A_525 = arith.constant 0 : i32
      %dma_start3A_526 = arith.constant 0 : i32
      %dma_start3A_527 = tpu.memref_slice %arg8[%dma_start3A_525, %dma_start3A_526] : memref<128x128xf32, #tpu.memory_space<vmem>> -> memref<104x128xf32, #tpu.memory_space<vmem>>
      tpu.enqueue_dma source(%dma_start3A_527 : memref<104x128xf32, #tpu.memory_space<vmem>>) target(%dma_start3A_524 : memref<104x128xf32, #tpu.memory_space<hbm>>) target_semaphore(%run_scoped3A : memref<!tpu.dma_semaphore, #tpu.memory_space<semaphore_mem>>)
      %dma_wait3A_528 = arith.constant 0 : i32
      %dma_wait3A_529 = arith.constant 0 : i32
      %dma_wait3A_530 = tpu.memref_slice %arg8[%dma_wait3A_528, %dma_wait3A_529] : memref<128x128xf32, #tpu.memory_space<vmem>> -> memref<104x128xf32, #tpu.memory_space<vmem>>
      %dma_wait3A_531 = arith.constant 0 : i32
      %dma_wait3A_532 = tpu.memref_slice %arg4[%add3A_512, %dma_wait3A_531] : memref<20000x128xf32, #tpu.memory_space<hbm>> -> memref<104x128xf32, #tpu.memory_space<hbm>>
      %dma_wait3A_533 = arith.constant 0 : i32
      %dma_wait3A_534 = tpu.memref_slice %arg4[%add3A_512, %dma_wait3A_533] : memref<20000x128xf32, #tpu.memory_space<hbm>> -> memref<104x128xf32, #tpu.memory_space<hbm>>
      %dma_wait3A_535 = arith.constant 0 : i32
      %dma_wait3A_536 = arith.constant 0 : i32
      %dma_wait3A_537 = tpu.memref_slice %arg8[%dma_wait3A_535, %dma_wait3A_536] : memref<128x128xf32, #tpu.memory_space<vmem>> -> memref<104x128xf32, #tpu.memory_space<vmem>>
      tpu.wait_dma2 semaphore(%run_scoped3A : memref<!tpu.dma_semaphore, #tpu.memory_space<semaphore_mem>>) src(%dma_wait3A_537 : memref<104x128xf32, #tpu.memory_space<vmem>>) dst(%dma_wait3A_534 : memref<104x128xf32, #tpu.memory_space<hbm>>)
      tpu.yield
    }) : () -> ()
    %eq3A_513 = arith.constant 15 : i32
    %eq3A_514 = arith.cmpi eq, %arg1, %eq3A_513 : i32
    %convert_element_type3A_515 = arith.extui %eq3A_514 : i1 to i32
    %cond3A_516 = arith.constant 0 : i32
    %cond3A_517 = arith.cmpi ne, %convert_element_type3A_515, %cond3A_516 : i32
    scf.if %cond3A_517 {
      "tpu.region"() ({
        %run_scoped3A = tpu.sem_alloc : memref<!tpu.dma_semaphore, #tpu.memory_space<semaphore_mem>>
        %dma_start3A_522 = arith.constant 0 : i32
        %dma_start3A_523 = arith.constant 0 : i32
        %dma_start3A_524 = tpu.memref_slice %arg8[%dma_start3A_522, %dma_start3A_523] : memref<128x128xf32, #tpu.memory_space<vmem>> -> memref<16x128xf32, #tpu.memory_space<vmem>>
        %dma_start3A_525 = arith.constant 9984 : i32
        %dma_start3A_526 = arith.constant 0 : i32
        %dma_start3A_527 = tpu.memref_slice %arg12[%dma_start3A_525, %dma_start3A_526] : memref<10016x128xf32, #tpu.memory_space<vmem_shared>> -> memref<16x128xf32, #tpu.memory_space<vmem_shared>>
        %dma_start3A_528 = arith.constant 0 : i32
        %dma_start3A_529 = arith.constant 0 : i32
        %dma_start3A_530 = tpu.memref_slice %arg8[%dma_start3A_528, %dma_start3A_529] : memref<128x128xf32, #tpu.memory_space<vmem>> -> memref<16x128xf32, #tpu.memory_space<vmem>>
        %dma_start3A_531 = arith.constant 9984 : i32
        %dma_start3A_532 = arith.constant 0 : i32
        %dma_start3A_533 = tpu.memref_slice %arg12[%dma_start3A_531, %dma_start3A_532] : memref<10016x128xf32, #tpu.memory_space<vmem_shared>> -> memref<16x128xf32, #tpu.memory_space<vmem_shared>>
        tpu.enqueue_dma source(%dma_start3A_533 : memref<16x128xf32, #tpu.memory_space<vmem_shared>>) target(%dma_start3A_530 : memref<16x128xf32, #tpu.memory_space<vmem>>) target_semaphore(%run_scoped3A : memref<!tpu.dma_semaphore, #tpu.memory_space<semaphore_mem>>)
        %dma_wait3A_534 = arith.constant 0 : i32
        %dma_wait3A_535 = arith.constant 0 : i32
        %dma_wait3A_536 = tpu.memref_slice %arg8[%dma_wait3A_534, %dma_wait3A_535] : memref<128x128xf32, #tpu.memory_space<vmem>> -> memref<16x128xf32, #tpu.memory_space<vmem>>
        %dma_wait3A_537 = arith.constant 9984 : i32
        %dma_wait3A_538 = arith.constant 0 : i32
        %dma_wait3A_539 = tpu.memref_slice %arg12[%dma_wait3A_537, %dma_wait3A_538] : memref<10016x128xf32, #tpu.memory_space<vmem_shared>> -> memref<16x128xf32, #tpu.memory_space<vmem_shared>>
        %dma_wait3A_540 = arith.constant 0 : i32
        %dma_wait3A_541 = arith.constant 0 : i32
        %dma_wait3A_542 = tpu.memref_slice %arg8[%dma_wait3A_540, %dma_wait3A_541] : memref<128x128xf32, #tpu.memory_space<vmem>> -> memref<16x128xf32, #tpu.memory_space<vmem>>
        %dma_wait3A_543 = arith.constant 9984 : i32
        %dma_wait3A_544 = arith.constant 0 : i32
        %dma_wait3A_545 = tpu.memref_slice %arg12[%dma_wait3A_543, %dma_wait3A_544] : memref<10016x128xf32, #tpu.memory_space<vmem_shared>> -> memref<16x128xf32, #tpu.memory_space<vmem_shared>>
        tpu.wait_dma2 semaphore(%run_scoped3A : memref<!tpu.dma_semaphore, #tpu.memory_space<semaphore_mem>>) src(%dma_wait3A_545 : memref<16x128xf32, #tpu.memory_space<vmem_shared>>) dst(%dma_wait3A_542 : memref<16x128xf32, #tpu.memory_space<vmem>>)
        tpu.yield
      }) : () -> ()
      %mul3A_518 = arith.constant 10000 : i32
      %mul3A_519 = arith.muli %arg0, %mul3A_518 : i32
      %add3A_520 = arith.constant 9984 : i32
      %add3A_521 = arith.addi %mul3A_519, %add3A_520 : i32
      "tpu.region"() ({
        %run_scoped3A = tpu.sem_alloc : memref<!tpu.dma_semaphore, #tpu.memory_space<semaphore_mem>>
        %dma_start3A_522 = arith.constant 0 : i32
        %dma_start3A_523 = arith.constant 0 : i32
        %dma_start3A_524 = tpu.memref_slice %arg8[%dma_start3A_522, %dma_start3A_523] : memref<128x128xf32, #tpu.memory_space<vmem>> -> memref<16x128xf32, #tpu.memory_space<vmem>>
        %dma_start3A_525 = arith.constant 0 : i32
        %dma_start3A_526 = tpu.memref_slice %arg4[%add3A_521, %dma_start3A_525] : memref<20000x128xf32, #tpu.memory_space<hbm>> -> memref<16x128xf32, #tpu.memory_space<hbm>>
        %dma_start3A_527 = arith.constant 0 : i32
        %dma_start3A_528 = tpu.memref_slice %arg4[%add3A_521, %dma_start3A_527] : memref<20000x128xf32, #tpu.memory_space<hbm>> -> memref<16x128xf32, #tpu.memory_space<hbm>>
        %dma_start3A_529 = arith.constant 0 : i32
        %dma_start3A_530 = arith.constant 0 : i32
        %dma_start3A_531 = tpu.memref_slice %arg8[%dma_start3A_529, %dma_start3A_530] : memref<128x128xf32, #tpu.memory_space<vmem>> -> memref<16x128xf32, #tpu.memory_space<vmem>>
        tpu.enqueue_dma source(%dma_start3A_531 : memref<16x128xf32, #tpu.memory_space<vmem>>) target(%dma_start3A_528 : memref<16x128xf32, #tpu.memory_space<hbm>>) target_semaphore(%run_scoped3A : memref<!tpu.dma_semaphore, #tpu.memory_space<semaphore_mem>>)
        %dma_wait3A_532 = arith.constant 0 : i32
        %dma_wait3A_533 = arith.constant 0 : i32
        %dma_wait3A_534 = tpu.memref_slice %arg8[%dma_wait3A_532, %dma_wait3A_533] : memref<128x128xf32, #tpu.memory_space<vmem>> -> memref<16x128xf32, #tpu.memory_space<vmem>>
        %dma_wait3A_535 = arith.constant 0 : i32
        %dma_wait3A_536 = tpu.memref_slice %arg4[%add3A_521, %dma_wait3A_535] : memref<20000x128xf32, #tpu.memory_space<hbm>> -> memref<16x128xf32, #tpu.memory_space<hbm>>
        %dma_wait3A_537 = arith.constant 0 : i32
        %dma_wait3A_538 = tpu.memref_slice %arg4[%add3A_521, %dma_wait3A_537] : memref<20000x128xf32, #tpu.memory_space<hbm>> -> memref<16x128xf32, #tpu.memory_space<hbm>>
        %dma_wait3A_539 = arith.constant 0 : i32
        %dma_wait3A_540 = arith.constant 0 : i32
        %dma_wait3A_541 = tpu.memref_slice %arg8[%dma_wait3A_539, %dma_wait3A_540] : memref<128x128xf32, #tpu.memory_space<vmem>> -> memref<16x128xf32, #tpu.memory_space<vmem>>
        tpu.wait_dma2 semaphore(%run_scoped3A : memref<!tpu.dma_semaphore, #tpu.memory_space<semaphore_mem>>) src(%dma_wait3A_541 : memref<16x128xf32, #tpu.memory_space<vmem>>) dst(%dma_wait3A_538 : memref<16x128xf32, #tpu.memory_space<hbm>>)
        tpu.yield
      }) : () -> ()
    } else {
    }
    return
  }
}

module attributes {stable_mosaic.version = 14 : i64} {
  func.func @_scale_body(%arg0: i32, %arg1: memref<400x128xf32, #tpu.memory_space<vmem>>, %arg2: memref<128x128xf32, #tpu.memory_space<vmem>>, %arg3: memref<400x1xf32, #tpu.memory_space<vmem>>, %arg4: memref<400x1xf32, #tpu.memory_space<vmem>>, %arg5: memref<400x128xf32, #tpu.memory_space<vmem>>, %arg6: memref<400x1xf32, #tpu.memory_space<vmem>>) attributes {dimension_semantics = [#tpu.dimension_semantics<arbitrary>], iteration_bounds = array<i64: 25>, scalar_prefetch = 0 : i64, scratch_operands = 0 : i64, tpu.core_type = #tpu.core_type<tc>, window_params = [{transform_indices = @transform_0, window_bounds = array<i64: 400, 128>}, {pipeline_mode = #tpu.pipeline_mode<synchronous>, transform_indices = @transform_1, window_bounds = array<i64: 128, 128>}, {transform_indices = @transform_2, window_bounds = array<i64: 400, 1>}, {transform_indices = @transform_3, window_bounds = array<i64: 400, 1>}, {transform_indices = @transform_4, window_bounds = array<i64: 400, 128>}, {transform_indices = @transform_5, window_bounds = array<i64: 400, 1>}]} {
    %get3A = arith.constant 0 : index
    %get3A_0 = arith.constant 0 : index
    %get3A_1 = vector.load %arg1[%get3A, %get3A_0] : memref<400x128xf32, #tpu.memory_space<vmem>>, vector<400x128xf32>
    %get3A_2 = arith.constant 0 : index
    %get3A_3 = arith.constant 0 : index
    %get3A_4 = vector.load %arg2[%get3A_2, %get3A_3] : memref<128x128xf32, #tpu.memory_space<vmem>>, vector<128x128xf32>
    %dot_general3A = arith.constant dense<0.000000e+00> : vector<400x128xf32>
    %dot_general3A_5 = tpu.matmul %get3A_1, %get3A_4, %dot_general3A {dimension_numbers = #tpu.dot_dimension_numbers<[1], [0], [0], [1], [0, 0, 1, 1], [], []>, transpose_lhs_hint = false} : vector<400x128xf32>, vector<128x128xf32>, vector<400x128xf32> -> vector<400x128xf32>
    %get3A_6 = arith.constant 0 : index
    %get3A_7 = arith.constant 0 : index
    %get3A_8 = vector.load %arg3[%get3A_6, %get3A_7] : memref<400x1xf32, #tpu.memory_space<vmem>>, vector<400x1xf32>
    %get3A_9 = arith.constant 0 : index
    %get3A_10 = arith.constant 0 : index
    %get3A_11 = vector.load %arg4[%get3A_9, %get3A_10] : memref<400x1xf32, #tpu.memory_space<vmem>>, vector<400x1xf32>
    %add3A = arith.addf %get3A_8, %get3A_11 : vector<400x1xf32>
    %add3A_12 = arith.constant 1.000000e+00 : f32
    %add3A_13 = vector.broadcast %add3A_12 : f32 to vector<400x1xf32>
    %add3A_14 = arith.addf %add3A, %add3A_13 : vector<400x1xf32>
    %rsqrt3A = math.rsqrt %add3A_14 : vector<400x1xf32>
    %mul3A = vector.broadcast %rsqrt3A : vector<400x1xf32> to vector<400x128xf32>
    %mul3A_15 = arith.mulf %mul3A, %dot_general3A_5 : vector<400x128xf32>
    %swap3A = arith.constant 0 : index
    %swap3A_16 = arith.constant 0 : index
    %swap3A_17 = vector.load %arg5[%swap3A, %swap3A_16] : memref<400x128xf32, #tpu.memory_space<vmem>>, vector<400x128xf32>
    tpu.vector_store %arg5[%swap3A, %swap3A_16], %mul3A_15 {strides = array<i32>} : memref<400x128xf32, #tpu.memory_space<vmem>>, vector<400x128xf32>,
    %swap3A_18 = arith.constant 0 : index
    %swap3A_19 = arith.constant 0 : index
    %swap3A_20 = vector.load %arg6[%swap3A_18, %swap3A_19] : memref<400x1xf32, #tpu.memory_space<vmem>>, vector<400x1xf32>
    tpu.vector_store %arg6[%swap3A_18, %swap3A_19], %rsqrt3A {strides = array<i32>} : memref<400x1xf32, #tpu.memory_space<vmem>>, vector<400x1xf32>,
    return
  }
  func.func @transform_0(%arg0: i32) -> (i32, i32) {
    %c0_i32 = arith.constant 0 : i32
    %c0_i32_0 = arith.constant 0 : i32
    return %arg0, %c0_i32 : i32, i32
  }
  func.func @transform_1(%arg0: i32) -> (i32, i32) {
    %c0_i32 = arith.constant 0 : i32
    %c0_i32_0 = arith.constant 0 : i32
    %c0_i32_1 = arith.constant 0 : i32
    return %c0_i32, %c0_i32_0 : i32, i32
  }
  func.func @transform_2(%arg0: i32) -> (i32, i32) {
    %c0_i32 = arith.constant 0 : i32
    %c0_i32_0 = arith.constant 0 : i32
    return %arg0, %c0_i32 : i32, i32
  }
  func.func @transform_3(%arg0: i32) -> (i32, i32) {
    %c0_i32 = arith.constant 0 : i32
    %c0_i32_0 = arith.constant 0 : i32
    return %arg0, %c0_i32 : i32, i32
  }
  func.func @transform_4(%arg0: i32) -> (i32, i32) {
    %c0_i32 = arith.constant 0 : i32
    %c0_i32_0 = arith.constant 0 : i32
    return %arg0, %c0_i32 : i32, i32
  }
  func.func @transform_5(%arg0: i32) -> (i32, i32) {
    %c0_i32 = arith.constant 0 : i32
    %c0_i32_0 = arith.constant 0 : i32
    return %arg0, %c0_i32 : i32, i32
  }
}

module attributes {stable_mosaic.version = 14 : i64} {
  func.func @_final_body(%arg0: i32, %arg1: memref<2x400x128xf32, #tpu.memory_space<vmem>>, %arg2: memref<400x128xf32, #tpu.memory_space<vmem>>, %arg3: memref<400x1xf32, #tpu.memory_space<vmem>>, %arg4: memref<400x1xf32, #tpu.memory_space<vmem>>, %arg5: memref<1x128xf32, #tpu.memory_space<vmem>>, %arg6: memref<128x128xf32, #tpu.memory_space<vmem>>, %arg7: memref<1x128xf32, #tpu.memory_space<vmem>>, %arg8: memref<128x1xf32, #tpu.memory_space<vmem>>, %arg9: memref<1x1xf32, #tpu.memory_space<vmem>>, %arg10: memref<64x1xf32, #tpu.memory_space<vmem>>, %arg11: memref<64x128xf32, #tpu.memory_space<vmem>>, %arg12: memref<64x1xf32, #tpu.memory_space<vmem>>) attributes {dimension_semantics = [#tpu.dimension_semantics<arbitrary>], iteration_bounds = array<i64: 25>, scalar_prefetch = 0 : i64, scratch_operands = 2 : i64, tpu.core_type = #tpu.core_type<tc>, window_params = [{transform_indices = @transform_0, window_bounds = array<i64: 2, 400, 128>}, {transform_indices = @transform_1, window_bounds = array<i64: 400, 128>}, {transform_indices = @transform_2, window_bounds = array<i64: 400, 1>}, {transform_indices = @transform_3, window_bounds = array<i64: 400, 1>}, {pipeline_mode = #tpu.pipeline_mode<synchronous>, transform_indices = @transform_4, window_bounds = array<i64: 1, 128>}, {pipeline_mode = #tpu.pipeline_mode<synchronous>, transform_indices = @transform_5, window_bounds = array<i64: 128, 128>}, {pipeline_mode = #tpu.pipeline_mode<synchronous>, transform_indices = @transform_6, window_bounds = array<i64: 1, 128>}, {pipeline_mode = #tpu.pipeline_mode<synchronous>, transform_indices = @transform_7, window_bounds = array<i64: 128, 1>}, {pipeline_mode = #tpu.pipeline_mode<synchronous>, transform_indices = @transform_8, window_bounds = array<i64: 1, 1>}, {pipeline_mode = #tpu.pipeline_mode<synchronous>, transform_indices = @transform_9, window_bounds = array<i64: 64, 1>}]} {
    %eq3A = arith.constant 0 : i32
    %eq3A_0 = arith.cmpi eq, %arg0, %eq3A : i32
    %convert_element_type3A = arith.extui %eq3A_0 : i1 to i32
    %cond3A = arith.constant 0 : i32
    %cond3A_1 = arith.cmpi ne, %convert_element_type3A, %cond3A : i32
    scf.if %cond3A_1 {
      %broadcast_in_dim3A_56 = arith.constant 0.000000e+00 : f32
      %broadcast_in_dim3A_57 = vector.broadcast %broadcast_in_dim3A_56 : f32 to vector<64x128xf32>
      %swap3A_58 = arith.constant 0 : index
      %swap3A_59 = arith.constant 0 : index
      %swap3A_60 = vector.load %arg11[%swap3A_58, %swap3A_59] : memref<64x128xf32, #tpu.memory_space<vmem>>, vector<64x128xf32>
      tpu.vector_store %arg11[%swap3A_58, %swap3A_59], %broadcast_in_dim3A_57 {strides = array<i32>} : memref<64x128xf32, #tpu.memory_space<vmem>>, vector<64x128xf32>,
      %broadcast_in_dim3A_61 = arith.constant 0.000000e+00 : f32
      %broadcast_in_dim3A_62 = vector.broadcast %broadcast_in_dim3A_61 : f32 to vector<64x1xf32>
      %swap3A_63 = arith.constant 0 : index
      %swap3A_64 = arith.constant 0 : index
      %swap3A_65 = vector.load %arg12[%swap3A_63, %swap3A_64] : memref<64x1xf32, #tpu.memory_space<vmem>>, vector<64x1xf32>
      tpu.vector_store %arg12[%swap3A_63, %swap3A_64], %broadcast_in_dim3A_62 {strides = array<i32>} : memref<64x1xf32, #tpu.memory_space<vmem>>, vector<64x1xf32>,
    } else {
    }
    %get3A = arith.constant 0 : index
    %get3A_2 = arith.constant 0 : index
    %get3A_3 = arith.constant 0 : index
    %get3A_4 = vector.load %arg1[%get3A, %get3A_2, %get3A_3] : memref<2x400x128xf32, #tpu.memory_space<vmem>>, vector<1x400x128xf32>
    %get3A_5 = vector.shape_cast %get3A_4 : vector<1x400x128xf32> to vector<400x128xf32>
    %get3A_6 = arith.constant 1 : index
    %get3A_7 = arith.constant 0 : index
    %get3A_8 = arith.constant 0 : index
    %get3A_9 = vector.load %arg1[%get3A_6, %get3A_7, %get3A_8] : memref<2x400x128xf32, #tpu.memory_space<vmem>>, vector<1x400x128xf32>
    %get3A_10 = vector.shape_cast %get3A_9 : vector<1x400x128xf32> to vector<400x128xf32>
    %add3A = arith.addf %get3A_5, %get3A_10 : vector<400x128xf32>
    %get3A_11 = arith.constant 0 : index
    %get3A_12 = arith.constant 0 : index
    %get3A_13 = vector.load %arg2[%get3A_11, %get3A_12] : memref<400x128xf32, #tpu.memory_space<vmem>>, vector<400x128xf32>
    %add3A_14 = arith.addf %add3A, %get3A_13 : vector<400x128xf32>
    %get3A_15 = arith.constant 0 : index
    %get3A_16 = arith.constant 0 : index
    %get3A_17 = vector.load %arg3[%get3A_15, %get3A_16] : memref<400x1xf32, #tpu.memory_space<vmem>>, vector<400x1xf32>
    %mul3A = vector.broadcast %get3A_17 : vector<400x1xf32> to vector<400x128xf32>
    %mul3A_18 = arith.mulf %add3A_14, %mul3A : vector<400x128xf32>
    %get3A_19 = arith.constant 0 : index
    %get3A_20 = arith.constant 0 : index
    %get3A_21 = vector.load %arg5[%get3A_19, %get3A_20] : memref<1x128xf32, #tpu.memory_space<vmem>>, vector<1x128xf32>
    %add3A_22 = vector.broadcast %get3A_21 : vector<1x128xf32> to vector<400x128xf32>
    %add3A_23 = arith.addf %mul3A_18, %add3A_22 : vector<400x128xf32>
    %max3A = arith.constant 0.000000e+00 : f32
    %max3A_24 = vector.broadcast %max3A : f32 to vector<400x128xf32>
    %max3A_25 = arith.maximumf %add3A_23, %max3A_24 : vector<400x128xf32>
    %iota3A = tpu.iota {dimensions = array<i32: 1>} : vector<400x64xi32>
    %convert_element_type3A_26 = arith.sitofp %iota3A : vector<400x64xi32> to vector<400x64xf32>
    %get3A_27 = arith.constant 0 : index
    %get3A_28 = arith.constant 0 : index
    %get3A_29 = vector.load %arg4[%get3A_27, %get3A_28] : memref<400x1xf32, #tpu.memory_space<vmem>>, vector<400x1xf32>
    %eq3A_30 = vector.broadcast %get3A_29 : vector<400x1xf32> to vector<400x64xf32>
    %eq3A_31 = arith.cmpf oeq, %eq3A_30, %convert_element_type3A_26 : vector<400x64xf32>
    %convert_element_type3A_32 = arith.extui %eq3A_31 : vector<400x64xi1> to vector<400x64xi32>
    %convert_element_type3A_33 = arith.sitofp %convert_element_type3A_32 : vector<400x64xi32> to vector<400x64xf32>
    %get3A_34 = arith.constant 0 : index
    %get3A_35 = arith.constant 0 : index
    %get3A_36 = vector.load %arg11[%get3A_34, %get3A_35] : memref<64x128xf32, #tpu.memory_space<vmem>>, vector<64x128xf32>
    %dot_general3A = arith.constant dense<0.000000e+00> : vector<64x128xf32>
    %dot_general3A_37 = tpu.matmul %convert_element_type3A_33, %max3A_25, %dot_general3A {dimension_numbers = #tpu.dot_dimension_numbers<[0], [0], [1], [1], [0, 1, 1, 1], [], []>, precision = #tpu.contract_precision<fp32>, transpose_lhs_hint = false} : vector<400x64xf32>, vector<400x128xf32>, vector<64x128xf32> -> vector<64x128xf32>
    %add3A_38 = arith.addf %get3A_36, %dot_general3A_37 : vector<64x128xf32>
    %swap3A = arith.constant 0 : index
    %swap3A_39 = arith.constant 0 : index
    %swap3A_40 = vector.load %arg11[%swap3A, %swap3A_39] : memref<64x128xf32, #tpu.memory_space<vmem>>, vector<64x128xf32>
    tpu.vector_store %arg11[%swap3A, %swap3A_39], %add3A_38 {strides = array<i32>} : memref<64x128xf32, #tpu.memory_space<vmem>>, vector<64x128xf32>,
    %get3A_41 = arith.constant 0 : index
    %get3A_42 = arith.constant 0 : index
    %get3A_43 = vector.load %arg12[%get3A_41, %get3A_42] : memref<64x1xf32, #tpu.memory_space<vmem>>, vector<64x1xf32>
    %broadcast_in_dim3A = arith.constant 1.000000e+00 : f32
    %broadcast_in_dim3A_44 = vector.broadcast %broadcast_in_dim3A : f32 to vector<400x1xf32>
    %dot_general3A_45 = arith.constant dense<0.000000e+00> : vector<64x1xf32>
    %dot_general3A_46 = tpu.matmul %convert_element_type3A_33, %broadcast_in_dim3A_44, %dot_general3A_45 {dimension_numbers = #tpu.dot_dimension_numbers<[0], [0], [1], [1], [0, 1, 1, 1], [], []>, precision = #tpu.contract_precision<fp32>, transpose_lhs_hint = false} : vector<400x64xf32>, vector<400x1xf32>, vector<64x1xf32> -> vector<64x1xf32>
    %add3A_47 = arith.addf %get3A_43, %dot_general3A_46 : vector<64x1xf32>
    %swap3A_48 = arith.constant 0 : index
    %swap3A_49 = arith.constant 0 : index
    %swap3A_50 = vector.load %arg12[%swap3A_48, %swap3A_49] : memref<64x1xf32, #tpu.memory_space<vmem>>, vector<64x1xf32>
    tpu.vector_store %arg12[%swap3A_48, %swap3A_49], %add3A_47 {strides = array<i32>} : memref<64x1xf32, #tpu.memory_space<vmem>>, vector<64x1xf32>,
    %eq3A_51 = arith.constant 24 : i32
    %eq3A_52 = arith.cmpi eq, %arg0, %eq3A_51 : i32
    %convert_element_type3A_53 = arith.extui %eq3A_52 : i1 to i32
    %cond3A_54 = arith.constant 0 : i32
    %cond3A_55 = arith.cmpi ne, %convert_element_type3A_53, %cond3A_54 : i32
    scf.if %cond3A_55 {
      %get3A_56 = arith.constant 0 : index
      %get3A_57 = arith.constant 0 : index
      %get3A_58 = vector.load %arg11[%get3A_56, %get3A_57] : memref<64x128xf32, #tpu.memory_space<vmem>>, vector<64x128xf32>
      %get3A_59 = arith.constant 0 : index
      %get3A_60 = arith.constant 0 : index
      %get3A_61 = vector.load %arg12[%get3A_59, %get3A_60] : memref<64x1xf32, #tpu.memory_space<vmem>>, vector<64x1xf32>
      %max3A_62 = arith.constant 1.000000e+00 : f32
      %max3A_63 = vector.broadcast %max3A_62 : f32 to vector<64x1xf32>
      %max3A_64 = arith.maximumf %get3A_61, %max3A_63 : vector<64x1xf32>
      %div3A = vector.broadcast %max3A_64 : vector<64x1xf32> to vector<64x128xf32>
      %div3A_65 = arith.divf %get3A_58, %div3A : vector<64x128xf32>
      %get3A_66 = arith.constant 0 : index
      %get3A_67 = arith.constant 0 : index
      %get3A_68 = vector.load %arg6[%get3A_66, %get3A_67] : memref<128x128xf32, #tpu.memory_space<vmem>>, vector<128x128xf32>
      %dot_general3A_69 = arith.constant dense<0.000000e+00> : vector<64x128xf32>
      %dot_general3A_70 = tpu.matmul %div3A_65, %get3A_68, %dot_general3A_69 {dimension_numbers = #tpu.dot_dimension_numbers<[1], [0], [0], [1], [0, 0, 1, 1], [], []>, transpose_lhs_hint = false} : vector<64x128xf32>, vector<128x128xf32>, vector<64x128xf32> -> vector<64x128xf32>
      %get3A_71 = arith.constant 0 : index
      %get3A_72 = arith.constant 0 : index
      %get3A_73 = vector.load %arg7[%get3A_71, %get3A_72] : memref<1x128xf32, #tpu.memory_space<vmem>>, vector<1x128xf32>
      %add3A_74 = vector.broadcast %get3A_73 : vector<1x128xf32> to vector<64x128xf32>
      %add3A_75 = arith.addf %dot_general3A_70, %add3A_74 : vector<64x128xf32>
      %max3A_76 = arith.constant 0.000000e+00 : f32
      %max3A_77 = vector.broadcast %max3A_76 : f32 to vector<64x128xf32>
      %max3A_78 = arith.maximumf %add3A_75, %max3A_77 : vector<64x128xf32>
      %get3A_79 = arith.constant 0 : index
      %get3A_80 = arith.constant 0 : index
      %get3A_81 = vector.load %arg8[%get3A_79, %get3A_80] : memref<128x1xf32, #tpu.memory_space<vmem>>, vector<128x1xf32>
      %dot_general3A_82 = arith.constant dense<0.000000e+00> : vector<64x1xf32>
      %dot_general3A_83 = tpu.matmul %max3A_78, %get3A_81, %dot_general3A_82 {dimension_numbers = #tpu.dot_dimension_numbers<[1], [0], [0], [1], [0, 0, 1, 1], [], []>, transpose_lhs_hint = false} : vector<64x128xf32>, vector<128x1xf32>, vector<64x1xf32> -> vector<64x1xf32>
      %get3A_84 = arith.constant 0 : index
      %get3A_85 = arith.constant 0 : index
      %get3A_86 = vector.load %arg9[%get3A_84, %get3A_85] : memref<1x1xf32, #tpu.memory_space<vmem>>, vector<1x1xf32>
      %add3A_87 = vector.broadcast %get3A_86 : vector<1x1xf32> to vector<64x1xf32>
      %add3A_88 = arith.addf %dot_general3A_83, %add3A_87 : vector<64x1xf32>
      %swap3A_89 = arith.constant 0 : index
      %swap3A_90 = arith.constant 0 : index
      %swap3A_91 = vector.load %arg10[%swap3A_89, %swap3A_90] : memref<64x1xf32, #tpu.memory_space<vmem>>, vector<64x1xf32>
      tpu.vector_store %arg10[%swap3A_89, %swap3A_90], %add3A_88 {strides = array<i32>} : memref<64x1xf32, #tpu.memory_space<vmem>>, vector<64x1xf32>,
    } else {
    }
    return
  }
  func.func @transform_0(%arg0: i32) -> (i32, i32, i32) {
    %c0_i32 = arith.constant 0 : i32
    %c0_i32_0 = arith.constant 0 : i32
    %c0_i32_1 = arith.constant 0 : i32
    return %c0_i32, %arg0, %c0_i32_0 : i32, i32, i32
  }
  func.func @transform_1(%arg0: i32) -> (i32, i32) {
    %c0_i32 = arith.constant 0 : i32
    %c0_i32_0 = arith.constant 0 : i32
    return %arg0, %c0_i32 : i32, i32
  }
  func.func @transform_2(%arg0: i32) -> (i32, i32) {
    %c0_i32 = arith.constant 0 : i32
    %c0_i32_0 = arith.constant 0 : i32
    return %arg0, %c0_i32 : i32, i32
  }
  func.func @transform_3(%arg0: i32) -> (i32, i32) {
    %c0_i32 = arith.constant 0 : i32
    %c0_i32_0 = arith.constant 0 : i32
    return %arg0, %c0_i32 : i32, i32
  }
  func.func @transform_4(%arg0: i32) -> (i32, i32) {
    %c0_i32 = arith.constant 0 : i32
    %c0_i32_0 = arith.constant 0 : i32
    %c0_i32_1 = arith.constant 0 : i32
    return %c0_i32, %c0_i32_0 : i32, i32
  }
  func.func @transform_5(%arg0: i32) -> (i32, i32) {
    %c0_i32 = arith.constant 0 : i32
    %c0_i32_0 = arith.constant 0 : i32
    %c0_i32_1 = arith.constant 0 : i32
    return %c0_i32, %c0_i32_0 : i32, i32
  }
  func.func @transform_6(%arg0: i32) -> (i32, i32) {
    %c0_i32 = arith.constant 0 : i32
    %c0_i32_0 = arith.constant 0 : i32
    %c0_i32_1 = arith.constant 0 : i32
    return %c0_i32, %c0_i32_0 : i32, i32
  }
  func.func @transform_7(%arg0: i32) -> (i32, i32) {
    %c0_i32 = arith.constant 0 : i32
    %c0_i32_0 = arith.constant 0 : i32
    %c0_i32_1 = arith.constant 0 : i32
    return %c0_i32, %c0_i32_0 : i32, i32
  }
  func.func @transform_8(%arg0: i32) -> (i32, i32) {
    %c0_i32 = arith.constant 0 : i32
    %c0_i32_0 = arith.constant 0 : i32
    %c0_i32_1 = arith.constant 0 : i32
    return %c0_i32, %c0_i32_0 : i32, i32
  }
  func.func @transform_9(%arg0: i32) -> (i32, i32) {
    %c0_i32 = arith.constant 0 : i32
    %c0_i32_0 = arith.constant 0 : i32
    %c0_i32_1 = arith.constant 0 : i32
    return %c0_i32, %c0_i32_0 : i32, i32
  }
}

</mosaic_0001>

<sc_bundles>
// kernel: kernel.6.cloned.1.call-start
scs
__scs_entry_jumppad:
0x0: {  	(pc) =	sbr.rel $0x88, $3  }
0x1: {  	(tag) =	ssettag $0x0;
	lr =	simm.s32 $0x1  }
0x2: {  	[smem:$0x3F98] =	sst lr;
	_ =	strace $0xD0000000  }
0x3: {  	_ = 	snop  }
0x4: {  	_ = 	snop  }
0x5: {  	_ = 	snop  }
0x6: {  	_ = 	snop  }
0x7: {  	_ = 	snop  }
__scs_overlays_trampoline_lowered:
0x8: {  	[smem:$0x3FA7] =	sst s0  }
0x9: {  	[smem:$0x3FA8] =	sst s1  }
0xa: {  	[smem:$0x3FA9] =	sst s2  }
0xb: {  	[smem:$0x3FAA] =	sst s3  }
0xc: {  	[smem:$0x3FAB] =	sst s4  }
0xd: {  	[smem:$0x3FAC] =	sst s5  }
0xe: {  	[smem:$0x3FAD] =	sst s6  }
0xf: {  	[smem:$0x3FAE] =	sst s7  }
0x10: {  	[smem:$0x3FAF] =	sst s8  }
0x11: {  	[smem:$0x3FB0] =	sst s9;
	s0 =	simm.s32 @!p0 $0x0  }
0x12: {  	s1 =	sld [smem:$0x3F96];
	s0 =	simm.s32 @p0 $0x1  }
0x13: {  	[smem:$0x3FB1] =	sst s0;
	s0 =	simm.s32 @!p1 $0x0  }
0x14: {  	s2 =	sld [smem:$0x3F95];
	s0 =	simm.s32 @p1 $0x1  }
0x15: {  	[smem:$0x3FB2] =	sst s0;
	s0 =	simm.s32 @!p2 $0x0  }
0x16: {  	s3 =	sld [smem:$0x3FDB];
	s0 =	simm.s32 @p2 $0x1  }
0x17: {  	s4 =	simm.s32 $0x1BF5;
	[smem:$0x3FB4] =	sst s0  }
0x18: {  	s0 =	sld [smem:$0x3F97];
	_ =	swait.ge [sflag:s4], $0x0  }
0x19: {  	s7 =	sld [smem:$0x3F98]  }
0x1a: {  	s8 =	sadd.s32 $0xFFFFE003, lr  }
0x1b: {  	s9 =	sadd.s32 $0xFFFFFEF7, lr;
	s5 =	simm.s32 $0xFFFFFFFF;
	p2 =	slt.u32 s8, $0xFFFFF086  }
0x1c: {  	p1 =	slt.u32 s9, $0xF7A;
	s5 =	simm.s32 @!p2 $0x0  }
0x1d: {  	s5 =	simm.s32 @p1 $0x1;
	p0 =	seq.s32 s7, s2  }
0x1e: {  	s7 =	smul.u32 @!p0 $0xF7A, s2;
	p2 =	seq.s32 @!p0 s5, $0x0  }
0x1f: {  	s9 =	smul.u32 $0xF7A, s1;
	s8 =	simm.s32 @!p0 $0x1BF5;
	p2 =	por !p2, p0  }
0x20: {  	[sflag:s8] =	ssyncset.s32 @!p0 $0xFFFFF086;
	s6 =	sadd.s32 @!p0 s3, s7;
	s7 =	simm.s32 @!p0 $0x108  }
0x21: {  	s3 =	sadd.s32 s3, s9;
	s6 =	sadd.s32 @!p0 $0x88, s6;
	s7 =	simm.s32 @p2 $0x1082  }
0x22: {  	[simem:s7], [sflag:s8] =	dma.local @!p0 [hbm:s6], $0xF7A  }
0x23: {  	s9 =	sor.u32 $0xD0000000, s2;
	s6 =	simm.s32 $0x108;
	_ =	swait.ge @!p0 [sflag:s8], $0x0  }
0x24: {  	s3 =	sadd.s32 $0x88, s3;
	s6 =	simm.s32 @!p1 $0x1082;
	[sflag:s4] =	ssyncset.s32 $0xFFFFF086  }
0x25: {  	[simem:s6], [sflag:s4] =	dma.local [hbm:s3], $0xF7A  }
0x26: {  	[smem:$0x3F98] =	sst s1;
	(tag) =	ssettag s2;
	_ =	strace s9  }
0x27: {  	s1 =	sld [smem:$0x3FA8]  }
0x28: {  	s2 =	sld [smem:$0x3FA9]  }
0x29: {  	s4 =	sld [smem:$0x3FAB]  }
0x2a: {  	p0 =	seq.s32 s5, $0x0;
	s5 =	sld [smem:$0x3FAC]  }
0x2b: {  	s6 =	sld [smem:$0x3FAD]  }
0x2c: {  	s7 =	sld [smem:$0x3FAE]  }
0x2d: {  	s3 =	simm.s32 $0x108;
	s8 =	sld [smem:$0x3FAF]  }
0x2e: {  	s3 =	simm.s32 @!p0 $0x1082;
	s9 =	sld [smem:$0x3FB0]  }
0x2f: {  	lr =	sadd.s32 s0, s3;
	s0 =	sld [smem:$0x3FA7]  }
0x30: {  	s3 =	sld [smem:$0x3FAA]  }
0x31: {  	[smem:$0x3FB3] =	sst s10  }
0x32: {  	s10 =	sld [smem:$0x3FB1];
	_ =	sdelay $0x3  }
0x33: {  	p0 =	seq.s32 s10, $0x1;
	s10 =	sld [smem:$0x3FB3];
	_ =	sdelay $0x3  }
0x34: {  	[smem:$0x3FB3] =	sst s10  }
0x35: {  	s10 =	sld [smem:$0x3FB2];
	_ =	sdelay $0x3  }
0x36: {  	p1 =	seq.s32 s10, $0x1;
	s10 =	sld [smem:$0x3FB3];
	_ =	sdelay $0x3  }
0x37: {  	[smem:$0x3FB3] =	sst s10  }
0x38: {  	s10 =	sld [smem:$0x3FB4]  }
0x39: {  	_ = 	snop;
	(pc) =	sbr.ind lr, $3  }
0x3a: {  	_ = 	snop  }
0x3b: {  	_ = 	snop  }
0x3c: {  	p2 =	seq.s32 s10, $0x1;
	s10 =	sld [smem:$0x3FB3]  }
0x3d: {  	_ =	shalt  }
0x3e: {  	_ =	shalt  }
0x3f: {  	_ =	shalt  }
0x40: {  	_ =	shalt  }
0x41: {  	_ =	shalt  }
0x42: {  	_ =	shalt  }
0x43: {  	_ =	shalt  }
0x44: {  	_ =	shalt  }
0x45: {  	_ =	shalt  }
0x46: {  	_ =	shalt  }
0x47: {  	_ =	shalt  }
0x48: {  	_ =	shalt  }
0x49: {  	_ =	shalt  }
0x4a: {  	_ =	shalt  }
0x4b: {  	_ =	shalt  }
0x4c: {  	_ =	shalt  }
0x4d: {  	_ =	shalt  }
0x4e: {  	_ =	shalt  }
0x4f: {  	_ =	shalt  }
0x50: {  	_ =	shalt  }
0x51: {  	_ =	shalt  }
0x52: {  	_ =	shalt  }
0x53: {  	_ =	shalt  }
0x54: {  	_ =	shalt  }
0x55: {  	_ =	shalt  }
0x56: {  	_ =	shalt  }
0x57: {  	_ =	shalt  }
0x58: {  	_ =	shalt  }
0x59: {  	_ =	shalt  }
0x5a: {  	_ =	shalt  }
0x5b: {  	_ =	shalt  }
0x5c: {  	_ =	shalt  }
0x5d: {  	_ =	shalt  }
0x5e: {  	_ =	shalt  }
0x5f: {  	_ =	shalt  }
0x60: {  	_ =	shalt  }
0x61: {  	_ =	shalt  }
0x62: {  	_ =	shalt  }
0x63: {  	_ =	shalt  }
0x64: {  	_ =	shalt  }
0x65: {  	_ =	shalt  }
0x66: {  	_ =	shalt  }
0x67: {  	_ =	shalt  }
0x68: {  	_ =	shalt  }
0x69: {  	_ =	shalt  }
0x6a: {  	_ =	shalt  }
0x6b: {  	_ =	shalt  }
0x6c: {  	_ =	shalt  }
0x6d: {  	_ =	shalt  }
0x6e: {  	_ =	shalt  }
0x6f: {  	_ =	shalt  }
0x70: {  	_ =	shalt  }
0x71: {  	_ =	shalt  }
0x72: {  	_ =	shalt  }
0x73: {  	_ =	shalt  }
0x74: {  	_ =	shalt  }
0x75: {  	_ =	shalt  }
0x76: {  	_ =	shalt  }
0x77: {  	_ =	shalt  }
0x78: {  	_ =	shalt  }
0x79: {  	_ =	shalt  }
0x7a: {  	_ =	shalt  }
0x7b: {  	_ =	shalt  }
0x7c: {  	_ =	shalt  }
0x7d: {  	_ =	shalt  }
0x7e: {  	_ =	shalt  }
0x7f: {  	_ =	shalt  }
0x80: {  	_ =	shalt  }
0x81: {  	_ =	shalt  }
0x82: {  	_ =	shalt  }
0x83: {  	_ =	shalt  }
0x84: {  	_ =	shalt  }
0x85: {  	_ =	shalt  }
0x86: {  	_ =	shalt  }
0x87: {  	_ =	shalt  }
.Lfunc_end0:
.L_simem_size_0:
called_computation_lowered:
.L_overlay_start_0:
0x88: {  	s2 =	sld [smem:$0x3FD9]  }
0x89: {  	s3 =	sld [smem:$0x3FFE];
	_ =	sdelay $0x1  }
0x8a: {  	s1 =	srdreg.scid  }
0x8b: {  	s0 =	sand.u32 $0x1, s1  }
0x8c: {  	s16 =	sshll.u32 s0, $0xA;
	s2 =	sadd.s32 s3, s2  }
0x8d: {  	s2 =	sadd.s32 s2, s16  }
0x8e: {  	[smem:$0x3FBF] =	sst s2  }
0x8f: {  	_ = 	snop  }
0x90: {  	(tm) =	ssettm $0x1  }
0x91: {  	s17 =	sld [smem:$0x3FFB];
	_ =	sdelay $0x3  }
0x92: {  	_ =	strace s17  }
0x93: {  	s2 =	sld [smem:$0x3FFC];
	_ =	sdelay $0x3  }
0x94: {  	_ =	strace s2  }
0x95: {  	s2 =	sld [smem:$0x3FFD];
	_ =	sdelay $0x3  }
0x96: {  	_ =	strace s2  }
0x97: {  	_ =	strace $0x8FFFFFFF  }
0x98: {  	s18 =	sld [smem:$0x3FDB];
	_ =	sdelay $0x1  }
0x99: {  	s19 =	simm.s32 $_scs_section_size  }
0x9a: {  	s4 =	simm.s32 $_size__tile_overlayer_lowered;
	s5 =	simm.s32 $_tile_overlayer_lowered  }
0x9b: {  	s22 =	simm.s32 $0x1BFF;
	s21 =	sshll.u32 s5, $0x1;
	s2 =	sadd.s32 s19, s18  }
0x9c: {  	s6 =	simm.s32 $0x0;
	s20 =	sshll.u32 s4, $0x1;
	s4 =	sadd.s32 s21, s2  }
0x9d: {  	[timem:s6], [sflag:s22] =	dma.local [hbm:s4], s20  }
0x9e: {  	_ =	swait.ge [sflag:s22], s20  }
0x9f: {  	s3 =	ssub.s32 $0x0, s20;
	[sflag:s22] =	ssyncset.done $0x0  }
0xa0: {  	[sflag:s22] =	ssyncadd.s32 s3;
	_ =	sdelay $0x1  }
0xa1: {  	s23 =	simm.s32 $0x1B8B  }
0xa2: {  	_ =	swait.ge [sflag:s23], $0x1  }
0xa3: {  	[sflag:s23] =	ssyncset.done $0x0  }
0xa4: {  	s25 =	simm.s32 $0x1B8E;
	s24 =	sld [smem:$0x3FFE];
	[sflag:s23] =	ssyncadd.s32 $0xFFFFFFFF  }
0xa5: {  	s26 =	simm.s32 $execute0_lowered;
	[smem:$0x3FD2] =	sst s25  }
0xa6: {  	s4 =	sshll.u32 s26, $0x1;
	_ =	strace $0x80000046;
	[dreg:$0x1] =	wrdreg $0xFFFFFFFF  }
0xa7: {  	s28 =	simm.s32 $_size_execute0_lowered;
	s2 =	sadd.s32 s2, s4;
	[dreg:$0x0] =	wrdreg $0x0  }
0xa8: {  	s4 =	sshll.u32 s28, $0x1;
	[dreg:$0x2] =	wrdreg s2  }
0xa9: {  	[dreg:$0x3] =	wrdreg s4  }
0xaa: {  	[dreg:$0x4] =	wrdreg $0xC0  }
0xab: {  	_ =	task [dreg:s6], $0x5FFFF  }
0xac: {  	[dreg:$0x1] =	wrdreg $0xFFFFFFFF  }
0xad: {  	[dreg:$0x0] =	wrdreg $0x60  }
0xae: {  	[dreg:$0x2] =	wrdreg s24  }
0xaf: {  	[dreg:$0x3] =	wrdreg $0x2B000  }
0xb0: {  	[dreg:$0x4] =	wrdreg $0x9  }
0xb1: {  	_ =	task.clear_ibuf [dreg:s6], $0x5FFFF;
	_ =	strace $0x90000046  }
0xb2: {  	s29 =	simm.s32 $0x9;
	_ =	strace $0x80000048  }
0xb3: {  	_ =	swait.ge [sflag:s29], $0x1  }
0xb4: {  	[sflag:s29] =	ssyncadd.s32 $0xFFFFFFFF  }
0xb5: {  	_ =	strace $0x90000048  }
0xb6: {  	_ =	sfence  }
0xb7: {  	s30 =	sld [smem:$0x0];
	_ =	sdelay $0x2  }
0xb8: {  	s31 =	sshll.u32 s1, $0xD;
	s1 =	sshrl.u32 s1, $0x2  }
0xb9: {  	s3 =	sand.u32 $0x4000, s31;
	s1 =	sadd.s32 s1, s30  }
0xba: {  	s0 =	sor.u32 s3, s0;
	s1 =	sshll.u32 s1, $0x11  }
0xbb: {  	s0 =	sor.u32 s1, s0  }
0xbc: {  	s0 =	sadd.s32 $0x8F2B, s0  }
0xbd: {  	[sflag:s0] =	ssyncadd.remote.s32 $0x1  }
0xbe: {  	_ =	sfence.sel $0xFFFF  }
0xbf: {  	[dreg:$0x0] =	wrdreg $0xFFFFFFFF;
	(pc) =	sbr.abs _section_cstart, $3  }
0xc0: {  	[dreg:$0x1] =	wrdreg $0xFFFFFFFF  }
0xc1: {  	_ =	task.clear_ibuf [dreg:s6], $0x2FFFF;
	_ =	strace $0x9FFFFFFF  }
0xc2: {  	(tm) =	ssettm $0x7FFFFFFF  }
0xc3: {  	_ =	shalt  }
tec
execute0_lowered:
.L_overlay_start_1:
0x0: {  	(tag) =	ssettag $0x1  }
0x1: {  	s0 =	srdreg.scid;
	s4 =	rddreg [dreg:$0x0]  }
0x2: {  	s2 =	rddreg [dreg:$0x1];
	s1 =	stileid.u32;
	s3 =	simm.s32 $0x0  }
0x3: {  	s12 =	simm.s32 $0x2880;
	s5 =	sand.u32 $0x1, s0;
	s0 =	rddreg [dreg:$0x2]  }
0x4: {  	s13 =	simm.s32 $0x1;
	s14 =	simm.s32 $0x0;
	[smem:$0x7FF] =	sst s3  }
0x5: {  	s8 =	smul.u32 $0x270, s1;
	s11 =	sadd.s32 $0xC600, s4;
	p0 =	sne.s32 s1, $0xF  }
0x6: {  	s6 =	sshll.u32 s5, $0x4;
	_ =	strace $0x80000047;
	s7 =	ssub.s32 $0x2, s5  }
0x7: {  	s10 =	smul.u32 $0x2710, s5;
	s6 =	sor.u32 s1, s6;
	s9 =	sshrl.u32 s7, $0x1  }
0x8: {  	s5 =	sadd.s32 s8, s2;
	s6 =	smul.u32 $0x500, s6;
	s9 =	ssub.s32 s7, s9  }
0x9: {  	s30 =	sadd.s32 s8, s10;
	s31 =	sshrl.u32 s10, $0x3;
	s10 =	simm.s32 $0x80  }
0xa: {  	s7 =	sshrl.u32 s30, $0x3;
	s8 =	sadd.s32 s11, s31;
	s9 =	smax.u32 s9, $0x1  }
0xb: {  	s6 =	sadd.s32 s6, s4;
	s7 =	sadd.s32 s11, s7;
	s8 =	sadd.s32 $0x4E0, s8  }
0xc: {  	v0 =	vimm.f32 $0.0e+00;
	v1 =	vimm.f32 $1.000000000e+00;
	s11 =	simm.s32 $0x2;
	s4 =	sadd.s32 $0x2600, s6;
	s6 =	sadd.s32 $0x2700, s2  }
.LBB2_1:
0xd: {  	[tilespmem:$0x2880] =	vst v0  }
0xe: {  	[tilespmem:$0x2890] =	vst v0  }
0xf: {  	[tilespmem:$0x28A0] =	vst v0  }
0x10: {  	[tilespmem:$0x28B0] =	vst v0  }
0x11: {  	[tilespmem:$0x28C0] =	vst v0  }
0x12: {  	[tilespmem:$0x28D0] =	vst v0  }
0x13: {  	[tilespmem:$0x28E0] =	vst v0  }
0x14: {  	[tilespmem:$0x28F0] =	vst v0  }
0x15: {  	[tilespmem:$0x2900] =	vst v0  }
0x16: {  	[tilespmem:$0x2910] =	vst v0  }
0x17: {  	[tilespmem:$0x2920] =	vst v0  }
0x18: {  	[tilespmem:$0x2930] =	vst v0  }
0x19: {  	[tilespmem:$0x2940] =	vst v0  }
0x1a: {  	[tilespmem:$0x2950] =	vst v0  }
0x1b: {  	[tilespmem:$0x2960] =	vst v0  }
0x1c: {  	[tilespmem:$0x2970] =	vst v0  }
0x1d: {  	[tilespmem:$0x2980] =	vst v0  }
0x1e: {  	[tilespmem:$0x2990] =	vst v0  }
0x1f: {  	[tilespmem:$0x29A0] =	vst v0  }
0x20: {  	[tilespmem:$0x29B0] =	vst v0  }
0x21: {  	[tilespmem:$0x29C0] =	vst v0  }
0x22: {  	[tilespmem:$0x29D0] =	vst v0  }
0x23: {  	[tilespmem:$0x29E0] =	vst v0  }
0x24: {  	[tilespmem:$0x29F0] =	vst v0  }
0x25: {  	[tilespmem:$0x2A00] =	vst v0  }
0x26: {  	[tilespmem:$0x2A10] =	vst v0  }
0x27: {  	[tilespmem:$0x2A20] =	vst v0  }
0x28: {  	[tilespmem:$0x2A30] =	vst v0  }
0x29: {  	[tilespmem:$0x2A40] =	vst v0  }
0x2a: {  	[tilespmem:$0x2A50] =	vst v0  }
0x2b: {  	[tilespmem:$0x2A60] =	vst v0  }
0x2c: {  	[tilespmem:$0x2A70] =	vst v0  }
0x2d: {  	[tilespmem:$0x2A80] =	vst v0  }
0x2e: {  	[tilespmem:$0x2A90] =	vst v0  }
0x2f: {  	[tilespmem:$0x2AA0] =	vst v0  }
0x30: {  	[tilespmem:$0x2AB0] =	vst v0  }
0x31: {  	[tilespmem:$0x2AC0] =	vst v0  }
0x32: {  	[tilespmem:$0x2AD0] =	vst v0  }
0x33: {  	[tilespmem:$0x2AE0] =	vst v0  }
0x34: {  	[tilespmem:$0x0] =	vst v1  }
0x35: {  	[tilespmem:$0x10] =	vst v1  }
0x36: {  	[tilespmem:$0x20] =	vst v1  }
0x37: {  	[tilespmem:$0x30] =	vst v1  }
0x38: {  	[tilespmem:$0x40] =	vst v1  }
0x39: {  	[tilespmem:$0x50] =	vst v1  }
0x3a: {  	[tilespmem:$0x60] =	vst v1  }
0x3b: {  	[tilespmem:$0x70] =	vst v1  }
0x3c: {  	[tilespmem:s10], [sflag:$0x2] =	stream.linear.gather [hbm4b:s4+s3], $0x2800, $0x38;
	[tilespmem:$0x2D78] =	vst v63  }
0x3d: {  	_ =	swait.ge [sflag:s11], $0x2800  }
0x3e: {  	[sflag:s11] =	ssyncset.done $0x0  }
0x3f: {  	[sflag:s11] =	ssyncadd.s32 $0xFFFFD800  }
0x40: {  	[spmem:s5] =	stream.linear.scatter [tilespmem:s12], [sflag:$0x2], $0x270, $0x38;
	[tilespmem:$0x2D78] =	vst v63  }
0x41: {  	_ =	swait.ge [sflag:s11], $0x270  }
0x42: {  	[sflag:s11] =	ssyncset.done $0x0  }
0x43: {  	s15 =	simm.s32 @!p0 $0x2880;
	[sflag:s11] =	ssyncadd.s32 $0xFFFFFD90  }
0x44: {  	[spmem:s6] =	stream.linear.scatter @!p0 [tilespmem:s15], [sflag:$0x2], $0x20, $0x38;
	[tilespmem:$0x2D78] =	vst v63  }
0x45: {  	s15 =	simm.s32 @!p0 $0x2  }
0x46: {  	_ =	swait.ge @!p0 [sflag:s15], $0x20  }
0x47: {  	[sflag:s15] =	ssyncset.done @!p0 $0x0  }
0x48: {  	[sflag:s15] =	ssyncadd.s32 @!p0 $0xFFFFFFE0  }
0x49: {  	s31 =	simm.s32 $0x80;
	[bflag:$0x0] =	sbarrier.arrive $0xFFFF  }
0x4a: {  	[spmem:s2] =	stream.indirect.scatter.add.f32 [tilespmem:s3], [sflag:$0x1], $0x1, s31, s10, $0xb8;
	[tilespmem:$0x2D78] =	vst v63  }
0x4b: {  	s16 =	simm.s32 $0x100  }
0x4c: {  	[spmem:s2] =	stream.indirect.scatter.add.f32 [tilespmem:s3], [sflag:$0x1], $0x1, s16, s10, $0xb8;
	[tilespmem:$0x2D78] =	vst v63  }
0x4d: {  	s17 =	simm.s32 $0x180  }
0x4e: {  	[spmem:s2] =	stream.indirect.scatter.add.f32 [tilespmem:s3], [sflag:$0x1], $0x1, s17, s10, $0xb8;
	[tilespmem:$0x2D78] =	vst v63  }
0x4f: {  	s18 =	simm.s32 $0x200  }
0x50: {  	[spmem:s2] =	stream.indirect.scatter.add.f32 [tilespmem:s3], [sflag:$0x1], $0x1, s18, s10, $0xb8;
	[tilespmem:$0x2D78] =	vst v63  }
0x51: {  	s19 =	simm.s32 $0x280  }
0x52: {  	[spmem:s2] =	stream.indirect.scatter.add.f32 [tilespmem:s3], [sflag:$0x1], $0x1, s19, s10, $0xb8;
	[tilespmem:$0x2D78] =	vst v63  }
0x53: {  	s20 =	simm.s32 $0x300  }
0x54: {  	[spmem:s2] =	stream.indirect.scatter.add.f32 [tilespmem:s3], [sflag:$0x1], $0x1, s20, s10, $0xb8;
	[tilespmem:$0x2D78] =	vst v63  }
0x55: {  	s21 =	simm.s32 $0x380  }
0x56: {  	[spmem:s2] =	stream.indirect.scatter.add.f32 [tilespmem:s3], [sflag:$0x1], $0x1, s21, s10, $0xb8;
	[tilespmem:$0x2D78] =	vst v63  }
0x57: {  	s22 =	simm.s32 $0x400  }
0x58: {  	[spmem:s2] =	stream.indirect.scatter.add.f32 [tilespmem:s3], [sflag:$0x1], $0x1, s22, s10, $0xb8;
	[tilespmem:$0x2D78] =	vst v63  }
0x59: {  	s23 =	simm.s32 $0x480  }
0x5a: {  	[spmem:s2] =	stream.indirect.scatter.add.f32 [tilespmem:s3], [sflag:$0x1], $0x1, s23, s10, $0xb8;
	[tilespmem:$0x2D78] =	vst v63  }
0x5b: {  	s24 =	simm.s32 $0x500  }
0x5c: {  	[spmem:s2] =	stream.indirect.scatter.add.f32 [tilespmem:s3], [sflag:$0x1], $0x1, s24, s10, $0xb8;
	[tilespmem:$0x2D78] =	vst v63  }
0x5d: {  	s25 =	simm.s32 $0x580  }
0x5e: {  	[spmem:s2] =	stream.indirect.scatter.add.f32 [tilespmem:s3], [sflag:$0x1], $0x1, s25, s10, $0xb8;
	[tilespmem:$0x2D78] =	vst v63  }
0x5f: {  	s26 =	simm.s32 $0x600  }
0x60: {  	[spmem:s2] =	stream.indirect.scatter.add.f32 [tilespmem:s3], [sflag:$0x1], $0x1, s26, s10, $0xb8;
	[tilespmem:$0x2D78] =	vst v63  }
0x61: {  	s28 =	simm.s32 $0x680  }
0x62: {  	[spmem:s2] =	stream.indirect.scatter.add.f32 [tilespmem:s3], [sflag:$0x1], $0x1, s28, s10, $0xb8;
	[tilespmem:$0x2D78] =	vst v63  }
0x63: {  	s29 =	simm.s32 $0x700  }
0x64: {  	[spmem:s2] =	stream.indirect.scatter.add.f32 [tilespmem:s3], [sflag:$0x1], $0x1, s29, s10, $0xb8;
	[tilespmem:$0x2D78] =	vst v63  }
0x65: {  	s30 =	simm.s32 $0x780  }
0x66: {  	[spmem:s2] =	stream.indirect.scatter.add.f32 [tilespmem:s3], [sflag:$0x1], $0x1, s30, s10, $0xb8;
	[tilespmem:$0x2D78] =	vst v63  }
0x67: {  	s31 =	simm.s32 $0x800  }
0x68: {  	[spmem:s2] =	stream.indirect.scatter.add.f32 [tilespmem:s3], [sflag:$0x1], $0x1, s31, s10, $0xb8;
	[tilespmem:$0x2D78] =	vst v63  }
0x69: {  	_ =	swait.ge [sflag:s13], $0x80  }
0x6a: {  	[sflag:s13] =	ssyncset.done $0x0  }
0x6b: {  	[sflag:s13] =	ssyncadd.s32 $0xFFFFFF80  }
0x6c: {  	_ =	swait.ge [sflag:s13], $0x80  }
0x6d: {  	[sflag:s13] =	ssyncset.done $0x0  }
0x6e: {  	[sflag:s13] =	ssyncadd.s32 $0xFFFFFF80  }
0x6f: {  	_ =	swait.ge [sflag:s13], $0x80  }
0x70: {  	[sflag:s13] =	ssyncset.done $0x0  }
0x71: {  	[sflag:s13] =	ssyncadd.s32 $0xFFFFFF80  }
0x72: {  	_ =	swait.ge [sflag:s13], $0x80  }
0x73: {  	[sflag:s13] =	ssyncset.done $0x0  }
0x74: {  	[sflag:s13] =	ssyncadd.s32 $0xFFFFFF80  }
0x75: {  	_ =	swait.ge [sflag:s13], $0x80  }
0x76: {  	[sflag:s13] =	ssyncset.done $0x0  }
0x77: {  	[sflag:s13] =	ssyncadd.s32 $0xFFFFFF80  }
0x78: {  	_ =	swait.ge [sflag:s13], $0x80  }
0x79: {  	[sflag:s13] =	ssyncset.done $0x0  }
0x7a: {  	[sflag:s13] =	ssyncadd.s32 $0xFFFFFF80  }
0x7b: {  	_ =	swait.ge [sflag:s13], $0x80  }
0x7c: {  	[sflag:s13] =	ssyncset.done $0x0  }
0x7d: {  	[sflag:s13] =	ssyncadd.s32 $0xFFFFFF80  }
0x7e: {  	_ =	swait.ge [sflag:s13], $0x80  }
0x7f: {  	[sflag:s13] =	ssyncset.done $0x0  }
0x80: {  	[sflag:s13] =	ssyncadd.s32 $0xFFFFFF80  }
0x81: {  	_ =	swait.ge [sflag:s13], $0x80  }
0x82: {  	[sflag:s13] =	ssyncset.done $0x0  }
0x83: {  	[sflag:s13] =	ssyncadd.s32 $0xFFFFFF80  }
0x84: {  	_ =	swait.ge [sflag:s13], $0x80  }
0x85: {  	[sflag:s13] =	ssyncset.done $0x0  }
0x86: {  	[sflag:s13] =	ssyncadd.s32 $0xFFFFFF80  }
0x87: {  	_ =	swait.ge [sflag:s13], $0x80  }
0x88: {  	[sflag:s13] =	ssyncset.done $0x0  }
0x89: {  	[sflag:s13] =	ssyncadd.s32 $0xFFFFFF80  }
0x8a: {  	_ =	swait.ge [sflag:s13], $0x80  }
0x8b: {  	[sflag:s13] =	ssyncset.done $0x0  }
0x8c: {  	[sflag:s13] =	ssyncadd.s32 $0xFFFFFF80  }
0x8d: {  	_ =	swait.ge [sflag:s13], $0x80  }
0x8e: {  	[sflag:s13] =	ssyncset.done $0x0  }
0x8f: {  	[sflag:s13] =	ssyncadd.s32 $0xFFFFFF80  }
0x90: {  	_ =	swait.ge [sflag:s13], $0x80  }
0x91: {  	[sflag:s13] =	ssyncset.done $0x0  }
0x92: {  	[sflag:s13] =	ssyncadd.s32 $0xFFFFFF80  }
0x93: {  	_ =	swait.ge [sflag:s13], $0x80  }
0x94: {  	[sflag:s13] =	ssyncset.done $0x0  }
0x95: {  	[sflag:s13] =	ssyncadd.s32 $0xFFFFFF80  }
0x96: {  	_ =	swait.ge [sflag:s13], $0x80  }
0x97: {  	s17 =	simm.s32 $0x800;
	s18 =	simm.s32 $0x4000;
	[sflag:s13] =	ssyncset.done $0x0  }
.LBB2_2:
0x98: {  	s19 =	sadd.s32 $0x80, s17  }
0x99: {  	[sflag:s13] =	ssyncadd.s32 $0xFFFFFF80;
	s16 =	smov.u32 s18;
	s15 =	sadd.s32 $0x2000, s18  }
0x9a: {  	[spmem:s2] =	stream.indirect.scatter.add.f32 [tilespmem:s3], [sflag:$0x1], $0x1, s19, s10, $0xb8;
	[tilespmem:$0x2D78] =	vst v63  }
0x9b: {  	p1 =	sne.s32 s18, $0x8000;
	s18 =	sadd.s32 $0x100, s17  }
0x9c: {  	[spmem:s2] =	stream.indirect.scatter.add.f32 [tilespmem:s3], [sflag:$0x1], $0x1, s18, s10, $0xb8;
	[tilespmem:$0x2D78] =	vst v63  }
0x9d: {  	s18 =	sadd.s32 $0x180, s17  }
0x9e: {  	[spmem:s2] =	stream.indirect.scatter.add.f32 [tilespmem:s3], [sflag:$0x1], $0x1, s18, s10, $0xb8;
	[tilespmem:$0x2D78] =	vst v63  }
0x9f: {  	s18 =	sadd.s32 $0x200, s17  }
0xa0: {  	[spmem:s2] =	stream.indirect.scatter.add.f32 [tilespmem:s3], [sflag:$0x1], $0x1, s18, s10, $0xb8;
	[tilespmem:$0x2D78] =	vst v63  }
0xa1: {  	s18 =	sadd.s32 $0x280, s17  }
0xa2: {  	[spmem:s2] =	stream.indirect.scatter.add.f32 [tilespmem:s3], [sflag:$0x1], $0x1, s18, s10, $0xb8;
	[tilespmem:$0x2D78] =	vst v63  }
0xa3: {  	s18 =	sadd.s32 $0x300, s17  }
0xa4: {  	[spmem:s2] =	stream.indirect.scatter.add.f32 [tilespmem:s3], [sflag:$0x1], $0x1, s18, s10, $0xb8;
	[tilespmem:$0x2D78] =	vst v63  }
0xa5: {  	s18 =	sadd.s32 $0x380, s17  }
0xa6: {  	[spmem:s2] =	stream.indirect.scatter.add.f32 [tilespmem:s3], [sflag:$0x1], $0x1, s18, s10, $0xb8;
	[tilespmem:$0x2D78] =	vst v63  }
0xa7: {  	s18 =	sadd.s32 $0x400, s17  }
0xa8: {  	[spmem:s2] =	stream.indirect.scatter.add.f32 [tilespmem:s3], [sflag:$0x1], $0x1, s18, s10, $0xb8;
	[tilespmem:$0x2D78] =	vst v63  }
0xa9: {  	s18 =	sadd.s32 $0x480, s17  }
0xaa: {  	[spmem:s2] =	stream.indirect.scatter.add.f32 [tilespmem:s3], [sflag:$0x1], $0x1, s18, s10, $0xb8;
	[tilespmem:$0x2D78] =	vst v63  }
0xab: {  	s18 =	sadd.s32 $0x500, s17  }
0xac: {  	[spmem:s2] =	stream.indirect.scatter.add.f32 [tilespmem:s3], [sflag:$0x1], $0x1, s18, s10, $0xb8;
	[tilespmem:$0x2D78] =	vst v63  }
0xad: {  	s18 =	sadd.s32 $0x580, s17  }
0xae: {  	[spmem:s2] =	stream.indirect.scatter.add.f32 [tilespmem:s3], [sflag:$0x1], $0x1, s18, s10, $0xb8;
	[tilespmem:$0x2D78] =	vst v63  }
0xaf: {  	s18 =	sadd.s32 $0x600, s17  }
0xb0: {  	[spmem:s2] =	stream.indirect.scatter.add.f32 [tilespmem:s3], [sflag:$0x1], $0x1, s18, s10, $0xb8;
	[tilespmem:$0x2D78] =	vst v63  }
0xb1: {  	s18 =	sadd.s32 $0x680, s17  }
0xb2: {  	[spmem:s2] =	stream.indirect.scatter.add.f32 [tilespmem:s3], [sflag:$0x1], $0x1, s18, s10, $0xb8;
	[tilespmem:$0x2D78] =	vst v63  }
0xb3: {  	s18 =	sadd.s32 $0x700, s17  }
0xb4: {  	[spmem:s2] =	stream.indirect.scatter.add.f32 [tilespmem:s3], [sflag:$0x1], $0x1, s18, s10, $0xb8;
	[tilespmem:$0x2D78] =	vst v63  }
0xb5: {  	s18 =	sadd.s32 $0x780, s17  }
0xb6: {  	[spmem:s2] =	stream.indirect.scatter.add.f32 [tilespmem:s3], [sflag:$0x1], $0x1, s18, s10, $0xb8;
	[tilespmem:$0x2D78] =	vst v63  }
0xb7: {  	s17 =	sadd.s32 $0x800, s17  }
0xb8: {  	[spmem:s2] =	stream.indirect.scatter.add.f32 [tilespmem:s3], [sflag:$0x1], $0x1, s17, s10, $0xb8;
	[tilespmem:$0x2D78] =	vst v63  }
0xb9: {  	_ =	swait.ge [sflag:s13], $0x80  }
0xba: {  	[sflag:s13] =	ssyncset.done $0x0  }
0xbb: {  	[sflag:s13] =	ssyncadd.s32 $0xFFFFFF80  }
0xbc: {  	_ =	swait.ge [sflag:s13], $0x80  }
0xbd: {  	[sflag:s13] =	ssyncset.done $0x0  }
0xbe: {  	[sflag:s13] =	ssyncadd.s32 $0xFFFFFF80  }
0xbf: {  	_ =	swait.ge [sflag:s13], $0x80  }
0xc0: {  	[sflag:s13] =	ssyncset.done $0x0  }
0xc1: {  	[sflag:s13] =	ssyncadd.s32 $0xFFFFFF80  }
0xc2: {  	_ =	swait.ge [sflag:s13], $0x80  }
0xc3: {  	[sflag:s13] =	ssyncset.done $0x0  }
0xc4: {  	[sflag:s13] =	ssyncadd.s32 $0xFFFFFF80  }
0xc5: {  	_ =	swait.ge [sflag:s13], $0x80  }
0xc6: {  	[sflag:s13] =	ssyncset.done $0x0  }
0xc7: {  	[sflag:s13] =	ssyncadd.s32 $0xFFFFFF80  }
0xc8: {  	_ =	swait.ge [sflag:s13], $0x80  }
0xc9: {  	[sflag:s13] =	ssyncset.done $0x0  }
0xca: {  	[sflag:s13] =	ssyncadd.s32 $0xFFFFFF80  }
0xcb: {  	_ =	swait.ge [sflag:s13], $0x80  }
0xcc: {  	[sflag:s13] =	ssyncset.done $0x0  }
0xcd: {  	[sflag:s13] =	ssyncadd.s32 $0xFFFFFF80  }
0xce: {  	_ =	swait.ge [sflag:s13], $0x80  }
0xcf: {  	[sflag:s13] =	ssyncset.done $0x0  }
0xd0: {  	[sflag:s13] =	ssyncadd.s32 $0xFFFFFF80  }
0xd1: {  	_ =	swait.ge [sflag:s13], $0x80  }
0xd2: {  	[sflag:s13] =	ssyncset.done $0x0  }
0xd3: {  	[sflag:s13] =	ssyncadd.s32 $0xFFFFFF80  }
0xd4: {  	_ =	swait.ge [sflag:s13], $0x80  }
0xd5: {  	[sflag:s13] =	ssyncset.done $0x0  }
0xd6: {  	[sflag:s13] =	ssyncadd.s32 $0xFFFFFF80  }
0xd7: {  	_ =	swait.ge [sflag:s13], $0x80  }
0xd8: {  	[sflag:s13] =	ssyncset.done $0x0  }
0xd9: {  	[sflag:s13] =	ssyncadd.s32 $0xFFFFFF80  }
0xda: {  	_ =	swait.ge [sflag:s13], $0x80  }
0xdb: {  	[sflag:s13] =	ssyncset.done $0x0  }
0xdc: {  	[sflag:s13] =	ssyncadd.s32 $0xFFFFFF80  }
0xdd: {  	_ =	swait.ge [sflag:s13], $0x80  }
0xde: {  	[sflag:s13] =	ssyncset.done $0x0  }
0xdf: {  	[sflag:s13] =	ssyncadd.s32 $0xFFFFFF80  }
0xe0: {  	_ =	swait.ge [sflag:s13], $0x80  }
0xe1: {  	[sflag:s13] =	ssyncset.done $0x0  }
0xe2: {  	[sflag:s13] =	ssyncadd.s32 $0xFFFFFF80  }
.Ltmp0:
0xe3: {  	_ =	swait.ge [sflag:s13], $0x80;
	(pc) =	sbr.rel @p1 .LBB2_2-.Ltmp0, $4  }
0xe4: {  	[sflag:s13] =	ssyncset.done $0x0  }
0xe5: {  	[sflag:s13] =	ssyncadd.s32 $0xFFFFFF80  }
0xe6: {  	_ =	swait.ge [sflag:s13], $0x80  }
0xe7: {  	s18 =	smov.u32 s15;
	s17 =	sshra.s32 s16, $0x2;
	[sflag:s13] =	ssyncset.done $0x0  }
0xe8: {  	s15 =	sadd.s32 $0x80, s17;
	[sflag:s13] =	ssyncadd.s32 $0xFFFFFF80  }
0xe9: {  	[spmem:s2] =	stream.indirect.scatter.add.f32 [tilespmem:s3], [sflag:$0x1], $0x1, s15, s10, $0xb8;
	[tilespmem:$0x2D78] =	vst v63  }
0xea: {  	s31 =	sadd.s32 $0x100, s17  }
0xeb: {  	[spmem:s2] =	stream.indirect.scatter.add.f32 [tilespmem:s3], [sflag:$0x1], $0x1, s31, s10, $0xb8;
	[tilespmem:$0x2D78] =	vst v63  }
0xec: {  	s16 =	sadd.s32 $0x180, s17  }
0xed: {  	[spmem:s2] =	stream.indirect.scatter.add.f32 [tilespmem:s3], [sflag:$0x1], $0x1, s16, s10, $0xb8;
	[tilespmem:$0x2D78] =	vst v63  }
0xee: {  	s18 =	sadd.s32 $0x200, s17  }
0xef: {  	[spmem:s2] =	stream.indirect.scatter.add.f32 [tilespmem:s3], [sflag:$0x1], $0x1, s18, s10, $0xb8;
	[tilespmem:$0x2D78] =	vst v63  }
0xf0: {  	s19 =	sadd.s32 $0x280, s17  }
0xf1: {  	[spmem:s2] =	stream.indirect.scatter.add.f32 [tilespmem:s3], [sflag:$0x1], $0x1, s19, s10, $0xb8;
	[tilespmem:$0x2D78] =	vst v63  }
0xf2: {  	s20 =	sadd.s32 $0x300, s17  }
0xf3: {  	[spmem:s2] =	stream.indirect.scatter.add.f32 [tilespmem:s3], [sflag:$0x1], $0x1, s20, s10, $0xb8;
	[tilespmem:$0x2D78] =	vst v63  }
0xf4: {  	s21 =	sadd.s32 $0x380, s17  }
0xf5: {  	[spmem:s2] =	stream.indirect.scatter.add.f32 [tilespmem:s3], [sflag:$0x1], $0x1, s21, s10, $0xb8;
	[tilespmem:$0x2D78] =	vst v63  }
0xf6: {  	s22 =	sadd.s32 $0x400, s17  }
0xf7: {  	[spmem:s2] =	stream.indirect.scatter.add.f32 [tilespmem:s3], [sflag:$0x1], $0x1, s22, s10, $0xb8;
	[tilespmem:$0x2D78] =	vst v63  }
0xf8: {  	s23 =	sadd.s32 $0x480, s17  }
0xf9: {  	[spmem:s2] =	stream.indirect.scatter.add.f32 [tilespmem:s3], [sflag:$0x1], $0x1, s23, s10, $0xb8;
	[tilespmem:$0x2D78] =	vst v63  }
0xfa: {  	s24 =	sadd.s32 $0x500, s17  }
0xfb: {  	[spmem:s2] =	stream.indirect.scatter.add.f32 [tilespmem:s3], [sflag:$0x1], $0x1, s24, s10, $0xb8;
	[tilespmem:$0x2D78] =	vst v63  }
0xfc: {  	s25 =	sadd.s32 $0x580, s17  }
0xfd: {  	[spmem:s2] =	stream.indirect.scatter.add.f32 [tilespmem:s3], [sflag:$0x1], $0x1, s25, s10, $0xb8;
	[tilespmem:$0x2D78] =	vst v63  }
0xfe: {  	s26 =	sadd.s32 $0x600, s17  }
0xff: {  	[spmem:s2] =	stream.indirect.scatter.add.f32 [tilespmem:s3], [sflag:$0x1], $0x1, s26, s10, $0xb8;
	[tilespmem:$0x2D78] =	vst v63  }
0x100: {  	s28 =	sadd.s32 $0x680, s17  }
0x101: {  	[spmem:s2] =	stream.indirect.scatter.add.f32 [tilespmem:s3], [sflag:$0x1], $0x1, s28, s10, $0xb8;
	[tilespmem:$0x2D78] =	vst v63  }
0x102: {  	s29 =	sadd.s32 $0x700, s17  }
0x103: {  	[spmem:s2] =	stream.indirect.scatter.add.f32 [tilespmem:s3], [sflag:$0x1], $0x1, s29, s10, $0xb8;
	[tilespmem:$0x2D78] =	vst v63  }
0x104: {  	s30 =	sadd.s32 $0x780, s17  }
0x105: {  	[spmem:s2] =	stream.indirect.scatter.add.f32 [tilespmem:s3], [sflag:$0x1], $0x1, s30, s10, $0xb8;
	[tilespmem:$0x2D78] =	vst v63  }
0x106: {  	s31 =	sadd.s32 $0x800, s17  }
0x107: {  	[spmem:s2] =	stream.indirect.scatter.add.f32 [tilespmem:s3], [sflag:$0x1], $0x1, s31, s10, $0xb8;
	[tilespmem:$0x2D78] =	vst v63  }
0x108: {  	_ =	swait.ge [sflag:s13], $0x80  }
0x109: {  	[sflag:s13] =	ssyncset.done $0x0  }
0x10a: {  	[sflag:s13] =	ssyncadd.s32 $0xFFFFFF80  }
0x10b: {  	_ =	swait.ge [sflag:s13], $0x80  }
0x10c: {  	[sflag:s13] =	ssyncset.done $0x0  }
0x10d: {  	[sflag:s13] =	ssyncadd.s32 $0xFFFFFF80  }
0x10e: {  	_ =	swait.ge [sflag:s13], $0x80  }
0x10f: {  	[sflag:s13] =	ssyncset.done $0x0  }
0x110: {  	[sflag:s13] =	ssyncadd.s32 $0xFFFFFF80  }
0x111: {  	_ =	swait.ge [sflag:s13], $0x80  }
0x112: {  	[sflag:s13] =	ssyncset.done $0x0  }
0x113: {  	[sflag:s13] =	ssyncadd.s32 $0xFFFFFF80  }
0x114: {  	_ =	swait.ge [sflag:s13], $0x80  }
0x115: {  	[sflag:s13] =	ssyncset.done $0x0  }
0x116: {  	[sflag:s13] =	ssyncadd.s32 $0xFFFFFF80  }
0x117: {  	_ =	swait.ge [sflag:s13], $0x80  }
0x118: {  	[sflag:s13] =	ssyncset.done $0x0  }
0x119: {  	[sflag:s13] =	ssyncadd.s32 $0xFFFFFF80  }
0x11a: {  	_ =	swait.ge [sflag:s13], $0x80  }
0x11b: {  	[sflag:s13] =	ssyncset.done $0x0  }
0x11c: {  	[sflag:s13] =	ssyncadd.s32 $0xFFFFFF80  }
0x11d: {  	_ =	swait.ge [sflag:s13], $0x80  }
0x11e: {  	[sflag:s13] =	ssyncset.done $0x0  }
0x11f: {  	[sflag:s13] =	ssyncadd.s32 $0xFFFFFF80  }
0x120: {  	_ =	swait.ge [sflag:s13], $0x80  }
0x121: {  	[sflag:s13] =	ssyncset.done $0x0  }
0x122: {  	[sflag:s13] =	ssyncadd.s32 $0xFFFFFF80  }
0x123: {  	_ =	swait.ge [sflag:s13], $0x80  }
0x124: {  	[sflag:s13] =	ssyncset.done $0x0  }
0x125: {  	[sflag:s13] =	ssyncadd.s32 $0xFFFFFF80  }
0x126: {  	_ =	swait.ge [sflag:s13], $0x80  }
0x127: {  	[sflag:s13] =	ssyncset.done $0x0  }
0x128: {  	[sflag:s13] =	ssyncadd.s32 $0xFFFFFF80  }
0x129: {  	_ =	swait.ge [sflag:s13], $0x80  }
0x12a: {  	[sflag:s13] =	ssyncset.done $0x0  }
0x12b: {  	[sflag:s13] =	ssyncadd.s32 $0xFFFFFF80  }
0x12c: {  	_ =	swait.ge [sflag:s13], $0x80  }
0x12d: {  	[sflag:s13] =	ssyncset.done $0x0  }
0x12e: {  	[sflag:s13] =	ssyncadd.s32 $0xFFFFFF80  }
0x12f: {  	_ =	swait.ge [sflag:s13], $0x80  }
0x130: {  	[sflag:s13] =	ssyncset.done $0x0  }
0x131: {  	[sflag:s13] =	ssyncadd.s32 $0xFFFFFF80  }
0x132: {  	_ =	swait.ge [sflag:s13], $0x80  }
0x133: {  	[sflag:s13] =	ssyncset.done $0x0  }
0x134: {  	[sflag:s13] =	ssyncadd.s32 $0xFFFFFF80  }
0x135: {  	_ =	swait.ge [sflag:s13], $0x80  }
0x136: {  	[sflag:s13] =	ssyncset.done $0x0  }
0x137: {  	[sflag:s13] =	ssyncadd.s32 $0xFFFFFF80  }
0x138: {  	[bflag:$0x0] =	sbarrier.arrive $0xFFFF  }
0x139: {  	[tilespmem:s12], [sflag:$0x2] =	stream.linear.gather [spmem:s5], $0x270, $0x38;
	[tilespmem:$0x2D78] =	vst v63  }
0x13a: {  	_ =	swait.ge [sflag:s11], $0x270  }
0x13b: {  	[sflag:s11] =	ssyncset.done $0x0  }
0x13c: {  	[sflag:s11] =	ssyncadd.s32 $0xFFFFFD90  }
0x13d: {  	[hbm4b:s7+s3] =	stream.linear.scatter [tilespmem:s12], [sflag:$0x2], $0x270, $0x38;
	[tilespmem:$0x2D78] =	vst v63  }
0x13e: {  	_ =	swait.ge [sflag:s11], $0x270  }
0x13f: {  	[sflag:s11] =	ssyncset.done $0x0  }
0x140: {  	s15 =	simm.s32 @!p0 $0x2880;
	s16 =	simm.s32 @!p0 $0x2;
	[sflag:s11] =	ssyncadd.s32 $0xFFFFFD90  }
0x141: {  	[tilespmem:s15], [sflag:$0x2] =	stream.linear.gather @!p0 [spmem:s6], $0x10, $0x38;
	[tilespmem:$0x2D78] =	vst v63  }
0x142: {  	s14 =	sadd.s32 $0x1, s14;
	_ =	swait.ge @!p0 [sflag:s16], $0x10  }
0x143: {  	p1 =	sne.s32 s14, s9;
	[sflag:s16] =	ssyncset.done @!p0 $0x0  }
.Ltmp1:
0x144: {  	s17 =	simm.s32 @!p0 $0x0;
	[sflag:s16] =	ssyncadd.s32 @!p0 $0xFFFFFFF0;
	(pc) =	sbr.rel @p1 .LBB2_1-.Ltmp1, $4  }
0x145: {  	[hbm4b:s8+s17] =	stream.linear.scatter @!p0 [tilespmem:s15], [sflag:$0x2], $0x10, $0x38;
	[tilespmem:$0x2D78] =	vst v63  }
0x146: {  	_ =	swait.ge @!p0 [sflag:s16], $0x10  }
0x147: {  	[sflag:s16] =	ssyncset.done @!p0 $0x0  }
0x148: {  	[sflag:s16] =	ssyncadd.s32 @!p0 $0xFFFFFFF0  }
0x149: {  	_ =	sfence.sel $0x180000  }
0x14a: {  	[bflag:$0x0] =	sbarrier.arrive $0xFFFF  }
0x14b: {  	p0 =	sne.s32 s1, $0x0;
	_ =	strace $0x90000047  }
0x14c: {  	s0 =	sadd.s32 @!p0 $0x100000, s0;
	[bflag:$0x2] =	sbarrier.arrive $0xFFFF  }
0x14d: {  	[sflag:s0] =	ssyncadd.tile.s32 @!p0 $0x1;
	_ =	shalt  }
.Lfunc_end2:
_tile_overlayer_lowered:
.L_overlay_start_2:
0x14e: {  	(tag) =	ssettag $0x2  }
0x14f: {  	s0 =	rddreg [dreg:$0x0];
	s2 =	stileid.u32  }
0x150: {  	s1 =	rddreg [dreg:$0x1];
	p0 =	sne.s32 s2, $0x0  }
0x151: {  	s3 =	rddreg [dreg:$0x2];
	[bflag:$0x3] =	sbarrier.arrive $0xFFFF;
	s2 =	simm.s32 @!p0 $0x1C02  }
0x152: {  	[timem:s3], [sflag:s2] =	dma.local @!p0 [hbm:s0], s1  }
0x153: {  	s0 =	simm.s32 @!p0 $0x2  }
0x154: {  	_ =	swait.ge @!p0 [sflag:s0], s1  }
0x155: {  	s1 =	ssub.s32 @!p0 $0x0, s1;
	[sflag:s0] =	ssyncset.done @!p0 $0x0  }
0x156: {  	[sflag:s0] =	ssyncadd.s32 @!p0 s1  }
0x157: {  	[bflag:$0x3] =	sbarrier.arrive $0xFFFF  }
0x158: {  	_ =	shalt  }

// kernel: kernel.9.cloned.1.call-start
scs
__scs_entry_jumppad:
0x0: {  	(pc) =	sbr.rel $0x88, $3  }
0x1: {  	(tag) =	ssettag $0x0;
	lr =	simm.s32 $0x1  }
0x2: {  	[smem:$0x3F98] =	sst lr;
	_ =	strace $0xD0000000  }
0x3: {  	_ = 	snop  }
0x4: {  	_ = 	snop  }
0x5: {  	_ = 	snop  }
0x6: {  	_ = 	snop  }
0x7: {  	_ = 	snop  }
__scs_overlays_trampoline_lowered:
0x8: {  	[smem:$0x3FA7] =	sst s0  }
0x9: {  	[smem:$0x3FA8] =	sst s1  }
0xa: {  	[smem:$0x3FA9] =	sst s2  }
0xb: {  	[smem:$0x3FAA] =	sst s3  }
0xc: {  	[smem:$0x3FAB] =	sst s4  }
0xd: {  	[smem:$0x3FAC] =	sst s5  }
0xe: {  	[smem:$0x3FAD] =	sst s6  }
0xf: {  	[smem:$0x3FAE] =	sst s7  }
0x10: {  	[smem:$0x3FAF] =	sst s8  }
0x11: {  	[smem:$0x3FB0] =	sst s9;
	s0 =	simm.s32 @!p0 $0x0  }
0x12: {  	s1 =	sld [smem:$0x3F96];
	s0 =	simm.s32 @p0 $0x1  }
0x13: {  	[smem:$0x3FB1] =	sst s0;
	s0 =	simm.s32 @!p1 $0x0  }
0x14: {  	s2 =	sld [smem:$0x3F95];
	s0 =	simm.s32 @p1 $0x1  }
0x15: {  	[smem:$0x3FB2] =	sst s0;
	s0 =	simm.s32 @!p2 $0x0  }
0x16: {  	s3 =	sld [smem:$0x3FDB];
	s0 =	simm.s32 @p2 $0x1  }
0x17: {  	s4 =	simm.s32 $0x1BF5;
	[smem:$0x3FB4] =	sst s0  }
0x18: {  	s0 =	sld [smem:$0x3F97];
	_ =	swait.ge [sflag:s4], $0x0  }
0x19: {  	s7 =	sld [smem:$0x3F98]  }
0x1a: {  	s8 =	sadd.s32 $0xFFFFE003, lr  }
0x1b: {  	s9 =	sadd.s32 $0xFFFFFEF7, lr;
	s5 =	simm.s32 $0xFFFFFFFF;
	p2 =	slt.u32 s8, $0xFFFFF086  }
0x1c: {  	p1 =	slt.u32 s9, $0xF7A;
	s5 =	simm.s32 @!p2 $0x0  }
0x1d: {  	s5 =	simm.s32 @p1 $0x1;
	p0 =	seq.s32 s7, s2  }
0x1e: {  	s7 =	smul.u32 @!p0 $0xF7A, s2;
	p2 =	seq.s32 @!p0 s5, $0x0  }
0x1f: {  	s9 =	smul.u32 $0xF7A, s1;
	s8 =	simm.s32 @!p0 $0x1BF5;
	p2 =	por !p2, p0  }
0x20: {  	[sflag:s8] =	ssyncset.s32 @!p0 $0xFFFFF086;
	s6 =	sadd.s32 @!p0 s3, s7;
	s7 =	simm.s32 @!p0 $0x108  }
0x21: {  	s3 =	sadd.s32 s3, s9;
	s6 =	sadd.s32 @!p0 $0x88, s6;
	s7 =	simm.s32 @p2 $0x1082  }
0x22: {  	[simem:s7], [sflag:s8] =	dma.local @!p0 [hbm:s6], $0xF7A  }
0x23: {  	s9 =	sor.u32 $0xD0000000, s2;
	s6 =	simm.s32 $0x108;
	_ =	swait.ge @!p0 [sflag:s8], $0x0  }
0x24: {  	s3 =	sadd.s32 $0x88, s3;
	s6 =	simm.s32 @!p1 $0x1082;
	[sflag:s4] =	ssyncset.s32 $0xFFFFF086  }
0x25: {  	[simem:s6], [sflag:s4] =	dma.local [hbm:s3], $0xF7A  }
0x26: {  	[smem:$0x3F98] =	sst s1;
	(tag) =	ssettag s2;
	_ =	strace s9  }
0x27: {  	s1 =	sld [smem:$0x3FA8]  }
0x28: {  	s2 =	sld [smem:$0x3FA9]  }
0x29: {  	s4 =	sld [smem:$0x3FAB]  }
0x2a: {  	p0 =	seq.s32 s5, $0x0;
	s5 =	sld [smem:$0x3FAC]  }
0x2b: {  	s6 =	sld [smem:$0x3FAD]  }
0x2c: {  	s7 =	sld [smem:$0x3FAE]  }
0x2d: {  	s3 =	simm.s32 $0x108;
	s8 =	sld [smem:$0x3FAF]  }
0x2e: {  	s3 =	simm.s32 @!p0 $0x1082;
	s9 =	sld [smem:$0x3FB0]  }
0x2f: {  	lr =	sadd.s32 s0, s3;
	s0 =	sld [smem:$0x3FA7]  }
0x30: {  	s3 =	sld [smem:$0x3FAA]  }
0x31: {  	[smem:$0x3FB3] =	sst s10  }
0x32: {  	s10 =	sld [smem:$0x3FB1];
	_ =	sdelay $0x3  }
0x33: {  	p0 =	seq.s32 s10, $0x1;
	s10 =	sld [smem:$0x3FB3];
	_ =	sdelay $0x3  }
0x34: {  	[smem:$0x3FB3] =	sst s10  }
0x35: {  	s10 =	sld [smem:$0x3FB2];
	_ =	sdelay $0x3  }
0x36: {  	p1 =	seq.s32 s10, $0x1;
	s10 =	sld [smem:$0x3FB3];
	_ =	sdelay $0x3  }
0x37: {  	[smem:$0x3FB3] =	sst s10  }
0x38: {  	s10 =	sld [smem:$0x3FB4]  }
0x39: {  	_ = 	snop;
	(pc) =	sbr.ind lr, $3  }
0x3a: {  	_ = 	snop  }
0x3b: {  	_ = 	snop  }
0x3c: {  	p2 =	seq.s32 s10, $0x1;
	s10 =	sld [smem:$0x3FB3]  }
0x3d: {  	_ =	shalt  }
0x3e: {  	_ =	shalt  }
0x3f: {  	_ =	shalt  }
0x40: {  	_ =	shalt  }
0x41: {  	_ =	shalt  }
0x42: {  	_ =	shalt  }
0x43: {  	_ =	shalt  }
0x44: {  	_ =	shalt  }
0x45: {  	_ =	shalt  }
0x46: {  	_ =	shalt  }
0x47: {  	_ =	shalt  }
0x48: {  	_ =	shalt  }
0x49: {  	_ =	shalt  }
0x4a: {  	_ =	shalt  }
0x4b: {  	_ =	shalt  }
0x4c: {  	_ =	shalt  }
0x4d: {  	_ =	shalt  }
0x4e: {  	_ =	shalt  }
0x4f: {  	_ =	shalt  }
0x50: {  	_ =	shalt  }
0x51: {  	_ =	shalt  }
0x52: {  	_ =	shalt  }
0x53: {  	_ =	shalt  }
0x54: {  	_ =	shalt  }
0x55: {  	_ =	shalt  }
0x56: {  	_ =	shalt  }
0x57: {  	_ =	shalt  }
0x58: {  	_ =	shalt  }
0x59: {  	_ =	shalt  }
0x5a: {  	_ =	shalt  }
0x5b: {  	_ =	shalt  }
0x5c: {  	_ =	shalt  }
0x5d: {  	_ =	shalt  }
0x5e: {  	_ =	shalt  }
0x5f: {  	_ =	shalt  }
0x60: {  	_ =	shalt  }
0x61: {  	_ =	shalt  }
0x62: {  	_ =	shalt  }
0x63: {  	_ =	shalt  }
0x64: {  	_ =	shalt  }
0x65: {  	_ =	shalt  }
0x66: {  	_ =	shalt  }
0x67: {  	_ =	shalt  }
0x68: {  	_ =	shalt  }
0x69: {  	_ =	shalt  }
0x6a: {  	_ =	shalt  }
0x6b: {  	_ =	shalt  }
0x6c: {  	_ =	shalt  }
0x6d: {  	_ =	shalt  }
0x6e: {  	_ =	shalt  }
0x6f: {  	_ =	shalt  }
0x70: {  	_ =	shalt  }
0x71: {  	_ =	shalt  }
0x72: {  	_ =	shalt  }
0x73: {  	_ =	shalt  }
0x74: {  	_ =	shalt  }
0x75: {  	_ =	shalt  }
0x76: {  	_ =	shalt  }
0x77: {  	_ =	shalt  }
0x78: {  	_ =	shalt  }
0x79: {  	_ =	shalt  }
0x7a: {  	_ =	shalt  }
0x7b: {  	_ =	shalt  }
0x7c: {  	_ =	shalt  }
0x7d: {  	_ =	shalt  }
0x7e: {  	_ =	shalt  }
0x7f: {  	_ =	shalt  }
0x80: {  	_ =	shalt  }
0x81: {  	_ =	shalt  }
0x82: {  	_ =	shalt  }
0x83: {  	_ =	shalt  }
0x84: {  	_ =	shalt  }
0x85: {  	_ =	shalt  }
0x86: {  	_ =	shalt  }
0x87: {  	_ =	shalt  }
.Lfunc_end0:
.L_simem_size_0:
called_computation.1_lowered:
.L_overlay_start_0:
0x88: {  	s2 =	sld [smem:$0x3FD9]  }
0x89: {  	s3 =	sld [smem:$0x3FFE];
	_ =	sdelay $0x1  }
0x8a: {  	s1 =	srdreg.scid  }
0x8b: {  	s0 =	sand.u32 $0x1, s1  }
0x8c: {  	s16 =	sshll.u32 s0, $0xA;
	s2 =	sadd.s32 s3, s2  }
0x8d: {  	s2 =	sadd.s32 s2, s16  }
0x8e: {  	[smem:$0x3FBF] =	sst s2  }
0x8f: {  	_ = 	snop  }
0x90: {  	(tm) =	ssettm $0x1  }
0x91: {  	s17 =	sld [smem:$0x3FFB];
	_ =	sdelay $0x3  }
0x92: {  	_ =	strace s17  }
0x93: {  	s2 =	sld [smem:$0x3FFC];
	_ =	sdelay $0x3  }
0x94: {  	_ =	strace s2  }
0x95: {  	s2 =	sld [smem:$0x3FFD];
	_ =	sdelay $0x3  }
0x96: {  	_ =	strace s2  }
0x97: {  	_ =	strace $0x8FFFFFFF  }
0x98: {  	s18 =	sld [smem:$0x3FDB];
	_ =	sdelay $0x1  }
0x99: {  	s19 =	simm.s32 $_scs_section_size  }
0x9a: {  	s4 =	simm.s32 $_size__tile_overlayer_lowered;
	s5 =	simm.s32 $_tile_overlayer_lowered  }
0x9b: {  	s22 =	simm.s32 $0x1BFF;
	s21 =	sshll.u32 s5, $0x1;
	s2 =	sadd.s32 s19, s18  }
0x9c: {  	s6 =	simm.s32 $0x0;
	s20 =	sshll.u32 s4, $0x1;
	s4 =	sadd.s32 s21, s2  }
0x9d: {  	[timem:s6], [sflag:s22] =	dma.local [hbm:s4], s20  }
0x9e: {  	_ =	swait.ge [sflag:s22], s20  }
0x9f: {  	s3 =	ssub.s32 $0x0, s20;
	[sflag:s22] =	ssyncset.done $0x0  }
0xa0: {  	[sflag:s22] =	ssyncadd.s32 s3;
	_ =	sdelay $0x1  }
0xa1: {  	s23 =	simm.s32 $0x1B8B  }
0xa2: {  	_ =	swait.ge [sflag:s23], $0x1  }
0xa3: {  	[sflag:s23] =	ssyncset.done $0x0  }
0xa4: {  	s25 =	simm.s32 $0x1B8E;
	s24 =	sld [smem:$0x3FFE];
	[sflag:s23] =	ssyncadd.s32 $0xFFFFFFFF  }
0xa5: {  	s26 =	simm.s32 $execute0_lowered;
	[smem:$0x3FD2] =	sst s25  }
0xa6: {  	s4 =	sshll.u32 s26, $0x1;
	_ =	strace $0x80000049;
	[dreg:$0x1] =	wrdreg $0xFFFFFFFF  }
0xa7: {  	s28 =	simm.s32 $_size_execute0_lowered;
	s2 =	sadd.s32 s2, s4;
	[dreg:$0x0] =	wrdreg $0x0  }
0xa8: {  	s4 =	sshll.u32 s28, $0x1;
	[dreg:$0x2] =	wrdreg s2  }
0xa9: {  	[dreg:$0x3] =	wrdreg s4  }
0xaa: {  	[dreg:$0x4] =	wrdreg $0xC0  }
0xab: {  	_ =	task [dreg:s6], $0x5FFFF  }
0xac: {  	[dreg:$0x1] =	wrdreg $0xFFFFFFFF  }
0xad: {  	[dreg:$0x0] =	wrdreg $0x60  }
0xae: {  	[dreg:$0x2] =	wrdreg s24  }
0xaf: {  	[dreg:$0x3] =	wrdreg $0xA0000  }
0xb0: {  	[dreg:$0x4] =	wrdreg $0x9  }
0xb1: {  	_ =	task.clear_ibuf [dreg:s6], $0x5FFFF;
	_ =	strace $0x90000049  }
0xb2: {  	s29 =	simm.s32 $0x9;
	_ =	strace $0x8000004B  }
0xb3: {  	_ =	swait.ge [sflag:s29], $0x1  }
0xb4: {  	[sflag:s29] =	ssyncadd.s32 $0xFFFFFFFF  }
0xb5: {  	_ =	strace $0x9000004B  }
0xb6: {  	_ =	sfence  }
0xb7: {  	s30 =	sld [smem:$0x0];
	_ =	sdelay $0x2  }
0xb8: {  	s31 =	sshll.u32 s1, $0xD;
	s1 =	sshrl.u32 s1, $0x2  }
0xb9: {  	s3 =	sand.u32 $0x4000, s31;
	s1 =	sadd.s32 s1, s30  }
0xba: {  	s0 =	sor.u32 s3, s0;
	s1 =	sshll.u32 s1, $0x11  }
0xbb: {  	s0 =	sor.u32 s1, s0  }
0xbc: {  	s0 =	sadd.s32 $0x8F2B, s0  }
0xbd: {  	[sflag:s0] =	ssyncadd.remote.s32 $0x1  }
0xbe: {  	_ =	sfence.sel $0xFFFF  }
0xbf: {  	[dreg:$0x0] =	wrdreg $0xFFFFFFFF;
	(pc) =	sbr.abs _section_cstart, $3  }
0xc0: {  	[dreg:$0x1] =	wrdreg $0xFFFFFFFF  }
0xc1: {  	_ =	task.clear_ibuf [dreg:s6], $0x2FFFF;
	_ =	strace $0x9FFFFFFF  }
0xc2: {  	(tm) =	ssettm $0x7FFFFFFF  }
0xc3: {  	_ =	shalt  }
tec
execute0_lowered:
.L_overlay_start_1:
0x0: {  	(tag) =	ssettag $0x1  }
0x1: {  	s0 =	rddreg [dreg:$0x0]  }
0x2: {  	s1 =	rddreg [dreg:$0x1]  }
0x3: {  	s2 =	simm.s32 $0x0;
	s3 =	srdreg.scid;
	s17 =	stileid.u32  }
0x4: {  	s28 =	simm.s32 $0x3;
	s30 =	simm.s32 $0x80;
	s29 =	simm.s32 $0x1780  }
0x5: {  	s31 =	simm.s32 $0x1900;
	[smem:$0x7FF] =	sst s2;
	s4 =	sadd.s32 $0x21000, s0  }
0x6: {  	s3 =	sand.u32 $0x1, s3;
	s6 =	sadd.s32 $0xD000, s0;
	s7 =	smul.u32 $0x4E000, s17  }
0x7: {  	s0 =	sadd.s32 $0x48200, s0;
	s14 =	smul.u32 $0x270, s17;
	p0 =	sne.s32 s17, $0xF  }
0x8: {  	_ =	strace $0x8000004A;
	s5 =	sshll.u32 s3, $0x4;
	s15 =	smul.u32 $0x2710, s3  }
0x9: {  	s8 =	ssub.s32 $0x2, s3;
	s3 =	smul.u32 $0x138800, s3;
	s9 =	sor.u32 s17, s5  }
0xa: {  	s23 =	sshrl.u32 s8, $0x1;
	s7 =	sshrl.u32 s7, $0x2;
	s17 =	simm.s32 $0x0  }
0xb: {  	s10 =	smul.u32 $0xA00, s9;
	s13 =	ssub.s32 s8, s23;
	s24 =	sadd.s32 s7, s1  }
0xc: {  	s12 =	smul.u32 $0x5000, s9;
	s14 =	sadd.s32 s14, s15;
	s3 =	sshrl.u32 s3, $0x3  }
0xd: {  	s7 =	simm.s32 $0x1080;
	s26 =	sadd.s32 $0x3400, s24;
	[dreg:$0x16] =	wrdreg s24  }
0xe: {  	s15 =	simm.s32 $0x1500;
	s8 =	sadd.s32 $0x6800, s24;
	[dreg:$0x10] =	wrdreg s26  }
0xf: {  	s9 =	sadd.s32 $0x9C00, s24;
	s11 =	sadd.s32 $0x10400, s24;
	[dreg:$0x11] =	wrdreg s8  }
0x10: {  	s14 =	sshll.u32 s14, $0x4;
	s25 =	sadd.s32 s6, s10;
	[dreg:$0x12] =	wrdreg s9  }
0x11: {  	s10 =	sadd.s32 $0xD000, s24;
	[dreg:$0x14] =	wrdreg s11;
	s16 =	sshrl.u32 s12, $0x3  }
0x12: {  	s12 =	sadd.s32 $0x138000, s1;
	s14 =	sadd.s32 s0, s14;
	[dreg:$0x3] =	wrdreg s25  }
0x13: {  	s0 =	sadd.s32 s0, s3;
	s26 =	smax.u32 s13, $0x1;
	[dreg:$0x13] =	wrdreg s10  }
0x14: {  	s3 =	simm.s32 $0x4;
	s13 =	simm.s32 $0x2;
	[dreg:$0x15] =	wrdreg s12  }
0x15: {  	s8 =	simm.s32 $0x1200;
	s9 =	simm.s32 $0x1180;
	[dreg:$0x7] =	wrdreg s14  }
0x16: {  	s11 =	simm.s32 $0x1280;
	s21 =	sadd.s32 $0x680, s14;
	[dreg:$0xf] =	wrdreg s26  }
0x17: {  	s6 =	sadd.s32 s6, s16;
	s22 =	sadd.s32 $0xD00, s14;
	[dreg:$0x9] =	wrdreg s21  }
0x18: {  	s23 =	sadd.s32 $0x1380, s14;
	s24 =	sadd.s32 $0x1A00, s14;
	[dreg:$0xa] =	wrdreg s22  }
0x19: {  	s25 =	sadd.s32 $0x2080, s14;
	s0 =	sadd.s32 $0x27000, s0;
	[dreg:$0xb] =	wrdreg s23  }
0x1a: {  	s26 =	simm.s32 $0x1;
	s10 =	simm.s32 $0x1300;
	[dreg:$0xc] =	wrdreg s24  }
0x1b: {  	s12 =	simm.s32 $0x1400;
	s14 =	simm.s32 $0x1380;
	[dreg:$0xd] =	wrdreg s25  }
0x1c: {  	s16 =	simm.s32 $0x1480;
	s18 =	sadd.s32 $0x200, s6;
	[dreg:$0xe] =	wrdreg s0  }
0x1d: {  	s19 =	sadd.s32 $0x400, s6;
	s20 =	sadd.s32 $0x600, s6;
	[dreg:$0x4] =	wrdreg s18  }
0x1e: {  	s6 =	sadd.s32 $0x800, s6;
	s25 =	simm.s32 $0x2000;
	[dreg:$0x5] =	wrdreg s19  }
0x1f: {  	s0 =	simm.s32 $0x6000;
	s22 =	simm.s32 $0x1700;
	[dreg:$0x6] =	wrdreg s20  }
0x20: {  	v0 =	vimm.f32 $0.0e+00;
	s23 =	simm.s32 $0x1680;
	s24 =	simm.s32 $0x1800;
	[dreg:$0x8] =	wrdreg s6  }
.LBB2_1:
0x21: {  	s18 =	rddreg [dreg:$0x3]  }
0x22: {  	[tilespmem:s2], [sflag:$0x3] =	stream.linear.gather [hbm4b:s18+s2], $0x1000, $0x38;
	[tilespmem:$0x1D900] =	vst v63  }
0x23: {  	s19 =	simm.s32 $0x200;
	s18 =	simm.s32 $0x0  }
.LBB2_2:
0x24: {  	p1 =	sne.s32 s19, $0xCE00;
	[tilespmem:s18+$0x2070] =	vst v0  }
0x25: {  	[tilespmem:s18+$0x2000] =	vst v0  }
0x26: {  	[tilespmem:s18+$0x2010] =	vst v0  }
.Ltmp0:
0x27: {  	[tilespmem:s18+$0x2020] =	vst v0;
	(pc) =	sbr.rel @p1 .LBB2_2-.Ltmp0, $4  }
0x28: {  	[tilespmem:s18+$0x2030] =	vst v0  }
0x29: {  	[tilespmem:s18+$0x2040] =	vst v0  }
0x2a: {  	[tilespmem:s18+$0x2050] =	vst v0  }
0x2b: {  	[tilespmem:s18+$0x2060] =	vst v0;
	s18 =	sshra.s32 s19, $0x2;
	s19 =	sadd.s32 $0x200, s19  }
0x2c: {  	[tilespmem:s18+$0x2070] =	vst v0  }
0x2d: {  	[tilespmem:s18+$0x2000] =	vst v0  }
0x2e: {  	[tilespmem:s18+$0x2010] =	vst v0  }
0x2f: {  	[tilespmem:s18+$0x2020] =	vst v0  }
0x30: {  	[tilespmem:s18+$0x2030] =	vst v0  }
0x31: {  	[tilespmem:s18+$0x2040] =	vst v0  }
0x32: {  	[tilespmem:s18+$0x2050] =	vst v0  }
0x33: {  	[tilespmem:s18+$0x2060] =	vst v0;
	s5 =	rddreg [dreg:$0x16]  }
0x34: {  	[spmem:s5] =	stream.linear.scatter [tilespmem:s25], [sflag:$0x1], $0x3400, $0x38;
	[tilespmem:$0x1D900] =	vst v63  }
0x35: {  	s20 =	rddreg [dreg:$0x10]  }
0x36: {  	[spmem:s20] =	stream.linear.scatter [tilespmem:s25], [sflag:$0x1], $0x3400, $0x38;
	[tilespmem:$0x1D900] =	vst v63  }
0x37: {  	s21 =	rddreg [dreg:$0x11]  }
0x38: {  	[spmem:s21] =	stream.linear.scatter [tilespmem:s25], [sflag:$0x1], $0x3400, $0x38;
	[tilespmem:$0x1D900] =	vst v63  }
0x39: {  	s6 =	rddreg [dreg:$0x12]  }
0x3a: {  	[spmem:s6] =	stream.linear.scatter [tilespmem:s25], [sflag:$0x1], $0x3400, $0x38;
	[tilespmem:$0x1D900] =	vst v63  }
0x3b: {  	s18 =	rddreg [dreg:$0x13]  }
0x3c: {  	[spmem:s18] =	stream.linear.scatter [tilespmem:s25], [sflag:$0x1], $0x3400, $0x38;
	[tilespmem:$0x1D900] =	vst v63  }
0x3d: {  	s19 =	rddreg [dreg:$0x14]  }
0x3e: {  	[spmem:s19] =	stream.linear.scatter [tilespmem:s25], [sflag:$0x1], $0x3400, $0x38;
	[tilespmem:$0x1D900] =	vst v63  }
0x3f: {  	_ =	swait.ge [sflag:s26], $0x3400  }
0x40: {  	[sflag:s26] =	ssyncset.done $0x0  }
0x41: {  	[sflag:s26] =	ssyncadd.s32 $0xFFFFCC00  }
0x42: {  	_ =	swait.ge [sflag:s26], $0x3400  }
0x43: {  	[sflag:s26] =	ssyncset.done $0x0  }
0x44: {  	[sflag:s26] =	ssyncadd.s32 $0xFFFFCC00  }
0x45: {  	_ =	swait.ge [sflag:s26], $0x3400  }
0x46: {  	[sflag:s26] =	ssyncset.done $0x0  }
0x47: {  	[sflag:s26] =	ssyncadd.s32 $0xFFFFCC00  }
0x48: {  	_ =	swait.ge [sflag:s26], $0x3400  }
0x49: {  	[sflag:s26] =	ssyncset.done $0x0  }
0x4a: {  	[sflag:s26] =	ssyncadd.s32 $0xFFFFCC00  }
0x4b: {  	_ =	swait.ge [sflag:s26], $0x3400  }
0x4c: {  	[sflag:s26] =	ssyncset.done $0x0  }
0x4d: {  	[sflag:s26] =	ssyncadd.s32 $0xFFFFCC00  }
0x4e: {  	_ =	swait.ge [sflag:s26], $0x3400  }
0x4f: {  	[sflag:s26] =	ssyncset.done $0x0  }
0x50: {  	s18 =	simm.s32 @!p0 $0x2000;
	s5 =	rddreg [dreg:$0x15];
	[sflag:s26] =	ssyncadd.s32 $0xFFFFCC00  }
0x51: {  	[spmem:s5] =	stream.linear.scatter @!p0 [tilespmem:s18], [sflag:$0x4], $0x1000, $0x38;
	[tilespmem:$0x1D900] =	vst v63  }
0x52: {  	s18 =	simm.s32 @!p0 $0x4  }
0x53: {  	_ =	swait.ge @!p0 [sflag:s18], $0x1000  }
0x54: {  	[sflag:s18] =	ssyncset.done @!p0 $0x0  }
0x55: {  	[sflag:s18] =	ssyncadd.s32 @!p0 $0xFFFFF000  }
0x56: {  	[bflag:$0x0] =	sbarrier.arrive $0xFFFF  }
0x57: {  	_ =	swait.ge [sflag:s28], $0x1000  }
0x58: {  	[sflag:s28] =	ssyncset.done $0x0  }
0x59: {  	s5 =	simm.s32 $0x1000;
	s19 =	rddreg [dreg:$0x4];
	[sflag:s28] =	ssyncadd.s32 $0xFFFFF000  }
0x5a: {  	[tilespmem:s5], [sflag:$0x3] =	stream.linear.gather [hbm4b:s19+s2], $0x1000, $0x38;
	[tilespmem:$0x1D900] =	vst v63  }
0x5b: {  	_ = 	snop  }
0x5c: {  	[tilespmem:s25], [sflag:$0x1] =	stream.indirect.gather [hbm4b:s4+s30], $0x80, s2, s30, $0xb8;
	[tilespmem:$0x1D900] =	vst v63  }
0x5d: {  	s6 =	simm.s32 $0x100  }
0x5e: {  	[tilespmem:s0], [sflag:$0x2] =	stream.indirect.gather [hbm4b:s4+s30], $0x80, s6, s30, $0xb8;
	[tilespmem:$0x1D900] =	vst v63  }
0x5f: {  	_ =	swait.ge [sflag:s26], $0x4000  }
0x60: {  	[sflag:s26] =	ssyncset.done $0x0  }
0x61: {  	[sflag:s26] =	ssyncadd.s32 $0xFFFFC000  }
0x62: {  	[spmem:s1] =	stream.indirect.scatter.add.f32 [tilespmem:s25], [sflag:$0x4], $0x80, s30, s30, $0xb8;
	[tilespmem:$0x1D900] =	vst v63  }
0x63: {  	_ =	swait.ge [sflag:s3], $0x4000  }
0x64: {  	[sflag:s3] =	ssyncset.done $0x0  }
0x65: {  	s20 =	simm.s32 $0x200;
	[sflag:s3] =	ssyncadd.s32 $0xFFFFC000  }
0x66: {  	[tilespmem:s25], [sflag:$0x1] =	stream.indirect.gather [hbm4b:s4+s30], $0x80, s20, s30, $0xb8;
	[tilespmem:$0x1D900] =	vst v63  }
0x67: {  	_ =	swait.ge [sflag:s13], $0x4000  }
0x68: {  	[sflag:s13] =	ssyncset.done $0x0  }
0x69: {  	s21 =	simm.s32 $0x180;
	[sflag:s13] =	ssyncadd.s32 $0xFFFFC000  }
0x6a: {  	[spmem:s1] =	stream.indirect.scatter.add.f32 [tilespmem:s0], [sflag:$0x4], $0x80, s21, s30, $0xb8;
	[tilespmem:$0x1D900] =	vst v63  }
0x6b: {  	_ =	swait.ge [sflag:s3], $0x4000  }
0x6c: {  	[sflag:s3] =	ssyncset.done $0x0  }
0x6d: {  	s19 =	simm.s32 $0x300;
	[sflag:s3] =	ssyncadd.s32 $0xFFFFC000  }
0x6e: {  	[tilespmem:s0], [sflag:$0x2] =	stream.indirect.gather [hbm4b:s4+s30], $0x80, s19, s30, $0xb8;
	[tilespmem:$0x1D900] =	vst v63  }
0x6f: {  	_ =	swait.ge [sflag:s26], $0x4000  }
0x70: {  	[sflag:s26] =	ssyncset.done $0x0  }
0x71: {  	s20 =	simm.s32 $0x280;
	[sflag:s26] =	ssyncadd.s32 $0xFFFFC000  }
0x72: {  	[spmem:s1] =	stream.indirect.scatter.add.f32 [tilespmem:s25], [sflag:$0x4], $0x80, s20, s30, $0xb8;
	[tilespmem:$0x1D900] =	vst v63  }
0x73: {  	_ =	swait.ge [sflag:s3], $0x4000  }
0x74: {  	[sflag:s3] =	ssyncset.done $0x0  }
0x75: {  	s21 =	simm.s32 $0x400;
	[sflag:s3] =	ssyncadd.s32 $0xFFFFC000  }
0x76: {  	[tilespmem:s25], [sflag:$0x1] =	stream.indirect.gather [hbm4b:s4+s30], $0x80, s21, s30, $0xb8;
	[tilespmem:$0x1D900] =	vst v63  }
0x77: {  	_ =	swait.ge [sflag:s13], $0x4000  }
0x78: {  	[sflag:s13] =	ssyncset.done $0x0  }
0x79: {  	s19 =	simm.s32 $0x380;
	[sflag:s13] =	ssyncadd.s32 $0xFFFFC000  }
0x7a: {  	[spmem:s1] =	stream.indirect.scatter.add.f32 [tilespmem:s0], [sflag:$0x4], $0x80, s19, s30, $0xb8;
	[tilespmem:$0x1D900] =	vst v63  }
0x7b: {  	_ =	swait.ge [sflag:s3], $0x4000  }
0x7c: {  	[sflag:s3] =	ssyncset.done $0x0  }
0x7d: {  	s20 =	simm.s32 $0x500;
	[sflag:s3] =	ssyncadd.s32 $0xFFFFC000  }
0x7e: {  	[tilespmem:s0], [sflag:$0x2] =	stream.indirect.gather [hbm4b:s4+s30], $0x80, s20, s30, $0xb8;
	[tilespmem:$0x1D900] =	vst v63  }
0x7f: {  	_ =	swait.ge [sflag:s26], $0x4000  }
0x80: {  	[sflag:s26] =	ssyncset.done $0x0  }
0x81: {  	s21 =	simm.s32 $0x480;
	[sflag:s26] =	ssyncadd.s32 $0xFFFFC000  }
0x82: {  	[spmem:s1] =	stream.indirect.scatter.add.f32 [tilespmem:s25], [sflag:$0x4], $0x80, s21, s30, $0xb8;
	[tilespmem:$0x1D900] =	vst v63  }
0x83: {  	_ =	swait.ge [sflag:s3], $0x4000  }
0x84: {  	[sflag:s3] =	ssyncset.done $0x0  }
0x85: {  	s19 =	simm.s32 $0x600;
	[sflag:s3] =	ssyncadd.s32 $0xFFFFC000  }
0x86: {  	[tilespmem:s25], [sflag:$0x1] =	stream.indirect.gather [hbm4b:s4+s30], $0x80, s19, s30, $0xb8;
	[tilespmem:$0x1D900] =	vst v63  }
0x87: {  	_ =	swait.ge [sflag:s13], $0x4000  }
0x88: {  	[sflag:s13] =	ssyncset.done $0x0  }
0x89: {  	s20 =	simm.s32 $0x580;
	[sflag:s13] =	ssyncadd.s32 $0xFFFFC000  }
0x8a: {  	[spmem:s1] =	stream.indirect.scatter.add.f32 [tilespmem:s0], [sflag:$0x4], $0x80, s20, s30, $0xb8;
	[tilespmem:$0x1D900] =	vst v63  }
0x8b: {  	_ =	swait.ge [sflag:s3], $0x4000  }
0x8c: {  	[sflag:s3] =	ssyncset.done $0x0  }
0x8d: {  	s21 =	simm.s32 $0x700;
	[sflag:s3] =	ssyncadd.s32 $0xFFFFC000  }
0x8e: {  	[tilespmem:s0], [sflag:$0x2] =	stream.indirect.gather [hbm4b:s4+s30], $0x80, s21, s30, $0xb8;
	[tilespmem:$0x1D900] =	vst v63  }
0x8f: {  	_ =	swait.ge [sflag:s26], $0x4000  }
0x90: {  	[sflag:s26] =	ssyncset.done $0x0  }
0x91: {  	s19 =	simm.s32 $0x680;
	[sflag:s26] =	ssyncadd.s32 $0xFFFFC000  }
0x92: {  	[spmem:s1] =	stream.indirect.scatter.add.f32 [tilespmem:s25], [sflag:$0x4], $0x80, s19, s30, $0xb8;
	[tilespmem:$0x1D900] =	vst v63  }
0x93: {  	_ =	swait.ge [sflag:s3], $0x4000  }
0x94: {  	[sflag:s3] =	ssyncset.done $0x0  }
0x95: {  	s20 =	simm.s32 $0x800;
	[sflag:s3] =	ssyncadd.s32 $0xFFFFC000  }
0x96: {  	[tilespmem:s25], [sflag:$0x1] =	stream.indirect.gather [hbm4b:s4+s30], $0x80, s20, s30, $0xb8;
	[tilespmem:$0x1D900] =	vst v63  }
0x97: {  	_ =	swait.ge [sflag:s13], $0x4000  }
0x98: {  	[sflag:s13] =	ssyncset.done $0x0  }
0x99: {  	s21 =	simm.s32 $0x780;
	[sflag:s13] =	ssyncadd.s32 $0xFFFFC000  }
0x9a: {  	[spmem:s1] =	stream.indirect.scatter.add.f32 [tilespmem:s0], [sflag:$0x4], $0x80, s21, s30, $0xb8;
	[tilespmem:$0x1D900] =	vst v63  }
0x9b: {  	_ =	swait.ge [sflag:s3], $0x4000  }
0x9c: {  	[sflag:s3] =	ssyncset.done $0x0  }
0x9d: {  	s19 =	simm.s32 $0x900;
	[sflag:s3] =	ssyncadd.s32 $0xFFFFC000  }
0x9e: {  	[tilespmem:s0], [sflag:$0x2] =	stream.indirect.gather [hbm4b:s4+s30], $0x80, s19, s30, $0xb8;
	[tilespmem:$0x1D900] =	vst v63  }
0x9f: {  	_ =	swait.ge [sflag:s26], $0x4000  }
0xa0: {  	[sflag:s26] =	ssyncset.done $0x0  }
0xa1: {  	s20 =	simm.s32 $0x880;
	[sflag:s26] =	ssyncadd.s32 $0xFFFFC000  }
0xa2: {  	[spmem:s1] =	stream.indirect.scatter.add.f32 [tilespmem:s25], [sflag:$0x4], $0x80, s20, s30, $0xb8;
	[tilespmem:$0x1D900] =	vst v63  }
0xa3: {  	_ =	swait.ge [sflag:s3], $0x4000  }
0xa4: {  	[sflag:s3] =	ssyncset.done $0x0  }
0xa5: {  	s21 =	simm.s32 $0xA00;
	[sflag:s3] =	ssyncadd.s32 $0xFFFFC000  }
0xa6: {  	[tilespmem:s25], [sflag:$0x1] =	stream.indirect.gather [hbm4b:s4+s30], $0x80, s21, s30, $0xb8;
	[tilespmem:$0x1D900] =	vst v63  }
0xa7: {  	_ =	swait.ge [sflag:s13], $0x4000  }
0xa8: {  	[sflag:s13] =	ssyncset.done $0x0  }
0xa9: {  	s19 =	simm.s32 $0x980;
	[sflag:s13] =	ssyncadd.s32 $0xFFFFC000  }
0xaa: {  	[spmem:s1] =	stream.indirect.scatter.add.f32 [tilespmem:s0], [sflag:$0x4], $0x80, s19, s30, $0xb8;
	[tilespmem:$0x1D900] =	vst v63  }
0xab: {  	_ =	swait.ge [sflag:s3], $0x4000  }
0xac: {  	[sflag:s3] =	ssyncset.done $0x0  }
0xad: {  	s20 =	simm.s32 $0xB00;
	[sflag:s3] =	ssyncadd.s32 $0xFFFFC000  }
0xae: {  	[tilespmem:s0], [sflag:$0x2] =	stream.indirect.gather [hbm4b:s4+s30], $0x80, s20, s30, $0xb8;
	[tilespmem:$0x1D900] =	vst v63  }
0xaf: {  	_ =	swait.ge [sflag:s26], $0x4000  }
0xb0: {  	[sflag:s26] =	ssyncset.done $0x0  }
0xb1: {  	s21 =	simm.s32 $0xA80;
	[sflag:s26] =	ssyncadd.s32 $0xFFFFC000  }
0xb2: {  	[spmem:s1] =	stream.indirect.scatter.add.f32 [tilespmem:s25], [sflag:$0x4], $0x80, s21, s30, $0xb8;
	[tilespmem:$0x1D900] =	vst v63  }
0xb3: {  	_ =	swait.ge [sflag:s3], $0x4000  }
0xb4: {  	[sflag:s3] =	ssyncset.done $0x0  }
0xb5: {  	s19 =	simm.s32 $0xC00;
	[sflag:s3] =	ssyncadd.s32 $0xFFFFC000  }
0xb6: {  	[tilespmem:s25], [sflag:$0x1] =	stream.indirect.gather [hbm4b:s4+s30], $0x80, s19, s30, $0xb8;
	[tilespmem:$0x1D900] =	vst v63  }
0xb7: {  	_ =	swait.ge [sflag:s13], $0x4000  }
0xb8: {  	[sflag:s13] =	ssyncset.done $0x0  }
0xb9: {  	s20 =	simm.s32 $0xB80;
	[sflag:s13] =	ssyncadd.s32 $0xFFFFC000  }
0xba: {  	[spmem:s1] =	stream.indirect.scatter.add.f32 [tilespmem:s0], [sflag:$0x4], $0x80, s20, s30, $0xb8;
	[tilespmem:$0x1D900] =	vst v63  }
0xbb: {  	_ =	swait.ge [sflag:s3], $0x4000  }
0xbc: {  	[sflag:s3] =	ssyncset.done $0x0  }
0xbd: {  	s21 =	simm.s32 $0xD00;
	[sflag:s3] =	ssyncadd.s32 $0xFFFFC000  }
0xbe: {  	[tilespmem:s0], [sflag:$0x2] =	stream.indirect.gather [hbm4b:s4+s30], $0x80, s21, s30, $0xb8;
	[tilespmem:$0x1D900] =	vst v63  }
0xbf: {  	_ =	swait.ge [sflag:s26], $0x4000  }
0xc0: {  	[sflag:s26] =	ssyncset.done $0x0  }
0xc1: {  	s19 =	simm.s32 $0xC80;
	[sflag:s26] =	ssyncadd.s32 $0xFFFFC000  }
0xc2: {  	[spmem:s1] =	stream.indirect.scatter.add.f32 [tilespmem:s25], [sflag:$0x4], $0x80, s19, s30, $0xb8;
	[tilespmem:$0x1D900] =	vst v63  }
0xc3: {  	_ =	swait.ge [sflag:s3], $0x4000  }
0xc4: {  	[sflag:s3] =	ssyncset.done $0x0  }
0xc5: {  	s20 =	simm.s32 $0xE00;
	[sflag:s3] =	ssyncadd.s32 $0xFFFFC000  }
0xc6: {  	[tilespmem:s25], [sflag:$0x1] =	stream.indirect.gather [hbm4b:s4+s30], $0x80, s20, s30, $0xb8;
	[tilespmem:$0x1D900] =	vst v63  }
0xc7: {  	_ =	swait.ge [sflag:s13], $0x4000  }
0xc8: {  	[sflag:s13] =	ssyncset.done $0x0  }
0xc9: {  	s21 =	simm.s32 $0xD80;
	[sflag:s13] =	ssyncadd.s32 $0xFFFFC000  }
0xca: {  	[spmem:s1] =	stream.indirect.scatter.add.f32 [tilespmem:s0], [sflag:$0x4], $0x80, s21, s30, $0xb8;
	[tilespmem:$0x1D900] =	vst v63  }
0xcb: {  	_ =	swait.ge [sflag:s3], $0x4000  }
0xcc: {  	[sflag:s3] =	ssyncset.done $0x0  }
0xcd: {  	s19 =	simm.s32 $0xF00;
	[sflag:s3] =	ssyncadd.s32 $0xFFFFC000  }
0xce: {  	[tilespmem:s0], [sflag:$0x2] =	stream.indirect.gather [hbm4b:s4+s30], $0x80, s19, s30, $0xb8;
	[tilespmem:$0x1D900] =	vst v63  }
0xcf: {  	_ =	swait.ge [sflag:s26], $0x4000  }
0xd0: {  	[sflag:s26] =	ssyncset.done $0x0  }
0xd1: {  	s20 =	simm.s32 $0xE80;
	[sflag:s26] =	ssyncadd.s32 $0xFFFFC000  }
0xd2: {  	[spmem:s1] =	stream.indirect.scatter.add.f32 [tilespmem:s25], [sflag:$0x4], $0x80, s20, s30, $0xb8;
	[tilespmem:$0x1D900] =	vst v63  }
0xd3: {  	_ =	swait.ge [sflag:s3], $0x4000  }
0xd4: {  	[sflag:s3] =	ssyncset.done $0x0  }
0xd5: {  	[sflag:s3] =	ssyncadd.s32 $0xFFFFC000  }
0xd6: {  	_ =	swait.ge [sflag:s13], $0x4000  }
0xd7: {  	[sflag:s13] =	ssyncset.done $0x0  }
0xd8: {  	s21 =	simm.s32 $0xF80;
	[sflag:s13] =	ssyncadd.s32 $0xFFFFC000  }
0xd9: {  	[spmem:s1] =	stream.indirect.scatter.add.f32 [tilespmem:s0], [sflag:$0x4], $0x80, s21, s30, $0xb8;
	[tilespmem:$0x1D900] =	vst v63  }
0xda: {  	_ =	swait.ge [sflag:s3], $0x4000  }
0xdb: {  	[sflag:s3] =	ssyncset.done $0x0  }
0xdc: {  	[sflag:s3] =	ssyncadd.s32 $0xFFFFC000  }
0xdd: {  	_ =	swait.ge [sflag:s28], $0x1000  }
0xde: {  	[sflag:s28] =	ssyncset.done $0x0  }
0xdf: {  	s6 =	rddreg [dreg:$0x5];
	[sflag:s28] =	ssyncadd.s32 $0xFFFFF000  }
0xe0: {  	[tilespmem:s2], [sflag:$0x3] =	stream.linear.gather [hbm4b:s6+s2], $0x1000, $0x38;
	[tilespmem:$0x1D900] =	vst v63  }
0xe1: {  	_ = 	snop  }
0xe2: {  	[tilespmem:s25], [sflag:$0x1] =	stream.indirect.gather [hbm4b:s4+s30], $0x80, s5, s30, $0xb8;
	[tilespmem:$0x1D900] =	vst v63  }
0xe3: {  	s6 =	simm.s32 $0x1100  }
0xe4: {  	[tilespmem:s0], [sflag:$0x2] =	stream.indirect.gather [hbm4b:s4+s30], $0x80, s6, s30, $0xb8;
	[tilespmem:$0x1D900] =	vst v63  }
0xe5: {  	_ =	swait.ge [sflag:s26], $0x4000  }
0xe6: {  	[sflag:s26] =	ssyncset.done $0x0  }
0xe7: {  	[sflag:s26] =	ssyncadd.s32 $0xFFFFC000  }
0xe8: {  	[spmem:s1] =	stream.indirect.scatter.add.f32 [tilespmem:s25], [sflag:$0x4], $0x80, s7, s30, $0xb8;
	[tilespmem:$0x1D900] =	vst v63  }
0xe9: {  	_ =	swait.ge [sflag:s3], $0x4000  }
0xea: {  	[sflag:s3] =	ssyncset.done $0x0  }
0xeb: {  	[sflag:s3] =	ssyncadd.s32 $0xFFFFC000  }
0xec: {  	[tilespmem:s25], [sflag:$0x1] =	stream.indirect.gather [hbm4b:s4+s30], $0x80, s8, s30, $0xb8;
	[tilespmem:$0x1D900] =	vst v63  }
0xed: {  	_ =	swait.ge [sflag:s13], $0x4000  }
0xee: {  	[sflag:s13] =	ssyncset.done $0x0  }
0xef: {  	[sflag:s13] =	ssyncadd.s32 $0xFFFFC000  }
0xf0: {  	[spmem:s1] =	stream.indirect.scatter.add.f32 [tilespmem:s0], [sflag:$0x4], $0x80, s9, s30, $0xb8;
	[tilespmem:$0x1D900] =	vst v63  }
0xf1: {  	_ =	swait.ge [sflag:s3], $0x4000  }
0xf2: {  	[sflag:s3] =	ssyncset.done $0x0  }
0xf3: {  	[sflag:s3] =	ssyncadd.s32 $0xFFFFC000  }
0xf4: {  	[tilespmem:s0], [sflag:$0x2] =	stream.indirect.gather [hbm4b:s4+s30], $0x80, s10, s30, $0xb8;
	[tilespmem:$0x1D900] =	vst v63  }
0xf5: {  	_ =	swait.ge [sflag:s26], $0x4000  }
0xf6: {  	[sflag:s26] =	ssyncset.done $0x0  }
0xf7: {  	[sflag:s26] =	ssyncadd.s32 $0xFFFFC000  }
0xf8: {  	[spmem:s1] =	stream.indirect.scatter.add.f32 [tilespmem:s25], [sflag:$0x4], $0x80, s11, s30, $0xb8;
	[tilespmem:$0x1D900] =	vst v63  }
0xf9: {  	_ =	swait.ge [sflag:s3], $0x4000  }
0xfa: {  	[sflag:s3] =	ssyncset.done $0x0  }
0xfb: {  	[sflag:s3] =	ssyncadd.s32 $0xFFFFC000  }
0xfc: {  	[tilespmem:s25], [sflag:$0x1] =	stream.indirect.gather [hbm4b:s4+s30], $0x80, s12, s30, $0xb8;
	[tilespmem:$0x1D900] =	vst v63  }
0xfd: {  	_ =	swait.ge [sflag:s13], $0x4000  }
0xfe: {  	[sflag:s13] =	ssyncset.done $0x0  }
0xff: {  	[sflag:s13] =	ssyncadd.s32 $0xFFFFC000  }
0x100: {  	[spmem:s1] =	stream.indirect.scatter.add.f32 [tilespmem:s0], [sflag:$0x4], $0x80, s14, s30, $0xb8;
	[tilespmem:$0x1D900] =	vst v63  }
0x101: {  	_ =	swait.ge [sflag:s3], $0x4000  }
0x102: {  	[sflag:s3] =	ssyncset.done $0x0  }
0x103: {  	[sflag:s3] =	ssyncadd.s32 $0xFFFFC000  }
0x104: {  	[tilespmem:s0], [sflag:$0x2] =	stream.indirect.gather [hbm4b:s4+s30], $0x80, s15, s30, $0xb8;
	[tilespmem:$0x1D900] =	vst v63  }
0x105: {  	_ =	swait.ge [sflag:s26], $0x4000  }
0x106: {  	[sflag:s26] =	ssyncset.done $0x0  }
0x107: {  	[sflag:s26] =	ssyncadd.s32 $0xFFFFC000  }
0x108: {  	[spmem:s1] =	stream.indirect.scatter.add.f32 [tilespmem:s25], [sflag:$0x4], $0x80, s16, s30, $0xb8;
	[tilespmem:$0x1D900] =	vst v63  }
0x109: {  	_ =	swait.ge [sflag:s3], $0x4000  }
0x10a: {  	[sflag:s3] =	ssyncset.done $0x0  }
0x10b: {  	s20 =	simm.s32 $0x1600;
	[sflag:s3] =	ssyncadd.s32 $0xFFFFC000  }
0x10c: {  	[tilespmem:s25], [sflag:$0x1] =	stream.indirect.gather [hbm4b:s4+s30], $0x80, s20, s30, $0xb8;
	[tilespmem:$0x1D900] =	vst v63  }
0x10d: {  	_ =	swait.ge [sflag:s13], $0x4000  }
0x10e: {  	[sflag:s13] =	ssyncset.done $0x0  }
0x10f: {  	s21 =	simm.s32 $0x1580;
	[sflag:s13] =	ssyncadd.s32 $0xFFFFC000  }
0x110: {  	[spmem:s1] =	stream.indirect.scatter.add.f32 [tilespmem:s0], [sflag:$0x4], $0x80, s21, s30, $0xb8;
	[tilespmem:$0x1D900] =	vst v63  }
0x111: {  	_ =	swait.ge [sflag:s3], $0x4000  }
0x112: {  	[sflag:s3] =	ssyncset.done $0x0  }
0x113: {  	[sflag:s3] =	ssyncadd.s32 $0xFFFFC000  }
0x114: {  	[tilespmem:s0], [sflag:$0x2] =	stream.indirect.gather [hbm4b:s4+s30], $0x80, s22, s30, $0xb8;
	[tilespmem:$0x1D900] =	vst v63  }
0x115: {  	_ =	swait.ge [sflag:s26], $0x4000  }
0x116: {  	[sflag:s26] =	ssyncset.done $0x0  }
0x117: {  	[sflag:s26] =	ssyncadd.s32 $0xFFFFC000  }
0x118: {  	[spmem:s1] =	stream.indirect.scatter.add.f32 [tilespmem:s25], [sflag:$0x4], $0x80, s23, s30, $0xb8;
	[tilespmem:$0x1D900] =	vst v63  }
0x119: {  	_ =	swait.ge [sflag:s3], $0x4000  }
0x11a: {  	[sflag:s3] =	ssyncset.done $0x0  }
0x11b: {  	[sflag:s3] =	ssyncadd.s32 $0xFFFFC000  }
0x11c: {  	[tilespmem:s25], [sflag:$0x1] =	stream.indirect.gather [hbm4b:s4+s30], $0x80, s24, s30, $0xb8;
	[tilespmem:$0x1D900] =	vst v63  }
0x11d: {  	_ =	swait.ge [sflag:s13], $0x4000  }
0x11e: {  	[sflag:s13] =	ssyncset.done $0x0  }
0x11f: {  	[sflag:s13] =	ssyncadd.s32 $0xFFFFC000  }
0x120: {  	[spmem:s1] =	stream.indirect.scatter.add.f32 [tilespmem:s0], [sflag:$0x4], $0x80, s29, s30, $0xb8;
	[tilespmem:$0x1D900] =	vst v63  }
0x121: {  	_ =	swait.ge [sflag:s3], $0x4000  }
0x122: {  	[sflag:s3] =	ssyncset.done $0x0  }
0x123: {  	[sflag:s3] =	ssyncadd.s32 $0xFFFFC000  }
0x124: {  	[tilespmem:s0], [sflag:$0x2] =	stream.indirect.gather [hbm4b:s4+s30], $0x80, s31, s30, $0xb8;
	[tilespmem:$0x1D900] =	vst v63  }
0x125: {  	_ =	swait.ge [sflag:s26], $0x4000  }
0x126: {  	[sflag:s26] =	ssyncset.done $0x0  }
0x127: {  	s19 =	simm.s32 $0x1880;
	[sflag:s26] =	ssyncadd.s32 $0xFFFFC000  }
0x128: {  	[spmem:s1] =	stream.indirect.scatter.add.f32 [tilespmem:s25], [sflag:$0x4], $0x80, s19, s30, $0xb8;
	[tilespmem:$0x1D900] =	vst v63  }
0x129: {  	_ =	swait.ge [sflag:s3], $0x4000  }
0x12a: {  	[sflag:s3] =	ssyncset.done $0x0  }
0x12b: {  	s19 =	simm.s32 $0x1A00;
	[sflag:s3] =	ssyncadd.s32 $0xFFFFC000  }
0x12c: {  	[tilespmem:s25], [sflag:$0x1] =	stream.indirect.gather [hbm4b:s4+s30], $0x80, s19, s30, $0xb8;
	[tilespmem:$0x1D900] =	vst v63  }
0x12d: {  	_ =	swait.ge [sflag:s13], $0x4000  }
0x12e: {  	[sflag:s13] =	ssyncset.done $0x0  }
0x12f: {  	s19 =	simm.s32 $0x1980;
	[sflag:s13] =	ssyncadd.s32 $0xFFFFC000  }
0x130: {  	[spmem:s1] =	stream.indirect.scatter.add.f32 [tilespmem:s0], [sflag:$0x4], $0x80, s19, s30, $0xb8;
	[tilespmem:$0x1D900] =	vst v63  }
0x131: {  	_ =	swait.ge [sflag:s3], $0x4000  }
0x132: {  	[sflag:s3] =	ssyncset.done $0x0  }
0x133: {  	s19 =	simm.s32 $0x1B00;
	[sflag:s3] =	ssyncadd.s32 $0xFFFFC000  }
0x134: {  	[tilespmem:s0], [sflag:$0x2] =	stream.indirect.gather [hbm4b:s4+s30], $0x80, s19, s30, $0xb8;
	[tilespmem:$0x1D900] =	vst v63  }
0x135: {  	_ =	swait.ge [sflag:s26], $0x4000  }
0x136: {  	[sflag:s26] =	ssyncset.done $0x0  }
0x137: {  	s19 =	simm.s32 $0x1A80;
	[sflag:s26] =	ssyncadd.s32 $0xFFFFC000  }
0x138: {  	[spmem:s1] =	stream.indirect.scatter.add.f32 [tilespmem:s25], [sflag:$0x4], $0x80, s19, s30, $0xb8;
	[tilespmem:$0x1D900] =	vst v63  }
0x139: {  	_ =	swait.ge [sflag:s3], $0x4000  }
0x13a: {  	[sflag:s3] =	ssyncset.done $0x0  }
0x13b: {  	s19 =	simm.s32 $0x1C00;
	[sflag:s3] =	ssyncadd.s32 $0xFFFFC000  }
0x13c: {  	[tilespmem:s25], [sflag:$0x1] =	stream.indirect.gather [hbm4b:s4+s30], $0x80, s19, s30, $0xb8;
	[tilespmem:$0x1D900] =	vst v63  }
0x13d: {  	_ =	swait.ge [sflag:s13], $0x4000  }
0x13e: {  	[sflag:s13] =	ssyncset.done $0x0  }
0x13f: {  	s19 =	simm.s32 $0x1B80;
	[sflag:s13] =	ssyncadd.s32 $0xFFFFC000  }
0x140: {  	[spmem:s1] =	stream.indirect.scatter.add.f32 [tilespmem:s0], [sflag:$0x4], $0x80, s19, s30, $0xb8;
	[tilespmem:$0x1D900] =	vst v63  }
0x141: {  	_ =	swait.ge [sflag:s3], $0x4000  }
0x142: {  	[sflag:s3] =	ssyncset.done $0x0  }
0x143: {  	s19 =	simm.s32 $0x1D00;
	[sflag:s3] =	ssyncadd.s32 $0xFFFFC000  }
0x144: {  	[tilespmem:s0], [sflag:$0x2] =	stream.indirect.gather [hbm4b:s4+s30], $0x80, s19, s30, $0xb8;
	[tilespmem:$0x1D900] =	vst v63  }
0x145: {  	_ =	swait.ge [sflag:s26], $0x4000  }
0x146: {  	[sflag:s26] =	ssyncset.done $0x0  }
0x147: {  	s19 =	simm.s32 $0x1C80;
	[sflag:s26] =	ssyncadd.s32 $0xFFFFC000  }
0x148: {  	[spmem:s1] =	stream.indirect.scatter.add.f32 [tilespmem:s25], [sflag:$0x4], $0x80, s19, s30, $0xb8;
	[tilespmem:$0x1D900] =	vst v63  }
0x149: {  	_ =	swait.ge [sflag:s3], $0x4000  }
0x14a: {  	[sflag:s3] =	ssyncset.done $0x0  }
0x14b: {  	s19 =	simm.s32 $0x1E00;
	[sflag:s3] =	ssyncadd.s32 $0xFFFFC000  }
0x14c: {  	[tilespmem:s25], [sflag:$0x1] =	stream.indirect.gather [hbm4b:s4+s30], $0x80, s19, s30, $0xb8;
	[tilespmem:$0x1D900] =	vst v63  }
0x14d: {  	_ =	swait.ge [sflag:s13], $0x4000  }
0x14e: {  	[sflag:s13] =	ssyncset.done $0x0  }
0x14f: {  	s19 =	simm.s32 $0x1D80;
	[sflag:s13] =	ssyncadd.s32 $0xFFFFC000  }
0x150: {  	[spmem:s1] =	stream.indirect.scatter.add.f32 [tilespmem:s0], [sflag:$0x4], $0x80, s19, s30, $0xb8;
	[tilespmem:$0x1D900] =	vst v63  }
0x151: {  	_ =	swait.ge [sflag:s3], $0x4000  }
0x152: {  	[sflag:s3] =	ssyncset.done $0x0  }
0x153: {  	s19 =	simm.s32 $0x1F00;
	[sflag:s3] =	ssyncadd.s32 $0xFFFFC000  }
0x154: {  	[tilespmem:s0], [sflag:$0x2] =	stream.indirect.gather [hbm4b:s4+s30], $0x80, s19, s30, $0xb8;
	[tilespmem:$0x1D900] =	vst v63  }
0x155: {  	_ =	swait.ge [sflag:s26], $0x4000  }
0x156: {  	[sflag:s26] =	ssyncset.done $0x0  }
0x157: {  	s19 =	simm.s32 $0x1E80;
	[sflag:s26] =	ssyncadd.s32 $0xFFFFC000  }
0x158: {  	[spmem:s1] =	stream.indirect.scatter.add.f32 [tilespmem:s25], [sflag:$0x4], $0x80, s19, s30, $0xb8;
	[tilespmem:$0x1D900] =	vst v63  }
0x159: {  	_ =	swait.ge [sflag:s3], $0x4000  }
0x15a: {  	[sflag:s3] =	ssyncset.done $0x0  }
0x15b: {  	[sflag:s3] =	ssyncadd.s32 $0xFFFFC000  }
0x15c: {  	_ =	swait.ge [sflag:s13], $0x4000  }
0x15d: {  	[sflag:s13] =	ssyncset.done $0x0  }
0x15e: {  	s19 =	simm.s32 $0x1F80;
	[sflag:s13] =	ssyncadd.s32 $0xFFFFC000  }
0x15f: {  	[spmem:s1] =	stream.indirect.scatter.add.f32 [tilespmem:s0], [sflag:$0x4], $0x80, s19, s30, $0xb8;
	[tilespmem:$0x1D900] =	vst v63  }
0x160: {  	_ =	swait.ge [sflag:s3], $0x4000  }
0x161: {  	[sflag:s3] =	ssyncset.done $0x0  }
0x162: {  	[sflag:s3] =	ssyncadd.s32 $0xFFFFC000  }
0x163: {  	_ =	swait.ge [sflag:s28], $0x1000  }
0x164: {  	[sflag:s28] =	ssyncset.done $0x0  }
0x165: {  	s19 =	rddreg [dreg:$0x6];
	[sflag:s28] =	ssyncadd.s32 $0xFFFFF000  }
0x166: {  	[tilespmem:s5], [sflag:$0x3] =	stream.linear.gather [hbm4b:s19+s2], $0x1000, $0x38;
	[tilespmem:$0x1D900] =	vst v63  }
0x167: {  	_ = 	snop  }
0x168: {  	[tilespmem:s25], [sflag:$0x1] =	stream.indirect.gather [hbm4b:s4+s30], $0x80, s2, s30, $0xb8;
	[tilespmem:$0x1D900] =	vst v63  }
0x169: {  	s19 =	simm.s32 $0x100  }
0x16a: {  	[tilespmem:s0], [sflag:$0x2] =	stream.indirect.gather [hbm4b:s4+s30], $0x80, s19, s30, $0xb8;
	[tilespmem:$0x1D900] =	vst v63  }
0x16b: {  	_ =	swait.ge [sflag:s26], $0x4000  }
0x16c: {  	[sflag:s26] =	ssyncset.done $0x0  }
0x16d: {  	[sflag:s26] =	ssyncadd.s32 $0xFFFFC000  }
0x16e: {  	[spmem:s1] =	stream.indirect.scatter.add.f32 [tilespmem:s25], [sflag:$0x4], $0x80, s30, s30, $0xb8;
	[tilespmem:$0x1D900] =	vst v63  }
0x16f: {  	_ =	swait.ge [sflag:s3], $0x4000  }
0x170: {  	[sflag:s3] =	ssyncset.done $0x0  }
0x171: {  	s19 =	simm.s32 $0x200;
	[sflag:s3] =	ssyncadd.s32 $0xFFFFC000  }
0x172: {  	[tilespmem:s25], [sflag:$0x1] =	stream.indirect.gather [hbm4b:s4+s30], $0x80, s19, s30, $0xb8;
	[tilespmem:$0x1D900] =	vst v63  }
0x173: {  	_ =	swait.ge [sflag:s13], $0x4000  }
0x174: {  	[sflag:s13] =	ssyncset.done $0x0  }
0x175: {  	s19 =	simm.s32 $0x180;
	[sflag:s13] =	ssyncadd.s32 $0xFFFFC000  }
0x176: {  	[spmem:s1] =	stream.indirect.scatter.add.f32 [tilespmem:s0], [sflag:$0x4], $0x80, s19, s30, $0xb8;
	[tilespmem:$0x1D900] =	vst v63  }
0x177: {  	_ =	swait.ge [sflag:s3], $0x4000  }
0x178: {  	[sflag:s3] =	ssyncset.done $0x0  }
0x179: {  	s19 =	simm.s32 $0x300;
	[sflag:s3] =	ssyncadd.s32 $0xFFFFC000  }
0x17a: {  	[tilespmem:s0], [sflag:$0x2] =	stream.indirect.gather [hbm4b:s4+s30], $0x80, s19, s30, $0xb8;
	[tilespmem:$0x1D900] =	vst v63  }
0x17b: {  	_ =	swait.ge [sflag:s26], $0x4000  }
0x17c: {  	[sflag:s26] =	ssyncset.done $0x0  }
0x17d: {  	s19 =	simm.s32 $0x280;
	[sflag:s26] =	ssyncadd.s32 $0xFFFFC000  }
0x17e: {  	[spmem:s1] =	stream.indirect.scatter.add.f32 [tilespmem:s25], [sflag:$0x4], $0x80, s19, s30, $0xb8;
	[tilespmem:$0x1D900] =	vst v63  }
0x17f: {  	_ =	swait.ge [sflag:s3], $0x4000  }
0x180: {  	[sflag:s3] =	ssyncset.done $0x0  }
0x181: {  	s19 =	simm.s32 $0x400;
	[sflag:s3] =	ssyncadd.s32 $0xFFFFC000  }
0x182: {  	[tilespmem:s25], [sflag:$0x1] =	stream.indirect.gather [hbm4b:s4+s30], $0x80, s19, s30, $0xb8;
	[tilespmem:$0x1D900] =	vst v63  }
0x183: {  	_ =	swait.ge [sflag:s13], $0x4000  }
0x184: {  	[sflag:s13] =	ssyncset.done $0x0  }
0x185: {  	s19 =	simm.s32 $0x380;
	[sflag:s13] =	ssyncadd.s32 $0xFFFFC000  }
0x186: {  	[spmem:s1] =	stream.indirect.scatter.add.f32 [tilespmem:s0], [sflag:$0x4], $0x80, s19, s30, $0xb8;
	[tilespmem:$0x1D900] =	vst v63  }
0x187: {  	_ =	swait.ge [sflag:s3], $0x4000  }
0x188: {  	[sflag:s3] =	ssyncset.done $0x0  }
0x189: {  	s19 =	simm.s32 $0x500;
	[sflag:s3] =	ssyncadd.s32 $0xFFFFC000  }
0x18a: {  	[tilespmem:s0], [sflag:$0x2] =	stream.indirect.gather [hbm4b:s4+s30], $0x80, s19, s30, $0xb8;
	[tilespmem:$0x1D900] =	vst v63  }
0x18b: {  	_ =	swait.ge [sflag:s26], $0x4000  }
0x18c: {  	[sflag:s26] =	ssyncset.done $0x0  }
0x18d: {  	s19 =	simm.s32 $0x480;
	[sflag:s26] =	ssyncadd.s32 $0xFFFFC000  }
0x18e: {  	[spmem:s1] =	stream.indirect.scatter.add.f32 [tilespmem:s25], [sflag:$0x4], $0x80, s19, s30, $0xb8;
	[tilespmem:$0x1D900] =	vst v63  }
0x18f: {  	_ =	swait.ge [sflag:s3], $0x4000  }
0x190: {  	[sflag:s3] =	ssyncset.done $0x0  }
0x191: {  	s19 =	simm.s32 $0x600;
	[sflag:s3] =	ssyncadd.s32 $0xFFFFC000  }
0x192: {  	[tilespmem:s25], [sflag:$0x1] =	stream.indirect.gather [hbm4b:s4+s30], $0x80, s19, s30, $0xb8;
	[tilespmem:$0x1D900] =	vst v63  }
0x193: {  	_ =	swait.ge [sflag:s13], $0x4000  }
0x194: {  	[sflag:s13] =	ssyncset.done $0x0  }
0x195: {  	s19 =	simm.s32 $0x580;
	[sflag:s13] =	ssyncadd.s32 $0xFFFFC000  }
0x196: {  	[spmem:s1] =	stream.indirect.scatter.add.f32 [tilespmem:s0], [sflag:$0x4], $0x80, s19, s30, $0xb8;
	[tilespmem:$0x1D900] =	vst v63  }
0x197: {  	_ =	swait.ge [sflag:s3], $0x4000  }
0x198: {  	[sflag:s3] =	ssyncset.done $0x0  }
0x199: {  	s19 =	simm.s32 $0x700;
	[sflag:s3] =	ssyncadd.s32 $0xFFFFC000  }
0x19a: {  	[tilespmem:s0], [sflag:$0x2] =	stream.indirect.gather [hbm4b:s4+s30], $0x80, s19, s30, $0xb8;
	[tilespmem:$0x1D900] =	vst v63  }
0x19b: {  	_ =	swait.ge [sflag:s26], $0x4000  }
0x19c: {  	[sflag:s26] =	ssyncset.done $0x0  }
0x19d: {  	s19 =	simm.s32 $0x680;
	[sflag:s26] =	ssyncadd.s32 $0xFFFFC000  }
0x19e: {  	[spmem:s1] =	stream.indirect.scatter.add.f32 [tilespmem:s25], [sflag:$0x4], $0x80, s19, s30, $0xb8;
	[tilespmem:$0x1D900] =	vst v63  }
0x19f: {  	_ =	swait.ge [sflag:s3], $0x4000  }
0x1a0: {  	[sflag:s3] =	ssyncset.done $0x0  }
0x1a1: {  	s19 =	simm.s32 $0x800;
	[sflag:s3] =	ssyncadd.s32 $0xFFFFC000  }
0x1a2: {  	[tilespmem:s25], [sflag:$0x1] =	stream.indirect.gather [hbm4b:s4+s30], $0x80, s19, s30, $0xb8;
	[tilespmem:$0x1D900] =	vst v63  }
0x1a3: {  	_ =	swait.ge [sflag:s13], $0x4000  }
0x1a4: {  	[sflag:s13] =	ssyncset.done $0x0  }
0x1a5: {  	s19 =	simm.s32 $0x780;
	[sflag:s13] =	ssyncadd.s32 $0xFFFFC000  }
0x1a6: {  	[spmem:s1] =	stream.indirect.scatter.add.f32 [tilespmem:s0], [sflag:$0x4], $0x80, s19, s30, $0xb8;
	[tilespmem:$0x1D900] =	vst v63  }
0x1a7: {  	_ =	swait.ge [sflag:s3], $0x4000  }
0x1a8: {  	[sflag:s3] =	ssyncset.done $0x0  }
0x1a9: {  	s19 =	simm.s32 $0x900;
	[sflag:s3] =	ssyncadd.s32 $0xFFFFC000  }
0x1aa: {  	[tilespmem:s0], [sflag:$0x2] =	stream.indirect.gather [hbm4b:s4+s30], $0x80, s19, s30, $0xb8;
	[tilespmem:$0x1D900] =	vst v63  }
0x1ab: {  	_ =	swait.ge [sflag:s26], $0x4000  }
0x1ac: {  	[sflag:s26] =	ssyncset.done $0x0  }
0x1ad: {  	s19 =	simm.s32 $0x880;
	[sflag:s26] =	ssyncadd.s32 $0xFFFFC000  }
0x1ae: {  	[spmem:s1] =	stream.indirect.scatter.add.f32 [tilespmem:s25], [sflag:$0x4], $0x80, s19, s30, $0xb8;
	[tilespmem:$0x1D900] =	vst v63  }
0x1af: {  	_ =	swait.ge [sflag:s3], $0x4000  }
0x1b0: {  	[sflag:s3] =	ssyncset.done $0x0  }
0x1b1: {  	s19 =	simm.s32 $0xA00;
	[sflag:s3] =	ssyncadd.s32 $0xFFFFC000  }
0x1b2: {  	[tilespmem:s25], [sflag:$0x1] =	stream.indirect.gather [hbm4b:s4+s30], $0x80, s19, s30, $0xb8;
	[tilespmem:$0x1D900] =	vst v63  }
0x1b3: {  	_ =	swait.ge [sflag:s13], $0x4000  }
0x1b4: {  	[sflag:s13] =	ssyncset.done $0x0  }
0x1b5: {  	s19 =	simm.s32 $0x980;
	[sflag:s13] =	ssyncadd.s32 $0xFFFFC000  }
0x1b6: {  	[spmem:s1] =	stream.indirect.scatter.add.f32 [tilespmem:s0], [sflag:$0x4], $0x80, s19, s30, $0xb8;
	[tilespmem:$0x1D900] =	vst v63  }
0x1b7: {  	_ =	swait.ge [sflag:s3], $0x4000  }
0x1b8: {  	[sflag:s3] =	ssyncset.done $0x0  }
0x1b9: {  	s19 =	simm.s32 $0xB00;
	[sflag:s3] =	ssyncadd.s32 $0xFFFFC000  }
0x1ba: {  	[tilespmem:s0], [sflag:$0x2] =	stream.indirect.gather [hbm4b:s4+s30], $0x80, s19, s30, $0xb8;
	[tilespmem:$0x1D900] =	vst v63  }
0x1bb: {  	_ =	swait.ge [sflag:s26], $0x4000  }
0x1bc: {  	[sflag:s26] =	ssyncset.done $0x0  }
0x1bd: {  	s19 =	simm.s32 $0xA80;
	[sflag:s26] =	ssyncadd.s32 $0xFFFFC000  }
0x1be: {  	[spmem:s1] =	stream.indirect.scatter.add.f32 [tilespmem:s25], [sflag:$0x4], $0x80, s19, s30, $0xb8;
	[tilespmem:$0x1D900] =	vst v63  }
0x1bf: {  	_ =	swait.ge [sflag:s3], $0x4000  }
0x1c0: {  	[sflag:s3] =	ssyncset.done $0x0  }
0x1c1: {  	s19 =	simm.s32 $0xC00;
	[sflag:s3] =	ssyncadd.s32 $0xFFFFC000  }
0x1c2: {  	[tilespmem:s25], [sflag:$0x1] =	stream.indirect.gather [hbm4b:s4+s30], $0x80, s19, s30, $0xb8;
	[tilespmem:$0x1D900] =	vst v63  }
0x1c3: {  	_ =	swait.ge [sflag:s13], $0x4000  }
0x1c4: {  	[sflag:s13] =	ssyncset.done $0x0  }
0x1c5: {  	s19 =	simm.s32 $0xB80;
	[sflag:s13] =	ssyncadd.s32 $0xFFFFC000  }
0x1c6: {  	[spmem:s1] =	stream.indirect.scatter.add.f32 [tilespmem:s0], [sflag:$0x4], $0x80, s19, s30, $0xb8;
	[tilespmem:$0x1D900] =	vst v63  }
0x1c7: {  	_ =	swait.ge [sflag:s3], $0x4000  }
0x1c8: {  	[sflag:s3] =	ssyncset.done $0x0  }
0x1c9: {  	s19 =	simm.s32 $0xD00;
	[sflag:s3] =	ssyncadd.s32 $0xFFFFC000  }
0x1ca: {  	[tilespmem:s0], [sflag:$0x2] =	stream.indirect.gather [hbm4b:s4+s30], $0x80, s19, s30, $0xb8;
	[tilespmem:$0x1D900] =	vst v63  }
0x1cb: {  	_ =	swait.ge [sflag:s26], $0x4000  }
0x1cc: {  	[sflag:s26] =	ssyncset.done $0x0  }
0x1cd: {  	s19 =	simm.s32 $0xC80;
	[sflag:s26] =	ssyncadd.s32 $0xFFFFC000  }
0x1ce: {  	[spmem:s1] =	stream.indirect.scatter.add.f32 [tilespmem:s25], [sflag:$0x4], $0x80, s19, s30, $0xb8;
	[tilespmem:$0x1D900] =	vst v63  }
0x1cf: {  	_ =	swait.ge [sflag:s3], $0x4000  }
0x1d0: {  	[sflag:s3] =	ssyncset.done $0x0  }
0x1d1: {  	s19 =	simm.s32 $0xE00;
	[sflag:s3] =	ssyncadd.s32 $0xFFFFC000  }
0x1d2: {  	[tilespmem:s25], [sflag:$0x1] =	stream.indirect.gather [hbm4b:s4+s30], $0x80, s19, s30, $0xb8;
	[tilespmem:$0x1D900] =	vst v63  }
0x1d3: {  	_ =	swait.ge [sflag:s13], $0x4000  }
0x1d4: {  	[sflag:s13] =	ssyncset.done $0x0  }
0x1d5: {  	s19 =	simm.s32 $0xD80;
	[sflag:s13] =	ssyncadd.s32 $0xFFFFC000  }
0x1d6: {  	[spmem:s1] =	stream.indirect.scatter.add.f32 [tilespmem:s0], [sflag:$0x4], $0x80, s19, s30, $0xb8;
	[tilespmem:$0x1D900] =	vst v63  }
0x1d7: {  	_ =	swait.ge [sflag:s3], $0x4000  }
0x1d8: {  	[sflag:s3] =	ssyncset.done $0x0  }
0x1d9: {  	s19 =	simm.s32 $0xF00;
	[sflag:s3] =	ssyncadd.s32 $0xFFFFC000  }
0x1da: {  	[tilespmem:s0], [sflag:$0x2] =	stream.indirect.gather [hbm4b:s4+s30], $0x80, s19, s30, $0xb8;
	[tilespmem:$0x1D900] =	vst v63  }
0x1db: {  	_ =	swait.ge [sflag:s26], $0x4000  }
0x1dc: {  	[sflag:s26] =	ssyncset.done $0x0  }
0x1dd: {  	s19 =	simm.s32 $0xE80;
	[sflag:s26] =	ssyncadd.s32 $0xFFFFC000  }
0x1de: {  	[spmem:s1] =	stream.indirect.scatter.add.f32 [tilespmem:s25], [sflag:$0x4], $0x80, s19, s30, $0xb8;
	[tilespmem:$0x1D900] =	vst v63  }
0x1df: {  	_ =	swait.ge [sflag:s3], $0x4000  }
0x1e0: {  	[sflag:s3] =	ssyncset.done $0x0  }
0x1e1: {  	[sflag:s3] =	ssyncadd.s32 $0xFFFFC000  }
0x1e2: {  	_ =	swait.ge [sflag:s13], $0x4000  }
0x1e3: {  	[sflag:s13] =	ssyncset.done $0x0  }
0x1e4: {  	s19 =	simm.s32 $0xF80;
	[sflag:s13] =	ssyncadd.s32 $0xFFFFC000  }
0x1e5: {  	[spmem:s1] =	stream.indirect.scatter.add.f32 [tilespmem:s0], [sflag:$0x4], $0x80, s19, s30, $0xb8;
	[tilespmem:$0x1D900] =	vst v63  }
0x1e6: {  	_ =	swait.ge [sflag:s3], $0x4000  }
0x1e7: {  	[sflag:s3] =	ssyncset.done $0x0  }
0x1e8: {  	[sflag:s3] =	ssyncadd.s32 $0xFFFFC000  }
0x1e9: {  	_ =	swait.ge [sflag:s28], $0x1000  }
0x1ea: {  	[sflag:s28] =	ssyncset.done $0x0  }
0x1eb: {  	s19 =	rddreg [dreg:$0x8];
	[sflag:s28] =	ssyncadd.s32 $0xFFFFF000  }
0x1ec: {  	[tilespmem:s2], [sflag:$0x3] =	stream.linear.gather [hbm4b:s19+s2], $0x1000, $0x38;
	[tilespmem:$0x1D900] =	vst v63  }
0x1ed: {  	_ = 	snop  }
0x1ee: {  	[tilespmem:s25], [sflag:$0x1] =	stream.indirect.gather [hbm4b:s4+s30], $0x80, s5, s30, $0xb8;
	[tilespmem:$0x1D900] =	vst v63  }
0x1ef: {  	_ = 	snop  }
0x1f0: {  	[tilespmem:s0], [sflag:$0x2] =	stream.indirect.gather [hbm4b:s4+s30], $0x80, s6, s30, $0xb8;
	[tilespmem:$0x1D900] =	vst v63  }
0x1f1: {  	_ =	swait.ge [sflag:s26], $0x4000  }
0x1f2: {  	[sflag:s26] =	ssyncset.done $0x0  }
0x1f3: {  	[sflag:s26] =	ssyncadd.s32 $0xFFFFC000  }
0x1f4: {  	[spmem:s1] =	stream.indirect.scatter.add.f32 [tilespmem:s25], [sflag:$0x4], $0x80, s7, s30, $0xb8;
	[tilespmem:$0x1D900] =	vst v63  }
0x1f5: {  	_ =	swait.ge [sflag:s3], $0x4000  }
0x1f6: {  	[sflag:s3] =	ssyncset.done $0x0  }
0x1f7: {  	[sflag:s3] =	ssyncadd.s32 $0xFFFFC000  }
0x1f8: {  	[tilespmem:s25], [sflag:$0x1] =	stream.indirect.gather [hbm4b:s4+s30], $0x80, s8, s30, $0xb8;
	[tilespmem:$0x1D900] =	vst v63  }
0x1f9: {  	_ =	swait.ge [sflag:s13], $0x4000  }
0x1fa: {  	[sflag:s13] =	ssyncset.done $0x0  }
0x1fb: {  	[sflag:s13] =	ssyncadd.s32 $0xFFFFC000  }
0x1fc: {  	[spmem:s1] =	stream.indirect.scatter.add.f32 [tilespmem:s0], [sflag:$0x4], $0x80, s9, s30, $0xb8;
	[tilespmem:$0x1D900] =	vst v63  }
0x1fd: {  	_ =	swait.ge [sflag:s3], $0x4000  }
0x1fe: {  	[sflag:s3] =	ssyncset.done $0x0  }
0x1ff: {  	[sflag:s3] =	ssyncadd.s32 $0xFFFFC000  }
0x200: {  	[tilespmem:s0], [sflag:$0x2] =	stream.indirect.gather [hbm4b:s4+s30], $0x80, s10, s30, $0xb8;
	[tilespmem:$0x1D900] =	vst v63  }
0x201: {  	_ =	swait.ge [sflag:s26], $0x4000  }
0x202: {  	[sflag:s26] =	ssyncset.done $0x0  }
0x203: {  	[sflag:s26] =	ssyncadd.s32 $0xFFFFC000  }
0x204: {  	[spmem:s1] =	stream.indirect.scatter.add.f32 [tilespmem:s25], [sflag:$0x4], $0x80, s11, s30, $0xb8;
	[tilespmem:$0x1D900] =	vst v63  }
0x205: {  	_ =	swait.ge [sflag:s3], $0x4000  }
0x206: {  	[sflag:s3] =	ssyncset.done $0x0  }
0x207: {  	[sflag:s3] =	ssyncadd.s32 $0xFFFFC000  }
0x208: {  	[tilespmem:s25], [sflag:$0x1] =	stream.indirect.gather [hbm4b:s4+s30], $0x80, s12, s30, $0xb8;
	[tilespmem:$0x1D900] =	vst v63  }
0x209: {  	_ =	swait.ge [sflag:s13], $0x4000  }
0x20a: {  	[sflag:s13] =	ssyncset.done $0x0  }
0x20b: {  	[sflag:s13] =	ssyncadd.s32 $0xFFFFC000  }
0x20c: {  	[spmem:s1] =	stream.indirect.scatter.add.f32 [tilespmem:s0], [sflag:$0x4], $0x80, s14, s30, $0xb8;
	[tilespmem:$0x1D900] =	vst v63  }
0x20d: {  	_ =	swait.ge [sflag:s3], $0x4000  }
0x20e: {  	[sflag:s3] =	ssyncset.done $0x0  }
0x20f: {  	[sflag:s3] =	ssyncadd.s32 $0xFFFFC000  }
0x210: {  	[tilespmem:s0], [sflag:$0x2] =	stream.indirect.gather [hbm4b:s4+s30], $0x80, s15, s30, $0xb8;
	[tilespmem:$0x1D900] =	vst v63  }
0x211: {  	_ =	swait.ge [sflag:s26], $0x4000  }
0x212: {  	[sflag:s26] =	ssyncset.done $0x0  }
0x213: {  	[sflag:s26] =	ssyncadd.s32 $0xFFFFC000  }
0x214: {  	[spmem:s1] =	stream.indirect.scatter.add.f32 [tilespmem:s25], [sflag:$0x4], $0x80, s16, s30, $0xb8;
	[tilespmem:$0x1D900] =	vst v63  }
0x215: {  	_ =	swait.ge [sflag:s3], $0x4000  }
0x216: {  	[sflag:s3] =	ssyncset.done $0x0  }
0x217: {  	[sflag:s3] =	ssyncadd.s32 $0xFFFFC000  }
0x218: {  	[tilespmem:s25], [sflag:$0x1] =	stream.indirect.gather [hbm4b:s4+s30], $0x80, s20, s30, $0xb8;
	[tilespmem:$0x1D900] =	vst v63  }
0x219: {  	_ =	swait.ge [sflag:s13], $0x4000  }
0x21a: {  	[sflag:s13] =	ssyncset.done $0x0  }
0x21b: {  	[sflag:s13] =	ssyncadd.s32 $0xFFFFC000  }
0x21c: {  	[spmem:s1] =	stream.indirect.scatter.add.f32 [tilespmem:s0], [sflag:$0x4], $0x80, s21, s30, $0xb8;
	[tilespmem:$0x1D900] =	vst v63  }
0x21d: {  	_ =	swait.ge [sflag:s3], $0x4000  }
0x21e: {  	[sflag:s3] =	ssyncset.done $0x0  }
0x21f: {  	[sflag:s3] =	ssyncadd.s32 $0xFFFFC000  }
0x220: {  	[tilespmem:s0], [sflag:$0x2] =	stream.indirect.gather [hbm4b:s4+s30], $0x80, s22, s30, $0xb8;
	[tilespmem:$0x1D900] =	vst v63  }
0x221: {  	_ =	swait.ge [sflag:s26], $0x4000  }
0x222: {  	[sflag:s26] =	ssyncset.done $0x0  }
0x223: {  	[sflag:s26] =	ssyncadd.s32 $0xFFFFC000  }
0x224: {  	[spmem:s1] =	stream.indirect.scatter.add.f32 [tilespmem:s25], [sflag:$0x4], $0x80, s23, s30, $0xb8;
	[tilespmem:$0x1D900] =	vst v63  }
0x225: {  	_ =	swait.ge [sflag:s3], $0x4000  }
0x226: {  	[sflag:s3] =	ssyncset.done $0x0  }
0x227: {  	[sflag:s3] =	ssyncadd.s32 $0xFFFFC000  }
0x228: {  	[tilespmem:s25], [sflag:$0x1] =	stream.indirect.gather [hbm4b:s4+s30], $0x80, s24, s30, $0xb8;
	[tilespmem:$0x1D900] =	vst v63  }
0x229: {  	_ =	swait.ge [sflag:s13], $0x4000  }
0x22a: {  	[sflag:s13] =	ssyncset.done $0x0  }
0x22b: {  	[sflag:s13] =	ssyncadd.s32 $0xFFFFC000  }
0x22c: {  	[spmem:s1] =	stream.indirect.scatter.add.f32 [tilespmem:s0], [sflag:$0x4], $0x80, s29, s30, $0xb8;
	[tilespmem:$0x1D900] =	vst v63  }
0x22d: {  	_ =	swait.ge [sflag:s3], $0x4000  }
0x22e: {  	[sflag:s3] =	ssyncset.done $0x0  }
0x22f: {  	[sflag:s3] =	ssyncadd.s32 $0xFFFFC000  }
0x230: {  	[tilespmem:s0], [sflag:$0x2] =	stream.indirect.gather [hbm4b:s4+s30], $0x80, s31, s30, $0xb8;
	[tilespmem:$0x1D900] =	vst v63  }
0x231: {  	_ =	swait.ge [sflag:s26], $0x4000  }
0x232: {  	[sflag:s26] =	ssyncset.done $0x0  }
0x233: {  	s20 =	simm.s32 $0x1880;
	[sflag:s26] =	ssyncadd.s32 $0xFFFFC000  }
0x234: {  	[spmem:s1] =	stream.indirect.scatter.add.f32 [tilespmem:s25], [sflag:$0x4], $0x80, s20, s30, $0xb8;
	[tilespmem:$0x1D900] =	vst v63  }
0x235: {  	_ =	swait.ge [sflag:s3], $0x4000  }
0x236: {  	[sflag:s3] =	ssyncset.done $0x0  }
0x237: {  	s21 =	simm.s32 $0x1A00;
	[sflag:s3] =	ssyncadd.s32 $0xFFFFC000  }
0x238: {  	[tilespmem:s25], [sflag:$0x1] =	stream.indirect.gather [hbm4b:s4+s30], $0x80, s21, s30, $0xb8;
	[tilespmem:$0x1D900] =	vst v63  }
0x239: {  	_ =	swait.ge [sflag:s13], $0x4000  }
0x23a: {  	[sflag:s13] =	ssyncset.done $0x0  }
0x23b: {  	s6 =	simm.s32 $0x1980;
	[sflag:s13] =	ssyncadd.s32 $0xFFFFC000  }
0x23c: {  	[spmem:s1] =	stream.indirect.scatter.add.f32 [tilespmem:s0], [sflag:$0x4], $0x80, s6, s30, $0xb8;
	[tilespmem:$0x1D900] =	vst v63  }
0x23d: {  	_ =	swait.ge [sflag:s3], $0x4000  }
0x23e: {  	[sflag:s3] =	ssyncset.done $0x0  }
0x23f: {  	s19 =	simm.s32 $0x1B00;
	[sflag:s3] =	ssyncadd.s32 $0xFFFFC000  }
0x240: {  	[tilespmem:s0], [sflag:$0x2] =	stream.indirect.gather [hbm4b:s4+s30], $0x80, s19, s30, $0xb8;
	[tilespmem:$0x1D900] =	vst v63  }
0x241: {  	_ =	swait.ge [sflag:s26], $0x4000  }
0x242: {  	[sflag:s26] =	ssyncset.done $0x0  }
0x243: {  	s20 =	simm.s32 $0x1A80;
	[sflag:s26] =	ssyncadd.s32 $0xFFFFC000  }
0x244: {  	[spmem:s1] =	stream.indirect.scatter.add.f32 [tilespmem:s25], [sflag:$0x4], $0x80, s20, s30, $0xb8;
	[tilespmem:$0x1D900] =	vst v63  }
0x245: {  	_ =	swait.ge [sflag:s3], $0x4000  }
0x246: {  	[sflag:s3] =	ssyncset.done $0x0  }
0x247: {  	s21 =	simm.s32 $0x1C00;
	[sflag:s3] =	ssyncadd.s32 $0xFFFFC000  }
0x248: {  	[tilespmem:s25], [sflag:$0x1] =	stream.indirect.gather [hbm4b:s4+s30], $0x80, s21, s30, $0xb8;
	[tilespmem:$0x1D900] =	vst v63  }
0x249: {  	_ =	swait.ge [sflag:s13], $0x4000  }
0x24a: {  	[sflag:s13] =	ssyncset.done $0x0  }
0x24b: {  	s6 =	simm.s32 $0x1B80;
	[sflag:s13] =	ssyncadd.s32 $0xFFFFC000  }
0x24c: {  	[spmem:s1] =	stream.indirect.scatter.add.f32 [tilespmem:s0], [sflag:$0x4], $0x80, s6, s30, $0xb8;
	[tilespmem:$0x1D900] =	vst v63  }
0x24d: {  	_ =	swait.ge [sflag:s3], $0x4000  }
0x24e: {  	[sflag:s3] =	ssyncset.done $0x0  }
0x24f: {  	s19 =	simm.s32 $0x1D00;
	[sflag:s3] =	ssyncadd.s32 $0xFFFFC000  }
0x250: {  	[tilespmem:s0], [sflag:$0x2] =	stream.indirect.gather [hbm4b:s4+s30], $0x80, s19, s30, $0xb8;
	[tilespmem:$0x1D900] =	vst v63  }
0x251: {  	_ =	swait.ge [sflag:s26], $0x4000  }
0x252: {  	[sflag:s26] =	ssyncset.done $0x0  }
0x253: {  	s20 =	simm.s32 $0x1C80;
	[sflag:s26] =	ssyncadd.s32 $0xFFFFC000  }
0x254: {  	[spmem:s1] =	stream.indirect.scatter.add.f32 [tilespmem:s25], [sflag:$0x4], $0x80, s20, s30, $0xb8;
	[tilespmem:$0x1D900] =	vst v63  }
0x255: {  	_ =	swait.ge [sflag:s3], $0x4000  }
0x256: {  	[sflag:s3] =	ssyncset.done $0x0  }
0x257: {  	s21 =	simm.s32 $0x1E00;
	[sflag:s3] =	ssyncadd.s32 $0xFFFFC000  }
0x258: {  	[tilespmem:s25], [sflag:$0x1] =	stream.indirect.gather [hbm4b:s4+s30], $0x80, s21, s30, $0xb8;
	[tilespmem:$0x1D900] =	vst v63  }
0x259: {  	_ =	swait.ge [sflag:s13], $0x4000  }
0x25a: {  	[sflag:s13] =	ssyncset.done $0x0  }
0x25b: {  	s6 =	simm.s32 $0x1D80;
	[sflag:s13] =	ssyncadd.s32 $0xFFFFC000  }
0x25c: {  	[spmem:s1] =	stream.indirect.scatter.add.f32 [tilespmem:s0], [sflag:$0x4], $0x80, s6, s30, $0xb8;
	[tilespmem:$0x1D900] =	vst v63  }
0x25d: {  	_ =	swait.ge [sflag:s3], $0x4000  }
0x25e: {  	[sflag:s3] =	ssyncset.done $0x0  }
0x25f: {  	s19 =	simm.s32 $0x1F00;
	[sflag:s3] =	ssyncadd.s32 $0xFFFFC000  }
0x260: {  	[tilespmem:s0], [sflag:$0x2] =	stream.indirect.gather [hbm4b:s4+s30], $0x80, s19, s30, $0xb8;
	[tilespmem:$0x1D900] =	vst v63  }
0x261: {  	_ =	swait.ge [sflag:s26], $0x4000  }
0x262: {  	[sflag:s26] =	ssyncset.done $0x0  }
0x263: {  	s20 =	simm.s32 $0x1E80;
	[sflag:s26] =	ssyncadd.s32 $0xFFFFC000  }
0x264: {  	[spmem:s1] =	stream.indirect.scatter.add.f32 [tilespmem:s25], [sflag:$0x4], $0x80, s20, s30, $0xb8;
	[tilespmem:$0x1D900] =	vst v63  }
0x265: {  	_ =	swait.ge [sflag:s3], $0x4000  }
0x266: {  	[sflag:s3] =	ssyncset.done $0x0  }
0x267: {  	[sflag:s3] =	ssyncadd.s32 $0xFFFFC000  }
0x268: {  	_ =	swait.ge [sflag:s13], $0x4000  }
0x269: {  	[sflag:s13] =	ssyncset.done $0x0  }
0x26a: {  	s21 =	simm.s32 $0x1F80;
	[sflag:s13] =	ssyncadd.s32 $0xFFFFC000  }
0x26b: {  	[spmem:s1] =	stream.indirect.scatter.add.f32 [tilespmem:s0], [sflag:$0x4], $0x80, s21, s30, $0xb8;
	[tilespmem:$0x1D900] =	vst v63  }
0x26c: {  	_ =	swait.ge [sflag:s3], $0x4000  }
0x26d: {  	[sflag:s3] =	ssyncset.done $0x0  }
0x26e: {  	[sflag:s3] =	ssyncadd.s32 $0xFFFFC000  }
0x26f: {  	_ =	swait.ge [sflag:s28], $0x1000  }
0x270: {  	[sflag:s28] =	ssyncset.done $0x0  }
0x271: {  	[sflag:s28] =	ssyncadd.s32 $0xFFFFF000  }
0x272: {  	[tilespmem:s25], [sflag:$0x1] =	stream.indirect.gather [hbm4b:s4+s30], $0x80, s2, s30, $0xb8;
	[tilespmem:$0x1D900] =	vst v63  }
0x273: {  	s6 =	simm.s32 $0x100  }
0x274: {  	[tilespmem:s0], [sflag:$0x2] =	stream.indirect.gather [hbm4b:s4+s30], $0x80, s6, s30, $0xb8;
	[tilespmem:$0x1D900] =	vst v63  }
0x275: {  	_ =	swait.ge [sflag:s26], $0x4000  }
0x276: {  	[sflag:s26] =	ssyncset.done $0x0  }
0x277: {  	[sflag:s26] =	ssyncadd.s32 $0xFFFFC000  }
0x278: {  	[spmem:s1] =	stream.indirect.scatter.add.f32 [tilespmem:s25], [sflag:$0x4], $0x80, s30, s30, $0xb8;
	[tilespmem:$0x1D900] =	vst v63  }
0x279: {  	_ =	swait.ge [sflag:s3], $0x4000  }
0x27a: {  	[sflag:s3] =	ssyncset.done $0x0  }
0x27b: {  	s19 =	simm.s32 $0x200;
	[sflag:s3] =	ssyncadd.s32 $0xFFFFC000  }
0x27c: {  	[tilespmem:s25], [sflag:$0x1] =	stream.indirect.gather [hbm4b:s4+s30], $0x80, s19, s30, $0xb8;
	[tilespmem:$0x1D900] =	vst v63  }
0x27d: {  	_ =	swait.ge [sflag:s13], $0x4000  }
0x27e: {  	[sflag:s13] =	ssyncset.done $0x0  }
0x27f: {  	s20 =	simm.s32 $0x180;
	[sflag:s13] =	ssyncadd.s32 $0xFFFFC000  }
0x280: {  	[spmem:s1] =	stream.indirect.scatter.add.f32 [tilespmem:s0], [sflag:$0x4], $0x80, s20, s30, $0xb8;
	[tilespmem:$0x1D900] =	vst v63  }
0x281: {  	_ =	swait.ge [sflag:s3], $0x4000  }
0x282: {  	[sflag:s3] =	ssyncset.done $0x0  }
0x283: {  	s21 =	simm.s32 $0x300;
	[sflag:s3] =	ssyncadd.s32 $0xFFFFC000  }
0x284: {  	[tilespmem:s0], [sflag:$0x2] =	stream.indirect.gather [hbm4b:s4+s30], $0x80, s21, s30, $0xb8;
	[tilespmem:$0x1D900] =	vst v63  }
0x285: {  	_ =	swait.ge [sflag:s26], $0x4000  }
0x286: {  	[sflag:s26] =	ssyncset.done $0x0  }
0x287: {  	s6 =	simm.s32 $0x280;
	[sflag:s26] =	ssyncadd.s32 $0xFFFFC000  }
0x288: {  	[spmem:s1] =	stream.indirect.scatter.add.f32 [tilespmem:s25], [sflag:$0x4], $0x80, s6, s30, $0xb8;
	[tilespmem:$0x1D900] =	vst v63  }
0x289: {  	_ =	swait.ge [sflag:s3], $0x4000  }
0x28a: {  	[sflag:s3] =	ssyncset.done $0x0  }
0x28b: {  	s19 =	simm.s32 $0x400;
	[sflag:s3] =	ssyncadd.s32 $0xFFFFC000  }
0x28c: {  	[tilespmem:s25], [sflag:$0x1] =	stream.indirect.gather [hbm4b:s4+s30], $0x80, s19, s30, $0xb8;
	[tilespmem:$0x1D900] =	vst v63  }
0x28d: {  	_ =	swait.ge [sflag:s13], $0x4000  }
0x28e: {  	[sflag:s13] =	ssyncset.done $0x0  }
0x28f: {  	s20 =	simm.s32 $0x380;
	[sflag:s13] =	ssyncadd.s32 $0xFFFFC000  }
0x290: {  	[spmem:s1] =	stream.indirect.scatter.add.f32 [tilespmem:s0], [sflag:$0x4], $0x80, s20, s30, $0xb8;
	[tilespmem:$0x1D900] =	vst v63  }
0x291: {  	_ =	swait.ge [sflag:s3], $0x4000  }
0x292: {  	[sflag:s3] =	ssyncset.done $0x0  }
0x293: {  	s21 =	simm.s32 $0x500;
	[sflag:s3] =	ssyncadd.s32 $0xFFFFC000  }
0x294: {  	[tilespmem:s0], [sflag:$0x2] =	stream.indirect.gather [hbm4b:s4+s30], $0x80, s21, s30, $0xb8;
	[tilespmem:$0x1D900] =	vst v63  }
0x295: {  	_ =	swait.ge [sflag:s26], $0x4000  }
0x296: {  	[sflag:s26] =	ssyncset.done $0x0  }
0x297: {  	s6 =	simm.s32 $0x480;
	[sflag:s26] =	ssyncadd.s32 $0xFFFFC000  }
0x298: {  	[spmem:s1] =	stream.indirect.scatter.add.f32 [tilespmem:s25], [sflag:$0x4], $0x80, s6, s30, $0xb8;
	[tilespmem:$0x1D900] =	vst v63  }
0x299: {  	_ =	swait.ge [sflag:s3], $0x4000  }
0x29a: {  	[sflag:s3] =	ssyncset.done $0x0  }
0x29b: {  	s19 =	simm.s32 $0x600;
	[sflag:s3] =	ssyncadd.s32 $0xFFFFC000  }
0x29c: {  	[tilespmem:s25], [sflag:$0x1] =	stream.indirect.gather [hbm4b:s4+s30], $0x80, s19, s30, $0xb8;
	[tilespmem:$0x1D900] =	vst v63  }
0x29d: {  	_ =	swait.ge [sflag:s13], $0x4000  }
0x29e: {  	[sflag:s13] =	ssyncset.done $0x0  }
0x29f: {  	s20 =	simm.s32 $0x580;
	[sflag:s13] =	ssyncadd.s32 $0xFFFFC000  }
0x2a0: {  	[spmem:s1] =	stream.indirect.scatter.add.f32 [tilespmem:s0], [sflag:$0x4], $0x80, s20, s30, $0xb8;
	[tilespmem:$0x1D900] =	vst v63  }
0x2a1: {  	_ =	swait.ge [sflag:s3], $0x4000  }
0x2a2: {  	[sflag:s3] =	ssyncset.done $0x0  }
0x2a3: {  	s21 =	simm.s32 $0x700;
	[sflag:s3] =	ssyncadd.s32 $0xFFFFC000  }
0x2a4: {  	[tilespmem:s0], [sflag:$0x2] =	stream.indirect.gather [hbm4b:s4+s30], $0x80, s21, s30, $0xb8;
	[tilespmem:$0x1D900] =	vst v63  }
0x2a5: {  	_ =	swait.ge [sflag:s26], $0x4000  }
0x2a6: {  	[sflag:s26] =	ssyncset.done $0x0  }
0x2a7: {  	s6 =	simm.s32 $0x680;
	[sflag:s26] =	ssyncadd.s32 $0xFFFFC000  }
0x2a8: {  	[spmem:s1] =	stream.indirect.scatter.add.f32 [tilespmem:s25], [sflag:$0x4], $0x80, s6, s30, $0xb8;
	[tilespmem:$0x1D900] =	vst v63  }
0x2a9: {  	_ =	swait.ge [sflag:s3], $0x4000  }
0x2aa: {  	[sflag:s3] =	ssyncset.done $0x0  }
0x2ab: {  	s19 =	simm.s32 $0x800;
	[sflag:s3] =	ssyncadd.s32 $0xFFFFC000  }
0x2ac: {  	[tilespmem:s25], [sflag:$0x1] =	stream.indirect.gather [hbm4b:s4+s30], $0x80, s19, s30, $0xb8;
	[tilespmem:$0x1D900] =	vst v63  }
0x2ad: {  	_ =	swait.ge [sflag:s13], $0x4000  }
0x2ae: {  	[sflag:s13] =	ssyncset.done $0x0  }
0x2af: {  	s20 =	simm.s32 $0x780;
	[sflag:s13] =	ssyncadd.s32 $0xFFFFC000  }
0x2b0: {  	[spmem:s1] =	stream.indirect.scatter.add.f32 [tilespmem:s0], [sflag:$0x4], $0x80, s20, s30, $0xb8;
	[tilespmem:$0x1D900] =	vst v63  }
0x2b1: {  	_ =	swait.ge [sflag:s3], $0x4000  }
0x2b2: {  	[sflag:s3] =	ssyncset.done $0x0  }
0x2b3: {  	s21 =	simm.s32 $0x900;
	[sflag:s3] =	ssyncadd.s32 $0xFFFFC000  }
0x2b4: {  	[tilespmem:s0], [sflag:$0x2] =	stream.indirect.gather [hbm4b:s4+s30], $0x80, s21, s30, $0xb8;
	[tilespmem:$0x1D900] =	vst v63  }
0x2b5: {  	_ =	swait.ge [sflag:s26], $0x4000  }
0x2b6: {  	[sflag:s26] =	ssyncset.done $0x0  }
0x2b7: {  	s6 =	simm.s32 $0x880;
	[sflag:s26] =	ssyncadd.s32 $0xFFFFC000  }
0x2b8: {  	[spmem:s1] =	stream.indirect.scatter.add.f32 [tilespmem:s25], [sflag:$0x4], $0x80, s6, s30, $0xb8;
	[tilespmem:$0x1D900] =	vst v63  }
0x2b9: {  	_ =	swait.ge [sflag:s3], $0x4000  }
0x2ba: {  	[sflag:s3] =	ssyncset.done $0x0  }
0x2bb: {  	s19 =	simm.s32 $0xA00;
	[sflag:s3] =	ssyncadd.s32 $0xFFFFC000  }
0x2bc: {  	[tilespmem:s25], [sflag:$0x1] =	stream.indirect.gather [hbm4b:s4+s30], $0x80, s19, s30, $0xb8;
	[tilespmem:$0x1D900] =	vst v63  }
0x2bd: {  	_ =	swait.ge [sflag:s13], $0x4000  }
0x2be: {  	[sflag:s13] =	ssyncset.done $0x0  }
0x2bf: {  	s20 =	simm.s32 $0x980;
	[sflag:s13] =	ssyncadd.s32 $0xFFFFC000  }
0x2c0: {  	[spmem:s1] =	stream.indirect.scatter.add.f32 [tilespmem:s0], [sflag:$0x4], $0x80, s20, s30, $0xb8;
	[tilespmem:$0x1D900] =	vst v63  }
0x2c1: {  	_ =	swait.ge [sflag:s3], $0x4000  }
0x2c2: {  	[sflag:s3] =	ssyncset.done $0x0  }
0x2c3: {  	s21 =	simm.s32 $0xB00;
	[sflag:s3] =	ssyncadd.s32 $0xFFFFC000  }
0x2c4: {  	[tilespmem:s0], [sflag:$0x2] =	stream.indirect.gather [hbm4b:s4+s30], $0x80, s21, s30, $0xb8;
	[tilespmem:$0x1D900] =	vst v63  }
0x2c5: {  	_ =	swait.ge [sflag:s26], $0x4000  }
0x2c6: {  	[sflag:s26] =	ssyncset.done $0x0  }
0x2c7: {  	s6 =	simm.s32 $0xA80;
	[sflag:s26] =	ssyncadd.s32 $0xFFFFC000  }
0x2c8: {  	[spmem:s1] =	stream.indirect.scatter.add.f32 [tilespmem:s25], [sflag:$0x4], $0x80, s6, s30, $0xb8;
	[tilespmem:$0x1D900] =	vst v63  }
0x2c9: {  	_ =	swait.ge [sflag:s3], $0x4000  }
0x2ca: {  	[sflag:s3] =	ssyncset.done $0x0  }
0x2cb: {  	s19 =	simm.s32 $0xC00;
	[sflag:s3] =	ssyncadd.s32 $0xFFFFC000  }
0x2cc: {  	[tilespmem:s25], [sflag:$0x1] =	stream.indirect.gather [hbm4b:s4+s30], $0x80, s19, s30, $0xb8;
	[tilespmem:$0x1D900] =	vst v63  }
0x2cd: {  	_ =	swait.ge [sflag:s13], $0x4000  }
0x2ce: {  	[sflag:s13] =	ssyncset.done $0x0  }
0x2cf: {  	s20 =	simm.s32 $0xB80;
	[sflag:s13] =	ssyncadd.s32 $0xFFFFC000  }
0x2d0: {  	[spmem:s1] =	stream.indirect.scatter.add.f32 [tilespmem:s0], [sflag:$0x4], $0x80, s20, s30, $0xb8;
	[tilespmem:$0x1D900] =	vst v63  }
0x2d1: {  	_ =	swait.ge [sflag:s3], $0x4000  }
0x2d2: {  	[sflag:s3] =	ssyncset.done $0x0  }
0x2d3: {  	s21 =	simm.s32 $0xD00;
	[sflag:s3] =	ssyncadd.s32 $0xFFFFC000  }
0x2d4: {  	[tilespmem:s0], [sflag:$0x2] =	stream.indirect.gather [hbm4b:s4+s30], $0x80, s21, s30, $0xb8;
	[tilespmem:$0x1D900] =	vst v63  }
0x2d5: {  	_ =	swait.ge [sflag:s26], $0x4000  }
0x2d6: {  	[sflag:s26] =	ssyncset.done $0x0  }
0x2d7: {  	s6 =	simm.s32 $0xC80;
	[sflag:s26] =	ssyncadd.s32 $0xFFFFC000  }
0x2d8: {  	[spmem:s1] =	stream.indirect.scatter.add.f32 [tilespmem:s25], [sflag:$0x4], $0x80, s6, s30, $0xb8;
	[tilespmem:$0x1D900] =	vst v63  }
0x2d9: {  	_ =	swait.ge [sflag:s3], $0x4000  }
0x2da: {  	[sflag:s3] =	ssyncset.done $0x0  }
0x2db: {  	s19 =	simm.s32 $0xE00;
	[sflag:s3] =	ssyncadd.s32 $0xFFFFC000  }
0x2dc: {  	[tilespmem:s25], [sflag:$0x1] =	stream.indirect.gather [hbm4b:s4+s30], $0x80, s19, s30, $0xb8;
	[tilespmem:$0x1D900] =	vst v63  }
0x2dd: {  	_ =	swait.ge [sflag:s13], $0x4000  }
0x2de: {  	[sflag:s13] =	ssyncset.done $0x0  }
0x2df: {  	s20 =	simm.s32 $0xD80;
	[sflag:s13] =	ssyncadd.s32 $0xFFFFC000  }
0x2e0: {  	[spmem:s1] =	stream.indirect.scatter.add.f32 [tilespmem:s0], [sflag:$0x4], $0x80, s20, s30, $0xb8;
	[tilespmem:$0x1D900] =	vst v63  }
0x2e1: {  	_ =	swait.ge [sflag:s3], $0x4000  }
0x2e2: {  	[sflag:s3] =	ssyncset.done $0x0  }
0x2e3: {  	s21 =	simm.s32 $0xF00;
	[sflag:s3] =	ssyncadd.s32 $0xFFFFC000  }
0x2e4: {  	[tilespmem:s0], [sflag:$0x2] =	stream.indirect.gather [hbm4b:s4+s30], $0x80, s21, s30, $0xb8;
	[tilespmem:$0x1D900] =	vst v63  }
0x2e5: {  	_ =	swait.ge [sflag:s26], $0x4000  }
0x2e6: {  	[sflag:s26] =	ssyncset.done $0x0  }
0x2e7: {  	s6 =	simm.s32 $0xE80;
	[sflag:s26] =	ssyncadd.s32 $0xFFFFC000  }
0x2e8: {  	[spmem:s1] =	stream.indirect.scatter.add.f32 [tilespmem:s25], [sflag:$0x4], $0x80, s6, s30, $0xb8;
	[tilespmem:$0x1D900] =	vst v63  }
0x2e9: {  	_ =	swait.ge [sflag:s3], $0x4000  }
0x2ea: {  	[sflag:s3] =	ssyncset.done $0x0  }
0x2eb: {  	[sflag:s3] =	ssyncadd.s32 $0xFFFFC000  }
0x2ec: {  	_ =	swait.ge [sflag:s13], $0x4000  }
0x2ed: {  	[sflag:s13] =	ssyncset.done $0x0  }
0x2ee: {  	s19 =	simm.s32 $0xF80;
	[sflag:s13] =	ssyncadd.s32 $0xFFFFC000  }
0x2ef: {  	[spmem:s1] =	stream.indirect.scatter.add.f32 [tilespmem:s0], [sflag:$0x4], $0x80, s19, s30, $0xb8;
	[tilespmem:$0x1D900] =	vst v63  }
0x2f0: {  	_ =	swait.ge [sflag:s3], $0x4000  }
0x2f1: {  	[sflag:s3] =	ssyncset.done $0x0  }
0x2f2: {  	[sflag:s3] =	ssyncadd.s32 $0xFFFFC000  }
0x2f3: {  	[bflag:$0x0] =	sbarrier.arrive $0xFFFF  }
0x2f4: {  	s20 =	rddreg [dreg:$0x16]  }
0x2f5: {  	[tilespmem:s25], [sflag:$0x1] =	stream.linear.gather [spmem:s20], $0x3400, $0x38;
	[tilespmem:$0x1D900] =	vst v63  }
0x2f6: {  	_ =	swait.ge [sflag:s26], $0x3400  }
0x2f7: {  	[sflag:s26] =	ssyncset.done $0x0  }
0x2f8: {  	s21 =	rddreg [dreg:$0x10];
	[sflag:s26] =	ssyncadd.s32 $0xFFFFCC00  }
0x2f9: {  	[tilespmem:s0], [sflag:$0x2] =	stream.linear.gather [spmem:s21], $0x3400, $0x38;
	[tilespmem:$0x1D900] =	vst v63  }
0x2fa: {  	s6 =	rddreg [dreg:$0x7]  }
0x2fb: {  	[hbm4b:s6+s2] =	stream.linear.scatter [tilespmem:s25], [sflag:$0x4], $0x3400, $0x38;
	[tilespmem:$0x1D900] =	vst v63  }
0x2fc: {  	_ =	swait.ge [sflag:s3], $0x3400  }
0x2fd: {  	[sflag:s3] =	ssyncset.done $0x0  }
0x2fe: {  	[sflag:s3] =	ssyncadd.s32 $0xFFFFCC00  }
0x2ff: {  	_ =	swait.ge [sflag:s13], $0x3400  }
0x300: {  	[sflag:s13] =	ssyncset.done $0x0  }
0x301: {  	s19 =	rddreg [dreg:$0x11];
	[sflag:s13] =	ssyncadd.s32 $0xFFFFCC00  }
0x302: {  	[tilespmem:s25], [sflag:$0x1] =	stream.linear.gather [spmem:s19], $0x3400, $0x38;
	[tilespmem:$0x1D900] =	vst v63  }
0x303: {  	s20 =	rddreg [dreg:$0x9]  }
0x304: {  	[hbm4b:s20+s2] =	stream.linear.scatter [tilespmem:s0], [sflag:$0x4], $0x3400, $0x38;
	[tilespmem:$0x1D900] =	vst v63  }
0x305: {  	_ =	swait.ge [sflag:s3], $0x3400  }
0x306: {  	[sflag:s3] =	ssyncset.done $0x0  }
0x307: {  	[sflag:s3] =	ssyncadd.s32 $0xFFFFCC00  }
0x308: {  	_ =	swait.ge [sflag:s26], $0x3400  }
0x309: {  	[sflag:s26] =	ssyncset.done $0x0  }
0x30a: {  	s21 =	rddreg [dreg:$0x12];
	[sflag:s26] =	ssyncadd.s32 $0xFFFFCC00  }
0x30b: {  	[tilespmem:s0], [sflag:$0x2] =	stream.linear.gather [spmem:s21], $0x3400, $0x38;
	[tilespmem:$0x1D900] =	vst v63  }
0x30c: {  	s6 =	rddreg [dreg:$0xa]  }
0x30d: {  	[hbm4b:s6+s2] =	stream.linear.scatter [tilespmem:s25], [sflag:$0x4], $0x3400, $0x38;
	[tilespmem:$0x1D900] =	vst v63  }
0x30e: {  	_ =	swait.ge [sflag:s3], $0x3400  }
0x30f: {  	[sflag:s3] =	ssyncset.done $0x0  }
0x310: {  	[sflag:s3] =	ssyncadd.s32 $0xFFFFCC00  }
0x311: {  	_ =	swait.ge [sflag:s13], $0x3400  }
0x312: {  	[sflag:s13] =	ssyncset.done $0x0  }
0x313: {  	s19 =	rddreg [dreg:$0x13];
	[sflag:s13] =	ssyncadd.s32 $0xFFFFCC00  }
0x314: {  	[tilespmem:s25], [sflag:$0x1] =	stream.linear.gather [spmem:s19], $0x3400, $0x38;
	[tilespmem:$0x1D900] =	vst v63  }
0x315: {  	s20 =	rddreg [dreg:$0xb]  }
0x316: {  	[hbm4b:s20+s2] =	stream.linear.scatter [tilespmem:s0], [sflag:$0x4], $0x3400, $0x38;
	[tilespmem:$0x1D900] =	vst v63  }
0x317: {  	_ =	swait.ge [sflag:s3], $0x3400  }
0x318: {  	[sflag:s3] =	ssyncset.done $0x0  }
0x319: {  	[sflag:s3] =	ssyncadd.s32 $0xFFFFCC00  }
0x31a: {  	_ =	swait.ge [sflag:s26], $0x3400  }
0x31b: {  	[sflag:s26] =	ssyncset.done $0x0  }
0x31c: {  	s21 =	rddreg [dreg:$0x14];
	[sflag:s26] =	ssyncadd.s32 $0xFFFFCC00  }
0x31d: {  	[tilespmem:s0], [sflag:$0x2] =	stream.linear.gather [spmem:s21], $0x3400, $0x38;
	[tilespmem:$0x1D900] =	vst v63  }
0x31e: {  	s6 =	rddreg [dreg:$0xc]  }
0x31f: {  	[hbm4b:s6+s2] =	stream.linear.scatter [tilespmem:s25], [sflag:$0x4], $0x3400, $0x38;
	[tilespmem:$0x1D900] =	vst v63  }
0x320: {  	_ =	swait.ge [sflag:s3], $0x3400  }
0x321: {  	[sflag:s3] =	ssyncset.done $0x0  }
0x322: {  	[sflag:s3] =	ssyncadd.s32 $0xFFFFCC00  }
0x323: {  	_ =	swait.ge [sflag:s13], $0x3400  }
0x324: {  	[sflag:s13] =	ssyncset.done $0x0  }
0x325: {  	s20 =	rddreg [dreg:$0xd];
	[sflag:s13] =	ssyncadd.s32 $0xFFFFCC00  }
0x326: {  	[hbm4b:s20+s2] =	stream.linear.scatter [tilespmem:s0], [sflag:$0x4], $0x3400, $0x38;
	[tilespmem:$0x1D900] =	vst v63  }
0x327: {  	_ =	swait.ge [sflag:s3], $0x3400  }
0x328: {  	[sflag:s3] =	ssyncset.done $0x0  }
0x329: {  	s19 =	simm.s32 @!p0 $0x6000;
	s5 =	rddreg [dreg:$0x15];
	[sflag:s3] =	ssyncadd.s32 $0xFFFFCC00  }
0x32a: {  	[tilespmem:s19], [sflag:$0x4] =	stream.linear.gather @!p0 [spmem:s5], $0x800, $0x38;
	[tilespmem:$0x1D900] =	vst v63  }
0x32b: {  	_ =	swait.ge @!p0 [sflag:s18], $0x800  }
0x32c: {  	[sflag:s18] =	ssyncset.done @!p0 $0x0  }
0x32d: {  	s20 =	simm.s32 @!p0 $0x0;
	s21 =	rddreg [dreg:$0xe];
	[sflag:s18] =	ssyncadd.s32 @!p0 $0xFFFFF800  }
0x32e: {  	[hbm4b:s21+s20] =	stream.linear.scatter @!p0 [tilespmem:s19], [sflag:$0x4], $0x800, $0x38;
	[tilespmem:$0x1D900] =	vst v63  }
0x32f: {  	_ =	swait.ge @!p0 [sflag:s18], $0x800  }
0x330: {  	s17 =	sadd.s32 $0x1, s17;
	s21 =	rddreg [dreg:$0xf]  }
0x331: {  	p1 =	sne.s32 s17, s21  }
.Ltmp1:
0x332: {  	_ = 	snop;
	(pc) =	sbr.rel @p1 .LBB2_1-.Ltmp1, $3  }
0x333: {  	_ =	sdelay $0x1  }
0x334: {  	[sflag:s18] =	ssyncset.done @!p0 $0x0  }
0x335: {  	[sflag:s18] =	ssyncadd.s32 @!p0 $0xFFFFF800  }
0x336: {  	_ =	sfence.sel $0x180000  }
0x337: {  	[bflag:$0x0] =	sbarrier.arrive $0xFFFF  }
0x338: {  	_ =	strace $0x9000004A  }
0x339: {  	s0 =	stileid.u32;
	[bflag:$0x2] =	sbarrier.arrive $0xFFFF  }
0x33a: {  	p0 =	sne.s32 s0, $0x0;
	s0 =	rddreg [dreg:$0x2]  }
0x33b: {  	s0 =	sadd.s32 @!p0 $0x100000, s0  }
0x33c: {  	[sflag:s0] =	ssyncadd.tile.s32 @!p0 $0x1;
	_ =	shalt  }
.Lfunc_end2:
_tile_overlayer_lowered:
.L_overlay_start_2:
0x33d: {  	(tag) =	ssettag $0x2  }
0x33e: {  	s0 =	rddreg [dreg:$0x0];
	s2 =	stileid.u32  }
0x33f: {  	s1 =	rddreg [dreg:$0x1];
	p0 =	sne.s32 s2, $0x0  }
0x340: {  	s3 =	rddreg [dreg:$0x2];
	[bflag:$0x3] =	sbarrier.arrive $0xFFFF;
	s2 =	simm.s32 @!p0 $0x1C04  }
0x341: {  	[timem:s3], [sflag:s2] =	dma.local @!p0 [hbm:s0], s1  }
0x342: {  	s0 =	simm.s32 @!p0 $0x4  }
0x343: {  	_ =	swait.ge @!p0 [sflag:s0], s1  }
0x344: {  	s1 =	ssub.s32 @!p0 $0x0, s1;
	[sflag:s0] =	ssyncset.done @!p0 $0x0  }
0x345: {  	[sflag:s0] =	ssyncadd.s32 @!p0 s1  }
0x346: {  	[bflag:$0x3] =	sbarrier.arrive $0xFFFF  }
0x347: {  	_ =	shalt  }

</sc_bundles>
